<compile_context>
chip_gen: v7x
topology: tpu7x:2x2x1
jax: 0.10.2.dev20260603
libtpu: 0.0.44.dev20260713+nightly
codegen_flags: <defaults>
</compile_context>

<pallas_src>
import functools

import jax
import jax.numpy as jnp
from jax import lax
from jax.experimental import pallas as pl
from jax.experimental.pallas import tpu as pltpu
from jax.experimental.pallas import tpu_sc as plsc

N = 10000
E = 320000
NC = 2
NS = 16
NW = NC * NS
BN = 1000
ROWS_CHUNK = 200
NROW_CHUNKS = N // ROWS_CHUNK
EDGE_B = 128


def _make_segsum(d, edge_b, nbuf):
    EDGE_B = edge_b
    ept = E // NW
    nchunk = ept // EDGE_B
    tail = ept - nchunk * EDGE_B
    la = nbuf // 2
    ngroups = (nchunk + nbuf - 1) // nbuf
    mesh = plsc.VectorSubcoreMesh(core_axis_name="c", subcore_axis_name="s")

    @functools.partial(
        pl.kernel,
        mesh=mesh,
        compiler_params=pltpu.CompilerParams(use_tc_tiling_on_sc=False),
        out_type=jax.ShapeDtypeStruct((NC, N, d), jnp.float32),
        scratch_types=[
            pltpu.VMEM((ept,), jnp.int32),
            pltpu.VMEM((ept,), jnp.int32),
            pltpu.VMEM((nbuf, EDGE_B, d), jnp.float32),
            pltpu.VMEM((max(tail, 1), d), jnp.float32),
            pltpu.VMEM((ROWS_CHUNK, d), jnp.float32),
            pltpu.VMEM_SHARED((N, d), jnp.float32),
            pltpu.SemaphoreType.DMA((nbuf,)),
            pltpu.SemaphoreType.DMA((nbuf,)),
            pltpu.SemaphoreType.DMA,
        ],
    )
    def seg(tab, ei, zero, out,
            src_v, dst_v, rows, trows, bounce_v, accum, gsem, ssem, tsem):
        c = lax.axis_index("c")
        s = lax.axis_index("s")
        t = c * NS + s
        e0 = pl.multiple_of(t * ept, EDGE_B)
        pltpu.sync_copy(ei.at[0, pl.ds(e0, ept)], src_v)
        pltpu.sync_copy(ei.at[1, pl.ds(e0, ept)], dst_v)
        pltpu.sync_copy(zero, bounce_v)
        for k in range(4):
            chunk = s + k * NS

            @pl.when(chunk < NROW_CHUNKS)
            def _():
                r = pl.multiple_of(chunk * ROWS_CHUNK, ROWS_CHUNK)
                pltpu.sync_copy(bounce_v, accum.at[pl.ds(r, ROWS_CHUNK)])

        plsc.subcore_barrier()

        def gfire(j, p):
            pltpu.async_copy(tab.at[src_v.at[pl.ds(j * EDGE_B, EDGE_B)]], rows.at[p], gsem.at[p])

        def gwait(j, p):
            pltpu.make_async_copy(
                tab.at[src_v.at[pl.ds(j * EDGE_B, EDGE_B)]], rows.at[p], gsem.at[p]).wait()

        def sfire(j, p):
            pltpu.async_copy(rows.at[p], accum.at[dst_v.at[pl.ds(j * EDGE_B, EDGE_B)]], ssem.at[p],
                             add=True)

        def swait(j, p):
            pltpu.make_async_copy(
                rows.at[p], accum.at[dst_v.at[pl.ds(j * EDGE_B, EDGE_B)]], ssem.at[p]).wait()

        for p in range(la):
            gfire(p, p)

        def body(k, carry):
            for p in range(nbuf):
                j = nbuf * k + p
                pf = (p + la) % nbuf

                @pl.when(jnp.logical_and(j >= la, j < nchunk + la))
                def _():
                    swait(j - la, pf)

                @pl.when(j + la < nchunk)
                def _():
                    gfire(j + la, pf)

                @pl.when(j < nchunk)
                def _():
                    gwait(j, p)
                    sfire(j, p)

            return carry

        if tail:
            tb = nchunk * EDGE_B
            pltpu.async_copy(
                tab.at[src_v.at[pl.ds(tb, tail)]], trows, tsem)

        lax.fori_loop(0, ngroups, body, 0)
        for j in range(max(nbuf * ngroups - la, 0), nchunk):
            swait(j, j % nbuf)
        if tail:
            tb = nchunk * EDGE_B
            pltpu.make_async_copy(
                tab.at[src_v.at[pl.ds(tb, tail)]], trows, tsem).wait()
            pltpu.async_copy(
                trows, accum.at[dst_v.at[pl.ds(tb, tail)]], tsem, add=True)
            pltpu.make_async_copy(
                trows, accum.at[dst_v.at[pl.ds(tb, tail)]], tsem).wait()
        plsc.subcore_barrier()

        for k in range(4):
            chunk = s + k * NS

            @pl.when(chunk < NROW_CHUNKS)
            def _():
                r = pl.multiple_of(chunk * ROWS_CHUNK, ROWS_CHUNK)
                pltpu.sync_copy(accum.at[pl.ds(r, ROWS_CHUNK)], bounce_v)
                pltpu.sync_copy(bounce_v, out.at[c, pl.ds(r, ROWS_CHUNK)])

    return seg


_segsum80 = _make_segsum(80, 80, 6)
_segsum32 = _make_segsum(32, 128, 6)


def _t0_body(x_ref, wn_ref, ws_ref, zp_ref, s_ref):
    xb = x_ref[...]
    z = jnp.dot(xb, wn_ref[...], preferred_element_type=jnp.float32)
    zp_ref[...] = jnp.concatenate(
        [z, jnp.ones((BN, 16), jnp.float32)], axis=1)
    s_ref[...] = jnp.dot(xb, ws_ref[...], preferred_element_type=jnp.float32)


def _c1a_body(a_ref, s0_ref, b0_ref, wn_ref, z1_ref, h1_ref, inv_ref):
    a = a_ref[0] + a_ref[1]
    inv = 1.0 / jnp.maximum(a[:, 64:65], 1.0)
    h1 = jnp.maximum(s0_ref[...] + a[:, :64] * inv + b0_ref[...], 0.0)
    z1_ref[...] = jnp.dot(h1, wn_ref[...], preferred_element_type=jnp.float32)
    h1_ref[...] = h1
    inv_ref[...] = jnp.broadcast_to(inv, (BN, 8))


def _c1b_body(h1_ref, ws_ref, s1_ref):
    s1_ref[...] = jnp.dot(h1_ref[...], ws_ref[...],
                          preferred_element_type=jnp.float32)


def _c2a_body(a_ref, s1_ref, b1_ref, inv_ref, h2_ref):
    a = a_ref[0] + a_ref[1]
    h2_ref[...] = jnp.maximum(
        s1_ref[...] + a * inv_ref[:, 0:1] + b1_ref[...], 0.0)


def _c2b_body(h2_ref, ws_ref, s2_ref):
    s2_ref[...] = jnp.dot(h2_ref[...], ws_ref[...],
                          preferred_element_type=jnp.float32)


def _c3_body(a_ref, s2_ref, inv_ref, wn_ref, b2_ref, o_ref):
    hn = (a_ref[0] + a_ref[1]) * inv_ref[:, 0:1]
    o_ref[...] = jnp.maximum(
        s2_ref[...]
        + jnp.dot(hn, wn_ref[...], preferred_element_type=jnp.float32)
        + b2_ref[...], 0.0)


def _row_spec(w):
    return pl.BlockSpec((BN, w), lambda i: (i, 0))


def _full_spec(shape):
    nd = len(shape)
    return pl.BlockSpec(shape, lambda i: (0,) * nd)


def _part_spec(w):
    return pl.BlockSpec((NC, BN, w), lambda i: (0, i, 0))


_GRID = (N // BN,)


def _tc(body, in_specs, out_specs, out_shape):
    return pl.pallas_call(body, grid=_GRID, in_specs=in_specs,
                          out_specs=out_specs, out_shape=out_shape)


def kernel(x, edge_index, W_self0, W_neigh0, b0,
           W_self1, W_neigh1, b1, W_self2, W_neigh2, b2):
    zero80 = jnp.zeros((ROWS_CHUNK, 80), jnp.float32)
    zero32 = jnp.zeros((ROWS_CHUNK, 32), jnp.float32)

    z0p, s0 = _tc(
        _t0_body,
        [_row_spec(128), _full_spec((128, 64)), _full_spec((128, 64))],
        [_row_spec(80), _row_spec(64)],
        [jax.ShapeDtypeStruct((N, 80), jnp.float32),
         jax.ShapeDtypeStruct((N, 64), jnp.float32)],
    )(x, W_neigh0, W_self0)

    a0 = _segsum80(z0p, edge_index, zero80)

    z1, h1, invd = _tc(
        _c1a_body,
        [_part_spec(80), _row_spec(64), _full_spec((1, 64)),
         _full_spec((64, 32))],
        [_row_spec(32), _row_spec(64), _row_spec(8)],
        [jax.ShapeDtypeStruct((N, 32), jnp.float32),
         jax.ShapeDtypeStruct((N, 64), jnp.float32),
         jax.ShapeDtypeStruct((N, 8), jnp.float32)],
    )(a0, s0, b0.reshape(1, 64), W_neigh1)

    a1 = _segsum32(z1, edge_index, zero32)

    (s1,) = _tc(
        _c1b_body,
        [_row_spec(64), _full_spec((64, 32))],
        [_row_spec(32)],
        [jax.ShapeDtypeStruct((N, 32), jnp.float32)],
    )(h1, W_self1)

    (h2,) = _tc(
        _c2a_body,
        [_part_spec(32), _row_spec(32), _full_spec((1, 32)), _row_spec(8)],
        [_row_spec(32)],
        [jax.ShapeDtypeStruct((N, 32), jnp.float32)],
    )(a1, s1, b1.reshape(1, 32), invd)

    a2 = _segsum32(h2, edge_index, zero32)

    (s2,) = _tc(
        _c2b_body,
        [_row_spec(32), _full_spec((32, 128))],
        [_row_spec(128)],
        [jax.ShapeDtypeStruct((N, 128), jnp.float32)],
    )(h2, W_self2)

    (out,) = _tc(
        _c3_body,
        [_part_spec(32), _row_spec(128), _row_spec(8),
         _full_spec((32, 128)), _full_spec((1, 128))],
        [_row_spec(128)],
        [jax.ShapeDtypeStruct((N, 128), jnp.float32)],
    )(a2, s2, invd, W_neigh2, b2.reshape(1, 128))

    return out

# --- scband reference (transcript-rebuilt; emitter-appended) ---
"""Pipeline reference for scband-sageemb-15444702397229 (READ-ONLY COPY).

The authoritative reference and input builder live on the scoring server;
editing this copy changes nothing except your own understanding.
"""

import jax, jax.numpy as jnp
import numpy as np

N = 10000
E = 320000
D_IN = 128
HID = [64, 32]
D_OUT = 128


def setup_inputs(seed: int = 0) -> dict:
    key = jax.random.key(seed)
    ks = jax.random.split(key, 16)
    x = jax.random.normal(ks[0], (N, D_IN), dtype=jnp.float32)
    edge_index = jax.random.randint(ks[1], (2, E), 0, N, dtype=jnp.int32)
    dims = [D_IN] + HID + [D_OUT]
    inp = {"x": x, "edge_index": edge_index}
    for i in range(len(dims) - 1):
        fin, fout = dims[i], dims[i + 1]
        s = 1.0 / np.sqrt(fin)
        inp[f"W_self{i}"] = jax.random.uniform(ks[2 + 3 * i], (fin, fout), jnp.float32, -s, s)
        inp[f"W_neigh{i}"] = jax.random.uniform(ks[3 + 3 * i], (fin, fout), jnp.float32, -s, s)
        inp[f"b{i}"] = jnp.zeros((fout,), jnp.float32)
    return inp


def _sage_layer(h, src, dst, W_self, W_neigh, b):
    # DGL SAGEConv, mean aggregator, eval mode (feat_drop inactive):
    # h_neigh = mean over in-neighbor features; rst = fc_self(h) + fc_neigh(h_neigh) + b; relu
    msg = h[src]  # gather: E x d
    agg = jax.ops.segment_sum(msg, dst, num_segments=N)  # scatter-add
    deg = jax.ops.segment_sum(jnp.ones((src.shape[0],), jnp.float32), dst, num_segments=N)
    h_neigh = agg / jnp.maximum(deg, 1.0)[:, None]
    return jax.nn.relu(h @ W_self + h_neigh @ W_neigh + b)


def reference(x, edge_index, W_self0, W_neigh0, b0, W_self1, W_neigh1, b1, W_self2, W_neigh2, b2):
    # numpy_to_graph(adj.T): edge (src -> dst); dst aggregates src features
    src = edge_index[0]
    dst = edge_index[1]
    h = x
    h = _sage_layer(h, src, dst, W_self0, W_neigh0, b0)
    h = _sage_layer(h, src, dst, W_self1, W_neigh1, b1)
    h = _sage_layer(h, src, dst, W_self2, W_neigh2, b2)
    return h

if __name__ == "__main__":
    import jax
    _d = setup_inputs()
    print(jax.jit(kernel)(*tuple(_d.values())))

</pallas_src>

<mosaic_0001>
#map = affine_map<(d0, d1) -> (0, 0)>
#map1 = affine_map<(d0, d1) -> (0, 0, 0)>
module attributes {stable_mosaic.version = 14 : i64} {
  func.func @seg(%arg0: i32, %arg1: i32, %arg2: memref<10000x80xf32, #tpu.memory_space<hbm>>, %arg3: memref<2x320000xi32, #tpu.memory_space<hbm>>, %arg4: memref<200x80xf32, #tpu.memory_space<hbm>>, %arg5: memref<2x10000x80xf32, #tpu.memory_space<hbm>>, %arg6: memref<10000xi32, #tpu.memory_space<vmem>>, %arg7: memref<10000xi32, #tpu.memory_space<vmem>>, %arg8: memref<6x80x80xf32, #tpu.memory_space<vmem>>, %arg9: memref<1x80xf32, #tpu.memory_space<vmem>>, %arg10: memref<200x80xf32, #tpu.memory_space<vmem>>, %arg11: memref<10000x80xf32, #tpu.memory_space<vmem_shared>>, %arg12: memref<6x!tpu.dma_semaphore, #tpu.memory_space<semaphore_mem>>, %arg13: memref<6x!tpu.dma_semaphore, #tpu.memory_space<semaphore_mem>>, %arg14: memref<!tpu.dma_semaphore, #tpu.memory_space<semaphore_mem>>) attributes {dimension_semantics = [#tpu.dimension_semantics<core_parallel>, #tpu.dimension_semantics<subcore_parallel>], iteration_bounds = array<i64: 2, 16>, scalar_prefetch = 0 : i64, scratch_operands = 9 : i64, tpu.core_type = #tpu.core_type<sc_vector_subcore>, window_params = [{transform_indices = #map}, {transform_indices = #map}, {transform_indices = #map}, {transform_indices = #map1}]} {
    %mul3A = arith.constant 16 : i32
    %mul3A_0 = arith.muli %arg0, %mul3A : i32
    %add3A = arith.addi %mul3A_0, %arg1 : i32
    %mul3A_1 = arith.constant 10000 : i32
    %mul3A_2 = arith.muli %add3A, %mul3A_1 : i32
    %multiple_of3A = tpu.assume_multiple %mul3A_2, 80 : i32
    %run_scoped3A = arith.constant 0 : i32
    "tpu.region"() ({
      %run_scoped3A_126 = tpu.sem_alloc : memref<!tpu.dma_semaphore, #tpu.memory_space<semaphore_mem>>
      %dma_start3A_127 = tpu.memref_slice %arg3[%run_scoped3A, %multiple_of3A] : memref<2x320000xi32, #tpu.memory_space<hbm>> -> memref<1x10000xi32, #tpu.memory_space<hbm>>
      %dma_start3A_128 = tpu.memref_squeeze %dma_start3A_127 : memref<1x10000xi32, #tpu.memory_space<hbm>> -> memref<10000xi32, #tpu.memory_space<hbm>>
      %dma_start3A_129 = tpu.memref_slice %arg3[%run_scoped3A, %multiple_of3A] : memref<2x320000xi32, #tpu.memory_space<hbm>> -> memref<1x10000xi32, #tpu.memory_space<hbm>>
      %dma_start3A_130 = tpu.memref_squeeze %dma_start3A_129 : memref<1x10000xi32, #tpu.memory_space<hbm>> -> memref<10000xi32, #tpu.memory_space<hbm>>
      tpu.enqueue_dma source(%dma_start3A_130 : memref<10000xi32, #tpu.memory_space<hbm>>) target(%arg6 : memref<10000xi32, #tpu.memory_space<vmem>>) target_semaphore(%run_scoped3A_126 : memref<!tpu.dma_semaphore, #tpu.memory_space<semaphore_mem>>)
      %dma_wait3A_131 = tpu.memref_slice %arg3[%run_scoped3A, %multiple_of3A] : memref<2x320000xi32, #tpu.memory_space<hbm>> -> memref<1x10000xi32, #tpu.memory_space<hbm>>
      %dma_wait3A_132 = tpu.memref_squeeze %dma_wait3A_131 : memref<1x10000xi32, #tpu.memory_space<hbm>> -> memref<10000xi32, #tpu.memory_space<hbm>>
      %dma_wait3A_133 = tpu.memref_slice %arg3[%run_scoped3A, %multiple_of3A] : memref<2x320000xi32, #tpu.memory_space<hbm>> -> memref<1x10000xi32, #tpu.memory_space<hbm>>
      %dma_wait3A_134 = tpu.memref_squeeze %dma_wait3A_133 : memref<1x10000xi32, #tpu.memory_space<hbm>> -> memref<10000xi32, #tpu.memory_space<hbm>>
      tpu.wait_dma2 semaphore(%run_scoped3A_126 : memref<!tpu.dma_semaphore, #tpu.memory_space<semaphore_mem>>) src(%dma_wait3A_134 : memref<10000xi32, #tpu.memory_space<hbm>>) dst(%arg6 : memref<10000xi32, #tpu.memory_space<vmem>>)
      tpu.yield
    }) : () -> ()
    %run_scoped3A_3 = arith.constant 1 : i32
    "tpu.region"() ({
      %run_scoped3A_126 = tpu.sem_alloc : memref<!tpu.dma_semaphore, #tpu.memory_space<semaphore_mem>>
      %dma_start3A_127 = tpu.memref_slice %arg3[%run_scoped3A_3, %multiple_of3A] : memref<2x320000xi32, #tpu.memory_space<hbm>> -> memref<1x10000xi32, #tpu.memory_space<hbm>>
      %dma_start3A_128 = tpu.memref_squeeze %dma_start3A_127 : memref<1x10000xi32, #tpu.memory_space<hbm>> -> memref<10000xi32, #tpu.memory_space<hbm>>
      %dma_start3A_129 = tpu.memref_slice %arg3[%run_scoped3A_3, %multiple_of3A] : memref<2x320000xi32, #tpu.memory_space<hbm>> -> memref<1x10000xi32, #tpu.memory_space<hbm>>
      %dma_start3A_130 = tpu.memref_squeeze %dma_start3A_129 : memref<1x10000xi32, #tpu.memory_space<hbm>> -> memref<10000xi32, #tpu.memory_space<hbm>>
      tpu.enqueue_dma source(%dma_start3A_130 : memref<10000xi32, #tpu.memory_space<hbm>>) target(%arg7 : memref<10000xi32, #tpu.memory_space<vmem>>) target_semaphore(%run_scoped3A_126 : memref<!tpu.dma_semaphore, #tpu.memory_space<semaphore_mem>>)
      %dma_wait3A_131 = tpu.memref_slice %arg3[%run_scoped3A_3, %multiple_of3A] : memref<2x320000xi32, #tpu.memory_space<hbm>> -> memref<1x10000xi32, #tpu.memory_space<hbm>>
      %dma_wait3A_132 = tpu.memref_squeeze %dma_wait3A_131 : memref<1x10000xi32, #tpu.memory_space<hbm>> -> memref<10000xi32, #tpu.memory_space<hbm>>
      %dma_wait3A_133 = tpu.memref_slice %arg3[%run_scoped3A_3, %multiple_of3A] : memref<2x320000xi32, #tpu.memory_space<hbm>> -> memref<1x10000xi32, #tpu.memory_space<hbm>>
      %dma_wait3A_134 = tpu.memref_squeeze %dma_wait3A_133 : memref<1x10000xi32, #tpu.memory_space<hbm>> -> memref<10000xi32, #tpu.memory_space<hbm>>
      tpu.wait_dma2 semaphore(%run_scoped3A_126 : memref<!tpu.dma_semaphore, #tpu.memory_space<semaphore_mem>>) src(%dma_wait3A_134 : memref<10000xi32, #tpu.memory_space<hbm>>) dst(%arg7 : memref<10000xi32, #tpu.memory_space<vmem>>)
      tpu.yield
    }) : () -> ()
    "tpu.region"() ({
      %run_scoped3A_126 = tpu.sem_alloc : memref<!tpu.dma_semaphore, #tpu.memory_space<semaphore_mem>>
      tpu.enqueue_dma source(%arg4 : memref<200x80xf32, #tpu.memory_space<hbm>>) target(%arg10 : memref<200x80xf32, #tpu.memory_space<vmem>>) target_semaphore(%run_scoped3A_126 : memref<!tpu.dma_semaphore, #tpu.memory_space<semaphore_mem>>)
      tpu.wait_dma2 semaphore(%run_scoped3A_126 : memref<!tpu.dma_semaphore, #tpu.memory_space<semaphore_mem>>) src(%arg4 : memref<200x80xf32, #tpu.memory_space<hbm>>) dst(%arg10 : memref<200x80xf32, #tpu.memory_space<vmem>>)
      tpu.yield
    }) : () -> ()
    %add3A_4 = arith.constant 0 : i32
    %add3A_5 = arith.addi %arg1, %add3A_4 : i32
    %lt3A = arith.constant 50 : i32
    %lt3A_6 = arith.cmpi slt, %add3A_5, %lt3A : i32
    %convert_element_type3A = arith.extui %lt3A_6 : i1 to i32
    %cond3A = arith.constant 0 : i32
    %cond3A_7 = arith.cmpi ne, %convert_element_type3A, %cond3A : i32
    scf.if %cond3A_7 {
      %mul3A_126 = arith.constant 200 : i32
      %mul3A_127 = arith.muli %add3A_5, %mul3A_126 : i32
      %multiple_of3A_128 = tpu.assume_multiple %mul3A_127, 200 : i32
      "tpu.region"() ({
        %run_scoped3A_129 = tpu.sem_alloc : memref<!tpu.dma_semaphore, #tpu.memory_space<semaphore_mem>>
        %dma_start3A_130 = arith.constant 0 : i32
        %dma_start3A_131 = tpu.memref_slice %arg11[%multiple_of3A_128, %dma_start3A_130] : memref<10000x80xf32, #tpu.memory_space<vmem_shared>> -> memref<200x80xf32, #tpu.memory_space<vmem_shared>>
        %dma_start3A_132 = arith.constant 0 : i32
        %dma_start3A_133 = tpu.memref_slice %arg11[%multiple_of3A_128, %dma_start3A_132] : memref<10000x80xf32, #tpu.memory_space<vmem_shared>> -> memref<200x80xf32, #tpu.memory_space<vmem_shared>>
        tpu.enqueue_dma source(%arg10 : memref<200x80xf32, #tpu.memory_space<vmem>>) target(%dma_start3A_133 : memref<200x80xf32, #tpu.memory_space<vmem_shared>>) target_semaphore(%run_scoped3A_129 : memref<!tpu.dma_semaphore, #tpu.memory_space<semaphore_mem>>)
        %dma_wait3A_134 = arith.constant 0 : i32
        %dma_wait3A_135 = tpu.memref_slice %arg11[%multiple_of3A_128, %dma_wait3A_134] : memref<10000x80xf32, #tpu.memory_space<vmem_shared>> -> memref<200x80xf32, #tpu.memory_space<vmem_shared>>
        %dma_wait3A_136 = arith.constant 0 : i32
        %dma_wait3A_137 = tpu.memref_slice %arg11[%multiple_of3A_128, %dma_wait3A_136] : memref<10000x80xf32, #tpu.memory_space<vmem_shared>> -> memref<200x80xf32, #tpu.memory_space<vmem_shared>>
        tpu.wait_dma2 semaphore(%run_scoped3A_129 : memref<!tpu.dma_semaphore, #tpu.memory_space<semaphore_mem>>) src(%arg10 : memref<200x80xf32, #tpu.memory_space<vmem>>) dst(%dma_wait3A_137 : memref<200x80xf32, #tpu.memory_space<vmem_shared>>)
        tpu.yield
      }) : () -> ()
    } else {
    }
    %add3A_8 = arith.constant 16 : i32
    %add3A_9 = arith.addi %arg1, %add3A_8 : i32
    %lt3A_10 = arith.constant 50 : i32
    %lt3A_11 = arith.cmpi slt, %add3A_9, %lt3A_10 : i32
    %convert_element_type3A_12 = arith.extui %lt3A_11 : i1 to i32
    %cond3A_13 = arith.constant 0 : i32
    %cond3A_14 = arith.cmpi ne, %convert_element_type3A_12, %cond3A_13 : i32
    scf.if %cond3A_14 {
      %mul3A_126 = arith.constant 200 : i32
      %mul3A_127 = arith.muli %add3A_9, %mul3A_126 : i32
      %multiple_of3A_128 = tpu.assume_multiple %mul3A_127, 200 : i32
      "tpu.region"() ({
        %run_scoped3A_129 = tpu.sem_alloc : memref<!tpu.dma_semaphore, #tpu.memory_space<semaphore_mem>>
        %dma_start3A_130 = arith.constant 0 : i32
        %dma_start3A_131 = tpu.memref_slice %arg11[%multiple_of3A_128, %dma_start3A_130] : memref<10000x80xf32, #tpu.memory_space<vmem_shared>> -> memref<200x80xf32, #tpu.memory_space<vmem_shared>>
        %dma_start3A_132 = arith.constant 0 : i32
        %dma_start3A_133 = tpu.memref_slice %arg11[%multiple_of3A_128, %dma_start3A_132] : memref<10000x80xf32, #tpu.memory_space<vmem_shared>> -> memref<200x80xf32, #tpu.memory_space<vmem_shared>>
        tpu.enqueue_dma source(%arg10 : memref<200x80xf32, #tpu.memory_space<vmem>>) target(%dma_start3A_133 : memref<200x80xf32, #tpu.memory_space<vmem_shared>>) target_semaphore(%run_scoped3A_129 : memref<!tpu.dma_semaphore, #tpu.memory_space<semaphore_mem>>)
        %dma_wait3A_134 = arith.constant 0 : i32
        %dma_wait3A_135 = tpu.memref_slice %arg11[%multiple_of3A_128, %dma_wait3A_134] : memref<10000x80xf32, #tpu.memory_space<vmem_shared>> -> memref<200x80xf32, #tpu.memory_space<vmem_shared>>
        %dma_wait3A_136 = arith.constant 0 : i32
        %dma_wait3A_137 = tpu.memref_slice %arg11[%multiple_of3A_128, %dma_wait3A_136] : memref<10000x80xf32, #tpu.memory_space<vmem_shared>> -> memref<200x80xf32, #tpu.memory_space<vmem_shared>>
        tpu.wait_dma2 semaphore(%run_scoped3A_129 : memref<!tpu.dma_semaphore, #tpu.memory_space<semaphore_mem>>) src(%arg10 : memref<200x80xf32, #tpu.memory_space<vmem>>) dst(%dma_wait3A_137 : memref<200x80xf32, #tpu.memory_space<vmem_shared>>)
        tpu.yield
      }) : () -> ()
    } else {
    }
    %add3A_15 = arith.constant 32 : i32
    %add3A_16 = arith.addi %arg1, %add3A_15 : i32
    %lt3A_17 = arith.constant 50 : i32
    %lt3A_18 = arith.cmpi slt, %add3A_16, %lt3A_17 : i32
    %convert_element_type3A_19 = arith.extui %lt3A_18 : i1 to i32
    %cond3A_20 = arith.constant 0 : i32
    %cond3A_21 = arith.cmpi ne, %convert_element_type3A_19, %cond3A_20 : i32
    scf.if %cond3A_21 {
      %mul3A_126 = arith.constant 200 : i32
      %mul3A_127 = arith.muli %add3A_16, %mul3A_126 : i32
      %multiple_of3A_128 = tpu.assume_multiple %mul3A_127, 200 : i32
      "tpu.region"() ({
        %run_scoped3A_129 = tpu.sem_alloc : memref<!tpu.dma_semaphore, #tpu.memory_space<semaphore_mem>>
        %dma_start3A_130 = arith.constant 0 : i32
        %dma_start3A_131 = tpu.memref_slice %arg11[%multiple_of3A_128, %dma_start3A_130] : memref<10000x80xf32, #tpu.memory_space<vmem_shared>> -> memref<200x80xf32, #tpu.memory_space<vmem_shared>>
        %dma_start3A_132 = arith.constant 0 : i32
        %dma_start3A_133 = tpu.memref_slice %arg11[%multiple_of3A_128, %dma_start3A_132] : memref<10000x80xf32, #tpu.memory_space<vmem_shared>> -> memref<200x80xf32, #tpu.memory_space<vmem_shared>>
        tpu.enqueue_dma source(%arg10 : memref<200x80xf32, #tpu.memory_space<vmem>>) target(%dma_start3A_133 : memref<200x80xf32, #tpu.memory_space<vmem_shared>>) target_semaphore(%run_scoped3A_129 : memref<!tpu.dma_semaphore, #tpu.memory_space<semaphore_mem>>)
        %dma_wait3A_134 = arith.constant 0 : i32
        %dma_wait3A_135 = tpu.memref_slice %arg11[%multiple_of3A_128, %dma_wait3A_134] : memref<10000x80xf32, #tpu.memory_space<vmem_shared>> -> memref<200x80xf32, #tpu.memory_space<vmem_shared>>
        %dma_wait3A_136 = arith.constant 0 : i32
        %dma_wait3A_137 = tpu.memref_slice %arg11[%multiple_of3A_128, %dma_wait3A_136] : memref<10000x80xf32, #tpu.memory_space<vmem_shared>> -> memref<200x80xf32, #tpu.memory_space<vmem_shared>>
        tpu.wait_dma2 semaphore(%run_scoped3A_129 : memref<!tpu.dma_semaphore, #tpu.memory_space<semaphore_mem>>) src(%arg10 : memref<200x80xf32, #tpu.memory_space<vmem>>) dst(%dma_wait3A_137 : memref<200x80xf32, #tpu.memory_space<vmem_shared>>)
        tpu.yield
      }) : () -> ()
    } else {
    }
    %add3A_22 = arith.constant 48 : i32
    %add3A_23 = arith.addi %arg1, %add3A_22 : i32
    %lt3A_24 = arith.constant 50 : i32
    %lt3A_25 = arith.cmpi slt, %add3A_23, %lt3A_24 : i32
    %convert_element_type3A_26 = arith.extui %lt3A_25 : i1 to i32
    %cond3A_27 = arith.constant 0 : i32
    %cond3A_28 = arith.cmpi ne, %convert_element_type3A_26, %cond3A_27 : i32
    scf.if %cond3A_28 {
      %mul3A_126 = arith.constant 200 : i32
      %mul3A_127 = arith.muli %add3A_23, %mul3A_126 : i32
      %multiple_of3A_128 = tpu.assume_multiple %mul3A_127, 200 : i32
      "tpu.region"() ({
        %run_scoped3A_129 = tpu.sem_alloc : memref<!tpu.dma_semaphore, #tpu.memory_space<semaphore_mem>>
        %dma_start3A_130 = arith.constant 0 : i32
        %dma_start3A_131 = tpu.memref_slice %arg11[%multiple_of3A_128, %dma_start3A_130] : memref<10000x80xf32, #tpu.memory_space<vmem_shared>> -> memref<200x80xf32, #tpu.memory_space<vmem_shared>>
        %dma_start3A_132 = arith.constant 0 : i32
        %dma_start3A_133 = tpu.memref_slice %arg11[%multiple_of3A_128, %dma_start3A_132] : memref<10000x80xf32, #tpu.memory_space<vmem_shared>> -> memref<200x80xf32, #tpu.memory_space<vmem_shared>>
        tpu.enqueue_dma source(%arg10 : memref<200x80xf32, #tpu.memory_space<vmem>>) target(%dma_start3A_133 : memref<200x80xf32, #tpu.memory_space<vmem_shared>>) target_semaphore(%run_scoped3A_129 : memref<!tpu.dma_semaphore, #tpu.memory_space<semaphore_mem>>)
        %dma_wait3A_134 = arith.constant 0 : i32
        %dma_wait3A_135 = tpu.memref_slice %arg11[%multiple_of3A_128, %dma_wait3A_134] : memref<10000x80xf32, #tpu.memory_space<vmem_shared>> -> memref<200x80xf32, #tpu.memory_space<vmem_shared>>
        %dma_wait3A_136 = arith.constant 0 : i32
        %dma_wait3A_137 = tpu.memref_slice %arg11[%multiple_of3A_128, %dma_wait3A_136] : memref<10000x80xf32, #tpu.memory_space<vmem_shared>> -> memref<200x80xf32, #tpu.memory_space<vmem_shared>>
        tpu.wait_dma2 semaphore(%run_scoped3A_129 : memref<!tpu.dma_semaphore, #tpu.memory_space<semaphore_mem>>) src(%arg10 : memref<200x80xf32, #tpu.memory_space<vmem>>) dst(%dma_wait3A_137 : memref<200x80xf32, #tpu.memory_space<vmem_shared>>)
        tpu.yield
      }) : () -> ()
    } else {
    }
    %barrier3A = arith.constant 0 : index
    tpu.barrier barrier_id(%barrier3A)
    %dma_start3A = arith.constant 0 : i32
    %dma_start3A_29 = arith.constant 0 : i32
    %dma_start3A_30 = arith.constant 0 : i32
    %dma_start3A_31 = arith.constant 0 : i32
    %dma_start3A_32 = tpu.memref_slice %arg8[%dma_start3A, %dma_start3A_30, %dma_start3A_31] : memref<6x80x80xf32, #tpu.memory_space<vmem>> -> memref<1x80x80xf32, #tpu.memory_space<vmem>>
    %dma_start3A_33 = tpu.memref_squeeze %dma_start3A_32 : memref<1x80x80xf32, #tpu.memory_space<vmem>> -> memref<80x80xf32, #tpu.memory_space<vmem>>
    %dma_start3A_34 = arith.constant 0 : i32
    %dma_start3A_35 = tpu.memref_slice %arg6[%dma_start3A_34] : memref<10000xi32, #tpu.memory_space<vmem>> -> memref<80xi32, #tpu.memory_space<vmem>>
    %dma_start3A_36 = arith.constant 0 : i32
    %dma_start3A_37 = arith.constant 0 : i32
    %dma_start3A_38 = tpu.memref_slice %arg2[%dma_start3A_36, %dma_start3A_37] : memref<10000x80xf32, #tpu.memory_space<hbm>> -> memref<10000x80xf32, #tpu.memory_space<hbm>>
    %dma_start3A_39 = tpu.memref_slice %arg12[%dma_start3A_29] : memref<6x!tpu.dma_semaphore, #tpu.memory_space<semaphore_mem>> -> memref<1x!tpu.dma_semaphore, #tpu.memory_space<semaphore_mem>>
    %dma_start3A_40 = tpu.memref_squeeze %dma_start3A_39 : memref<1x!tpu.dma_semaphore, #tpu.memory_space<semaphore_mem>> -> memref<!tpu.dma_semaphore, #tpu.memory_space<semaphore_mem>>
    tpu.enqueue_indirect_dma source(%dma_start3A_38 : memref<10000x80xf32, #tpu.memory_space<hbm>>) target(%dma_start3A_33 : memref<80x80xf32, #tpu.memory_space<vmem>>) offsets(%dma_start3A_35 : memref<80xi32, #tpu.memory_space<vmem>>) semaphore(%dma_start3A_40 : memref<!tpu.dma_semaphore, #tpu.memory_space<semaphore_mem>>)
    %dma_start3A_41 = arith.constant 1 : i32
    %dma_start3A_42 = arith.constant 1 : i32
    %dma_start3A_43 = arith.constant 0 : i32
    %dma_start3A_44 = arith.constant 0 : i32
    %dma_start3A_45 = tpu.memref_slice %arg8[%dma_start3A_41, %dma_start3A_43, %dma_start3A_44] : memref<6x80x80xf32, #tpu.memory_space<vmem>> -> memref<1x80x80xf32, #tpu.memory_space<vmem>>
    %dma_start3A_46 = tpu.memref_squeeze %dma_start3A_45 : memref<1x80x80xf32, #tpu.memory_space<vmem>> -> memref<80x80xf32, #tpu.memory_space<vmem>>
    %dma_start3A_47 = arith.constant 80 : i32
    %dma_start3A_48 = tpu.memref_slice %arg6[%dma_start3A_47] : memref<10000xi32, #tpu.memory_space<vmem>> -> memref<80xi32, #tpu.memory_space<vmem>>
    %dma_start3A_49 = arith.constant 0 : i32
    %dma_start3A_50 = arith.constant 0 : i32
    %dma_start3A_51 = tpu.memref_slice %arg2[%dma_start3A_49, %dma_start3A_50] : memref<10000x80xf32, #tpu.memory_space<hbm>> -> memref<10000x80xf32, #tpu.memory_space<hbm>>
    %dma_start3A_52 = tpu.memref_slice %arg12[%dma_start3A_42] : memref<6x!tpu.dma_semaphore, #tpu.memory_space<semaphore_mem>> -> memref<1x!tpu.dma_semaphore, #tpu.memory_space<semaphore_mem>>
    %dma_start3A_53 = tpu.memref_squeeze %dma_start3A_52 : memref<1x!tpu.dma_semaphore, #tpu.memory_space<semaphore_mem>> -> memref<!tpu.dma_semaphore, #tpu.memory_space<semaphore_mem>>
    tpu.enqueue_indirect_dma source(%dma_start3A_51 : memref<10000x80xf32, #tpu.memory_space<hbm>>) target(%dma_start3A_46 : memref<80x80xf32, #tpu.memory_space<vmem>>) offsets(%dma_start3A_48 : memref<80xi32, #tpu.memory_space<vmem>>) semaphore(%dma_start3A_53 : memref<!tpu.dma_semaphore, #tpu.memory_space<semaphore_mem>>)
    %dma_start3A_54 = arith.constant 2 : i32
    %dma_start3A_55 = arith.constant 2 : i32
    %dma_start3A_56 = arith.constant 0 : i32
    %dma_start3A_57 = arith.constant 0 : i32
    %dma_start3A_58 = tpu.memref_slice %arg8[%dma_start3A_54, %dma_start3A_56, %dma_start3A_57] : memref<6x80x80xf32, #tpu.memory_space<vmem>> -> memref<1x80x80xf32, #tpu.memory_space<vmem>>
    %dma_start3A_59 = tpu.memref_squeeze %dma_start3A_58 : memref<1x80x80xf32, #tpu.memory_space<vmem>> -> memref<80x80xf32, #tpu.memory_space<vmem>>
    %dma_start3A_60 = arith.constant 160 : i32
    %dma_start3A_61 = tpu.memref_slice %arg6[%dma_start3A_60] : memref<10000xi32, #tpu.memory_space<vmem>> -> memref<80xi32, #tpu.memory_space<vmem>>
    %dma_start3A_62 = arith.constant 0 : i32
    %dma_start3A_63 = arith.constant 0 : i32
    %dma_start3A_64 = tpu.memref_slice %arg2[%dma_start3A_62, %dma_start3A_63] : memref<10000x80xf32, #tpu.memory_space<hbm>> -> memref<10000x80xf32, #tpu.memory_space<hbm>>
    %dma_start3A_65 = tpu.memref_slice %arg12[%dma_start3A_55] : memref<6x!tpu.dma_semaphore, #tpu.memory_space<semaphore_mem>> -> memref<1x!tpu.dma_semaphore, #tpu.memory_space<semaphore_mem>>
    %dma_start3A_66 = tpu.memref_squeeze %dma_start3A_65 : memref<1x!tpu.dma_semaphore, #tpu.memory_space<semaphore_mem>> -> memref<!tpu.dma_semaphore, #tpu.memory_space<semaphore_mem>>
    tpu.enqueue_indirect_dma source(%dma_start3A_64 : memref<10000x80xf32, #tpu.memory_space<hbm>>) target(%dma_start3A_59 : memref<80x80xf32, #tpu.memory_space<vmem>>) offsets(%dma_start3A_61 : memref<80xi32, #tpu.memory_space<vmem>>) semaphore(%dma_start3A_66 : memref<!tpu.dma_semaphore, #tpu.memory_space<semaphore_mem>>)
    %scan3A = arith.constant 0 : i32
    %scan3A_67 = arith.constant 0 : i32
    %scan3A_68 = arith.constant 21 : i32
    %scan3A_69 = arith.addi %scan3A_67, %scan3A_68 : i32
    %scan3A_70 = arith.constant 1 : i32
    scf.for %scan3A_126 = %scan3A_67 to %scan3A_69 step %scan3A_70  : i32 {
      %mul3A_127 = arith.constant 6 : i32
      %mul3A_128 = arith.muli %mul3A_127, %scan3A_126 : i32
      %add3A_129 = arith.constant 0 : i32
      %add3A_130 = arith.addi %mul3A_128, %add3A_129 : i32
      %ge3A = arith.constant 3 : i32
      %ge3A_131 = arith.cmpi sge, %add3A_130, %ge3A : i32
      %lt3A_132 = arith.constant 128 : i32
      %lt3A_133 = arith.cmpi slt, %add3A_130, %lt3A_132 : i32
      %and3A = arith.andi %ge3A_131, %lt3A_133 : i1
      %convert_element_type3A_134 = arith.extui %and3A : i1 to i32
      %cond3A_135 = arith.constant 0 : i32
      %cond3A_136 = arith.cmpi ne, %convert_element_type3A_134, %cond3A_135 : i32
      scf.if %cond3A_136 {
        %sub3A = arith.constant 3 : i32
        %sub3A_269 = arith.subi %add3A_130, %sub3A : i32
        %mul3A_270 = arith.constant 80 : i32
        %mul3A_271 = arith.muli %sub3A_269, %mul3A_270 : i32
        %dma_wait3A_272 = arith.constant 3 : i32
        %dma_wait3A_273 = arith.constant 3 : i32
        %dma_wait3A_274 = arith.constant 0 : i32
        %dma_wait3A_275 = arith.constant 0 : i32
        %dma_wait3A_276 = tpu.memref_slice %arg8[%dma_wait3A_272, %dma_wait3A_274, %dma_wait3A_275] : memref<6x80x80xf32, #tpu.memory_space<vmem>> -> memref<1x80x80xf32, #tpu.memory_space<vmem>>
        %dma_wait3A_277 = tpu.memref_squeeze %dma_wait3A_276 : memref<1x80x80xf32, #tpu.memory_space<vmem>> -> memref<80x80xf32, #tpu.memory_space<vmem>>
        %dma_wait3A_278 = tpu.memref_slice %arg7[%mul3A_271] : memref<10000xi32, #tpu.memory_space<vmem>> -> memref<80xi32, #tpu.memory_space<vmem>>
        %dma_wait3A_279 = arith.constant 0 : i32
        %dma_wait3A_280 = arith.constant 0 : i32
        %dma_wait3A_281 = tpu.memref_slice %arg11[%dma_wait3A_279, %dma_wait3A_280] : memref<10000x80xf32, #tpu.memory_space<vmem_shared>> -> memref<10000x80xf32, #tpu.memory_space<vmem_shared>>
        %dma_wait3A_282 = tpu.memref_slice %arg13[%dma_wait3A_273] : memref<6x!tpu.dma_semaphore, #tpu.memory_space<semaphore_mem>> -> memref<1x!tpu.dma_semaphore, #tpu.memory_space<semaphore_mem>>
        %dma_wait3A_283 = tpu.memref_squeeze %dma_wait3A_282 : memref<1x!tpu.dma_semaphore, #tpu.memory_space<semaphore_mem>> -> memref<!tpu.dma_semaphore, #tpu.memory_space<semaphore_mem>>
        tpu.wait_indirect_dma semaphore(%dma_wait3A_283 : memref<!tpu.dma_semaphore, #tpu.memory_space<semaphore_mem>>) src(%dma_wait3A_277 : memref<80x80xf32, #tpu.memory_space<vmem>>) dst(%dma_wait3A_281 : memref<10000x80xf32, #tpu.memory_space<vmem_shared>>)
      } else {
      }
      %add3A_137 = arith.constant 3 : i32
      %add3A_138 = arith.addi %add3A_130, %add3A_137 : i32
      %lt3A_139 = arith.constant 125 : i32
      %lt3A_140 = arith.cmpi slt, %add3A_138, %lt3A_139 : i32
      %convert_element_type3A_141 = arith.extui %lt3A_140 : i1 to i32
      %cond3A_142 = arith.constant 0 : i32
      %cond3A_143 = arith.cmpi ne, %convert_element_type3A_141, %cond3A_142 : i32
      scf.if %cond3A_143 {
        %add3A_269 = arith.constant 3 : i32
        %add3A_270 = arith.addi %add3A_130, %add3A_269 : i32
        %mul3A_271 = arith.constant 80 : i32
        %mul3A_272 = arith.muli %add3A_270, %mul3A_271 : i32
        %dma_start3A_273 = arith.constant 3 : i32
        %dma_start3A_274 = arith.constant 3 : i32
        %dma_start3A_275 = arith.constant 0 : i32
        %dma_start3A_276 = arith.constant 0 : i32
        %dma_start3A_277 = tpu.memref_slice %arg8[%dma_start3A_273, %dma_start3A_275, %dma_start3A_276] : memref<6x80x80xf32, #tpu.memory_space<vmem>> -> memref<1x80x80xf32, #tpu.memory_space<vmem>>
        %dma_start3A_278 = tpu.memref_squeeze %dma_start3A_277 : memref<1x80x80xf32, #tpu.memory_space<vmem>> -> memref<80x80xf32, #tpu.memory_space<vmem>>
        %dma_start3A_279 = tpu.memref_slice %arg6[%mul3A_272] : memref<10000xi32, #tpu.memory_space<vmem>> -> memref<80xi32, #tpu.memory_space<vmem>>
        %dma_start3A_280 = arith.constant 0 : i32
        %dma_start3A_281 = arith.constant 0 : i32
        %dma_start3A_282 = tpu.memref_slice %arg2[%dma_start3A_280, %dma_start3A_281] : memref<10000x80xf32, #tpu.memory_space<hbm>> -> memref<10000x80xf32, #tpu.memory_space<hbm>>
        %dma_start3A_283 = tpu.memref_slice %arg12[%dma_start3A_274] : memref<6x!tpu.dma_semaphore, #tpu.memory_space<semaphore_mem>> -> memref<1x!tpu.dma_semaphore, #tpu.memory_space<semaphore_mem>>
        %dma_start3A_284 = tpu.memref_squeeze %dma_start3A_283 : memref<1x!tpu.dma_semaphore, #tpu.memory_space<semaphore_mem>> -> memref<!tpu.dma_semaphore, #tpu.memory_space<semaphore_mem>>
        tpu.enqueue_indirect_dma source(%dma_start3A_282 : memref<10000x80xf32, #tpu.memory_space<hbm>>) target(%dma_start3A_278 : memref<80x80xf32, #tpu.memory_space<vmem>>) offsets(%dma_start3A_279 : memref<80xi32, #tpu.memory_space<vmem>>) semaphore(%dma_start3A_284 : memref<!tpu.dma_semaphore, #tpu.memory_space<semaphore_mem>>)
      } else {
      }
      %lt3A_144 = arith.constant 125 : i32
      %lt3A_145 = arith.cmpi slt, %add3A_130, %lt3A_144 : i32
      %convert_element_type3A_146 = arith.extui %lt3A_145 : i1 to i32
      %cond3A_147 = arith.constant 0 : i32
      %cond3A_148 = arith.cmpi ne, %convert_element_type3A_146, %cond3A_147 : i32
      scf.if %cond3A_148 {
        %mul3A_269 = arith.constant 80 : i32
        %mul3A_270 = arith.muli %add3A_130, %mul3A_269 : i32
        %dma_wait3A_271 = arith.constant 0 : i32
        %dma_wait3A_272 = arith.constant 0 : i32
        %dma_wait3A_273 = arith.constant 0 : i32
        %dma_wait3A_274 = arith.constant 0 : i32
        %dma_wait3A_275 = tpu.memref_slice %arg8[%dma_wait3A_271, %dma_wait3A_273, %dma_wait3A_274] : memref<6x80x80xf32, #tpu.memory_space<vmem>> -> memref<1x80x80xf32, #tpu.memory_space<vmem>>
        %dma_wait3A_276 = tpu.memref_squeeze %dma_wait3A_275 : memref<1x80x80xf32, #tpu.memory_space<vmem>> -> memref<80x80xf32, #tpu.memory_space<vmem>>
        %dma_wait3A_277 = tpu.memref_slice %arg6[%mul3A_270] : memref<10000xi32, #tpu.memory_space<vmem>> -> memref<80xi32, #tpu.memory_space<vmem>>
        %dma_wait3A_278 = arith.constant 0 : i32
        %dma_wait3A_279 = arith.constant 0 : i32
        %dma_wait3A_280 = tpu.memref_slice %arg2[%dma_wait3A_278, %dma_wait3A_279] : memref<10000x80xf32, #tpu.memory_space<hbm>> -> memref<10000x80xf32, #tpu.memory_space<hbm>>
        %dma_wait3A_281 = tpu.memref_slice %arg12[%dma_wait3A_272] : memref<6x!tpu.dma_semaphore, #tpu.memory_space<semaphore_mem>> -> memref<1x!tpu.dma_semaphore, #tpu.memory_space<semaphore_mem>>
        %dma_wait3A_282 = tpu.memref_squeeze %dma_wait3A_281 : memref<1x!tpu.dma_semaphore, #tpu.memory_space<semaphore_mem>> -> memref<!tpu.dma_semaphore, #tpu.memory_space<semaphore_mem>>
        tpu.wait_indirect_dma semaphore(%dma_wait3A_282 : memref<!tpu.dma_semaphore, #tpu.memory_space<semaphore_mem>>) src(%dma_wait3A_280 : memref<10000x80xf32, #tpu.memory_space<hbm>>) dst(%dma_wait3A_276 : memref<80x80xf32, #tpu.memory_space<vmem>>)
        %mul3A_283 = arith.constant 80 : i32
        %mul3A_284 = arith.muli %add3A_130, %mul3A_283 : i32
        %dma_start3A_285 = arith.constant 0 : i32
        %dma_start3A_286 = arith.constant 0 : i32
        %dma_start3A_287 = arith.constant 0 : i32
        %dma_start3A_288 = arith.constant 0 : i32
        %dma_start3A_289 = tpu.memref_slice %arg8[%dma_start3A_285, %dma_start3A_287, %dma_start3A_288] : memref<6x80x80xf32, #tpu.memory_space<vmem>> -> memref<1x80x80xf32, #tpu.memory_space<vmem>>
        %dma_start3A_290 = tpu.memref_squeeze %dma_start3A_289 : memref<1x80x80xf32, #tpu.memory_space<vmem>> -> memref<80x80xf32, #tpu.memory_space<vmem>>
        %dma_start3A_291 = tpu.memref_slice %arg7[%mul3A_284] : memref<10000xi32, #tpu.memory_space<vmem>> -> memref<80xi32, #tpu.memory_space<vmem>>
        %dma_start3A_292 = arith.constant 0 : i32
        %dma_start3A_293 = arith.constant 0 : i32
        %dma_start3A_294 = tpu.memref_slice %arg11[%dma_start3A_292, %dma_start3A_293] : memref<10000x80xf32, #tpu.memory_space<vmem_shared>> -> memref<10000x80xf32, #tpu.memory_space<vmem_shared>>
        %dma_start3A_295 = tpu.memref_slice %arg13[%dma_start3A_286] : memref<6x!tpu.dma_semaphore, #tpu.memory_space<semaphore_mem>> -> memref<1x!tpu.dma_semaphore, #tpu.memory_space<semaphore_mem>>
        %dma_start3A_296 = tpu.memref_squeeze %dma_start3A_295 : memref<1x!tpu.dma_semaphore, #tpu.memory_space<semaphore_mem>> -> memref<!tpu.dma_semaphore, #tpu.memory_space<semaphore_mem>>
        tpu.enqueue_indirect_dma source(%dma_start3A_290 : memref<80x80xf32, #tpu.memory_space<vmem>>) target(%dma_start3A_294 : memref<10000x80xf32, #tpu.memory_space<vmem_shared>>) offsets(%dma_start3A_291 : memref<80xi32, #tpu.memory_space<vmem>>) semaphore(%dma_start3A_296 : memref<!tpu.dma_semaphore, #tpu.memory_space<semaphore_mem>>) {add = true}
      } else {
      }
      %mul3A_149 = arith.constant 6 : i32
      %mul3A_150 = arith.muli %mul3A_149, %scan3A_126 : i32
      %add3A_151 = arith.constant 1 : i32
      %add3A_152 = arith.addi %mul3A_150, %add3A_151 : i32
      %ge3A_153 = arith.constant 3 : i32
      %ge3A_154 = arith.cmpi sge, %add3A_152, %ge3A_153 : i32
      %lt3A_155 = arith.constant 128 : i32
      %lt3A_156 = arith.cmpi slt, %add3A_152, %lt3A_155 : i32
      %and3A_157 = arith.andi %ge3A_154, %lt3A_156 : i1
      %convert_element_type3A_158 = arith.extui %and3A_157 : i1 to i32
      %cond3A_159 = arith.constant 0 : i32
      %cond3A_160 = arith.cmpi ne, %convert_element_type3A_158, %cond3A_159 : i32
      scf.if %cond3A_160 {
        %sub3A = arith.constant 3 : i32
        %sub3A_269 = arith.subi %add3A_152, %sub3A : i32
        %mul3A_270 = arith.constant 80 : i32
        %mul3A_271 = arith.muli %sub3A_269, %mul3A_270 : i32
        %dma_wait3A_272 = arith.constant 4 : i32
        %dma_wait3A_273 = arith.constant 4 : i32
        %dma_wait3A_274 = arith.constant 0 : i32
        %dma_wait3A_275 = arith.constant 0 : i32
        %dma_wait3A_276 = tpu.memref_slice %arg8[%dma_wait3A_272, %dma_wait3A_274, %dma_wait3A_275] : memref<6x80x80xf32, #tpu.memory_space<vmem>> -> memref<1x80x80xf32, #tpu.memory_space<vmem>>
        %dma_wait3A_277 = tpu.memref_squeeze %dma_wait3A_276 : memref<1x80x80xf32, #tpu.memory_space<vmem>> -> memref<80x80xf32, #tpu.memory_space<vmem>>
        %dma_wait3A_278 = tpu.memref_slice %arg7[%mul3A_271] : memref<10000xi32, #tpu.memory_space<vmem>> -> memref<80xi32, #tpu.memory_space<vmem>>
        %dma_wait3A_279 = arith.constant 0 : i32
        %dma_wait3A_280 = arith.constant 0 : i32
        %dma_wait3A_281 = tpu.memref_slice %arg11[%dma_wait3A_279, %dma_wait3A_280] : memref<10000x80xf32, #tpu.memory_space<vmem_shared>> -> memref<10000x80xf32, #tpu.memory_space<vmem_shared>>
        %dma_wait3A_282 = tpu.memref_slice %arg13[%dma_wait3A_273] : memref<6x!tpu.dma_semaphore, #tpu.memory_space<semaphore_mem>> -> memref<1x!tpu.dma_semaphore, #tpu.memory_space<semaphore_mem>>
        %dma_wait3A_283 = tpu.memref_squeeze %dma_wait3A_282 : memref<1x!tpu.dma_semaphore, #tpu.memory_space<semaphore_mem>> -> memref<!tpu.dma_semaphore, #tpu.memory_space<semaphore_mem>>
        tpu.wait_indirect_dma semaphore(%dma_wait3A_283 : memref<!tpu.dma_semaphore, #tpu.memory_space<semaphore_mem>>) src(%dma_wait3A_277 : memref<80x80xf32, #tpu.memory_space<vmem>>) dst(%dma_wait3A_281 : memref<10000x80xf32, #tpu.memory_space<vmem_shared>>)
      } else {
      }
      %add3A_161 = arith.constant 3 : i32
      %add3A_162 = arith.addi %add3A_152, %add3A_161 : i32
      %lt3A_163 = arith.constant 125 : i32
      %lt3A_164 = arith.cmpi slt, %add3A_162, %lt3A_163 : i32
      %convert_element_type3A_165 = arith.extui %lt3A_164 : i1 to i32
      %cond3A_166 = arith.constant 0 : i32
      %cond3A_167 = arith.cmpi ne, %convert_element_type3A_165, %cond3A_166 : i32
      scf.if %cond3A_167 {
        %add3A_269 = arith.constant 3 : i32
        %add3A_270 = arith.addi %add3A_152, %add3A_269 : i32
        %mul3A_271 = arith.constant 80 : i32
        %mul3A_272 = arith.muli %add3A_270, %mul3A_271 : i32
        %dma_start3A_273 = arith.constant 4 : i32
        %dma_start3A_274 = arith.constant 4 : i32
        %dma_start3A_275 = arith.constant 0 : i32
        %dma_start3A_276 = arith.constant 0 : i32
        %dma_start3A_277 = tpu.memref_slice %arg8[%dma_start3A_273, %dma_start3A_275, %dma_start3A_276] : memref<6x80x80xf32, #tpu.memory_space<vmem>> -> memref<1x80x80xf32, #tpu.memory_space<vmem>>
        %dma_start3A_278 = tpu.memref_squeeze %dma_start3A_277 : memref<1x80x80xf32, #tpu.memory_space<vmem>> -> memref<80x80xf32, #tpu.memory_space<vmem>>
        %dma_start3A_279 = tpu.memref_slice %arg6[%mul3A_272] : memref<10000xi32, #tpu.memory_space<vmem>> -> memref<80xi32, #tpu.memory_space<vmem>>
        %dma_start3A_280 = arith.constant 0 : i32
        %dma_start3A_281 = arith.constant 0 : i32
        %dma_start3A_282 = tpu.memref_slice %arg2[%dma_start3A_280, %dma_start3A_281] : memref<10000x80xf32, #tpu.memory_space<hbm>> -> memref<10000x80xf32, #tpu.memory_space<hbm>>
        %dma_start3A_283 = tpu.memref_slice %arg12[%dma_start3A_274] : memref<6x!tpu.dma_semaphore, #tpu.memory_space<semaphore_mem>> -> memref<1x!tpu.dma_semaphore, #tpu.memory_space<semaphore_mem>>
        %dma_start3A_284 = tpu.memref_squeeze %dma_start3A_283 : memref<1x!tpu.dma_semaphore, #tpu.memory_space<semaphore_mem>> -> memref<!tpu.dma_semaphore, #tpu.memory_space<semaphore_mem>>
        tpu.enqueue_indirect_dma source(%dma_start3A_282 : memref<10000x80xf32, #tpu.memory_space<hbm>>) target(%dma_start3A_278 : memref<80x80xf32, #tpu.memory_space<vmem>>) offsets(%dma_start3A_279 : memref<80xi32, #tpu.memory_space<vmem>>) semaphore(%dma_start3A_284 : memref<!tpu.dma_semaphore, #tpu.memory_space<semaphore_mem>>)
      } else {
      }
      %lt3A_168 = arith.constant 125 : i32
      %lt3A_169 = arith.cmpi slt, %add3A_152, %lt3A_168 : i32
      %convert_element_type3A_170 = arith.extui %lt3A_169 : i1 to i32
      %cond3A_171 = arith.constant 0 : i32
      %cond3A_172 = arith.cmpi ne, %convert_element_type3A_170, %cond3A_171 : i32
      scf.if %cond3A_172 {
        %mul3A_269 = arith.constant 80 : i32
        %mul3A_270 = arith.muli %add3A_152, %mul3A_269 : i32
        %dma_wait3A_271 = arith.constant 1 : i32
        %dma_wait3A_272 = arith.constant 1 : i32
        %dma_wait3A_273 = arith.constant 0 : i32
        %dma_wait3A_274 = arith.constant 0 : i32
        %dma_wait3A_275 = tpu.memref_slice %arg8[%dma_wait3A_271, %dma_wait3A_273, %dma_wait3A_274] : memref<6x80x80xf32, #tpu.memory_space<vmem>> -> memref<1x80x80xf32, #tpu.memory_space<vmem>>
        %dma_wait3A_276 = tpu.memref_squeeze %dma_wait3A_275 : memref<1x80x80xf32, #tpu.memory_space<vmem>> -> memref<80x80xf32, #tpu.memory_space<vmem>>
        %dma_wait3A_277 = tpu.memref_slice %arg6[%mul3A_270] : memref<10000xi32, #tpu.memory_space<vmem>> -> memref<80xi32, #tpu.memory_space<vmem>>
        %dma_wait3A_278 = arith.constant 0 : i32
        %dma_wait3A_279 = arith.constant 0 : i32
        %dma_wait3A_280 = tpu.memref_slice %arg2[%dma_wait3A_278, %dma_wait3A_279] : memref<10000x80xf32, #tpu.memory_space<hbm>> -> memref<10000x80xf32, #tpu.memory_space<hbm>>
        %dma_wait3A_281 = tpu.memref_slice %arg12[%dma_wait3A_272] : memref<6x!tpu.dma_semaphore, #tpu.memory_space<semaphore_mem>> -> memref<1x!tpu.dma_semaphore, #tpu.memory_space<semaphore_mem>>
        %dma_wait3A_282 = tpu.memref_squeeze %dma_wait3A_281 : memref<1x!tpu.dma_semaphore, #tpu.memory_space<semaphore_mem>> -> memref<!tpu.dma_semaphore, #tpu.memory_space<semaphore_mem>>
        tpu.wait_indirect_dma semaphore(%dma_wait3A_282 : memref<!tpu.dma_semaphore, #tpu.memory_space<semaphore_mem>>) src(%dma_wait3A_280 : memref<10000x80xf32, #tpu.memory_space<hbm>>) dst(%dma_wait3A_276 : memref<80x80xf32, #tpu.memory_space<vmem>>)
        %mul3A_283 = arith.constant 80 : i32
        %mul3A_284 = arith.muli %add3A_152, %mul3A_283 : i32
        %dma_start3A_285 = arith.constant 1 : i32
        %dma_start3A_286 = arith.constant 1 : i32
        %dma_start3A_287 = arith.constant 0 : i32
        %dma_start3A_288 = arith.constant 0 : i32
        %dma_start3A_289 = tpu.memref_slice %arg8[%dma_start3A_285, %dma_start3A_287, %dma_start3A_288] : memref<6x80x80xf32, #tpu.memory_space<vmem>> -> memref<1x80x80xf32, #tpu.memory_space<vmem>>
        %dma_start3A_290 = tpu.memref_squeeze %dma_start3A_289 : memref<1x80x80xf32, #tpu.memory_space<vmem>> -> memref<80x80xf32, #tpu.memory_space<vmem>>
        %dma_start3A_291 = tpu.memref_slice %arg7[%mul3A_284] : memref<10000xi32, #tpu.memory_space<vmem>> -> memref<80xi32, #tpu.memory_space<vmem>>
        %dma_start3A_292 = arith.constant 0 : i32
        %dma_start3A_293 = arith.constant 0 : i32
        %dma_start3A_294 = tpu.memref_slice %arg11[%dma_start3A_292, %dma_start3A_293] : memref<10000x80xf32, #tpu.memory_space<vmem_shared>> -> memref<10000x80xf32, #tpu.memory_space<vmem_shared>>
        %dma_start3A_295 = tpu.memref_slice %arg13[%dma_start3A_286] : memref<6x!tpu.dma_semaphore, #tpu.memory_space<semaphore_mem>> -> memref<1x!tpu.dma_semaphore, #tpu.memory_space<semaphore_mem>>
        %dma_start3A_296 = tpu.memref_squeeze %dma_start3A_295 : memref<1x!tpu.dma_semaphore, #tpu.memory_space<semaphore_mem>> -> memref<!tpu.dma_semaphore, #tpu.memory_space<semaphore_mem>>
        tpu.enqueue_indirect_dma source(%dma_start3A_290 : memref<80x80xf32, #tpu.memory_space<vmem>>) target(%dma_start3A_294 : memref<10000x80xf32, #tpu.memory_space<vmem_shared>>) offsets(%dma_start3A_291 : memref<80xi32, #tpu.memory_space<vmem>>) semaphore(%dma_start3A_296 : memref<!tpu.dma_semaphore, #tpu.memory_space<semaphore_mem>>) {add = true}
      } else {
      }
      %mul3A_173 = arith.constant 6 : i32
      %mul3A_174 = arith.muli %mul3A_173, %scan3A_126 : i32
      %add3A_175 = arith.constant 2 : i32
      %add3A_176 = arith.addi %mul3A_174, %add3A_175 : i32
      %ge3A_177 = arith.constant 3 : i32
      %ge3A_178 = arith.cmpi sge, %add3A_176, %ge3A_177 : i32
      %lt3A_179 = arith.constant 128 : i32
      %lt3A_180 = arith.cmpi slt, %add3A_176, %lt3A_179 : i32
      %and3A_181 = arith.andi %ge3A_178, %lt3A_180 : i1
      %convert_element_type3A_182 = arith.extui %and3A_181 : i1 to i32
      %cond3A_183 = arith.constant 0 : i32
      %cond3A_184 = arith.cmpi ne, %convert_element_type3A_182, %cond3A_183 : i32
      scf.if %cond3A_184 {
        %sub3A = arith.constant 3 : i32
        %sub3A_269 = arith.subi %add3A_176, %sub3A : i32
        %mul3A_270 = arith.constant 80 : i32
        %mul3A_271 = arith.muli %sub3A_269, %mul3A_270 : i32
        %dma_wait3A_272 = arith.constant 5 : i32
        %dma_wait3A_273 = arith.constant 5 : i32
        %dma_wait3A_274 = arith.constant 0 : i32
        %dma_wait3A_275 = arith.constant 0 : i32
        %dma_wait3A_276 = tpu.memref_slice %arg8[%dma_wait3A_272, %dma_wait3A_274, %dma_wait3A_275] : memref<6x80x80xf32, #tpu.memory_space<vmem>> -> memref<1x80x80xf32, #tpu.memory_space<vmem>>
        %dma_wait3A_277 = tpu.memref_squeeze %dma_wait3A_276 : memref<1x80x80xf32, #tpu.memory_space<vmem>> -> memref<80x80xf32, #tpu.memory_space<vmem>>
        %dma_wait3A_278 = tpu.memref_slice %arg7[%mul3A_271] : memref<10000xi32, #tpu.memory_space<vmem>> -> memref<80xi32, #tpu.memory_space<vmem>>
        %dma_wait3A_279 = arith.constant 0 : i32
        %dma_wait3A_280 = arith.constant 0 : i32
        %dma_wait3A_281 = tpu.memref_slice %arg11[%dma_wait3A_279, %dma_wait3A_280] : memref<10000x80xf32, #tpu.memory_space<vmem_shared>> -> memref<10000x80xf32, #tpu.memory_space<vmem_shared>>
        %dma_wait3A_282 = tpu.memref_slice %arg13[%dma_wait3A_273] : memref<6x!tpu.dma_semaphore, #tpu.memory_space<semaphore_mem>> -> memref<1x!tpu.dma_semaphore, #tpu.memory_space<semaphore_mem>>
        %dma_wait3A_283 = tpu.memref_squeeze %dma_wait3A_282 : memref<1x!tpu.dma_semaphore, #tpu.memory_space<semaphore_mem>> -> memref<!tpu.dma_semaphore, #tpu.memory_space<semaphore_mem>>
        tpu.wait_indirect_dma semaphore(%dma_wait3A_283 : memref<!tpu.dma_semaphore, #tpu.memory_space<semaphore_mem>>) src(%dma_wait3A_277 : memref<80x80xf32, #tpu.memory_space<vmem>>) dst(%dma_wait3A_281 : memref<10000x80xf32, #tpu.memory_space<vmem_shared>>)
      } else {
      }
      %add3A_185 = arith.constant 3 : i32
      %add3A_186 = arith.addi %add3A_176, %add3A_185 : i32
      %lt3A_187 = arith.constant 125 : i32
      %lt3A_188 = arith.cmpi slt, %add3A_186, %lt3A_187 : i32
      %convert_element_type3A_189 = arith.extui %lt3A_188 : i1 to i32
      %cond3A_190 = arith.constant 0 : i32
      %cond3A_191 = arith.cmpi ne, %convert_element_type3A_189, %cond3A_190 : i32
      scf.if %cond3A_191 {
        %add3A_269 = arith.constant 3 : i32
        %add3A_270 = arith.addi %add3A_176, %add3A_269 : i32
        %mul3A_271 = arith.constant 80 : i32
        %mul3A_272 = arith.muli %add3A_270, %mul3A_271 : i32
        %dma_start3A_273 = arith.constant 5 : i32
        %dma_start3A_274 = arith.constant 5 : i32
        %dma_start3A_275 = arith.constant 0 : i32
        %dma_start3A_276 = arith.constant 0 : i32
        %dma_start3A_277 = tpu.memref_slice %arg8[%dma_start3A_273, %dma_start3A_275, %dma_start3A_276] : memref<6x80x80xf32, #tpu.memory_space<vmem>> -> memref<1x80x80xf32, #tpu.memory_space<vmem>>
        %dma_start3A_278 = tpu.memref_squeeze %dma_start3A_277 : memref<1x80x80xf32, #tpu.memory_space<vmem>> -> memref<80x80xf32, #tpu.memory_space<vmem>>
        %dma_start3A_279 = tpu.memref_slice %arg6[%mul3A_272] : memref<10000xi32, #tpu.memory_space<vmem>> -> memref<80xi32, #tpu.memory_space<vmem>>
        %dma_start3A_280 = arith.constant 0 : i32
        %dma_start3A_281 = arith.constant 0 : i32
        %dma_start3A_282 = tpu.memref_slice %arg2[%dma_start3A_280, %dma_start3A_281] : memref<10000x80xf32, #tpu.memory_space<hbm>> -> memref<10000x80xf32, #tpu.memory_space<hbm>>
        %dma_start3A_283 = tpu.memref_slice %arg12[%dma_start3A_274] : memref<6x!tpu.dma_semaphore, #tpu.memory_space<semaphore_mem>> -> memref<1x!tpu.dma_semaphore, #tpu.memory_space<semaphore_mem>>
        %dma_start3A_284 = tpu.memref_squeeze %dma_start3A_283 : memref<1x!tpu.dma_semaphore, #tpu.memory_space<semaphore_mem>> -> memref<!tpu.dma_semaphore, #tpu.memory_space<semaphore_mem>>
        tpu.enqueue_indirect_dma source(%dma_start3A_282 : memref<10000x80xf32, #tpu.memory_space<hbm>>) target(%dma_start3A_278 : memref<80x80xf32, #tpu.memory_space<vmem>>) offsets(%dma_start3A_279 : memref<80xi32, #tpu.memory_space<vmem>>) semaphore(%dma_start3A_284 : memref<!tpu.dma_semaphore, #tpu.memory_space<semaphore_mem>>)
      } else {
      }
      %lt3A_192 = arith.constant 125 : i32
      %lt3A_193 = arith.cmpi slt, %add3A_176, %lt3A_192 : i32
      %convert_element_type3A_194 = arith.extui %lt3A_193 : i1 to i32
      %cond3A_195 = arith.constant 0 : i32
      %cond3A_196 = arith.cmpi ne, %convert_element_type3A_194, %cond3A_195 : i32
      scf.if %cond3A_196 {
        %mul3A_269 = arith.constant 80 : i32
        %mul3A_270 = arith.muli %add3A_176, %mul3A_269 : i32
        %dma_wait3A_271 = arith.constant 2 : i32
        %dma_wait3A_272 = arith.constant 2 : i32
        %dma_wait3A_273 = arith.constant 0 : i32
        %dma_wait3A_274 = arith.constant 0 : i32
        %dma_wait3A_275 = tpu.memref_slice %arg8[%dma_wait3A_271, %dma_wait3A_273, %dma_wait3A_274] : memref<6x80x80xf32, #tpu.memory_space<vmem>> -> memref<1x80x80xf32, #tpu.memory_space<vmem>>
        %dma_wait3A_276 = tpu.memref_squeeze %dma_wait3A_275 : memref<1x80x80xf32, #tpu.memory_space<vmem>> -> memref<80x80xf32, #tpu.memory_space<vmem>>
        %dma_wait3A_277 = tpu.memref_slice %arg6[%mul3A_270] : memref<10000xi32, #tpu.memory_space<vmem>> -> memref<80xi32, #tpu.memory_space<vmem>>
        %dma_wait3A_278 = arith.constant 0 : i32
        %dma_wait3A_279 = arith.constant 0 : i32
        %dma_wait3A_280 = tpu.memref_slice %arg2[%dma_wait3A_278, %dma_wait3A_279] : memref<10000x80xf32, #tpu.memory_space<hbm>> -> memref<10000x80xf32, #tpu.memory_space<hbm>>
        %dma_wait3A_281 = tpu.memref_slice %arg12[%dma_wait3A_272] : memref<6x!tpu.dma_semaphore, #tpu.memory_space<semaphore_mem>> -> memref<1x!tpu.dma_semaphore, #tpu.memory_space<semaphore_mem>>
        %dma_wait3A_282 = tpu.memref_squeeze %dma_wait3A_281 : memref<1x!tpu.dma_semaphore, #tpu.memory_space<semaphore_mem>> -> memref<!tpu.dma_semaphore, #tpu.memory_space<semaphore_mem>>
        tpu.wait_indirect_dma semaphore(%dma_wait3A_282 : memref<!tpu.dma_semaphore, #tpu.memory_space<semaphore_mem>>) src(%dma_wait3A_280 : memref<10000x80xf32, #tpu.memory_space<hbm>>) dst(%dma_wait3A_276 : memref<80x80xf32, #tpu.memory_space<vmem>>)
        %mul3A_283 = arith.constant 80 : i32
        %mul3A_284 = arith.muli %add3A_176, %mul3A_283 : i32
        %dma_start3A_285 = arith.constant 2 : i32
        %dma_start3A_286 = arith.constant 2 : i32
        %dma_start3A_287 = arith.constant 0 : i32
        %dma_start3A_288 = arith.constant 0 : i32
        %dma_start3A_289 = tpu.memref_slice %arg8[%dma_start3A_285, %dma_start3A_287, %dma_start3A_288] : memref<6x80x80xf32, #tpu.memory_space<vmem>> -> memref<1x80x80xf32, #tpu.memory_space<vmem>>
        %dma_start3A_290 = tpu.memref_squeeze %dma_start3A_289 : memref<1x80x80xf32, #tpu.memory_space<vmem>> -> memref<80x80xf32, #tpu.memory_space<vmem>>
        %dma_start3A_291 = tpu.memref_slice %arg7[%mul3A_284] : memref<10000xi32, #tpu.memory_space<vmem>> -> memref<80xi32, #tpu.memory_space<vmem>>
        %dma_start3A_292 = arith.constant 0 : i32
        %dma_start3A_293 = arith.constant 0 : i32
        %dma_start3A_294 = tpu.memref_slice %arg11[%dma_start3A_292, %dma_start3A_293] : memref<10000x80xf32, #tpu.memory_space<vmem_shared>> -> memref<10000x80xf32, #tpu.memory_space<vmem_shared>>
        %dma_start3A_295 = tpu.memref_slice %arg13[%dma_start3A_286] : memref<6x!tpu.dma_semaphore, #tpu.memory_space<semaphore_mem>> -> memref<1x!tpu.dma_semaphore, #tpu.memory_space<semaphore_mem>>
        %dma_start3A_296 = tpu.memref_squeeze %dma_start3A_295 : memref<1x!tpu.dma_semaphore, #tpu.memory_space<semaphore_mem>> -> memref<!tpu.dma_semaphore, #tpu.memory_space<semaphore_mem>>
        tpu.enqueue_indirect_dma source(%dma_start3A_290 : memref<80x80xf32, #tpu.memory_space<vmem>>) target(%dma_start3A_294 : memref<10000x80xf32, #tpu.memory_space<vmem_shared>>) offsets(%dma_start3A_291 : memref<80xi32, #tpu.memory_space<vmem>>) semaphore(%dma_start3A_296 : memref<!tpu.dma_semaphore, #tpu.memory_space<semaphore_mem>>) {add = true}
      } else {
      }
      %mul3A_197 = arith.constant 6 : i32
      %mul3A_198 = arith.muli %mul3A_197, %scan3A_126 : i32
      %add3A_199 = arith.constant 3 : i32
      %add3A_200 = arith.addi %mul3A_198, %add3A_199 : i32
      %ge3A_201 = arith.constant 3 : i32
      %ge3A_202 = arith.cmpi sge, %add3A_200, %ge3A_201 : i32
      %lt3A_203 = arith.constant 128 : i32
      %lt3A_204 = arith.cmpi slt, %add3A_200, %lt3A_203 : i32
      %and3A_205 = arith.andi %ge3A_202, %lt3A_204 : i1
      %convert_element_type3A_206 = arith.extui %and3A_205 : i1 to i32
      %cond3A_207 = arith.constant 0 : i32
      %cond3A_208 = arith.cmpi ne, %convert_element_type3A_206, %cond3A_207 : i32
      scf.if %cond3A_208 {
        %sub3A = arith.constant 3 : i32
        %sub3A_269 = arith.subi %add3A_200, %sub3A : i32
        %mul3A_270 = arith.constant 80 : i32
        %mul3A_271 = arith.muli %sub3A_269, %mul3A_270 : i32
        %dma_wait3A_272 = arith.constant 0 : i32
        %dma_wait3A_273 = arith.constant 0 : i32
        %dma_wait3A_274 = arith.constant 0 : i32
        %dma_wait3A_275 = arith.constant 0 : i32
        %dma_wait3A_276 = tpu.memref_slice %arg8[%dma_wait3A_272, %dma_wait3A_274, %dma_wait3A_275] : memref<6x80x80xf32, #tpu.memory_space<vmem>> -> memref<1x80x80xf32, #tpu.memory_space<vmem>>
        %dma_wait3A_277 = tpu.memref_squeeze %dma_wait3A_276 : memref<1x80x80xf32, #tpu.memory_space<vmem>> -> memref<80x80xf32, #tpu.memory_space<vmem>>
        %dma_wait3A_278 = tpu.memref_slice %arg7[%mul3A_271] : memref<10000xi32, #tpu.memory_space<vmem>> -> memref<80xi32, #tpu.memory_space<vmem>>
        %dma_wait3A_279 = arith.constant 0 : i32
        %dma_wait3A_280 = arith.constant 0 : i32
        %dma_wait3A_281 = tpu.memref_slice %arg11[%dma_wait3A_279, %dma_wait3A_280] : memref<10000x80xf32, #tpu.memory_space<vmem_shared>> -> memref<10000x80xf32, #tpu.memory_space<vmem_shared>>
        %dma_wait3A_282 = tpu.memref_slice %arg13[%dma_wait3A_273] : memref<6x!tpu.dma_semaphore, #tpu.memory_space<semaphore_mem>> -> memref<1x!tpu.dma_semaphore, #tpu.memory_space<semaphore_mem>>
        %dma_wait3A_283 = tpu.memref_squeeze %dma_wait3A_282 : memref<1x!tpu.dma_semaphore, #tpu.memory_space<semaphore_mem>> -> memref<!tpu.dma_semaphore, #tpu.memory_space<semaphore_mem>>
        tpu.wait_indirect_dma semaphore(%dma_wait3A_283 : memref<!tpu.dma_semaphore, #tpu.memory_space<semaphore_mem>>) src(%dma_wait3A_277 : memref<80x80xf32, #tpu.memory_space<vmem>>) dst(%dma_wait3A_281 : memref<10000x80xf32, #tpu.memory_space<vmem_shared>>)
      } else {
      }
      %add3A_209 = arith.constant 3 : i32
      %add3A_210 = arith.addi %add3A_200, %add3A_209 : i32
      %lt3A_211 = arith.constant 125 : i32
      %lt3A_212 = arith.cmpi slt, %add3A_210, %lt3A_211 : i32
      %convert_element_type3A_213 = arith.extui %lt3A_212 : i1 to i32
      %cond3A_214 = arith.constant 0 : i32
      %cond3A_215 = arith.cmpi ne, %convert_element_type3A_213, %cond3A_214 : i32
      scf.if %cond3A_215 {
        %add3A_269 = arith.constant 3 : i32
        %add3A_270 = arith.addi %add3A_200, %add3A_269 : i32
        %mul3A_271 = arith.constant 80 : i32
        %mul3A_272 = arith.muli %add3A_270, %mul3A_271 : i32
        %dma_start3A_273 = arith.constant 0 : i32
        %dma_start3A_274 = arith.constant 0 : i32
        %dma_start3A_275 = arith.constant 0 : i32
        %dma_start3A_276 = arith.constant 0 : i32
        %dma_start3A_277 = tpu.memref_slice %arg8[%dma_start3A_273, %dma_start3A_275, %dma_start3A_276] : memref<6x80x80xf32, #tpu.memory_space<vmem>> -> memref<1x80x80xf32, #tpu.memory_space<vmem>>
        %dma_start3A_278 = tpu.memref_squeeze %dma_start3A_277 : memref<1x80x80xf32, #tpu.memory_space<vmem>> -> memref<80x80xf32, #tpu.memory_space<vmem>>
        %dma_start3A_279 = tpu.memref_slice %arg6[%mul3A_272] : memref<10000xi32, #tpu.memory_space<vmem>> -> memref<80xi32, #tpu.memory_space<vmem>>
        %dma_start3A_280 = arith.constant 0 : i32
        %dma_start3A_281 = arith.constant 0 : i32
        %dma_start3A_282 = tpu.memref_slice %arg2[%dma_start3A_280, %dma_start3A_281] : memref<10000x80xf32, #tpu.memory_space<hbm>> -> memref<10000x80xf32, #tpu.memory_space<hbm>>
        %dma_start3A_283 = tpu.memref_slice %arg12[%dma_start3A_274] : memref<6x!tpu.dma_semaphore, #tpu.memory_space<semaphore_mem>> -> memref<1x!tpu.dma_semaphore, #tpu.memory_space<semaphore_mem>>
        %dma_start3A_284 = tpu.memref_squeeze %dma_start3A_283 : memref<1x!tpu.dma_semaphore, #tpu.memory_space<semaphore_mem>> -> memref<!tpu.dma_semaphore, #tpu.memory_space<semaphore_mem>>
        tpu.enqueue_indirect_dma source(%dma_start3A_282 : memref<10000x80xf32, #tpu.memory_space<hbm>>) target(%dma_start3A_278 : memref<80x80xf32, #tpu.memory_space<vmem>>) offsets(%dma_start3A_279 : memref<80xi32, #tpu.memory_space<vmem>>) semaphore(%dma_start3A_284 : memref<!tpu.dma_semaphore, #tpu.memory_space<semaphore_mem>>)
      } else {
      }
      %lt3A_216 = arith.constant 125 : i32
      %lt3A_217 = arith.cmpi slt, %add3A_200, %lt3A_216 : i32
      %convert_element_type3A_218 = arith.extui %lt3A_217 : i1 to i32
      %cond3A_219 = arith.constant 0 : i32
      %cond3A_220 = arith.cmpi ne, %convert_element_type3A_218, %cond3A_219 : i32
      scf.if %cond3A_220 {
        %mul3A_269 = arith.constant 80 : i32
        %mul3A_270 = arith.muli %add3A_200, %mul3A_269 : i32
        %dma_wait3A_271 = arith.constant 3 : i32
        %dma_wait3A_272 = arith.constant 3 : i32
        %dma_wait3A_273 = arith.constant 0 : i32
        %dma_wait3A_274 = arith.constant 0 : i32
        %dma_wait3A_275 = tpu.memref_slice %arg8[%dma_wait3A_271, %dma_wait3A_273, %dma_wait3A_274] : memref<6x80x80xf32, #tpu.memory_space<vmem>> -> memref<1x80x80xf32, #tpu.memory_space<vmem>>
        %dma_wait3A_276 = tpu.memref_squeeze %dma_wait3A_275 : memref<1x80x80xf32, #tpu.memory_space<vmem>> -> memref<80x80xf32, #tpu.memory_space<vmem>>
        %dma_wait3A_277 = tpu.memref_slice %arg6[%mul3A_270] : memref<10000xi32, #tpu.memory_space<vmem>> -> memref<80xi32, #tpu.memory_space<vmem>>
        %dma_wait3A_278 = arith.constant 0 : i32
        %dma_wait3A_279 = arith.constant 0 : i32
        %dma_wait3A_280 = tpu.memref_slice %arg2[%dma_wait3A_278, %dma_wait3A_279] : memref<10000x80xf32, #tpu.memory_space<hbm>> -> memref<10000x80xf32, #tpu.memory_space<hbm>>
        %dma_wait3A_281 = tpu.memref_slice %arg12[%dma_wait3A_272] : memref<6x!tpu.dma_semaphore, #tpu.memory_space<semaphore_mem>> -> memref<1x!tpu.dma_semaphore, #tpu.memory_space<semaphore_mem>>
        %dma_wait3A_282 = tpu.memref_squeeze %dma_wait3A_281 : memref<1x!tpu.dma_semaphore, #tpu.memory_space<semaphore_mem>> -> memref<!tpu.dma_semaphore, #tpu.memory_space<semaphore_mem>>
        tpu.wait_indirect_dma semaphore(%dma_wait3A_282 : memref<!tpu.dma_semaphore, #tpu.memory_space<semaphore_mem>>) src(%dma_wait3A_280 : memref<10000x80xf32, #tpu.memory_space<hbm>>) dst(%dma_wait3A_276 : memref<80x80xf32, #tpu.memory_space<vmem>>)
        %mul3A_283 = arith.constant 80 : i32
        %mul3A_284 = arith.muli %add3A_200, %mul3A_283 : i32
        %dma_start3A_285 = arith.constant 3 : i32
        %dma_start3A_286 = arith.constant 3 : i32
        %dma_start3A_287 = arith.constant 0 : i32
        %dma_start3A_288 = arith.constant 0 : i32
        %dma_start3A_289 = tpu.memref_slice %arg8[%dma_start3A_285, %dma_start3A_287, %dma_start3A_288] : memref<6x80x80xf32, #tpu.memory_space<vmem>> -> memref<1x80x80xf32, #tpu.memory_space<vmem>>
        %dma_start3A_290 = tpu.memref_squeeze %dma_start3A_289 : memref<1x80x80xf32, #tpu.memory_space<vmem>> -> memref<80x80xf32, #tpu.memory_space<vmem>>
        %dma_start3A_291 = tpu.memref_slice %arg7[%mul3A_284] : memref<10000xi32, #tpu.memory_space<vmem>> -> memref<80xi32, #tpu.memory_space<vmem>>
        %dma_start3A_292 = arith.constant 0 : i32
        %dma_start3A_293 = arith.constant 0 : i32
        %dma_start3A_294 = tpu.memref_slice %arg11[%dma_start3A_292, %dma_start3A_293] : memref<10000x80xf32, #tpu.memory_space<vmem_shared>> -> memref<10000x80xf32, #tpu.memory_space<vmem_shared>>
        %dma_start3A_295 = tpu.memref_slice %arg13[%dma_start3A_286] : memref<6x!tpu.dma_semaphore, #tpu.memory_space<semaphore_mem>> -> memref<1x!tpu.dma_semaphore, #tpu.memory_space<semaphore_mem>>
        %dma_start3A_296 = tpu.memref_squeeze %dma_start3A_295 : memref<1x!tpu.dma_semaphore, #tpu.memory_space<semaphore_mem>> -> memref<!tpu.dma_semaphore, #tpu.memory_space<semaphore_mem>>
        tpu.enqueue_indirect_dma source(%dma_start3A_290 : memref<80x80xf32, #tpu.memory_space<vmem>>) target(%dma_start3A_294 : memref<10000x80xf32, #tpu.memory_space<vmem_shared>>) offsets(%dma_start3A_291 : memref<80xi32, #tpu.memory_space<vmem>>) semaphore(%dma_start3A_296 : memref<!tpu.dma_semaphore, #tpu.memory_space<semaphore_mem>>) {add = true}
      } else {
      }
      %mul3A_221 = arith.constant 6 : i32
      %mul3A_222 = arith.muli %mul3A_221, %scan3A_126 : i32
      %add3A_223 = arith.constant 4 : i32
      %add3A_224 = arith.addi %mul3A_222, %add3A_223 : i32
      %ge3A_225 = arith.constant 3 : i32
      %ge3A_226 = arith.cmpi sge, %add3A_224, %ge3A_225 : i32
      %lt3A_227 = arith.constant 128 : i32
      %lt3A_228 = arith.cmpi slt, %add3A_224, %lt3A_227 : i32
      %and3A_229 = arith.andi %ge3A_226, %lt3A_228 : i1
      %convert_element_type3A_230 = arith.extui %and3A_229 : i1 to i32
      %cond3A_231 = arith.constant 0 : i32
      %cond3A_232 = arith.cmpi ne, %convert_element_type3A_230, %cond3A_231 : i32
      scf.if %cond3A_232 {
        %sub3A = arith.constant 3 : i32
        %sub3A_269 = arith.subi %add3A_224, %sub3A : i32
        %mul3A_270 = arith.constant 80 : i32
        %mul3A_271 = arith.muli %sub3A_269, %mul3A_270 : i32
        %dma_wait3A_272 = arith.constant 1 : i32
        %dma_wait3A_273 = arith.constant 1 : i32
        %dma_wait3A_274 = arith.constant 0 : i32
        %dma_wait3A_275 = arith.constant 0 : i32
        %dma_wait3A_276 = tpu.memref_slice %arg8[%dma_wait3A_272, %dma_wait3A_274, %dma_wait3A_275] : memref<6x80x80xf32, #tpu.memory_space<vmem>> -> memref<1x80x80xf32, #tpu.memory_space<vmem>>
        %dma_wait3A_277 = tpu.memref_squeeze %dma_wait3A_276 : memref<1x80x80xf32, #tpu.memory_space<vmem>> -> memref<80x80xf32, #tpu.memory_space<vmem>>
        %dma_wait3A_278 = tpu.memref_slice %arg7[%mul3A_271] : memref<10000xi32, #tpu.memory_space<vmem>> -> memref<80xi32, #tpu.memory_space<vmem>>
        %dma_wait3A_279 = arith.constant 0 : i32
        %dma_wait3A_280 = arith.constant 0 : i32
        %dma_wait3A_281 = tpu.memref_slice %arg11[%dma_wait3A_279, %dma_wait3A_280] : memref<10000x80xf32, #tpu.memory_space<vmem_shared>> -> memref<10000x80xf32, #tpu.memory_space<vmem_shared>>
        %dma_wait3A_282 = tpu.memref_slice %arg13[%dma_wait3A_273] : memref<6x!tpu.dma_semaphore, #tpu.memory_space<semaphore_mem>> -> memref<1x!tpu.dma_semaphore, #tpu.memory_space<semaphore_mem>>
        %dma_wait3A_283 = tpu.memref_squeeze %dma_wait3A_282 : memref<1x!tpu.dma_semaphore, #tpu.memory_space<semaphore_mem>> -> memref<!tpu.dma_semaphore, #tpu.memory_space<semaphore_mem>>
        tpu.wait_indirect_dma semaphore(%dma_wait3A_283 : memref<!tpu.dma_semaphore, #tpu.memory_space<semaphore_mem>>) src(%dma_wait3A_277 : memref<80x80xf32, #tpu.memory_space<vmem>>) dst(%dma_wait3A_281 : memref<10000x80xf32, #tpu.memory_space<vmem_shared>>)
      } else {
      }
      %add3A_233 = arith.constant 3 : i32
      %add3A_234 = arith.addi %add3A_224, %add3A_233 : i32
      %lt3A_235 = arith.constant 125 : i32
      %lt3A_236 = arith.cmpi slt, %add3A_234, %lt3A_235 : i32
      %convert_element_type3A_237 = arith.extui %lt3A_236 : i1 to i32
      %cond3A_238 = arith.constant 0 : i32
      %cond3A_239 = arith.cmpi ne, %convert_element_type3A_237, %cond3A_238 : i32
      scf.if %cond3A_239 {
        %add3A_269 = arith.constant 3 : i32
        %add3A_270 = arith.addi %add3A_224, %add3A_269 : i32
        %mul3A_271 = arith.constant 80 : i32
        %mul3A_272 = arith.muli %add3A_270, %mul3A_271 : i32
        %dma_start3A_273 = arith.constant 1 : i32
        %dma_start3A_274 = arith.constant 1 : i32
        %dma_start3A_275 = arith.constant 0 : i32
        %dma_start3A_276 = arith.constant 0 : i32
        %dma_start3A_277 = tpu.memref_slice %arg8[%dma_start3A_273, %dma_start3A_275, %dma_start3A_276] : memref<6x80x80xf32, #tpu.memory_space<vmem>> -> memref<1x80x80xf32, #tpu.memory_space<vmem>>
        %dma_start3A_278 = tpu.memref_squeeze %dma_start3A_277 : memref<1x80x80xf32, #tpu.memory_space<vmem>> -> memref<80x80xf32, #tpu.memory_space<vmem>>
        %dma_start3A_279 = tpu.memref_slice %arg6[%mul3A_272] : memref<10000xi32, #tpu.memory_space<vmem>> -> memref<80xi32, #tpu.memory_space<vmem>>
        %dma_start3A_280 = arith.constant 0 : i32
        %dma_start3A_281 = arith.constant 0 : i32
        %dma_start3A_282 = tpu.memref_slice %arg2[%dma_start3A_280, %dma_start3A_281] : memref<10000x80xf32, #tpu.memory_space<hbm>> -> memref<10000x80xf32, #tpu.memory_space<hbm>>
        %dma_start3A_283 = tpu.memref_slice %arg12[%dma_start3A_274] : memref<6x!tpu.dma_semaphore, #tpu.memory_space<semaphore_mem>> -> memref<1x!tpu.dma_semaphore, #tpu.memory_space<semaphore_mem>>
        %dma_start3A_284 = tpu.memref_squeeze %dma_start3A_283 : memref<1x!tpu.dma_semaphore, #tpu.memory_space<semaphore_mem>> -> memref<!tpu.dma_semaphore, #tpu.memory_space<semaphore_mem>>
        tpu.enqueue_indirect_dma source(%dma_start3A_282 : memref<10000x80xf32, #tpu.memory_space<hbm>>) target(%dma_start3A_278 : memref<80x80xf32, #tpu.memory_space<vmem>>) offsets(%dma_start3A_279 : memref<80xi32, #tpu.memory_space<vmem>>) semaphore(%dma_start3A_284 : memref<!tpu.dma_semaphore, #tpu.memory_space<semaphore_mem>>)
      } else {
      }
      %lt3A_240 = arith.constant 125 : i32
      %lt3A_241 = arith.cmpi slt, %add3A_224, %lt3A_240 : i32
      %convert_element_type3A_242 = arith.extui %lt3A_241 : i1 to i32
      %cond3A_243 = arith.constant 0 : i32
      %cond3A_244 = arith.cmpi ne, %convert_element_type3A_242, %cond3A_243 : i32
      scf.if %cond3A_244 {
        %mul3A_269 = arith.constant 80 : i32
        %mul3A_270 = arith.muli %add3A_224, %mul3A_269 : i32
        %dma_wait3A_271 = arith.constant 4 : i32
        %dma_wait3A_272 = arith.constant 4 : i32
        %dma_wait3A_273 = arith.constant 0 : i32
        %dma_wait3A_274 = arith.constant 0 : i32
        %dma_wait3A_275 = tpu.memref_slice %arg8[%dma_wait3A_271, %dma_wait3A_273, %dma_wait3A_274] : memref<6x80x80xf32, #tpu.memory_space<vmem>> -> memref<1x80x80xf32, #tpu.memory_space<vmem>>
        %dma_wait3A_276 = tpu.memref_squeeze %dma_wait3A_275 : memref<1x80x80xf32, #tpu.memory_space<vmem>> -> memref<80x80xf32, #tpu.memory_space<vmem>>
        %dma_wait3A_277 = tpu.memref_slice %arg6[%mul3A_270] : memref<10000xi32, #tpu.memory_space<vmem>> -> memref<80xi32, #tpu.memory_space<vmem>>
        %dma_wait3A_278 = arith.constant 0 : i32
        %dma_wait3A_279 = arith.constant 0 : i32
        %dma_wait3A_280 = tpu.memref_slice %arg2[%dma_wait3A_278, %dma_wait3A_279] : memref<10000x80xf32, #tpu.memory_space<hbm>> -> memref<10000x80xf32, #tpu.memory_space<hbm>>
        %dma_wait3A_281 = tpu.memref_slice %arg12[%dma_wait3A_272] : memref<6x!tpu.dma_semaphore, #tpu.memory_space<semaphore_mem>> -> memref<1x!tpu.dma_semaphore, #tpu.memory_space<semaphore_mem>>
        %dma_wait3A_282 = tpu.memref_squeeze %dma_wait3A_281 : memref<1x!tpu.dma_semaphore, #tpu.memory_space<semaphore_mem>> -> memref<!tpu.dma_semaphore, #tpu.memory_space<semaphore_mem>>
        tpu.wait_indirect_dma semaphore(%dma_wait3A_282 : memref<!tpu.dma_semaphore, #tpu.memory_space<semaphore_mem>>) src(%dma_wait3A_280 : memref<10000x80xf32, #tpu.memory_space<hbm>>) dst(%dma_wait3A_276 : memref<80x80xf32, #tpu.memory_space<vmem>>)
        %mul3A_283 = arith.constant 80 : i32
        %mul3A_284 = arith.muli %add3A_224, %mul3A_283 : i32
        %dma_start3A_285 = arith.constant 4 : i32
        %dma_start3A_286 = arith.constant 4 : i32
        %dma_start3A_287 = arith.constant 0 : i32
        %dma_start3A_288 = arith.constant 0 : i32
        %dma_start3A_289 = tpu.memref_slice %arg8[%dma_start3A_285, %dma_start3A_287, %dma_start3A_288] : memref<6x80x80xf32, #tpu.memory_space<vmem>> -> memref<1x80x80xf32, #tpu.memory_space<vmem>>
        %dma_start3A_290 = tpu.memref_squeeze %dma_start3A_289 : memref<1x80x80xf32, #tpu.memory_space<vmem>> -> memref<80x80xf32, #tpu.memory_space<vmem>>
        %dma_start3A_291 = tpu.memref_slice %arg7[%mul3A_284] : memref<10000xi32, #tpu.memory_space<vmem>> -> memref<80xi32, #tpu.memory_space<vmem>>
        %dma_start3A_292 = arith.constant 0 : i32
        %dma_start3A_293 = arith.constant 0 : i32
        %dma_start3A_294 = tpu.memref_slice %arg11[%dma_start3A_292, %dma_start3A_293] : memref<10000x80xf32, #tpu.memory_space<vmem_shared>> -> memref<10000x80xf32, #tpu.memory_space<vmem_shared>>
        %dma_start3A_295 = tpu.memref_slice %arg13[%dma_start3A_286] : memref<6x!tpu.dma_semaphore, #tpu.memory_space<semaphore_mem>> -> memref<1x!tpu.dma_semaphore, #tpu.memory_space<semaphore_mem>>
        %dma_start3A_296 = tpu.memref_squeeze %dma_start3A_295 : memref<1x!tpu.dma_semaphore, #tpu.memory_space<semaphore_mem>> -> memref<!tpu.dma_semaphore, #tpu.memory_space<semaphore_mem>>
        tpu.enqueue_indirect_dma source(%dma_start3A_290 : memref<80x80xf32, #tpu.memory_space<vmem>>) target(%dma_start3A_294 : memref<10000x80xf32, #tpu.memory_space<vmem_shared>>) offsets(%dma_start3A_291 : memref<80xi32, #tpu.memory_space<vmem>>) semaphore(%dma_start3A_296 : memref<!tpu.dma_semaphore, #tpu.memory_space<semaphore_mem>>) {add = true}
      } else {
      }
      %mul3A_245 = arith.constant 6 : i32
      %mul3A_246 = arith.muli %mul3A_245, %scan3A_126 : i32
      %add3A_247 = arith.constant 5 : i32
      %add3A_248 = arith.addi %mul3A_246, %add3A_247 : i32
      %ge3A_249 = arith.constant 3 : i32
      %ge3A_250 = arith.cmpi sge, %add3A_248, %ge3A_249 : i32
      %lt3A_251 = arith.constant 128 : i32
      %lt3A_252 = arith.cmpi slt, %add3A_248, %lt3A_251 : i32
      %and3A_253 = arith.andi %ge3A_250, %lt3A_252 : i1
      %convert_element_type3A_254 = arith.extui %and3A_253 : i1 to i32
      %cond3A_255 = arith.constant 0 : i32
      %cond3A_256 = arith.cmpi ne, %convert_element_type3A_254, %cond3A_255 : i32
      scf.if %cond3A_256 {
        %sub3A = arith.constant 3 : i32
        %sub3A_269 = arith.subi %add3A_248, %sub3A : i32
        %mul3A_270 = arith.constant 80 : i32
        %mul3A_271 = arith.muli %sub3A_269, %mul3A_270 : i32
        %dma_wait3A_272 = arith.constant 2 : i32
        %dma_wait3A_273 = arith.constant 2 : i32
        %dma_wait3A_274 = arith.constant 0 : i32
        %dma_wait3A_275 = arith.constant 0 : i32
        %dma_wait3A_276 = tpu.memref_slice %arg8[%dma_wait3A_272, %dma_wait3A_274, %dma_wait3A_275] : memref<6x80x80xf32, #tpu.memory_space<vmem>> -> memref<1x80x80xf32, #tpu.memory_space<vmem>>
        %dma_wait3A_277 = tpu.memref_squeeze %dma_wait3A_276 : memref<1x80x80xf32, #tpu.memory_space<vmem>> -> memref<80x80xf32, #tpu.memory_space<vmem>>
        %dma_wait3A_278 = tpu.memref_slice %arg7[%mul3A_271] : memref<10000xi32, #tpu.memory_space<vmem>> -> memref<80xi32, #tpu.memory_space<vmem>>
        %dma_wait3A_279 = arith.constant 0 : i32
        %dma_wait3A_280 = arith.constant 0 : i32
        %dma_wait3A_281 = tpu.memref_slice %arg11[%dma_wait3A_279, %dma_wait3A_280] : memref<10000x80xf32, #tpu.memory_space<vmem_shared>> -> memref<10000x80xf32, #tpu.memory_space<vmem_shared>>
        %dma_wait3A_282 = tpu.memref_slice %arg13[%dma_wait3A_273] : memref<6x!tpu.dma_semaphore, #tpu.memory_space<semaphore_mem>> -> memref<1x!tpu.dma_semaphore, #tpu.memory_space<semaphore_mem>>
        %dma_wait3A_283 = tpu.memref_squeeze %dma_wait3A_282 : memref<1x!tpu.dma_semaphore, #tpu.memory_space<semaphore_mem>> -> memref<!tpu.dma_semaphore, #tpu.memory_space<semaphore_mem>>
        tpu.wait_indirect_dma semaphore(%dma_wait3A_283 : memref<!tpu.dma_semaphore, #tpu.memory_space<semaphore_mem>>) src(%dma_wait3A_277 : memref<80x80xf32, #tpu.memory_space<vmem>>) dst(%dma_wait3A_281 : memref<10000x80xf32, #tpu.memory_space<vmem_shared>>)
      } else {
      }
      %add3A_257 = arith.constant 3 : i32
      %add3A_258 = arith.addi %add3A_248, %add3A_257 : i32
      %lt3A_259 = arith.constant 125 : i32
      %lt3A_260 = arith.cmpi slt, %add3A_258, %lt3A_259 : i32
      %convert_element_type3A_261 = arith.extui %lt3A_260 : i1 to i32
      %cond3A_262 = arith.constant 0 : i32
      %cond3A_263 = arith.cmpi ne, %convert_element_type3A_261, %cond3A_262 : i32
      scf.if %cond3A_263 {
        %add3A_269 = arith.constant 3 : i32
        %add3A_270 = arith.addi %add3A_248, %add3A_269 : i32
        %mul3A_271 = arith.constant 80 : i32
        %mul3A_272 = arith.muli %add3A_270, %mul3A_271 : i32
        %dma_start3A_273 = arith.constant 2 : i32
        %dma_start3A_274 = arith.constant 2 : i32
        %dma_start3A_275 = arith.constant 0 : i32
        %dma_start3A_276 = arith.constant 0 : i32
        %dma_start3A_277 = tpu.memref_slice %arg8[%dma_start3A_273, %dma_start3A_275, %dma_start3A_276] : memref<6x80x80xf32, #tpu.memory_space<vmem>> -> memref<1x80x80xf32, #tpu.memory_space<vmem>>
        %dma_start3A_278 = tpu.memref_squeeze %dma_start3A_277 : memref<1x80x80xf32, #tpu.memory_space<vmem>> -> memref<80x80xf32, #tpu.memory_space<vmem>>
        %dma_start3A_279 = tpu.memref_slice %arg6[%mul3A_272] : memref<10000xi32, #tpu.memory_space<vmem>> -> memref<80xi32, #tpu.memory_space<vmem>>
        %dma_start3A_280 = arith.constant 0 : i32
        %dma_start3A_281 = arith.constant 0 : i32
        %dma_start3A_282 = tpu.memref_slice %arg2[%dma_start3A_280, %dma_start3A_281] : memref<10000x80xf32, #tpu.memory_space<hbm>> -> memref<10000x80xf32, #tpu.memory_space<hbm>>
        %dma_start3A_283 = tpu.memref_slice %arg12[%dma_start3A_274] : memref<6x!tpu.dma_semaphore, #tpu.memory_space<semaphore_mem>> -> memref<1x!tpu.dma_semaphore, #tpu.memory_space<semaphore_mem>>
        %dma_start3A_284 = tpu.memref_squeeze %dma_start3A_283 : memref<1x!tpu.dma_semaphore, #tpu.memory_space<semaphore_mem>> -> memref<!tpu.dma_semaphore, #tpu.memory_space<semaphore_mem>>
        tpu.enqueue_indirect_dma source(%dma_start3A_282 : memref<10000x80xf32, #tpu.memory_space<hbm>>) target(%dma_start3A_278 : memref<80x80xf32, #tpu.memory_space<vmem>>) offsets(%dma_start3A_279 : memref<80xi32, #tpu.memory_space<vmem>>) semaphore(%dma_start3A_284 : memref<!tpu.dma_semaphore, #tpu.memory_space<semaphore_mem>>)
      } else {
      }
      %lt3A_264 = arith.constant 125 : i32
      %lt3A_265 = arith.cmpi slt, %add3A_248, %lt3A_264 : i32
      %convert_element_type3A_266 = arith.extui %lt3A_265 : i1 to i32
      %cond3A_267 = arith.constant 0 : i32
      %cond3A_268 = arith.cmpi ne, %convert_element_type3A_266, %cond3A_267 : i32
      scf.if %cond3A_268 {
        %mul3A_269 = arith.constant 80 : i32
        %mul3A_270 = arith.muli %add3A_248, %mul3A_269 : i32
        %dma_wait3A_271 = arith.constant 5 : i32
        %dma_wait3A_272 = arith.constant 5 : i32
        %dma_wait3A_273 = arith.constant 0 : i32
        %dma_wait3A_274 = arith.constant 0 : i32
        %dma_wait3A_275 = tpu.memref_slice %arg8[%dma_wait3A_271, %dma_wait3A_273, %dma_wait3A_274] : memref<6x80x80xf32, #tpu.memory_space<vmem>> -> memref<1x80x80xf32, #tpu.memory_space<vmem>>
        %dma_wait3A_276 = tpu.memref_squeeze %dma_wait3A_275 : memref<1x80x80xf32, #tpu.memory_space<vmem>> -> memref<80x80xf32, #tpu.memory_space<vmem>>
        %dma_wait3A_277 = tpu.memref_slice %arg6[%mul3A_270] : memref<10000xi32, #tpu.memory_space<vmem>> -> memref<80xi32, #tpu.memory_space<vmem>>
        %dma_wait3A_278 = arith.constant 0 : i32
        %dma_wait3A_279 = arith.constant 0 : i32
        %dma_wait3A_280 = tpu.memref_slice %arg2[%dma_wait3A_278, %dma_wait3A_279] : memref<10000x80xf32, #tpu.memory_space<hbm>> -> memref<10000x80xf32, #tpu.memory_space<hbm>>
        %dma_wait3A_281 = tpu.memref_slice %arg12[%dma_wait3A_272] : memref<6x!tpu.dma_semaphore, #tpu.memory_space<semaphore_mem>> -> memref<1x!tpu.dma_semaphore, #tpu.memory_space<semaphore_mem>>
        %dma_wait3A_282 = tpu.memref_squeeze %dma_wait3A_281 : memref<1x!tpu.dma_semaphore, #tpu.memory_space<semaphore_mem>> -> memref<!tpu.dma_semaphore, #tpu.memory_space<semaphore_mem>>
        tpu.wait_indirect_dma semaphore(%dma_wait3A_282 : memref<!tpu.dma_semaphore, #tpu.memory_space<semaphore_mem>>) src(%dma_wait3A_280 : memref<10000x80xf32, #tpu.memory_space<hbm>>) dst(%dma_wait3A_276 : memref<80x80xf32, #tpu.memory_space<vmem>>)
        %mul3A_283 = arith.constant 80 : i32
        %mul3A_284 = arith.muli %add3A_248, %mul3A_283 : i32
        %dma_start3A_285 = arith.constant 5 : i32
        %dma_start3A_286 = arith.constant 5 : i32
        %dma_start3A_287 = arith.constant 0 : i32
        %dma_start3A_288 = arith.constant 0 : i32
        %dma_start3A_289 = tpu.memref_slice %arg8[%dma_start3A_285, %dma_start3A_287, %dma_start3A_288] : memref<6x80x80xf32, #tpu.memory_space<vmem>> -> memref<1x80x80xf32, #tpu.memory_space<vmem>>
        %dma_start3A_290 = tpu.memref_squeeze %dma_start3A_289 : memref<1x80x80xf32, #tpu.memory_space<vmem>> -> memref<80x80xf32, #tpu.memory_space<vmem>>
        %dma_start3A_291 = tpu.memref_slice %arg7[%mul3A_284] : memref<10000xi32, #tpu.memory_space<vmem>> -> memref<80xi32, #tpu.memory_space<vmem>>
        %dma_start3A_292 = arith.constant 0 : i32
        %dma_start3A_293 = arith.constant 0 : i32
        %dma_start3A_294 = tpu.memref_slice %arg11[%dma_start3A_292, %dma_start3A_293] : memref<10000x80xf32, #tpu.memory_space<vmem_shared>> -> memref<10000x80xf32, #tpu.memory_space<vmem_shared>>
        %dma_start3A_295 = tpu.memref_slice %arg13[%dma_start3A_286] : memref<6x!tpu.dma_semaphore, #tpu.memory_space<semaphore_mem>> -> memref<1x!tpu.dma_semaphore, #tpu.memory_space<semaphore_mem>>
        %dma_start3A_296 = tpu.memref_squeeze %dma_start3A_295 : memref<1x!tpu.dma_semaphore, #tpu.memory_space<semaphore_mem>> -> memref<!tpu.dma_semaphore, #tpu.memory_space<semaphore_mem>>
        tpu.enqueue_indirect_dma source(%dma_start3A_290 : memref<80x80xf32, #tpu.memory_space<vmem>>) target(%dma_start3A_294 : memref<10000x80xf32, #tpu.memory_space<vmem_shared>>) offsets(%dma_start3A_291 : memref<80xi32, #tpu.memory_space<vmem>>) semaphore(%dma_start3A_296 : memref<!tpu.dma_semaphore, #tpu.memory_space<semaphore_mem>>) {add = true}
      } else {
      }
    }
    %scan3A_71 = arith.constant 21 : i32
    %dma_wait3A = arith.constant 3 : i32
    %dma_wait3A_72 = arith.constant 3 : i32
    %dma_wait3A_73 = arith.constant 0 : i32
    %dma_wait3A_74 = arith.constant 0 : i32
    %dma_wait3A_75 = tpu.memref_slice %arg8[%dma_wait3A, %dma_wait3A_73, %dma_wait3A_74] : memref<6x80x80xf32, #tpu.memory_space<vmem>> -> memref<1x80x80xf32, #tpu.memory_space<vmem>>
    %dma_wait3A_76 = tpu.memref_squeeze %dma_wait3A_75 : memref<1x80x80xf32, #tpu.memory_space<vmem>> -> memref<80x80xf32, #tpu.memory_space<vmem>>
    %dma_wait3A_77 = arith.constant 9840 : i32
    %dma_wait3A_78 = tpu.memref_slice %arg7[%dma_wait3A_77] : memref<10000xi32, #tpu.memory_space<vmem>> -> memref<80xi32, #tpu.memory_space<vmem>>
    %dma_wait3A_79 = arith.constant 0 : i32
    %dma_wait3A_80 = arith.constant 0 : i32
    %dma_wait3A_81 = tpu.memref_slice %arg11[%dma_wait3A_79, %dma_wait3A_80] : memref<10000x80xf32, #tpu.memory_space<vmem_shared>> -> memref<10000x80xf32, #tpu.memory_space<vmem_shared>>
    %dma_wait3A_82 = tpu.memref_slice %arg13[%dma_wait3A_72] : memref<6x!tpu.dma_semaphore, #tpu.memory_space<semaphore_mem>> -> memref<1x!tpu.dma_semaphore, #tpu.memory_space<semaphore_mem>>
    %dma_wait3A_83 = tpu.memref_squeeze %dma_wait3A_82 : memref<1x!tpu.dma_semaphore, #tpu.memory_space<semaphore_mem>> -> memref<!tpu.dma_semaphore, #tpu.memory_space<semaphore_mem>>
    tpu.wait_indirect_dma semaphore(%dma_wait3A_83 : memref<!tpu.dma_semaphore, #tpu.memory_space<semaphore_mem>>) src(%dma_wait3A_76 : memref<80x80xf32, #tpu.memory_space<vmem>>) dst(%dma_wait3A_81 : memref<10000x80xf32, #tpu.memory_space<vmem_shared>>)
    %dma_wait3A_84 = arith.constant 4 : i32
    %dma_wait3A_85 = arith.constant 4 : i32
    %dma_wait3A_86 = arith.constant 0 : i32
    %dma_wait3A_87 = arith.constant 0 : i32
    %dma_wait3A_88 = tpu.memref_slice %arg8[%dma_wait3A_84, %dma_wait3A_86, %dma_wait3A_87] : memref<6x80x80xf32, #tpu.memory_space<vmem>> -> memref<1x80x80xf32, #tpu.memory_space<vmem>>
    %dma_wait3A_89 = tpu.memref_squeeze %dma_wait3A_88 : memref<1x80x80xf32, #tpu.memory_space<vmem>> -> memref<80x80xf32, #tpu.memory_space<vmem>>
    %dma_wait3A_90 = arith.constant 9920 : i32
    %dma_wait3A_91 = tpu.memref_slice %arg7[%dma_wait3A_90] : memref<10000xi32, #tpu.memory_space<vmem>> -> memref<80xi32, #tpu.memory_space<vmem>>
    %dma_wait3A_92 = arith.constant 0 : i32
    %dma_wait3A_93 = arith.constant 0 : i32
    %dma_wait3A_94 = tpu.memref_slice %arg11[%dma_wait3A_92, %dma_wait3A_93] : memref<10000x80xf32, #tpu.memory_space<vmem_shared>> -> memref<10000x80xf32, #tpu.memory_space<vmem_shared>>
    %dma_wait3A_95 = tpu.memref_slice %arg13[%dma_wait3A_85] : memref<6x!tpu.dma_semaphore, #tpu.memory_space<semaphore_mem>> -> memref<1x!tpu.dma_semaphore, #tpu.memory_space<semaphore_mem>>
    %dma_wait3A_96 = tpu.memref_squeeze %dma_wait3A_95 : memref<1x!tpu.dma_semaphore, #tpu.memory_space<semaphore_mem>> -> memref<!tpu.dma_semaphore, #tpu.memory_space<semaphore_mem>>
    tpu.wait_indirect_dma semaphore(%dma_wait3A_96 : memref<!tpu.dma_semaphore, #tpu.memory_space<semaphore_mem>>) src(%dma_wait3A_89 : memref<80x80xf32, #tpu.memory_space<vmem>>) dst(%dma_wait3A_94 : memref<10000x80xf32, #tpu.memory_space<vmem_shared>>)
    %barrier3A_97 = arith.constant 0 : index
    tpu.barrier barrier_id(%barrier3A_97)
    %add3A_98 = arith.constant 0 : i32
    %add3A_99 = arith.addi %arg1, %add3A_98 : i32
    %lt3A_100 = arith.constant 50 : i32
    %lt3A_101 = arith.cmpi slt, %add3A_99, %lt3A_100 : i32
    %convert_element_type3A_102 = arith.extui %lt3A_101 : i1 to i32
    %cond3A_103 = arith.constant 0 : i32
    %cond3A_104 = arith.cmpi ne, %convert_element_type3A_102, %cond3A_103 : i32
    scf.if %cond3A_104 {
      %mul3A_126 = arith.constant 200 : i32
      %mul3A_127 = arith.muli %add3A_99, %mul3A_126 : i32
      %multiple_of3A_128 = tpu.assume_multiple %mul3A_127, 200 : i32
      "tpu.region"() ({
        %run_scoped3A_129 = tpu.sem_alloc : memref<!tpu.dma_semaphore, #tpu.memory_space<semaphore_mem>>
        %dma_start3A_130 = arith.constant 0 : i32
        %dma_start3A_131 = tpu.memref_slice %arg11[%multiple_of3A_128, %dma_start3A_130] : memref<10000x80xf32, #tpu.memory_space<vmem_shared>> -> memref<200x80xf32, #tpu.memory_space<vmem_shared>>
        %dma_start3A_132 = arith.constant 0 : i32
        %dma_start3A_133 = tpu.memref_slice %arg11[%multiple_of3A_128, %dma_start3A_132] : memref<10000x80xf32, #tpu.memory_space<vmem_shared>> -> memref<200x80xf32, #tpu.memory_space<vmem_shared>>
        tpu.enqueue_dma source(%dma_start3A_133 : memref<200x80xf32, #tpu.memory_space<vmem_shared>>) target(%arg10 : memref<200x80xf32, #tpu.memory_space<vmem>>) target_semaphore(%run_scoped3A_129 : memref<!tpu.dma_semaphore, #tpu.memory_space<semaphore_mem>>)
        %dma_wait3A_134 = arith.constant 0 : i32
        %dma_wait3A_135 = tpu.memref_slice %arg11[%multiple_of3A_128, %dma_wait3A_134] : memref<10000x80xf32, #tpu.memory_space<vmem_shared>> -> memref<200x80xf32, #tpu.memory_space<vmem_shared>>
        %dma_wait3A_136 = arith.constant 0 : i32
        %dma_wait3A_137 = tpu.memref_slice %arg11[%multiple_of3A_128, %dma_wait3A_136] : memref<10000x80xf32, #tpu.memory_space<vmem_shared>> -> memref<200x80xf32, #tpu.memory_space<vmem_shared>>
        tpu.wait_dma2 semaphore(%run_scoped3A_129 : memref<!tpu.dma_semaphore, #tpu.memory_space<semaphore_mem>>) src(%dma_wait3A_137 : memref<200x80xf32, #tpu.memory_space<vmem_shared>>) dst(%arg10 : memref<200x80xf32, #tpu.memory_space<vmem>>)
        tpu.yield
      }) : () -> ()
      "tpu.region"() ({
        %run_scoped3A_129 = tpu.sem_alloc : memref<!tpu.dma_semaphore, #tpu.memory_space<semaphore_mem>>
        %dma_start3A_130 = arith.constant 0 : i32
        %dma_start3A_131 = tpu.memref_slice %arg5[%arg0, %multiple_of3A_128, %dma_start3A_130] : memref<2x10000x80xf32, #tpu.memory_space<hbm>> -> memref<1x200x80xf32, #tpu.memory_space<hbm>>
        %dma_start3A_132 = tpu.memref_squeeze %dma_start3A_131 : memref<1x200x80xf32, #tpu.memory_space<hbm>> -> memref<200x80xf32, #tpu.memory_space<hbm>>
        %dma_start3A_133 = arith.constant 0 : i32
        %dma_start3A_134 = tpu.memref_slice %arg5[%arg0, %multiple_of3A_128, %dma_start3A_133] : memref<2x10000x80xf32, #tpu.memory_space<hbm>> -> memref<1x200x80xf32, #tpu.memory_space<hbm>>
        %dma_start3A_135 = tpu.memref_squeeze %dma_start3A_134 : memref<1x200x80xf32, #tpu.memory_space<hbm>> -> memref<200x80xf32, #tpu.memory_space<hbm>>
        tpu.enqueue_dma source(%arg10 : memref<200x80xf32, #tpu.memory_space<vmem>>) target(%dma_start3A_135 : memref<200x80xf32, #tpu.memory_space<hbm>>) target_semaphore(%run_scoped3A_129 : memref<!tpu.dma_semaphore, #tpu.memory_space<semaphore_mem>>)
        %dma_wait3A_136 = arith.constant 0 : i32
        %dma_wait3A_137 = tpu.memref_slice %arg5[%arg0, %multiple_of3A_128, %dma_wait3A_136] : memref<2x10000x80xf32, #tpu.memory_space<hbm>> -> memref<1x200x80xf32, #tpu.memory_space<hbm>>
        %dma_wait3A_138 = tpu.memref_squeeze %dma_wait3A_137 : memref<1x200x80xf32, #tpu.memory_space<hbm>> -> memref<200x80xf32, #tpu.memory_space<hbm>>
        %dma_wait3A_139 = arith.constant 0 : i32
        %dma_wait3A_140 = tpu.memref_slice %arg5[%arg0, %multiple_of3A_128, %dma_wait3A_139] : memref<2x10000x80xf32, #tpu.memory_space<hbm>> -> memref<1x200x80xf32, #tpu.memory_space<hbm>>
        %dma_wait3A_141 = tpu.memref_squeeze %dma_wait3A_140 : memref<1x200x80xf32, #tpu.memory_space<hbm>> -> memref<200x80xf32, #tpu.memory_space<hbm>>
        tpu.wait_dma2 semaphore(%run_scoped3A_129 : memref<!tpu.dma_semaphore, #tpu.memory_space<semaphore_mem>>) src(%arg10 : memref<200x80xf32, #tpu.memory_space<vmem>>) dst(%dma_wait3A_141 : memref<200x80xf32, #tpu.memory_space<hbm>>)
        tpu.yield
      }) : () -> ()
    } else {
    }
    %add3A_105 = arith.constant 16 : i32
    %add3A_106 = arith.addi %arg1, %add3A_105 : i32
    %lt3A_107 = arith.constant 50 : i32
    %lt3A_108 = arith.cmpi slt, %add3A_106, %lt3A_107 : i32
    %convert_element_type3A_109 = arith.extui %lt3A_108 : i1 to i32
    %cond3A_110 = arith.constant 0 : i32
    %cond3A_111 = arith.cmpi ne, %convert_element_type3A_109, %cond3A_110 : i32
    scf.if %cond3A_111 {
      %mul3A_126 = arith.constant 200 : i32
      %mul3A_127 = arith.muli %add3A_106, %mul3A_126 : i32
      %multiple_of3A_128 = tpu.assume_multiple %mul3A_127, 200 : i32
      "tpu.region"() ({
        %run_scoped3A_129 = tpu.sem_alloc : memref<!tpu.dma_semaphore, #tpu.memory_space<semaphore_mem>>
        %dma_start3A_130 = arith.constant 0 : i32
        %dma_start3A_131 = tpu.memref_slice %arg11[%multiple_of3A_128, %dma_start3A_130] : memref<10000x80xf32, #tpu.memory_space<vmem_shared>> -> memref<200x80xf32, #tpu.memory_space<vmem_shared>>
        %dma_start3A_132 = arith.constant 0 : i32
        %dma_start3A_133 = tpu.memref_slice %arg11[%multiple_of3A_128, %dma_start3A_132] : memref<10000x80xf32, #tpu.memory_space<vmem_shared>> -> memref<200x80xf32, #tpu.memory_space<vmem_shared>>
        tpu.enqueue_dma source(%dma_start3A_133 : memref<200x80xf32, #tpu.memory_space<vmem_shared>>) target(%arg10 : memref<200x80xf32, #tpu.memory_space<vmem>>) target_semaphore(%run_scoped3A_129 : memref<!tpu.dma_semaphore, #tpu.memory_space<semaphore_mem>>)
        %dma_wait3A_134 = arith.constant 0 : i32
        %dma_wait3A_135 = tpu.memref_slice %arg11[%multiple_of3A_128, %dma_wait3A_134] : memref<10000x80xf32, #tpu.memory_space<vmem_shared>> -> memref<200x80xf32, #tpu.memory_space<vmem_shared>>
        %dma_wait3A_136 = arith.constant 0 : i32
        %dma_wait3A_137 = tpu.memref_slice %arg11[%multiple_of3A_128, %dma_wait3A_136] : memref<10000x80xf32, #tpu.memory_space<vmem_shared>> -> memref<200x80xf32, #tpu.memory_space<vmem_shared>>
        tpu.wait_dma2 semaphore(%run_scoped3A_129 : memref<!tpu.dma_semaphore, #tpu.memory_space<semaphore_mem>>) src(%dma_wait3A_137 : memref<200x80xf32, #tpu.memory_space<vmem_shared>>) dst(%arg10 : memref<200x80xf32, #tpu.memory_space<vmem>>)
        tpu.yield
      }) : () -> ()
      "tpu.region"() ({
        %run_scoped3A_129 = tpu.sem_alloc : memref<!tpu.dma_semaphore, #tpu.memory_space<semaphore_mem>>
        %dma_start3A_130 = arith.constant 0 : i32
        %dma_start3A_131 = tpu.memref_slice %arg5[%arg0, %multiple_of3A_128, %dma_start3A_130] : memref<2x10000x80xf32, #tpu.memory_space<hbm>> -> memref<1x200x80xf32, #tpu.memory_space<hbm>>
        %dma_start3A_132 = tpu.memref_squeeze %dma_start3A_131 : memref<1x200x80xf32, #tpu.memory_space<hbm>> -> memref<200x80xf32, #tpu.memory_space<hbm>>
        %dma_start3A_133 = arith.constant 0 : i32
        %dma_start3A_134 = tpu.memref_slice %arg5[%arg0, %multiple_of3A_128, %dma_start3A_133] : memref<2x10000x80xf32, #tpu.memory_space<hbm>> -> memref<1x200x80xf32, #tpu.memory_space<hbm>>
        %dma_start3A_135 = tpu.memref_squeeze %dma_start3A_134 : memref<1x200x80xf32, #tpu.memory_space<hbm>> -> memref<200x80xf32, #tpu.memory_space<hbm>>
        tpu.enqueue_dma source(%arg10 : memref<200x80xf32, #tpu.memory_space<vmem>>) target(%dma_start3A_135 : memref<200x80xf32, #tpu.memory_space<hbm>>) target_semaphore(%run_scoped3A_129 : memref<!tpu.dma_semaphore, #tpu.memory_space<semaphore_mem>>)
        %dma_wait3A_136 = arith.constant 0 : i32
        %dma_wait3A_137 = tpu.memref_slice %arg5[%arg0, %multiple_of3A_128, %dma_wait3A_136] : memref<2x10000x80xf32, #tpu.memory_space<hbm>> -> memref<1x200x80xf32, #tpu.memory_space<hbm>>
        %dma_wait3A_138 = tpu.memref_squeeze %dma_wait3A_137 : memref<1x200x80xf32, #tpu.memory_space<hbm>> -> memref<200x80xf32, #tpu.memory_space<hbm>>
        %dma_wait3A_139 = arith.constant 0 : i32
        %dma_wait3A_140 = tpu.memref_slice %arg5[%arg0, %multiple_of3A_128, %dma_wait3A_139] : memref<2x10000x80xf32, #tpu.memory_space<hbm>> -> memref<1x200x80xf32, #tpu.memory_space<hbm>>
        %dma_wait3A_141 = tpu.memref_squeeze %dma_wait3A_140 : memref<1x200x80xf32, #tpu.memory_space<hbm>> -> memref<200x80xf32, #tpu.memory_space<hbm>>
        tpu.wait_dma2 semaphore(%run_scoped3A_129 : memref<!tpu.dma_semaphore, #tpu.memory_space<semaphore_mem>>) src(%arg10 : memref<200x80xf32, #tpu.memory_space<vmem>>) dst(%dma_wait3A_141 : memref<200x80xf32, #tpu.memory_space<hbm>>)
        tpu.yield
      }) : () -> ()
    } else {
    }
    %add3A_112 = arith.constant 32 : i32
    %add3A_113 = arith.addi %arg1, %add3A_112 : i32
    %lt3A_114 = arith.constant 50 : i32
    %lt3A_115 = arith.cmpi slt, %add3A_113, %lt3A_114 : i32
    %convert_element_type3A_116 = arith.extui %lt3A_115 : i1 to i32
    %cond3A_117 = arith.constant 0 : i32
    %cond3A_118 = arith.cmpi ne, %convert_element_type3A_116, %cond3A_117 : i32
    scf.if %cond3A_118 {
      %mul3A_126 = arith.constant 200 : i32
      %mul3A_127 = arith.muli %add3A_113, %mul3A_126 : i32
      %multiple_of3A_128 = tpu.assume_multiple %mul3A_127, 200 : i32
      "tpu.region"() ({
        %run_scoped3A_129 = tpu.sem_alloc : memref<!tpu.dma_semaphore, #tpu.memory_space<semaphore_mem>>
        %dma_start3A_130 = arith.constant 0 : i32
        %dma_start3A_131 = tpu.memref_slice %arg11[%multiple_of3A_128, %dma_start3A_130] : memref<10000x80xf32, #tpu.memory_space<vmem_shared>> -> memref<200x80xf32, #tpu.memory_space<vmem_shared>>
        %dma_start3A_132 = arith.constant 0 : i32
        %dma_start3A_133 = tpu.memref_slice %arg11[%multiple_of3A_128, %dma_start3A_132] : memref<10000x80xf32, #tpu.memory_space<vmem_shared>> -> memref<200x80xf32, #tpu.memory_space<vmem_shared>>
        tpu.enqueue_dma source(%dma_start3A_133 : memref<200x80xf32, #tpu.memory_space<vmem_shared>>) target(%arg10 : memref<200x80xf32, #tpu.memory_space<vmem>>) target_semaphore(%run_scoped3A_129 : memref<!tpu.dma_semaphore, #tpu.memory_space<semaphore_mem>>)
        %dma_wait3A_134 = arith.constant 0 : i32
        %dma_wait3A_135 = tpu.memref_slice %arg11[%multiple_of3A_128, %dma_wait3A_134] : memref<10000x80xf32, #tpu.memory_space<vmem_shared>> -> memref<200x80xf32, #tpu.memory_space<vmem_shared>>
        %dma_wait3A_136 = arith.constant 0 : i32
        %dma_wait3A_137 = tpu.memref_slice %arg11[%multiple_of3A_128, %dma_wait3A_136] : memref<10000x80xf32, #tpu.memory_space<vmem_shared>> -> memref<200x80xf32, #tpu.memory_space<vmem_shared>>
        tpu.wait_dma2 semaphore(%run_scoped3A_129 : memref<!tpu.dma_semaphore, #tpu.memory_space<semaphore_mem>>) src(%dma_wait3A_137 : memref<200x80xf32, #tpu.memory_space<vmem_shared>>) dst(%arg10 : memref<200x80xf32, #tpu.memory_space<vmem>>)
        tpu.yield
      }) : () -> ()
      "tpu.region"() ({
        %run_scoped3A_129 = tpu.sem_alloc : memref<!tpu.dma_semaphore, #tpu.memory_space<semaphore_mem>>
        %dma_start3A_130 = arith.constant 0 : i32
        %dma_start3A_131 = tpu.memref_slice %arg5[%arg0, %multiple_of3A_128, %dma_start3A_130] : memref<2x10000x80xf32, #tpu.memory_space<hbm>> -> memref<1x200x80xf32, #tpu.memory_space<hbm>>
        %dma_start3A_132 = tpu.memref_squeeze %dma_start3A_131 : memref<1x200x80xf32, #tpu.memory_space<hbm>> -> memref<200x80xf32, #tpu.memory_space<hbm>>
        %dma_start3A_133 = arith.constant 0 : i32
        %dma_start3A_134 = tpu.memref_slice %arg5[%arg0, %multiple_of3A_128, %dma_start3A_133] : memref<2x10000x80xf32, #tpu.memory_space<hbm>> -> memref<1x200x80xf32, #tpu.memory_space<hbm>>
        %dma_start3A_135 = tpu.memref_squeeze %dma_start3A_134 : memref<1x200x80xf32, #tpu.memory_space<hbm>> -> memref<200x80xf32, #tpu.memory_space<hbm>>
        tpu.enqueue_dma source(%arg10 : memref<200x80xf32, #tpu.memory_space<vmem>>) target(%dma_start3A_135 : memref<200x80xf32, #tpu.memory_space<hbm>>) target_semaphore(%run_scoped3A_129 : memref<!tpu.dma_semaphore, #tpu.memory_space<semaphore_mem>>)
        %dma_wait3A_136 = arith.constant 0 : i32
        %dma_wait3A_137 = tpu.memref_slice %arg5[%arg0, %multiple_of3A_128, %dma_wait3A_136] : memref<2x10000x80xf32, #tpu.memory_space<hbm>> -> memref<1x200x80xf32, #tpu.memory_space<hbm>>
        %dma_wait3A_138 = tpu.memref_squeeze %dma_wait3A_137 : memref<1x200x80xf32, #tpu.memory_space<hbm>> -> memref<200x80xf32, #tpu.memory_space<hbm>>
        %dma_wait3A_139 = arith.constant 0 : i32
        %dma_wait3A_140 = tpu.memref_slice %arg5[%arg0, %multiple_of3A_128, %dma_wait3A_139] : memref<2x10000x80xf32, #tpu.memory_space<hbm>> -> memref<1x200x80xf32, #tpu.memory_space<hbm>>
        %dma_wait3A_141 = tpu.memref_squeeze %dma_wait3A_140 : memref<1x200x80xf32, #tpu.memory_space<hbm>> -> memref<200x80xf32, #tpu.memory_space<hbm>>
        tpu.wait_dma2 semaphore(%run_scoped3A_129 : memref<!tpu.dma_semaphore, #tpu.memory_space<semaphore_mem>>) src(%arg10 : memref<200x80xf32, #tpu.memory_space<vmem>>) dst(%dma_wait3A_141 : memref<200x80xf32, #tpu.memory_space<hbm>>)
        tpu.yield
      }) : () -> ()
    } else {
    }
    %add3A_119 = arith.constant 48 : i32
    %add3A_120 = arith.addi %arg1, %add3A_119 : i32
    %lt3A_121 = arith.constant 50 : i32
    %lt3A_122 = arith.cmpi slt, %add3A_120, %lt3A_121 : i32
    %convert_element_type3A_123 = arith.extui %lt3A_122 : i1 to i32
    %cond3A_124 = arith.constant 0 : i32
    %cond3A_125 = arith.cmpi ne, %convert_element_type3A_123, %cond3A_124 : i32
    scf.if %cond3A_125 {
      %mul3A_126 = arith.constant 200 : i32
      %mul3A_127 = arith.muli %add3A_120, %mul3A_126 : i32
      %multiple_of3A_128 = tpu.assume_multiple %mul3A_127, 200 : i32
      "tpu.region"() ({
        %run_scoped3A_129 = tpu.sem_alloc : memref<!tpu.dma_semaphore, #tpu.memory_space<semaphore_mem>>
        %dma_start3A_130 = arith.constant 0 : i32
        %dma_start3A_131 = tpu.memref_slice %arg11[%multiple_of3A_128, %dma_start3A_130] : memref<10000x80xf32, #tpu.memory_space<vmem_shared>> -> memref<200x80xf32, #tpu.memory_space<vmem_shared>>
        %dma_start3A_132 = arith.constant 0 : i32
        %dma_start3A_133 = tpu.memref_slice %arg11[%multiple_of3A_128, %dma_start3A_132] : memref<10000x80xf32, #tpu.memory_space<vmem_shared>> -> memref<200x80xf32, #tpu.memory_space<vmem_shared>>
        tpu.enqueue_dma source(%dma_start3A_133 : memref<200x80xf32, #tpu.memory_space<vmem_shared>>) target(%arg10 : memref<200x80xf32, #tpu.memory_space<vmem>>) target_semaphore(%run_scoped3A_129 : memref<!tpu.dma_semaphore, #tpu.memory_space<semaphore_mem>>)
        %dma_wait3A_134 = arith.constant 0 : i32
        %dma_wait3A_135 = tpu.memref_slice %arg11[%multiple_of3A_128, %dma_wait3A_134] : memref<10000x80xf32, #tpu.memory_space<vmem_shared>> -> memref<200x80xf32, #tpu.memory_space<vmem_shared>>
        %dma_wait3A_136 = arith.constant 0 : i32
        %dma_wait3A_137 = tpu.memref_slice %arg11[%multiple_of3A_128, %dma_wait3A_136] : memref<10000x80xf32, #tpu.memory_space<vmem_shared>> -> memref<200x80xf32, #tpu.memory_space<vmem_shared>>
        tpu.wait_dma2 semaphore(%run_scoped3A_129 : memref<!tpu.dma_semaphore, #tpu.memory_space<semaphore_mem>>) src(%dma_wait3A_137 : memref<200x80xf32, #tpu.memory_space<vmem_shared>>) dst(%arg10 : memref<200x80xf32, #tpu.memory_space<vmem>>)
        tpu.yield
      }) : () -> ()
      "tpu.region"() ({
        %run_scoped3A_129 = tpu.sem_alloc : memref<!tpu.dma_semaphore, #tpu.memory_space<semaphore_mem>>
        %dma_start3A_130 = arith.constant 0 : i32
        %dma_start3A_131 = tpu.memref_slice %arg5[%arg0, %multiple_of3A_128, %dma_start3A_130] : memref<2x10000x80xf32, #tpu.memory_space<hbm>> -> memref<1x200x80xf32, #tpu.memory_space<hbm>>
        %dma_start3A_132 = tpu.memref_squeeze %dma_start3A_131 : memref<1x200x80xf32, #tpu.memory_space<hbm>> -> memref<200x80xf32, #tpu.memory_space<hbm>>
        %dma_start3A_133 = arith.constant 0 : i32
        %dma_start3A_134 = tpu.memref_slice %arg5[%arg0, %multiple_of3A_128, %dma_start3A_133] : memref<2x10000x80xf32, #tpu.memory_space<hbm>> -> memref<1x200x80xf32, #tpu.memory_space<hbm>>
        %dma_start3A_135 = tpu.memref_squeeze %dma_start3A_134 : memref<1x200x80xf32, #tpu.memory_space<hbm>> -> memref<200x80xf32, #tpu.memory_space<hbm>>
        tpu.enqueue_dma source(%arg10 : memref<200x80xf32, #tpu.memory_space<vmem>>) target(%dma_start3A_135 : memref<200x80xf32, #tpu.memory_space<hbm>>) target_semaphore(%run_scoped3A_129 : memref<!tpu.dma_semaphore, #tpu.memory_space<semaphore_mem>>)
        %dma_wait3A_136 = arith.constant 0 : i32
        %dma_wait3A_137 = tpu.memref_slice %arg5[%arg0, %multiple_of3A_128, %dma_wait3A_136] : memref<2x10000x80xf32, #tpu.memory_space<hbm>> -> memref<1x200x80xf32, #tpu.memory_space<hbm>>
        %dma_wait3A_138 = tpu.memref_squeeze %dma_wait3A_137 : memref<1x200x80xf32, #tpu.memory_space<hbm>> -> memref<200x80xf32, #tpu.memory_space<hbm>>
        %dma_wait3A_139 = arith.constant 0 : i32
        %dma_wait3A_140 = tpu.memref_slice %arg5[%arg0, %multiple_of3A_128, %dma_wait3A_139] : memref<2x10000x80xf32, #tpu.memory_space<hbm>> -> memref<1x200x80xf32, #tpu.memory_space<hbm>>
        %dma_wait3A_141 = tpu.memref_squeeze %dma_wait3A_140 : memref<1x200x80xf32, #tpu.memory_space<hbm>> -> memref<200x80xf32, #tpu.memory_space<hbm>>
        tpu.wait_dma2 semaphore(%run_scoped3A_129 : memref<!tpu.dma_semaphore, #tpu.memory_space<semaphore_mem>>) src(%arg10 : memref<200x80xf32, #tpu.memory_space<vmem>>) dst(%dma_wait3A_141 : memref<200x80xf32, #tpu.memory_space<hbm>>)
        tpu.yield
      }) : () -> ()
    } else {
    }
    return
  }
}

#map = affine_map<(d0, d1) -> (0, 0)>
#map1 = affine_map<(d0, d1) -> (0, 0, 0)>
module attributes {stable_mosaic.version = 14 : i64} {
  func.func @seg(%arg0: i32, %arg1: i32, %arg2: memref<10000x32xf32, #tpu.memory_space<hbm>>, %arg3: memref<2x320000xi32, #tpu.memory_space<hbm>>, %arg4: memref<200x32xf32, #tpu.memory_space<hbm>>, %arg5: memref<2x10000x32xf32, #tpu.memory_space<hbm>>, %arg6: memref<10000xi32, #tpu.memory_space<vmem>>, %arg7: memref<10000xi32, #tpu.memory_space<vmem>>, %arg8: memref<6x128x32xf32, #tpu.memory_space<vmem>>, %arg9: memref<16x32xf32, #tpu.memory_space<vmem>>, %arg10: memref<200x32xf32, #tpu.memory_space<vmem>>, %arg11: memref<10000x32xf32, #tpu.memory_space<vmem_shared>>, %arg12: memref<6x!tpu.dma_semaphore, #tpu.memory_space<semaphore_mem>>, %arg13: memref<6x!tpu.dma_semaphore, #tpu.memory_space<semaphore_mem>>, %arg14: memref<!tpu.dma_semaphore, #tpu.memory_space<semaphore_mem>>) attributes {dimension_semantics = [#tpu.dimension_semantics<core_parallel>, #tpu.dimension_semantics<subcore_parallel>], iteration_bounds = array<i64: 2, 16>, scalar_prefetch = 0 : i64, scratch_operands = 9 : i64, tpu.core_type = #tpu.core_type<sc_vector_subcore>, window_params = [{transform_indices = #map}, {transform_indices = #map}, {transform_indices = #map}, {transform_indices = #map1}]} {
    %mul3A = arith.constant 16 : i32
    %mul3A_0 = arith.muli %arg0, %mul3A : i32
    %add3A = arith.addi %mul3A_0, %arg1 : i32
    %mul3A_1 = arith.constant 10000 : i32
    %mul3A_2 = arith.muli %add3A, %mul3A_1 : i32
    %multiple_of3A = tpu.assume_multiple %mul3A_2, 128 : i32
    %run_scoped3A = arith.constant 0 : i32
    "tpu.region"() ({
      %run_scoped3A_159 = tpu.sem_alloc : memref<!tpu.dma_semaphore, #tpu.memory_space<semaphore_mem>>
      %dma_start3A_160 = tpu.memref_slice %arg3[%run_scoped3A, %multiple_of3A] : memref<2x320000xi32, #tpu.memory_space<hbm>> -> memref<1x10000xi32, #tpu.memory_space<hbm>>
      %dma_start3A_161 = tpu.memref_squeeze %dma_start3A_160 : memref<1x10000xi32, #tpu.memory_space<hbm>> -> memref<10000xi32, #tpu.memory_space<hbm>>
      %dma_start3A_162 = tpu.memref_slice %arg3[%run_scoped3A, %multiple_of3A] : memref<2x320000xi32, #tpu.memory_space<hbm>> -> memref<1x10000xi32, #tpu.memory_space<hbm>>
      %dma_start3A_163 = tpu.memref_squeeze %dma_start3A_162 : memref<1x10000xi32, #tpu.memory_space<hbm>> -> memref<10000xi32, #tpu.memory_space<hbm>>
      tpu.enqueue_dma source(%dma_start3A_163 : memref<10000xi32, #tpu.memory_space<hbm>>) target(%arg6 : memref<10000xi32, #tpu.memory_space<vmem>>) target_semaphore(%run_scoped3A_159 : memref<!tpu.dma_semaphore, #tpu.memory_space<semaphore_mem>>)
      %dma_wait3A_164 = tpu.memref_slice %arg3[%run_scoped3A, %multiple_of3A] : memref<2x320000xi32, #tpu.memory_space<hbm>> -> memref<1x10000xi32, #tpu.memory_space<hbm>>
      %dma_wait3A_165 = tpu.memref_squeeze %dma_wait3A_164 : memref<1x10000xi32, #tpu.memory_space<hbm>> -> memref<10000xi32, #tpu.memory_space<hbm>>
      %dma_wait3A_166 = tpu.memref_slice %arg3[%run_scoped3A, %multiple_of3A] : memref<2x320000xi32, #tpu.memory_space<hbm>> -> memref<1x10000xi32, #tpu.memory_space<hbm>>
      %dma_wait3A_167 = tpu.memref_squeeze %dma_wait3A_166 : memref<1x10000xi32, #tpu.memory_space<hbm>> -> memref<10000xi32, #tpu.memory_space<hbm>>
      tpu.wait_dma2 semaphore(%run_scoped3A_159 : memref<!tpu.dma_semaphore, #tpu.memory_space<semaphore_mem>>) src(%dma_wait3A_167 : memref<10000xi32, #tpu.memory_space<hbm>>) dst(%arg6 : memref<10000xi32, #tpu.memory_space<vmem>>)
      tpu.yield
    }) : () -> ()
    %run_scoped3A_3 = arith.constant 1 : i32
    "tpu.region"() ({
      %run_scoped3A_159 = tpu.sem_alloc : memref<!tpu.dma_semaphore, #tpu.memory_space<semaphore_mem>>
      %dma_start3A_160 = tpu.memref_slice %arg3[%run_scoped3A_3, %multiple_of3A] : memref<2x320000xi32, #tpu.memory_space<hbm>> -> memref<1x10000xi32, #tpu.memory_space<hbm>>
      %dma_start3A_161 = tpu.memref_squeeze %dma_start3A_160 : memref<1x10000xi32, #tpu.memory_space<hbm>> -> memref<10000xi32, #tpu.memory_space<hbm>>
      %dma_start3A_162 = tpu.memref_slice %arg3[%run_scoped3A_3, %multiple_of3A] : memref<2x320000xi32, #tpu.memory_space<hbm>> -> memref<1x10000xi32, #tpu.memory_space<hbm>>
      %dma_start3A_163 = tpu.memref_squeeze %dma_start3A_162 : memref<1x10000xi32, #tpu.memory_space<hbm>> -> memref<10000xi32, #tpu.memory_space<hbm>>
      tpu.enqueue_dma source(%dma_start3A_163 : memref<10000xi32, #tpu.memory_space<hbm>>) target(%arg7 : memref<10000xi32, #tpu.memory_space<vmem>>) target_semaphore(%run_scoped3A_159 : memref<!tpu.dma_semaphore, #tpu.memory_space<semaphore_mem>>)
      %dma_wait3A_164 = tpu.memref_slice %arg3[%run_scoped3A_3, %multiple_of3A] : memref<2x320000xi32, #tpu.memory_space<hbm>> -> memref<1x10000xi32, #tpu.memory_space<hbm>>
      %dma_wait3A_165 = tpu.memref_squeeze %dma_wait3A_164 : memref<1x10000xi32, #tpu.memory_space<hbm>> -> memref<10000xi32, #tpu.memory_space<hbm>>
      %dma_wait3A_166 = tpu.memref_slice %arg3[%run_scoped3A_3, %multiple_of3A] : memref<2x320000xi32, #tpu.memory_space<hbm>> -> memref<1x10000xi32, #tpu.memory_space<hbm>>
      %dma_wait3A_167 = tpu.memref_squeeze %dma_wait3A_166 : memref<1x10000xi32, #tpu.memory_space<hbm>> -> memref<10000xi32, #tpu.memory_space<hbm>>
      tpu.wait_dma2 semaphore(%run_scoped3A_159 : memref<!tpu.dma_semaphore, #tpu.memory_space<semaphore_mem>>) src(%dma_wait3A_167 : memref<10000xi32, #tpu.memory_space<hbm>>) dst(%arg7 : memref<10000xi32, #tpu.memory_space<vmem>>)
      tpu.yield
    }) : () -> ()
    "tpu.region"() ({
      %run_scoped3A_159 = tpu.sem_alloc : memref<!tpu.dma_semaphore, #tpu.memory_space<semaphore_mem>>
      tpu.enqueue_dma source(%arg4 : memref<200x32xf32, #tpu.memory_space<hbm>>) target(%arg10 : memref<200x32xf32, #tpu.memory_space<vmem>>) target_semaphore(%run_scoped3A_159 : memref<!tpu.dma_semaphore, #tpu.memory_space<semaphore_mem>>)
      tpu.wait_dma2 semaphore(%run_scoped3A_159 : memref<!tpu.dma_semaphore, #tpu.memory_space<semaphore_mem>>) src(%arg4 : memref<200x32xf32, #tpu.memory_space<hbm>>) dst(%arg10 : memref<200x32xf32, #tpu.memory_space<vmem>>)
      tpu.yield
    }) : () -> ()
    %add3A_4 = arith.constant 0 : i32
    %add3A_5 = arith.addi %arg1, %add3A_4 : i32
    %lt3A = arith.constant 50 : i32
    %lt3A_6 = arith.cmpi slt, %add3A_5, %lt3A : i32
    %convert_element_type3A = arith.extui %lt3A_6 : i1 to i32
    %cond3A = arith.constant 0 : i32
    %cond3A_7 = arith.cmpi ne, %convert_element_type3A, %cond3A : i32
    scf.if %cond3A_7 {
      %mul3A_159 = arith.constant 200 : i32
      %mul3A_160 = arith.muli %add3A_5, %mul3A_159 : i32
      %multiple_of3A_161 = tpu.assume_multiple %mul3A_160, 200 : i32
      "tpu.region"() ({
        %run_scoped3A_162 = tpu.sem_alloc : memref<!tpu.dma_semaphore, #tpu.memory_space<semaphore_mem>>
        %dma_start3A_163 = arith.constant 0 : i32
        %dma_start3A_164 = tpu.memref_slice %arg11[%multiple_of3A_161, %dma_start3A_163] : memref<10000x32xf32, #tpu.memory_space<vmem_shared>> -> memref<200x32xf32, #tpu.memory_space<vmem_shared>>
        %dma_start3A_165 = arith.constant 0 : i32
        %dma_start3A_166 = tpu.memref_slice %arg11[%multiple_of3A_161, %dma_start3A_165] : memref<10000x32xf32, #tpu.memory_space<vmem_shared>> -> memref<200x32xf32, #tpu.memory_space<vmem_shared>>
        tpu.enqueue_dma source(%arg10 : memref<200x32xf32, #tpu.memory_space<vmem>>) target(%dma_start3A_166 : memref<200x32xf32, #tpu.memory_space<vmem_shared>>) target_semaphore(%run_scoped3A_162 : memref<!tpu.dma_semaphore, #tpu.memory_space<semaphore_mem>>)
        %dma_wait3A_167 = arith.constant 0 : i32
        %dma_wait3A_168 = tpu.memref_slice %arg11[%multiple_of3A_161, %dma_wait3A_167] : memref<10000x32xf32, #tpu.memory_space<vmem_shared>> -> memref<200x32xf32, #tpu.memory_space<vmem_shared>>
        %dma_wait3A_169 = arith.constant 0 : i32
        %dma_wait3A_170 = tpu.memref_slice %arg11[%multiple_of3A_161, %dma_wait3A_169] : memref<10000x32xf32, #tpu.memory_space<vmem_shared>> -> memref<200x32xf32, #tpu.memory_space<vmem_shared>>
        tpu.wait_dma2 semaphore(%run_scoped3A_162 : memref<!tpu.dma_semaphore, #tpu.memory_space<semaphore_mem>>) src(%arg10 : memref<200x32xf32, #tpu.memory_space<vmem>>) dst(%dma_wait3A_170 : memref<200x32xf32, #tpu.memory_space<vmem_shared>>)
        tpu.yield
      }) : () -> ()
    } else {
    }
    %add3A_8 = arith.constant 16 : i32
    %add3A_9 = arith.addi %arg1, %add3A_8 : i32
    %lt3A_10 = arith.constant 50 : i32
    %lt3A_11 = arith.cmpi slt, %add3A_9, %lt3A_10 : i32
    %convert_element_type3A_12 = arith.extui %lt3A_11 : i1 to i32
    %cond3A_13 = arith.constant 0 : i32
    %cond3A_14 = arith.cmpi ne, %convert_element_type3A_12, %cond3A_13 : i32
    scf.if %cond3A_14 {
      %mul3A_159 = arith.constant 200 : i32
      %mul3A_160 = arith.muli %add3A_9, %mul3A_159 : i32
      %multiple_of3A_161 = tpu.assume_multiple %mul3A_160, 200 : i32
      "tpu.region"() ({
        %run_scoped3A_162 = tpu.sem_alloc : memref<!tpu.dma_semaphore, #tpu.memory_space<semaphore_mem>>
        %dma_start3A_163 = arith.constant 0 : i32
        %dma_start3A_164 = tpu.memref_slice %arg11[%multiple_of3A_161, %dma_start3A_163] : memref<10000x32xf32, #tpu.memory_space<vmem_shared>> -> memref<200x32xf32, #tpu.memory_space<vmem_shared>>
        %dma_start3A_165 = arith.constant 0 : i32
        %dma_start3A_166 = tpu.memref_slice %arg11[%multiple_of3A_161, %dma_start3A_165] : memref<10000x32xf32, #tpu.memory_space<vmem_shared>> -> memref<200x32xf32, #tpu.memory_space<vmem_shared>>
        tpu.enqueue_dma source(%arg10 : memref<200x32xf32, #tpu.memory_space<vmem>>) target(%dma_start3A_166 : memref<200x32xf32, #tpu.memory_space<vmem_shared>>) target_semaphore(%run_scoped3A_162 : memref<!tpu.dma_semaphore, #tpu.memory_space<semaphore_mem>>)
        %dma_wait3A_167 = arith.constant 0 : i32
        %dma_wait3A_168 = tpu.memref_slice %arg11[%multiple_of3A_161, %dma_wait3A_167] : memref<10000x32xf32, #tpu.memory_space<vmem_shared>> -> memref<200x32xf32, #tpu.memory_space<vmem_shared>>
        %dma_wait3A_169 = arith.constant 0 : i32
        %dma_wait3A_170 = tpu.memref_slice %arg11[%multiple_of3A_161, %dma_wait3A_169] : memref<10000x32xf32, #tpu.memory_space<vmem_shared>> -> memref<200x32xf32, #tpu.memory_space<vmem_shared>>
        tpu.wait_dma2 semaphore(%run_scoped3A_162 : memref<!tpu.dma_semaphore, #tpu.memory_space<semaphore_mem>>) src(%arg10 : memref<200x32xf32, #tpu.memory_space<vmem>>) dst(%dma_wait3A_170 : memref<200x32xf32, #tpu.memory_space<vmem_shared>>)
        tpu.yield
      }) : () -> ()
    } else {
    }
    %add3A_15 = arith.constant 32 : i32
    %add3A_16 = arith.addi %arg1, %add3A_15 : i32
    %lt3A_17 = arith.constant 50 : i32
    %lt3A_18 = arith.cmpi slt, %add3A_16, %lt3A_17 : i32
    %convert_element_type3A_19 = arith.extui %lt3A_18 : i1 to i32
    %cond3A_20 = arith.constant 0 : i32
    %cond3A_21 = arith.cmpi ne, %convert_element_type3A_19, %cond3A_20 : i32
    scf.if %cond3A_21 {
      %mul3A_159 = arith.constant 200 : i32
      %mul3A_160 = arith.muli %add3A_16, %mul3A_159 : i32
      %multiple_of3A_161 = tpu.assume_multiple %mul3A_160, 200 : i32
      "tpu.region"() ({
        %run_scoped3A_162 = tpu.sem_alloc : memref<!tpu.dma_semaphore, #tpu.memory_space<semaphore_mem>>
        %dma_start3A_163 = arith.constant 0 : i32
        %dma_start3A_164 = tpu.memref_slice %arg11[%multiple_of3A_161, %dma_start3A_163] : memref<10000x32xf32, #tpu.memory_space<vmem_shared>> -> memref<200x32xf32, #tpu.memory_space<vmem_shared>>
        %dma_start3A_165 = arith.constant 0 : i32
        %dma_start3A_166 = tpu.memref_slice %arg11[%multiple_of3A_161, %dma_start3A_165] : memref<10000x32xf32, #tpu.memory_space<vmem_shared>> -> memref<200x32xf32, #tpu.memory_space<vmem_shared>>
        tpu.enqueue_dma source(%arg10 : memref<200x32xf32, #tpu.memory_space<vmem>>) target(%dma_start3A_166 : memref<200x32xf32, #tpu.memory_space<vmem_shared>>) target_semaphore(%run_scoped3A_162 : memref<!tpu.dma_semaphore, #tpu.memory_space<semaphore_mem>>)
        %dma_wait3A_167 = arith.constant 0 : i32
        %dma_wait3A_168 = tpu.memref_slice %arg11[%multiple_of3A_161, %dma_wait3A_167] : memref<10000x32xf32, #tpu.memory_space<vmem_shared>> -> memref<200x32xf32, #tpu.memory_space<vmem_shared>>
        %dma_wait3A_169 = arith.constant 0 : i32
        %dma_wait3A_170 = tpu.memref_slice %arg11[%multiple_of3A_161, %dma_wait3A_169] : memref<10000x32xf32, #tpu.memory_space<vmem_shared>> -> memref<200x32xf32, #tpu.memory_space<vmem_shared>>
        tpu.wait_dma2 semaphore(%run_scoped3A_162 : memref<!tpu.dma_semaphore, #tpu.memory_space<semaphore_mem>>) src(%arg10 : memref<200x32xf32, #tpu.memory_space<vmem>>) dst(%dma_wait3A_170 : memref<200x32xf32, #tpu.memory_space<vmem_shared>>)
        tpu.yield
      }) : () -> ()
    } else {
    }
    %add3A_22 = arith.constant 48 : i32
    %add3A_23 = arith.addi %arg1, %add3A_22 : i32
    %lt3A_24 = arith.constant 50 : i32
    %lt3A_25 = arith.cmpi slt, %add3A_23, %lt3A_24 : i32
    %convert_element_type3A_26 = arith.extui %lt3A_25 : i1 to i32
    %cond3A_27 = arith.constant 0 : i32
    %cond3A_28 = arith.cmpi ne, %convert_element_type3A_26, %cond3A_27 : i32
    scf.if %cond3A_28 {
      %mul3A_159 = arith.constant 200 : i32
      %mul3A_160 = arith.muli %add3A_23, %mul3A_159 : i32
      %multiple_of3A_161 = tpu.assume_multiple %mul3A_160, 200 : i32
      "tpu.region"() ({
        %run_scoped3A_162 = tpu.sem_alloc : memref<!tpu.dma_semaphore, #tpu.memory_space<semaphore_mem>>
        %dma_start3A_163 = arith.constant 0 : i32
        %dma_start3A_164 = tpu.memref_slice %arg11[%multiple_of3A_161, %dma_start3A_163] : memref<10000x32xf32, #tpu.memory_space<vmem_shared>> -> memref<200x32xf32, #tpu.memory_space<vmem_shared>>
        %dma_start3A_165 = arith.constant 0 : i32
        %dma_start3A_166 = tpu.memref_slice %arg11[%multiple_of3A_161, %dma_start3A_165] : memref<10000x32xf32, #tpu.memory_space<vmem_shared>> -> memref<200x32xf32, #tpu.memory_space<vmem_shared>>
        tpu.enqueue_dma source(%arg10 : memref<200x32xf32, #tpu.memory_space<vmem>>) target(%dma_start3A_166 : memref<200x32xf32, #tpu.memory_space<vmem_shared>>) target_semaphore(%run_scoped3A_162 : memref<!tpu.dma_semaphore, #tpu.memory_space<semaphore_mem>>)
        %dma_wait3A_167 = arith.constant 0 : i32
        %dma_wait3A_168 = tpu.memref_slice %arg11[%multiple_of3A_161, %dma_wait3A_167] : memref<10000x32xf32, #tpu.memory_space<vmem_shared>> -> memref<200x32xf32, #tpu.memory_space<vmem_shared>>
        %dma_wait3A_169 = arith.constant 0 : i32
        %dma_wait3A_170 = tpu.memref_slice %arg11[%multiple_of3A_161, %dma_wait3A_169] : memref<10000x32xf32, #tpu.memory_space<vmem_shared>> -> memref<200x32xf32, #tpu.memory_space<vmem_shared>>
        tpu.wait_dma2 semaphore(%run_scoped3A_162 : memref<!tpu.dma_semaphore, #tpu.memory_space<semaphore_mem>>) src(%arg10 : memref<200x32xf32, #tpu.memory_space<vmem>>) dst(%dma_wait3A_170 : memref<200x32xf32, #tpu.memory_space<vmem_shared>>)
        tpu.yield
      }) : () -> ()
    } else {
    }
    %barrier3A = arith.constant 0 : index
    tpu.barrier barrier_id(%barrier3A)
    %dma_start3A = arith.constant 0 : i32
    %dma_start3A_29 = arith.constant 0 : i32
    %dma_start3A_30 = arith.constant 0 : i32
    %dma_start3A_31 = arith.constant 0 : i32
    %dma_start3A_32 = tpu.memref_slice %arg8[%dma_start3A, %dma_start3A_30, %dma_start3A_31] : memref<6x128x32xf32, #tpu.memory_space<vmem>> -> memref<1x128x32xf32, #tpu.memory_space<vmem>>
    %dma_start3A_33 = tpu.memref_squeeze %dma_start3A_32 : memref<1x128x32xf32, #tpu.memory_space<vmem>> -> memref<128x32xf32, #tpu.memory_space<vmem>>
    %dma_start3A_34 = arith.constant 0 : i32
    %dma_start3A_35 = tpu.memref_slice %arg6[%dma_start3A_34] : memref<10000xi32, #tpu.memory_space<vmem>> -> memref<128xi32, #tpu.memory_space<vmem>>
    %dma_start3A_36 = arith.constant 0 : i32
    %dma_start3A_37 = arith.constant 0 : i32
    %dma_start3A_38 = tpu.memref_slice %arg2[%dma_start3A_36, %dma_start3A_37] : memref<10000x32xf32, #tpu.memory_space<hbm>> -> memref<10000x32xf32, #tpu.memory_space<hbm>>
    %dma_start3A_39 = tpu.memref_slice %arg12[%dma_start3A_29] : memref<6x!tpu.dma_semaphore, #tpu.memory_space<semaphore_mem>> -> memref<1x!tpu.dma_semaphore, #tpu.memory_space<semaphore_mem>>
    %dma_start3A_40 = tpu.memref_squeeze %dma_start3A_39 : memref<1x!tpu.dma_semaphore, #tpu.memory_space<semaphore_mem>> -> memref<!tpu.dma_semaphore, #tpu.memory_space<semaphore_mem>>
    tpu.enqueue_indirect_dma source(%dma_start3A_38 : memref<10000x32xf32, #tpu.memory_space<hbm>>) target(%dma_start3A_33 : memref<128x32xf32, #tpu.memory_space<vmem>>) offsets(%dma_start3A_35 : memref<128xi32, #tpu.memory_space<vmem>>) semaphore(%dma_start3A_40 : memref<!tpu.dma_semaphore, #tpu.memory_space<semaphore_mem>>)
    %dma_start3A_41 = arith.constant 1 : i32
    %dma_start3A_42 = arith.constant 1 : i32
    %dma_start3A_43 = arith.constant 0 : i32
    %dma_start3A_44 = arith.constant 0 : i32
    %dma_start3A_45 = tpu.memref_slice %arg8[%dma_start3A_41, %dma_start3A_43, %dma_start3A_44] : memref<6x128x32xf32, #tpu.memory_space<vmem>> -> memref<1x128x32xf32, #tpu.memory_space<vmem>>
    %dma_start3A_46 = tpu.memref_squeeze %dma_start3A_45 : memref<1x128x32xf32, #tpu.memory_space<vmem>> -> memref<128x32xf32, #tpu.memory_space<vmem>>
    %dma_start3A_47 = arith.constant 128 : i32
    %dma_start3A_48 = tpu.memref_slice %arg6[%dma_start3A_47] : memref<10000xi32, #tpu.memory_space<vmem>> -> memref<128xi32, #tpu.memory_space<vmem>>
    %dma_start3A_49 = arith.constant 0 : i32
    %dma_start3A_50 = arith.constant 0 : i32
    %dma_start3A_51 = tpu.memref_slice %arg2[%dma_start3A_49, %dma_start3A_50] : memref<10000x32xf32, #tpu.memory_space<hbm>> -> memref<10000x32xf32, #tpu.memory_space<hbm>>
    %dma_start3A_52 = tpu.memref_slice %arg12[%dma_start3A_42] : memref<6x!tpu.dma_semaphore, #tpu.memory_space<semaphore_mem>> -> memref<1x!tpu.dma_semaphore, #tpu.memory_space<semaphore_mem>>
    %dma_start3A_53 = tpu.memref_squeeze %dma_start3A_52 : memref<1x!tpu.dma_semaphore, #tpu.memory_space<semaphore_mem>> -> memref<!tpu.dma_semaphore, #tpu.memory_space<semaphore_mem>>
    tpu.enqueue_indirect_dma source(%dma_start3A_51 : memref<10000x32xf32, #tpu.memory_space<hbm>>) target(%dma_start3A_46 : memref<128x32xf32, #tpu.memory_space<vmem>>) offsets(%dma_start3A_48 : memref<128xi32, #tpu.memory_space<vmem>>) semaphore(%dma_start3A_53 : memref<!tpu.dma_semaphore, #tpu.memory_space<semaphore_mem>>)
    %dma_start3A_54 = arith.constant 2 : i32
    %dma_start3A_55 = arith.constant 2 : i32
    %dma_start3A_56 = arith.constant 0 : i32
    %dma_start3A_57 = arith.constant 0 : i32
    %dma_start3A_58 = tpu.memref_slice %arg8[%dma_start3A_54, %dma_start3A_56, %dma_start3A_57] : memref<6x128x32xf32, #tpu.memory_space<vmem>> -> memref<1x128x32xf32, #tpu.memory_space<vmem>>
    %dma_start3A_59 = tpu.memref_squeeze %dma_start3A_58 : memref<1x128x32xf32, #tpu.memory_space<vmem>> -> memref<128x32xf32, #tpu.memory_space<vmem>>
    %dma_start3A_60 = arith.constant 256 : i32
    %dma_start3A_61 = tpu.memref_slice %arg6[%dma_start3A_60] : memref<10000xi32, #tpu.memory_space<vmem>> -> memref<128xi32, #tpu.memory_space<vmem>>
    %dma_start3A_62 = arith.constant 0 : i32
    %dma_start3A_63 = arith.constant 0 : i32
    %dma_start3A_64 = tpu.memref_slice %arg2[%dma_start3A_62, %dma_start3A_63] : memref<10000x32xf32, #tpu.memory_space<hbm>> -> memref<10000x32xf32, #tpu.memory_space<hbm>>
    %dma_start3A_65 = tpu.memref_slice %arg12[%dma_start3A_55] : memref<6x!tpu.dma_semaphore, #tpu.memory_space<semaphore_mem>> -> memref<1x!tpu.dma_semaphore, #tpu.memory_space<semaphore_mem>>
    %dma_start3A_66 = tpu.memref_squeeze %dma_start3A_65 : memref<1x!tpu.dma_semaphore, #tpu.memory_space<semaphore_mem>> -> memref<!tpu.dma_semaphore, #tpu.memory_space<semaphore_mem>>
    tpu.enqueue_indirect_dma source(%dma_start3A_64 : memref<10000x32xf32, #tpu.memory_space<hbm>>) target(%dma_start3A_59 : memref<128x32xf32, #tpu.memory_space<vmem>>) offsets(%dma_start3A_61 : memref<128xi32, #tpu.memory_space<vmem>>) semaphore(%dma_start3A_66 : memref<!tpu.dma_semaphore, #tpu.memory_space<semaphore_mem>>)
    %dma_start3A_67 = arith.constant 9984 : i32
    %dma_start3A_68 = tpu.memref_slice %arg6[%dma_start3A_67] : memref<10000xi32, #tpu.memory_space<vmem>> -> memref<16xi32, #tpu.memory_space<vmem>>
    %dma_start3A_69 = arith.constant 0 : i32
    %dma_start3A_70 = arith.constant 0 : i32
    %dma_start3A_71 = tpu.memref_slice %arg2[%dma_start3A_69, %dma_start3A_70] : memref<10000x32xf32, #tpu.memory_space<hbm>> -> memref<10000x32xf32, #tpu.memory_space<hbm>>
    tpu.enqueue_indirect_dma source(%dma_start3A_71 : memref<10000x32xf32, #tpu.memory_space<hbm>>) target(%arg9 : memref<16x32xf32, #tpu.memory_space<vmem>>) offsets(%dma_start3A_68 : memref<16xi32, #tpu.memory_space<vmem>>) semaphore(%arg14 : memref<!tpu.dma_semaphore, #tpu.memory_space<semaphore_mem>>)
    %scan3A = arith.constant 0 : i32
    %scan3A_72 = arith.constant 0 : i32
    %scan3A_73 = arith.constant 13 : i32
    %scan3A_74 = arith.addi %scan3A_72, %scan3A_73 : i32
    %scan3A_75 = arith.constant 1 : i32
    scf.for %scan3A_159 = %scan3A_72 to %scan3A_74 step %scan3A_75  : i32 {
      %mul3A_160 = arith.constant 6 : i32
      %mul3A_161 = arith.muli %mul3A_160, %scan3A_159 : i32
      %add3A_162 = arith.constant 0 : i32
      %add3A_163 = arith.addi %mul3A_161, %add3A_162 : i32
      %ge3A = arith.constant 3 : i32
      %ge3A_164 = arith.cmpi sge, %add3A_163, %ge3A : i32
      %lt3A_165 = arith.constant 81 : i32
      %lt3A_166 = arith.cmpi slt, %add3A_163, %lt3A_165 : i32
      %and3A = arith.andi %ge3A_164, %lt3A_166 : i1
      %convert_element_type3A_167 = arith.extui %and3A : i1 to i32
      %cond3A_168 = arith.constant 0 : i32
      %cond3A_169 = arith.cmpi ne, %convert_element_type3A_167, %cond3A_168 : i32
      scf.if %cond3A_169 {
        %sub3A = arith.constant 3 : i32
        %sub3A_302 = arith.subi %add3A_163, %sub3A : i32
        %mul3A_303 = arith.constant 128 : i32
        %mul3A_304 = arith.muli %sub3A_302, %mul3A_303 : i32
        %dma_wait3A_305 = arith.constant 3 : i32
        %dma_wait3A_306 = arith.constant 3 : i32
        %dma_wait3A_307 = arith.constant 0 : i32
        %dma_wait3A_308 = arith.constant 0 : i32
        %dma_wait3A_309 = tpu.memref_slice %arg8[%dma_wait3A_305, %dma_wait3A_307, %dma_wait3A_308] : memref<6x128x32xf32, #tpu.memory_space<vmem>> -> memref<1x128x32xf32, #tpu.memory_space<vmem>>
        %dma_wait3A_310 = tpu.memref_squeeze %dma_wait3A_309 : memref<1x128x32xf32, #tpu.memory_space<vmem>> -> memref<128x32xf32, #tpu.memory_space<vmem>>
        %dma_wait3A_311 = tpu.memref_slice %arg7[%mul3A_304] : memref<10000xi32, #tpu.memory_space<vmem>> -> memref<128xi32, #tpu.memory_space<vmem>>
        %dma_wait3A_312 = arith.constant 0 : i32
        %dma_wait3A_313 = arith.constant 0 : i32
        %dma_wait3A_314 = tpu.memref_slice %arg11[%dma_wait3A_312, %dma_wait3A_313] : memref<10000x32xf32, #tpu.memory_space<vmem_shared>> -> memref<10000x32xf32, #tpu.memory_space<vmem_shared>>
        %dma_wait3A_315 = tpu.memref_slice %arg13[%dma_wait3A_306] : memref<6x!tpu.dma_semaphore, #tpu.memory_space<semaphore_mem>> -> memref<1x!tpu.dma_semaphore, #tpu.memory_space<semaphore_mem>>
        %dma_wait3A_316 = tpu.memref_squeeze %dma_wait3A_315 : memref<1x!tpu.dma_semaphore, #tpu.memory_space<semaphore_mem>> -> memref<!tpu.dma_semaphore, #tpu.memory_space<semaphore_mem>>
        tpu.wait_indirect_dma semaphore(%dma_wait3A_316 : memref<!tpu.dma_semaphore, #tpu.memory_space<semaphore_mem>>) src(%dma_wait3A_310 : memref<128x32xf32, #tpu.memory_space<vmem>>) dst(%dma_wait3A_314 : memref<10000x32xf32, #tpu.memory_space<vmem_shared>>)
      } else {
      }
      %add3A_170 = arith.constant 3 : i32
      %add3A_171 = arith.addi %add3A_163, %add3A_170 : i32
      %lt3A_172 = arith.constant 78 : i32
      %lt3A_173 = arith.cmpi slt, %add3A_171, %lt3A_172 : i32
      %convert_element_type3A_174 = arith.extui %lt3A_173 : i1 to i32
      %cond3A_175 = arith.constant 0 : i32
      %cond3A_176 = arith.cmpi ne, %convert_element_type3A_174, %cond3A_175 : i32
      scf.if %cond3A_176 {
        %add3A_302 = arith.constant 3 : i32
        %add3A_303 = arith.addi %add3A_163, %add3A_302 : i32
        %mul3A_304 = arith.constant 128 : i32
        %mul3A_305 = arith.muli %add3A_303, %mul3A_304 : i32
        %dma_start3A_306 = arith.constant 3 : i32
        %dma_start3A_307 = arith.constant 3 : i32
        %dma_start3A_308 = arith.constant 0 : i32
        %dma_start3A_309 = arith.constant 0 : i32
        %dma_start3A_310 = tpu.memref_slice %arg8[%dma_start3A_306, %dma_start3A_308, %dma_start3A_309] : memref<6x128x32xf32, #tpu.memory_space<vmem>> -> memref<1x128x32xf32, #tpu.memory_space<vmem>>
        %dma_start3A_311 = tpu.memref_squeeze %dma_start3A_310 : memref<1x128x32xf32, #tpu.memory_space<vmem>> -> memref<128x32xf32, #tpu.memory_space<vmem>>
        %dma_start3A_312 = tpu.memref_slice %arg6[%mul3A_305] : memref<10000xi32, #tpu.memory_space<vmem>> -> memref<128xi32, #tpu.memory_space<vmem>>
        %dma_start3A_313 = arith.constant 0 : i32
        %dma_start3A_314 = arith.constant 0 : i32
        %dma_start3A_315 = tpu.memref_slice %arg2[%dma_start3A_313, %dma_start3A_314] : memref<10000x32xf32, #tpu.memory_space<hbm>> -> memref<10000x32xf32, #tpu.memory_space<hbm>>
        %dma_start3A_316 = tpu.memref_slice %arg12[%dma_start3A_307] : memref<6x!tpu.dma_semaphore, #tpu.memory_space<semaphore_mem>> -> memref<1x!tpu.dma_semaphore, #tpu.memory_space<semaphore_mem>>
        %dma_start3A_317 = tpu.memref_squeeze %dma_start3A_316 : memref<1x!tpu.dma_semaphore, #tpu.memory_space<semaphore_mem>> -> memref<!tpu.dma_semaphore, #tpu.memory_space<semaphore_mem>>
        tpu.enqueue_indirect_dma source(%dma_start3A_315 : memref<10000x32xf32, #tpu.memory_space<hbm>>) target(%dma_start3A_311 : memref<128x32xf32, #tpu.memory_space<vmem>>) offsets(%dma_start3A_312 : memref<128xi32, #tpu.memory_space<vmem>>) semaphore(%dma_start3A_317 : memref<!tpu.dma_semaphore, #tpu.memory_space<semaphore_mem>>)
      } else {
      }
      %lt3A_177 = arith.constant 78 : i32
      %lt3A_178 = arith.cmpi slt, %add3A_163, %lt3A_177 : i32
      %convert_element_type3A_179 = arith.extui %lt3A_178 : i1 to i32
      %cond3A_180 = arith.constant 0 : i32
      %cond3A_181 = arith.cmpi ne, %convert_element_type3A_179, %cond3A_180 : i32
      scf.if %cond3A_181 {
        %mul3A_302 = arith.constant 128 : i32
        %mul3A_303 = arith.muli %add3A_163, %mul3A_302 : i32
        %dma_wait3A_304 = arith.constant 0 : i32
        %dma_wait3A_305 = arith.constant 0 : i32
        %dma_wait3A_306 = arith.constant 0 : i32
        %dma_wait3A_307 = arith.constant 0 : i32
        %dma_wait3A_308 = tpu.memref_slice %arg8[%dma_wait3A_304, %dma_wait3A_306, %dma_wait3A_307] : memref<6x128x32xf32, #tpu.memory_space<vmem>> -> memref<1x128x32xf32, #tpu.memory_space<vmem>>
        %dma_wait3A_309 = tpu.memref_squeeze %dma_wait3A_308 : memref<1x128x32xf32, #tpu.memory_space<vmem>> -> memref<128x32xf32, #tpu.memory_space<vmem>>
        %dma_wait3A_310 = tpu.memref_slice %arg6[%mul3A_303] : memref<10000xi32, #tpu.memory_space<vmem>> -> memref<128xi32, #tpu.memory_space<vmem>>
        %dma_wait3A_311 = arith.constant 0 : i32
        %dma_wait3A_312 = arith.constant 0 : i32
        %dma_wait3A_313 = tpu.memref_slice %arg2[%dma_wait3A_311, %dma_wait3A_312] : memref<10000x32xf32, #tpu.memory_space<hbm>> -> memref<10000x32xf32, #tpu.memory_space<hbm>>
        %dma_wait3A_314 = tpu.memref_slice %arg12[%dma_wait3A_305] : memref<6x!tpu.dma_semaphore, #tpu.memory_space<semaphore_mem>> -> memref<1x!tpu.dma_semaphore, #tpu.memory_space<semaphore_mem>>
        %dma_wait3A_315 = tpu.memref_squeeze %dma_wait3A_314 : memref<1x!tpu.dma_semaphore, #tpu.memory_space<semaphore_mem>> -> memref<!tpu.dma_semaphore, #tpu.memory_space<semaphore_mem>>
        tpu.wait_indirect_dma semaphore(%dma_wait3A_315 : memref<!tpu.dma_semaphore, #tpu.memory_space<semaphore_mem>>) src(%dma_wait3A_313 : memref<10000x32xf32, #tpu.memory_space<hbm>>) dst(%dma_wait3A_309 : memref<128x32xf32, #tpu.memory_space<vmem>>)
        %mul3A_316 = arith.constant 128 : i32
        %mul3A_317 = arith.muli %add3A_163, %mul3A_316 : i32
        %dma_start3A_318 = arith.constant 0 : i32
        %dma_start3A_319 = arith.constant 0 : i32
        %dma_start3A_320 = arith.constant 0 : i32
        %dma_start3A_321 = arith.constant 0 : i32
        %dma_start3A_322 = tpu.memref_slice %arg8[%dma_start3A_318, %dma_start3A_320, %dma_start3A_321] : memref<6x128x32xf32, #tpu.memory_space<vmem>> -> memref<1x128x32xf32, #tpu.memory_space<vmem>>
        %dma_start3A_323 = tpu.memref_squeeze %dma_start3A_322 : memref<1x128x32xf32, #tpu.memory_space<vmem>> -> memref<128x32xf32, #tpu.memory_space<vmem>>
        %dma_start3A_324 = tpu.memref_slice %arg7[%mul3A_317] : memref<10000xi32, #tpu.memory_space<vmem>> -> memref<128xi32, #tpu.memory_space<vmem>>
        %dma_start3A_325 = arith.constant 0 : i32
        %dma_start3A_326 = arith.constant 0 : i32
        %dma_start3A_327 = tpu.memref_slice %arg11[%dma_start3A_325, %dma_start3A_326] : memref<10000x32xf32, #tpu.memory_space<vmem_shared>> -> memref<10000x32xf32, #tpu.memory_space<vmem_shared>>
        %dma_start3A_328 = tpu.memref_slice %arg13[%dma_start3A_319] : memref<6x!tpu.dma_semaphore, #tpu.memory_space<semaphore_mem>> -> memref<1x!tpu.dma_semaphore, #tpu.memory_space<semaphore_mem>>
        %dma_start3A_329 = tpu.memref_squeeze %dma_start3A_328 : memref<1x!tpu.dma_semaphore, #tpu.memory_space<semaphore_mem>> -> memref<!tpu.dma_semaphore, #tpu.memory_space<semaphore_mem>>
        tpu.enqueue_indirect_dma source(%dma_start3A_323 : memref<128x32xf32, #tpu.memory_space<vmem>>) target(%dma_start3A_327 : memref<10000x32xf32, #tpu.memory_space<vmem_shared>>) offsets(%dma_start3A_324 : memref<128xi32, #tpu.memory_space<vmem>>) semaphore(%dma_start3A_329 : memref<!tpu.dma_semaphore, #tpu.memory_space<semaphore_mem>>) {add = true}
      } else {
      }
      %mul3A_182 = arith.constant 6 : i32
      %mul3A_183 = arith.muli %mul3A_182, %scan3A_159 : i32
      %add3A_184 = arith.constant 1 : i32
      %add3A_185 = arith.addi %mul3A_183, %add3A_184 : i32
      %ge3A_186 = arith.constant 3 : i32
      %ge3A_187 = arith.cmpi sge, %add3A_185, %ge3A_186 : i32
      %lt3A_188 = arith.constant 81 : i32
      %lt3A_189 = arith.cmpi slt, %add3A_185, %lt3A_188 : i32
      %and3A_190 = arith.andi %ge3A_187, %lt3A_189 : i1
      %convert_element_type3A_191 = arith.extui %and3A_190 : i1 to i32
      %cond3A_192 = arith.constant 0 : i32
      %cond3A_193 = arith.cmpi ne, %convert_element_type3A_191, %cond3A_192 : i32
      scf.if %cond3A_193 {
        %sub3A = arith.constant 3 : i32
        %sub3A_302 = arith.subi %add3A_185, %sub3A : i32
        %mul3A_303 = arith.constant 128 : i32
        %mul3A_304 = arith.muli %sub3A_302, %mul3A_303 : i32
        %dma_wait3A_305 = arith.constant 4 : i32
        %dma_wait3A_306 = arith.constant 4 : i32
        %dma_wait3A_307 = arith.constant 0 : i32
        %dma_wait3A_308 = arith.constant 0 : i32
        %dma_wait3A_309 = tpu.memref_slice %arg8[%dma_wait3A_305, %dma_wait3A_307, %dma_wait3A_308] : memref<6x128x32xf32, #tpu.memory_space<vmem>> -> memref<1x128x32xf32, #tpu.memory_space<vmem>>
        %dma_wait3A_310 = tpu.memref_squeeze %dma_wait3A_309 : memref<1x128x32xf32, #tpu.memory_space<vmem>> -> memref<128x32xf32, #tpu.memory_space<vmem>>
        %dma_wait3A_311 = tpu.memref_slice %arg7[%mul3A_304] : memref<10000xi32, #tpu.memory_space<vmem>> -> memref<128xi32, #tpu.memory_space<vmem>>
        %dma_wait3A_312 = arith.constant 0 : i32
        %dma_wait3A_313 = arith.constant 0 : i32
        %dma_wait3A_314 = tpu.memref_slice %arg11[%dma_wait3A_312, %dma_wait3A_313] : memref<10000x32xf32, #tpu.memory_space<vmem_shared>> -> memref<10000x32xf32, #tpu.memory_space<vmem_shared>>
        %dma_wait3A_315 = tpu.memref_slice %arg13[%dma_wait3A_306] : memref<6x!tpu.dma_semaphore, #tpu.memory_space<semaphore_mem>> -> memref<1x!tpu.dma_semaphore, #tpu.memory_space<semaphore_mem>>
        %dma_wait3A_316 = tpu.memref_squeeze %dma_wait3A_315 : memref<1x!tpu.dma_semaphore, #tpu.memory_space<semaphore_mem>> -> memref<!tpu.dma_semaphore, #tpu.memory_space<semaphore_mem>>
        tpu.wait_indirect_dma semaphore(%dma_wait3A_316 : memref<!tpu.dma_semaphore, #tpu.memory_space<semaphore_mem>>) src(%dma_wait3A_310 : memref<128x32xf32, #tpu.memory_space<vmem>>) dst(%dma_wait3A_314 : memref<10000x32xf32, #tpu.memory_space<vmem_shared>>)
      } else {
      }
      %add3A_194 = arith.constant 3 : i32
      %add3A_195 = arith.addi %add3A_185, %add3A_194 : i32
      %lt3A_196 = arith.constant 78 : i32
      %lt3A_197 = arith.cmpi slt, %add3A_195, %lt3A_196 : i32
      %convert_element_type3A_198 = arith.extui %lt3A_197 : i1 to i32
      %cond3A_199 = arith.constant 0 : i32
      %cond3A_200 = arith.cmpi ne, %convert_element_type3A_198, %cond3A_199 : i32
      scf.if %cond3A_200 {
        %add3A_302 = arith.constant 3 : i32
        %add3A_303 = arith.addi %add3A_185, %add3A_302 : i32
        %mul3A_304 = arith.constant 128 : i32
        %mul3A_305 = arith.muli %add3A_303, %mul3A_304 : i32
        %dma_start3A_306 = arith.constant 4 : i32
        %dma_start3A_307 = arith.constant 4 : i32
        %dma_start3A_308 = arith.constant 0 : i32
        %dma_start3A_309 = arith.constant 0 : i32
        %dma_start3A_310 = tpu.memref_slice %arg8[%dma_start3A_306, %dma_start3A_308, %dma_start3A_309] : memref<6x128x32xf32, #tpu.memory_space<vmem>> -> memref<1x128x32xf32, #tpu.memory_space<vmem>>
        %dma_start3A_311 = tpu.memref_squeeze %dma_start3A_310 : memref<1x128x32xf32, #tpu.memory_space<vmem>> -> memref<128x32xf32, #tpu.memory_space<vmem>>
        %dma_start3A_312 = tpu.memref_slice %arg6[%mul3A_305] : memref<10000xi32, #tpu.memory_space<vmem>> -> memref<128xi32, #tpu.memory_space<vmem>>
        %dma_start3A_313 = arith.constant 0 : i32
        %dma_start3A_314 = arith.constant 0 : i32
        %dma_start3A_315 = tpu.memref_slice %arg2[%dma_start3A_313, %dma_start3A_314] : memref<10000x32xf32, #tpu.memory_space<hbm>> -> memref<10000x32xf32, #tpu.memory_space<hbm>>
        %dma_start3A_316 = tpu.memref_slice %arg12[%dma_start3A_307] : memref<6x!tpu.dma_semaphore, #tpu.memory_space<semaphore_mem>> -> memref<1x!tpu.dma_semaphore, #tpu.memory_space<semaphore_mem>>
        %dma_start3A_317 = tpu.memref_squeeze %dma_start3A_316 : memref<1x!tpu.dma_semaphore, #tpu.memory_space<semaphore_mem>> -> memref<!tpu.dma_semaphore, #tpu.memory_space<semaphore_mem>>
        tpu.enqueue_indirect_dma source(%dma_start3A_315 : memref<10000x32xf32, #tpu.memory_space<hbm>>) target(%dma_start3A_311 : memref<128x32xf32, #tpu.memory_space<vmem>>) offsets(%dma_start3A_312 : memref<128xi32, #tpu.memory_space<vmem>>) semaphore(%dma_start3A_317 : memref<!tpu.dma_semaphore, #tpu.memory_space<semaphore_mem>>)
      } else {
      }
      %lt3A_201 = arith.constant 78 : i32
      %lt3A_202 = arith.cmpi slt, %add3A_185, %lt3A_201 : i32
      %convert_element_type3A_203 = arith.extui %lt3A_202 : i1 to i32
      %cond3A_204 = arith.constant 0 : i32
      %cond3A_205 = arith.cmpi ne, %convert_element_type3A_203, %cond3A_204 : i32
      scf.if %cond3A_205 {
        %mul3A_302 = arith.constant 128 : i32
        %mul3A_303 = arith.muli %add3A_185, %mul3A_302 : i32
        %dma_wait3A_304 = arith.constant 1 : i32
        %dma_wait3A_305 = arith.constant 1 : i32
        %dma_wait3A_306 = arith.constant 0 : i32
        %dma_wait3A_307 = arith.constant 0 : i32
        %dma_wait3A_308 = tpu.memref_slice %arg8[%dma_wait3A_304, %dma_wait3A_306, %dma_wait3A_307] : memref<6x128x32xf32, #tpu.memory_space<vmem>> -> memref<1x128x32xf32, #tpu.memory_space<vmem>>
        %dma_wait3A_309 = tpu.memref_squeeze %dma_wait3A_308 : memref<1x128x32xf32, #tpu.memory_space<vmem>> -> memref<128x32xf32, #tpu.memory_space<vmem>>
        %dma_wait3A_310 = tpu.memref_slice %arg6[%mul3A_303] : memref<10000xi32, #tpu.memory_space<vmem>> -> memref<128xi32, #tpu.memory_space<vmem>>
        %dma_wait3A_311 = arith.constant 0 : i32
        %dma_wait3A_312 = arith.constant 0 : i32
        %dma_wait3A_313 = tpu.memref_slice %arg2[%dma_wait3A_311, %dma_wait3A_312] : memref<10000x32xf32, #tpu.memory_space<hbm>> -> memref<10000x32xf32, #tpu.memory_space<hbm>>
        %dma_wait3A_314 = tpu.memref_slice %arg12[%dma_wait3A_305] : memref<6x!tpu.dma_semaphore, #tpu.memory_space<semaphore_mem>> -> memref<1x!tpu.dma_semaphore, #tpu.memory_space<semaphore_mem>>
        %dma_wait3A_315 = tpu.memref_squeeze %dma_wait3A_314 : memref<1x!tpu.dma_semaphore, #tpu.memory_space<semaphore_mem>> -> memref<!tpu.dma_semaphore, #tpu.memory_space<semaphore_mem>>
        tpu.wait_indirect_dma semaphore(%dma_wait3A_315 : memref<!tpu.dma_semaphore, #tpu.memory_space<semaphore_mem>>) src(%dma_wait3A_313 : memref<10000x32xf32, #tpu.memory_space<hbm>>) dst(%dma_wait3A_309 : memref<128x32xf32, #tpu.memory_space<vmem>>)
        %mul3A_316 = arith.constant 128 : i32
        %mul3A_317 = arith.muli %add3A_185, %mul3A_316 : i32
        %dma_start3A_318 = arith.constant 1 : i32
        %dma_start3A_319 = arith.constant 1 : i32
        %dma_start3A_320 = arith.constant 0 : i32
        %dma_start3A_321 = arith.constant 0 : i32
        %dma_start3A_322 = tpu.memref_slice %arg8[%dma_start3A_318, %dma_start3A_320, %dma_start3A_321] : memref<6x128x32xf32, #tpu.memory_space<vmem>> -> memref<1x128x32xf32, #tpu.memory_space<vmem>>
        %dma_start3A_323 = tpu.memref_squeeze %dma_start3A_322 : memref<1x128x32xf32, #tpu.memory_space<vmem>> -> memref<128x32xf32, #tpu.memory_space<vmem>>
        %dma_start3A_324 = tpu.memref_slice %arg7[%mul3A_317] : memref<10000xi32, #tpu.memory_space<vmem>> -> memref<128xi32, #tpu.memory_space<vmem>>
        %dma_start3A_325 = arith.constant 0 : i32
        %dma_start3A_326 = arith.constant 0 : i32
        %dma_start3A_327 = tpu.memref_slice %arg11[%dma_start3A_325, %dma_start3A_326] : memref<10000x32xf32, #tpu.memory_space<vmem_shared>> -> memref<10000x32xf32, #tpu.memory_space<vmem_shared>>
        %dma_start3A_328 = tpu.memref_slice %arg13[%dma_start3A_319] : memref<6x!tpu.dma_semaphore, #tpu.memory_space<semaphore_mem>> -> memref<1x!tpu.dma_semaphore, #tpu.memory_space<semaphore_mem>>
        %dma_start3A_329 = tpu.memref_squeeze %dma_start3A_328 : memref<1x!tpu.dma_semaphore, #tpu.memory_space<semaphore_mem>> -> memref<!tpu.dma_semaphore, #tpu.memory_space<semaphore_mem>>
        tpu.enqueue_indirect_dma source(%dma_start3A_323 : memref<128x32xf32, #tpu.memory_space<vmem>>) target(%dma_start3A_327 : memref<10000x32xf32, #tpu.memory_space<vmem_shared>>) offsets(%dma_start3A_324 : memref<128xi32, #tpu.memory_space<vmem>>) semaphore(%dma_start3A_329 : memref<!tpu.dma_semaphore, #tpu.memory_space<semaphore_mem>>) {add = true}
      } else {
      }
      %mul3A_206 = arith.constant 6 : i32
      %mul3A_207 = arith.muli %mul3A_206, %scan3A_159 : i32
      %add3A_208 = arith.constant 2 : i32
      %add3A_209 = arith.addi %mul3A_207, %add3A_208 : i32
      %ge3A_210 = arith.constant 3 : i32
      %ge3A_211 = arith.cmpi sge, %add3A_209, %ge3A_210 : i32
      %lt3A_212 = arith.constant 81 : i32
      %lt3A_213 = arith.cmpi slt, %add3A_209, %lt3A_212 : i32
      %and3A_214 = arith.andi %ge3A_211, %lt3A_213 : i1
      %convert_element_type3A_215 = arith.extui %and3A_214 : i1 to i32
      %cond3A_216 = arith.constant 0 : i32
      %cond3A_217 = arith.cmpi ne, %convert_element_type3A_215, %cond3A_216 : i32
      scf.if %cond3A_217 {
        %sub3A = arith.constant 3 : i32
        %sub3A_302 = arith.subi %add3A_209, %sub3A : i32
        %mul3A_303 = arith.constant 128 : i32
        %mul3A_304 = arith.muli %sub3A_302, %mul3A_303 : i32
        %dma_wait3A_305 = arith.constant 5 : i32
        %dma_wait3A_306 = arith.constant 5 : i32
        %dma_wait3A_307 = arith.constant 0 : i32
        %dma_wait3A_308 = arith.constant 0 : i32
        %dma_wait3A_309 = tpu.memref_slice %arg8[%dma_wait3A_305, %dma_wait3A_307, %dma_wait3A_308] : memref<6x128x32xf32, #tpu.memory_space<vmem>> -> memref<1x128x32xf32, #tpu.memory_space<vmem>>
        %dma_wait3A_310 = tpu.memref_squeeze %dma_wait3A_309 : memref<1x128x32xf32, #tpu.memory_space<vmem>> -> memref<128x32xf32, #tpu.memory_space<vmem>>
        %dma_wait3A_311 = tpu.memref_slice %arg7[%mul3A_304] : memref<10000xi32, #tpu.memory_space<vmem>> -> memref<128xi32, #tpu.memory_space<vmem>>
        %dma_wait3A_312 = arith.constant 0 : i32
        %dma_wait3A_313 = arith.constant 0 : i32
        %dma_wait3A_314 = tpu.memref_slice %arg11[%dma_wait3A_312, %dma_wait3A_313] : memref<10000x32xf32, #tpu.memory_space<vmem_shared>> -> memref<10000x32xf32, #tpu.memory_space<vmem_shared>>
        %dma_wait3A_315 = tpu.memref_slice %arg13[%dma_wait3A_306] : memref<6x!tpu.dma_semaphore, #tpu.memory_space<semaphore_mem>> -> memref<1x!tpu.dma_semaphore, #tpu.memory_space<semaphore_mem>>
        %dma_wait3A_316 = tpu.memref_squeeze %dma_wait3A_315 : memref<1x!tpu.dma_semaphore, #tpu.memory_space<semaphore_mem>> -> memref<!tpu.dma_semaphore, #tpu.memory_space<semaphore_mem>>
        tpu.wait_indirect_dma semaphore(%dma_wait3A_316 : memref<!tpu.dma_semaphore, #tpu.memory_space<semaphore_mem>>) src(%dma_wait3A_310 : memref<128x32xf32, #tpu.memory_space<vmem>>) dst(%dma_wait3A_314 : memref<10000x32xf32, #tpu.memory_space<vmem_shared>>)
      } else {
      }
      %add3A_218 = arith.constant 3 : i32
      %add3A_219 = arith.addi %add3A_209, %add3A_218 : i32
      %lt3A_220 = arith.constant 78 : i32
      %lt3A_221 = arith.cmpi slt, %add3A_219, %lt3A_220 : i32
      %convert_element_type3A_222 = arith.extui %lt3A_221 : i1 to i32
      %cond3A_223 = arith.constant 0 : i32
      %cond3A_224 = arith.cmpi ne, %convert_element_type3A_222, %cond3A_223 : i32
      scf.if %cond3A_224 {
        %add3A_302 = arith.constant 3 : i32
        %add3A_303 = arith.addi %add3A_209, %add3A_302 : i32
        %mul3A_304 = arith.constant 128 : i32
        %mul3A_305 = arith.muli %add3A_303, %mul3A_304 : i32
        %dma_start3A_306 = arith.constant 5 : i32
        %dma_start3A_307 = arith.constant 5 : i32
        %dma_start3A_308 = arith.constant 0 : i32
        %dma_start3A_309 = arith.constant 0 : i32
        %dma_start3A_310 = tpu.memref_slice %arg8[%dma_start3A_306, %dma_start3A_308, %dma_start3A_309] : memref<6x128x32xf32, #tpu.memory_space<vmem>> -> memref<1x128x32xf32, #tpu.memory_space<vmem>>
        %dma_start3A_311 = tpu.memref_squeeze %dma_start3A_310 : memref<1x128x32xf32, #tpu.memory_space<vmem>> -> memref<128x32xf32, #tpu.memory_space<vmem>>
        %dma_start3A_312 = tpu.memref_slice %arg6[%mul3A_305] : memref<10000xi32, #tpu.memory_space<vmem>> -> memref<128xi32, #tpu.memory_space<vmem>>
        %dma_start3A_313 = arith.constant 0 : i32
        %dma_start3A_314 = arith.constant 0 : i32
        %dma_start3A_315 = tpu.memref_slice %arg2[%dma_start3A_313, %dma_start3A_314] : memref<10000x32xf32, #tpu.memory_space<hbm>> -> memref<10000x32xf32, #tpu.memory_space<hbm>>
        %dma_start3A_316 = tpu.memref_slice %arg12[%dma_start3A_307] : memref<6x!tpu.dma_semaphore, #tpu.memory_space<semaphore_mem>> -> memref<1x!tpu.dma_semaphore, #tpu.memory_space<semaphore_mem>>
        %dma_start3A_317 = tpu.memref_squeeze %dma_start3A_316 : memref<1x!tpu.dma_semaphore, #tpu.memory_space<semaphore_mem>> -> memref<!tpu.dma_semaphore, #tpu.memory_space<semaphore_mem>>
        tpu.enqueue_indirect_dma source(%dma_start3A_315 : memref<10000x32xf32, #tpu.memory_space<hbm>>) target(%dma_start3A_311 : memref<128x32xf32, #tpu.memory_space<vmem>>) offsets(%dma_start3A_312 : memref<128xi32, #tpu.memory_space<vmem>>) semaphore(%dma_start3A_317 : memref<!tpu.dma_semaphore, #tpu.memory_space<semaphore_mem>>)
      } else {
      }
      %lt3A_225 = arith.constant 78 : i32
      %lt3A_226 = arith.cmpi slt, %add3A_209, %lt3A_225 : i32
      %convert_element_type3A_227 = arith.extui %lt3A_226 : i1 to i32
      %cond3A_228 = arith.constant 0 : i32
      %cond3A_229 = arith.cmpi ne, %convert_element_type3A_227, %cond3A_228 : i32
      scf.if %cond3A_229 {
        %mul3A_302 = arith.constant 128 : i32
        %mul3A_303 = arith.muli %add3A_209, %mul3A_302 : i32
        %dma_wait3A_304 = arith.constant 2 : i32
        %dma_wait3A_305 = arith.constant 2 : i32
        %dma_wait3A_306 = arith.constant 0 : i32
        %dma_wait3A_307 = arith.constant 0 : i32
        %dma_wait3A_308 = tpu.memref_slice %arg8[%dma_wait3A_304, %dma_wait3A_306, %dma_wait3A_307] : memref<6x128x32xf32, #tpu.memory_space<vmem>> -> memref<1x128x32xf32, #tpu.memory_space<vmem>>
        %dma_wait3A_309 = tpu.memref_squeeze %dma_wait3A_308 : memref<1x128x32xf32, #tpu.memory_space<vmem>> -> memref<128x32xf32, #tpu.memory_space<vmem>>
        %dma_wait3A_310 = tpu.memref_slice %arg6[%mul3A_303] : memref<10000xi32, #tpu.memory_space<vmem>> -> memref<128xi32, #tpu.memory_space<vmem>>
        %dma_wait3A_311 = arith.constant 0 : i32
        %dma_wait3A_312 = arith.constant 0 : i32
        %dma_wait3A_313 = tpu.memref_slice %arg2[%dma_wait3A_311, %dma_wait3A_312] : memref<10000x32xf32, #tpu.memory_space<hbm>> -> memref<10000x32xf32, #tpu.memory_space<hbm>>
        %dma_wait3A_314 = tpu.memref_slice %arg12[%dma_wait3A_305] : memref<6x!tpu.dma_semaphore, #tpu.memory_space<semaphore_mem>> -> memref<1x!tpu.dma_semaphore, #tpu.memory_space<semaphore_mem>>
        %dma_wait3A_315 = tpu.memref_squeeze %dma_wait3A_314 : memref<1x!tpu.dma_semaphore, #tpu.memory_space<semaphore_mem>> -> memref<!tpu.dma_semaphore, #tpu.memory_space<semaphore_mem>>
        tpu.wait_indirect_dma semaphore(%dma_wait3A_315 : memref<!tpu.dma_semaphore, #tpu.memory_space<semaphore_mem>>) src(%dma_wait3A_313 : memref<10000x32xf32, #tpu.memory_space<hbm>>) dst(%dma_wait3A_309 : memref<128x32xf32, #tpu.memory_space<vmem>>)
        %mul3A_316 = arith.constant 128 : i32
        %mul3A_317 = arith.muli %add3A_209, %mul3A_316 : i32
        %dma_start3A_318 = arith.constant 2 : i32
        %dma_start3A_319 = arith.constant 2 : i32
        %dma_start3A_320 = arith.constant 0 : i32
        %dma_start3A_321 = arith.constant 0 : i32
        %dma_start3A_322 = tpu.memref_slice %arg8[%dma_start3A_318, %dma_start3A_320, %dma_start3A_321] : memref<6x128x32xf32, #tpu.memory_space<vmem>> -> memref<1x128x32xf32, #tpu.memory_space<vmem>>
        %dma_start3A_323 = tpu.memref_squeeze %dma_start3A_322 : memref<1x128x32xf32, #tpu.memory_space<vmem>> -> memref<128x32xf32, #tpu.memory_space<vmem>>
        %dma_start3A_324 = tpu.memref_slice %arg7[%mul3A_317] : memref<10000xi32, #tpu.memory_space<vmem>> -> memref<128xi32, #tpu.memory_space<vmem>>
        %dma_start3A_325 = arith.constant 0 : i32
        %dma_start3A_326 = arith.constant 0 : i32
        %dma_start3A_327 = tpu.memref_slice %arg11[%dma_start3A_325, %dma_start3A_326] : memref<10000x32xf32, #tpu.memory_space<vmem_shared>> -> memref<10000x32xf32, #tpu.memory_space<vmem_shared>>
        %dma_start3A_328 = tpu.memref_slice %arg13[%dma_start3A_319] : memref<6x!tpu.dma_semaphore, #tpu.memory_space<semaphore_mem>> -> memref<1x!tpu.dma_semaphore, #tpu.memory_space<semaphore_mem>>
        %dma_start3A_329 = tpu.memref_squeeze %dma_start3A_328 : memref<1x!tpu.dma_semaphore, #tpu.memory_space<semaphore_mem>> -> memref<!tpu.dma_semaphore, #tpu.memory_space<semaphore_mem>>
        tpu.enqueue_indirect_dma source(%dma_start3A_323 : memref<128x32xf32, #tpu.memory_space<vmem>>) target(%dma_start3A_327 : memref<10000x32xf32, #tpu.memory_space<vmem_shared>>) offsets(%dma_start3A_324 : memref<128xi32, #tpu.memory_space<vmem>>) semaphore(%dma_start3A_329 : memref<!tpu.dma_semaphore, #tpu.memory_space<semaphore_mem>>) {add = true}
      } else {
      }
      %mul3A_230 = arith.constant 6 : i32
      %mul3A_231 = arith.muli %mul3A_230, %scan3A_159 : i32
      %add3A_232 = arith.constant 3 : i32
      %add3A_233 = arith.addi %mul3A_231, %add3A_232 : i32
      %ge3A_234 = arith.constant 3 : i32
      %ge3A_235 = arith.cmpi sge, %add3A_233, %ge3A_234 : i32
      %lt3A_236 = arith.constant 81 : i32
      %lt3A_237 = arith.cmpi slt, %add3A_233, %lt3A_236 : i32
      %and3A_238 = arith.andi %ge3A_235, %lt3A_237 : i1
      %convert_element_type3A_239 = arith.extui %and3A_238 : i1 to i32
      %cond3A_240 = arith.constant 0 : i32
      %cond3A_241 = arith.cmpi ne, %convert_element_type3A_239, %cond3A_240 : i32
      scf.if %cond3A_241 {
        %sub3A = arith.constant 3 : i32
        %sub3A_302 = arith.subi %add3A_233, %sub3A : i32
        %mul3A_303 = arith.constant 128 : i32
        %mul3A_304 = arith.muli %sub3A_302, %mul3A_303 : i32
        %dma_wait3A_305 = arith.constant 0 : i32
        %dma_wait3A_306 = arith.constant 0 : i32
        %dma_wait3A_307 = arith.constant 0 : i32
        %dma_wait3A_308 = arith.constant 0 : i32
        %dma_wait3A_309 = tpu.memref_slice %arg8[%dma_wait3A_305, %dma_wait3A_307, %dma_wait3A_308] : memref<6x128x32xf32, #tpu.memory_space<vmem>> -> memref<1x128x32xf32, #tpu.memory_space<vmem>>
        %dma_wait3A_310 = tpu.memref_squeeze %dma_wait3A_309 : memref<1x128x32xf32, #tpu.memory_space<vmem>> -> memref<128x32xf32, #tpu.memory_space<vmem>>
        %dma_wait3A_311 = tpu.memref_slice %arg7[%mul3A_304] : memref<10000xi32, #tpu.memory_space<vmem>> -> memref<128xi32, #tpu.memory_space<vmem>>
        %dma_wait3A_312 = arith.constant 0 : i32
        %dma_wait3A_313 = arith.constant 0 : i32
        %dma_wait3A_314 = tpu.memref_slice %arg11[%dma_wait3A_312, %dma_wait3A_313] : memref<10000x32xf32, #tpu.memory_space<vmem_shared>> -> memref<10000x32xf32, #tpu.memory_space<vmem_shared>>
        %dma_wait3A_315 = tpu.memref_slice %arg13[%dma_wait3A_306] : memref<6x!tpu.dma_semaphore, #tpu.memory_space<semaphore_mem>> -> memref<1x!tpu.dma_semaphore, #tpu.memory_space<semaphore_mem>>
        %dma_wait3A_316 = tpu.memref_squeeze %dma_wait3A_315 : memref<1x!tpu.dma_semaphore, #tpu.memory_space<semaphore_mem>> -> memref<!tpu.dma_semaphore, #tpu.memory_space<semaphore_mem>>
        tpu.wait_indirect_dma semaphore(%dma_wait3A_316 : memref<!tpu.dma_semaphore, #tpu.memory_space<semaphore_mem>>) src(%dma_wait3A_310 : memref<128x32xf32, #tpu.memory_space<vmem>>) dst(%dma_wait3A_314 : memref<10000x32xf32, #tpu.memory_space<vmem_shared>>)
      } else {
      }
      %add3A_242 = arith.constant 3 : i32
      %add3A_243 = arith.addi %add3A_233, %add3A_242 : i32
      %lt3A_244 = arith.constant 78 : i32
      %lt3A_245 = arith.cmpi slt, %add3A_243, %lt3A_244 : i32
      %convert_element_type3A_246 = arith.extui %lt3A_245 : i1 to i32
      %cond3A_247 = arith.constant 0 : i32
      %cond3A_248 = arith.cmpi ne, %convert_element_type3A_246, %cond3A_247 : i32
      scf.if %cond3A_248 {
        %add3A_302 = arith.constant 3 : i32
        %add3A_303 = arith.addi %add3A_233, %add3A_302 : i32
        %mul3A_304 = arith.constant 128 : i32
        %mul3A_305 = arith.muli %add3A_303, %mul3A_304 : i32
        %dma_start3A_306 = arith.constant 0 : i32
        %dma_start3A_307 = arith.constant 0 : i32
        %dma_start3A_308 = arith.constant 0 : i32
        %dma_start3A_309 = arith.constant 0 : i32
        %dma_start3A_310 = tpu.memref_slice %arg8[%dma_start3A_306, %dma_start3A_308, %dma_start3A_309] : memref<6x128x32xf32, #tpu.memory_space<vmem>> -> memref<1x128x32xf32, #tpu.memory_space<vmem>>
        %dma_start3A_311 = tpu.memref_squeeze %dma_start3A_310 : memref<1x128x32xf32, #tpu.memory_space<vmem>> -> memref<128x32xf32, #tpu.memory_space<vmem>>
        %dma_start3A_312 = tpu.memref_slice %arg6[%mul3A_305] : memref<10000xi32, #tpu.memory_space<vmem>> -> memref<128xi32, #tpu.memory_space<vmem>>
        %dma_start3A_313 = arith.constant 0 : i32
        %dma_start3A_314 = arith.constant 0 : i32
        %dma_start3A_315 = tpu.memref_slice %arg2[%dma_start3A_313, %dma_start3A_314] : memref<10000x32xf32, #tpu.memory_space<hbm>> -> memref<10000x32xf32, #tpu.memory_space<hbm>>
        %dma_start3A_316 = tpu.memref_slice %arg12[%dma_start3A_307] : memref<6x!tpu.dma_semaphore, #tpu.memory_space<semaphore_mem>> -> memref<1x!tpu.dma_semaphore, #tpu.memory_space<semaphore_mem>>
        %dma_start3A_317 = tpu.memref_squeeze %dma_start3A_316 : memref<1x!tpu.dma_semaphore, #tpu.memory_space<semaphore_mem>> -> memref<!tpu.dma_semaphore, #tpu.memory_space<semaphore_mem>>
        tpu.enqueue_indirect_dma source(%dma_start3A_315 : memref<10000x32xf32, #tpu.memory_space<hbm>>) target(%dma_start3A_311 : memref<128x32xf32, #tpu.memory_space<vmem>>) offsets(%dma_start3A_312 : memref<128xi32, #tpu.memory_space<vmem>>) semaphore(%dma_start3A_317 : memref<!tpu.dma_semaphore, #tpu.memory_space<semaphore_mem>>)
      } else {
      }
      %lt3A_249 = arith.constant 78 : i32
      %lt3A_250 = arith.cmpi slt, %add3A_233, %lt3A_249 : i32
      %convert_element_type3A_251 = arith.extui %lt3A_250 : i1 to i32
      %cond3A_252 = arith.constant 0 : i32
      %cond3A_253 = arith.cmpi ne, %convert_element_type3A_251, %cond3A_252 : i32
      scf.if %cond3A_253 {
        %mul3A_302 = arith.constant 128 : i32
        %mul3A_303 = arith.muli %add3A_233, %mul3A_302 : i32
        %dma_wait3A_304 = arith.constant 3 : i32
        %dma_wait3A_305 = arith.constant 3 : i32
        %dma_wait3A_306 = arith.constant 0 : i32
        %dma_wait3A_307 = arith.constant 0 : i32
        %dma_wait3A_308 = tpu.memref_slice %arg8[%dma_wait3A_304, %dma_wait3A_306, %dma_wait3A_307] : memref<6x128x32xf32, #tpu.memory_space<vmem>> -> memref<1x128x32xf32, #tpu.memory_space<vmem>>
        %dma_wait3A_309 = tpu.memref_squeeze %dma_wait3A_308 : memref<1x128x32xf32, #tpu.memory_space<vmem>> -> memref<128x32xf32, #tpu.memory_space<vmem>>
        %dma_wait3A_310 = tpu.memref_slice %arg6[%mul3A_303] : memref<10000xi32, #tpu.memory_space<vmem>> -> memref<128xi32, #tpu.memory_space<vmem>>
        %dma_wait3A_311 = arith.constant 0 : i32
        %dma_wait3A_312 = arith.constant 0 : i32
        %dma_wait3A_313 = tpu.memref_slice %arg2[%dma_wait3A_311, %dma_wait3A_312] : memref<10000x32xf32, #tpu.memory_space<hbm>> -> memref<10000x32xf32, #tpu.memory_space<hbm>>
        %dma_wait3A_314 = tpu.memref_slice %arg12[%dma_wait3A_305] : memref<6x!tpu.dma_semaphore, #tpu.memory_space<semaphore_mem>> -> memref<1x!tpu.dma_semaphore, #tpu.memory_space<semaphore_mem>>
        %dma_wait3A_315 = tpu.memref_squeeze %dma_wait3A_314 : memref<1x!tpu.dma_semaphore, #tpu.memory_space<semaphore_mem>> -> memref<!tpu.dma_semaphore, #tpu.memory_space<semaphore_mem>>
        tpu.wait_indirect_dma semaphore(%dma_wait3A_315 : memref<!tpu.dma_semaphore, #tpu.memory_space<semaphore_mem>>) src(%dma_wait3A_313 : memref<10000x32xf32, #tpu.memory_space<hbm>>) dst(%dma_wait3A_309 : memref<128x32xf32, #tpu.memory_space<vmem>>)
        %mul3A_316 = arith.constant 128 : i32
        %mul3A_317 = arith.muli %add3A_233, %mul3A_316 : i32
        %dma_start3A_318 = arith.constant 3 : i32
        %dma_start3A_319 = arith.constant 3 : i32
        %dma_start3A_320 = arith.constant 0 : i32
        %dma_start3A_321 = arith.constant 0 : i32
        %dma_start3A_322 = tpu.memref_slice %arg8[%dma_start3A_318, %dma_start3A_320, %dma_start3A_321] : memref<6x128x32xf32, #tpu.memory_space<vmem>> -> memref<1x128x32xf32, #tpu.memory_space<vmem>>
        %dma_start3A_323 = tpu.memref_squeeze %dma_start3A_322 : memref<1x128x32xf32, #tpu.memory_space<vmem>> -> memref<128x32xf32, #tpu.memory_space<vmem>>
        %dma_start3A_324 = tpu.memref_slice %arg7[%mul3A_317] : memref<10000xi32, #tpu.memory_space<vmem>> -> memref<128xi32, #tpu.memory_space<vmem>>
        %dma_start3A_325 = arith.constant 0 : i32
        %dma_start3A_326 = arith.constant 0 : i32
        %dma_start3A_327 = tpu.memref_slice %arg11[%dma_start3A_325, %dma_start3A_326] : memref<10000x32xf32, #tpu.memory_space<vmem_shared>> -> memref<10000x32xf32, #tpu.memory_space<vmem_shared>>
        %dma_start3A_328 = tpu.memref_slice %arg13[%dma_start3A_319] : memref<6x!tpu.dma_semaphore, #tpu.memory_space<semaphore_mem>> -> memref<1x!tpu.dma_semaphore, #tpu.memory_space<semaphore_mem>>
        %dma_start3A_329 = tpu.memref_squeeze %dma_start3A_328 : memref<1x!tpu.dma_semaphore, #tpu.memory_space<semaphore_mem>> -> memref<!tpu.dma_semaphore, #tpu.memory_space<semaphore_mem>>
        tpu.enqueue_indirect_dma source(%dma_start3A_323 : memref<128x32xf32, #tpu.memory_space<vmem>>) target(%dma_start3A_327 : memref<10000x32xf32, #tpu.memory_space<vmem_shared>>) offsets(%dma_start3A_324 : memref<128xi32, #tpu.memory_space<vmem>>) semaphore(%dma_start3A_329 : memref<!tpu.dma_semaphore, #tpu.memory_space<semaphore_mem>>) {add = true}
      } else {
      }
      %mul3A_254 = arith.constant 6 : i32
      %mul3A_255 = arith.muli %mul3A_254, %scan3A_159 : i32
      %add3A_256 = arith.constant 4 : i32
      %add3A_257 = arith.addi %mul3A_255, %add3A_256 : i32
      %ge3A_258 = arith.constant 3 : i32
      %ge3A_259 = arith.cmpi sge, %add3A_257, %ge3A_258 : i32
      %lt3A_260 = arith.constant 81 : i32
      %lt3A_261 = arith.cmpi slt, %add3A_257, %lt3A_260 : i32
      %and3A_262 = arith.andi %ge3A_259, %lt3A_261 : i1
      %convert_element_type3A_263 = arith.extui %and3A_262 : i1 to i32
      %cond3A_264 = arith.constant 0 : i32
      %cond3A_265 = arith.cmpi ne, %convert_element_type3A_263, %cond3A_264 : i32
      scf.if %cond3A_265 {
        %sub3A = arith.constant 3 : i32
        %sub3A_302 = arith.subi %add3A_257, %sub3A : i32
        %mul3A_303 = arith.constant 128 : i32
        %mul3A_304 = arith.muli %sub3A_302, %mul3A_303 : i32
        %dma_wait3A_305 = arith.constant 1 : i32
        %dma_wait3A_306 = arith.constant 1 : i32
        %dma_wait3A_307 = arith.constant 0 : i32
        %dma_wait3A_308 = arith.constant 0 : i32
        %dma_wait3A_309 = tpu.memref_slice %arg8[%dma_wait3A_305, %dma_wait3A_307, %dma_wait3A_308] : memref<6x128x32xf32, #tpu.memory_space<vmem>> -> memref<1x128x32xf32, #tpu.memory_space<vmem>>
        %dma_wait3A_310 = tpu.memref_squeeze %dma_wait3A_309 : memref<1x128x32xf32, #tpu.memory_space<vmem>> -> memref<128x32xf32, #tpu.memory_space<vmem>>
        %dma_wait3A_311 = tpu.memref_slice %arg7[%mul3A_304] : memref<10000xi32, #tpu.memory_space<vmem>> -> memref<128xi32, #tpu.memory_space<vmem>>
        %dma_wait3A_312 = arith.constant 0 : i32
        %dma_wait3A_313 = arith.constant 0 : i32
        %dma_wait3A_314 = tpu.memref_slice %arg11[%dma_wait3A_312, %dma_wait3A_313] : memref<10000x32xf32, #tpu.memory_space<vmem_shared>> -> memref<10000x32xf32, #tpu.memory_space<vmem_shared>>
        %dma_wait3A_315 = tpu.memref_slice %arg13[%dma_wait3A_306] : memref<6x!tpu.dma_semaphore, #tpu.memory_space<semaphore_mem>> -> memref<1x!tpu.dma_semaphore, #tpu.memory_space<semaphore_mem>>
        %dma_wait3A_316 = tpu.memref_squeeze %dma_wait3A_315 : memref<1x!tpu.dma_semaphore, #tpu.memory_space<semaphore_mem>> -> memref<!tpu.dma_semaphore, #tpu.memory_space<semaphore_mem>>
        tpu.wait_indirect_dma semaphore(%dma_wait3A_316 : memref<!tpu.dma_semaphore, #tpu.memory_space<semaphore_mem>>) src(%dma_wait3A_310 : memref<128x32xf32, #tpu.memory_space<vmem>>) dst(%dma_wait3A_314 : memref<10000x32xf32, #tpu.memory_space<vmem_shared>>)
      } else {
      }
      %add3A_266 = arith.constant 3 : i32
      %add3A_267 = arith.addi %add3A_257, %add3A_266 : i32
      %lt3A_268 = arith.constant 78 : i32
      %lt3A_269 = arith.cmpi slt, %add3A_267, %lt3A_268 : i32
      %convert_element_type3A_270 = arith.extui %lt3A_269 : i1 to i32
      %cond3A_271 = arith.constant 0 : i32
      %cond3A_272 = arith.cmpi ne, %convert_element_type3A_270, %cond3A_271 : i32
      scf.if %cond3A_272 {
        %add3A_302 = arith.constant 3 : i32
        %add3A_303 = arith.addi %add3A_257, %add3A_302 : i32
        %mul3A_304 = arith.constant 128 : i32
        %mul3A_305 = arith.muli %add3A_303, %mul3A_304 : i32
        %dma_start3A_306 = arith.constant 1 : i32
        %dma_start3A_307 = arith.constant 1 : i32
        %dma_start3A_308 = arith.constant 0 : i32
        %dma_start3A_309 = arith.constant 0 : i32
        %dma_start3A_310 = tpu.memref_slice %arg8[%dma_start3A_306, %dma_start3A_308, %dma_start3A_309] : memref<6x128x32xf32, #tpu.memory_space<vmem>> -> memref<1x128x32xf32, #tpu.memory_space<vmem>>
        %dma_start3A_311 = tpu.memref_squeeze %dma_start3A_310 : memref<1x128x32xf32, #tpu.memory_space<vmem>> -> memref<128x32xf32, #tpu.memory_space<vmem>>
        %dma_start3A_312 = tpu.memref_slice %arg6[%mul3A_305] : memref<10000xi32, #tpu.memory_space<vmem>> -> memref<128xi32, #tpu.memory_space<vmem>>
        %dma_start3A_313 = arith.constant 0 : i32
        %dma_start3A_314 = arith.constant 0 : i32
        %dma_start3A_315 = tpu.memref_slice %arg2[%dma_start3A_313, %dma_start3A_314] : memref<10000x32xf32, #tpu.memory_space<hbm>> -> memref<10000x32xf32, #tpu.memory_space<hbm>>
        %dma_start3A_316 = tpu.memref_slice %arg12[%dma_start3A_307] : memref<6x!tpu.dma_semaphore, #tpu.memory_space<semaphore_mem>> -> memref<1x!tpu.dma_semaphore, #tpu.memory_space<semaphore_mem>>
        %dma_start3A_317 = tpu.memref_squeeze %dma_start3A_316 : memref<1x!tpu.dma_semaphore, #tpu.memory_space<semaphore_mem>> -> memref<!tpu.dma_semaphore, #tpu.memory_space<semaphore_mem>>
        tpu.enqueue_indirect_dma source(%dma_start3A_315 : memref<10000x32xf32, #tpu.memory_space<hbm>>) target(%dma_start3A_311 : memref<128x32xf32, #tpu.memory_space<vmem>>) offsets(%dma_start3A_312 : memref<128xi32, #tpu.memory_space<vmem>>) semaphore(%dma_start3A_317 : memref<!tpu.dma_semaphore, #tpu.memory_space<semaphore_mem>>)
      } else {
      }
      %lt3A_273 = arith.constant 78 : i32
      %lt3A_274 = arith.cmpi slt, %add3A_257, %lt3A_273 : i32
      %convert_element_type3A_275 = arith.extui %lt3A_274 : i1 to i32
      %cond3A_276 = arith.constant 0 : i32
      %cond3A_277 = arith.cmpi ne, %convert_element_type3A_275, %cond3A_276 : i32
      scf.if %cond3A_277 {
        %mul3A_302 = arith.constant 128 : i32
        %mul3A_303 = arith.muli %add3A_257, %mul3A_302 : i32
        %dma_wait3A_304 = arith.constant 4 : i32
        %dma_wait3A_305 = arith.constant 4 : i32
        %dma_wait3A_306 = arith.constant 0 : i32
        %dma_wait3A_307 = arith.constant 0 : i32
        %dma_wait3A_308 = tpu.memref_slice %arg8[%dma_wait3A_304, %dma_wait3A_306, %dma_wait3A_307] : memref<6x128x32xf32, #tpu.memory_space<vmem>> -> memref<1x128x32xf32, #tpu.memory_space<vmem>>
        %dma_wait3A_309 = tpu.memref_squeeze %dma_wait3A_308 : memref<1x128x32xf32, #tpu.memory_space<vmem>> -> memref<128x32xf32, #tpu.memory_space<vmem>>
        %dma_wait3A_310 = tpu.memref_slice %arg6[%mul3A_303] : memref<10000xi32, #tpu.memory_space<vmem>> -> memref<128xi32, #tpu.memory_space<vmem>>
        %dma_wait3A_311 = arith.constant 0 : i32
        %dma_wait3A_312 = arith.constant 0 : i32
        %dma_wait3A_313 = tpu.memref_slice %arg2[%dma_wait3A_311, %dma_wait3A_312] : memref<10000x32xf32, #tpu.memory_space<hbm>> -> memref<10000x32xf32, #tpu.memory_space<hbm>>
        %dma_wait3A_314 = tpu.memref_slice %arg12[%dma_wait3A_305] : memref<6x!tpu.dma_semaphore, #tpu.memory_space<semaphore_mem>> -> memref<1x!tpu.dma_semaphore, #tpu.memory_space<semaphore_mem>>
        %dma_wait3A_315 = tpu.memref_squeeze %dma_wait3A_314 : memref<1x!tpu.dma_semaphore, #tpu.memory_space<semaphore_mem>> -> memref<!tpu.dma_semaphore, #tpu.memory_space<semaphore_mem>>
        tpu.wait_indirect_dma semaphore(%dma_wait3A_315 : memref<!tpu.dma_semaphore, #tpu.memory_space<semaphore_mem>>) src(%dma_wait3A_313 : memref<10000x32xf32, #tpu.memory_space<hbm>>) dst(%dma_wait3A_309 : memref<128x32xf32, #tpu.memory_space<vmem>>)
        %mul3A_316 = arith.constant 128 : i32
        %mul3A_317 = arith.muli %add3A_257, %mul3A_316 : i32
        %dma_start3A_318 = arith.constant 4 : i32
        %dma_start3A_319 = arith.constant 4 : i32
        %dma_start3A_320 = arith.constant 0 : i32
        %dma_start3A_321 = arith.constant 0 : i32
        %dma_start3A_322 = tpu.memref_slice %arg8[%dma_start3A_318, %dma_start3A_320, %dma_start3A_321] : memref<6x128x32xf32, #tpu.memory_space<vmem>> -> memref<1x128x32xf32, #tpu.memory_space<vmem>>
        %dma_start3A_323 = tpu.memref_squeeze %dma_start3A_322 : memref<1x128x32xf32, #tpu.memory_space<vmem>> -> memref<128x32xf32, #tpu.memory_space<vmem>>
        %dma_start3A_324 = tpu.memref_slice %arg7[%mul3A_317] : memref<10000xi32, #tpu.memory_space<vmem>> -> memref<128xi32, #tpu.memory_space<vmem>>
        %dma_start3A_325 = arith.constant 0 : i32
        %dma_start3A_326 = arith.constant 0 : i32
        %dma_start3A_327 = tpu.memref_slice %arg11[%dma_start3A_325, %dma_start3A_326] : memref<10000x32xf32, #tpu.memory_space<vmem_shared>> -> memref<10000x32xf32, #tpu.memory_space<vmem_shared>>
        %dma_start3A_328 = tpu.memref_slice %arg13[%dma_start3A_319] : memref<6x!tpu.dma_semaphore, #tpu.memory_space<semaphore_mem>> -> memref<1x!tpu.dma_semaphore, #tpu.memory_space<semaphore_mem>>
        %dma_start3A_329 = tpu.memref_squeeze %dma_start3A_328 : memref<1x!tpu.dma_semaphore, #tpu.memory_space<semaphore_mem>> -> memref<!tpu.dma_semaphore, #tpu.memory_space<semaphore_mem>>
        tpu.enqueue_indirect_dma source(%dma_start3A_323 : memref<128x32xf32, #tpu.memory_space<vmem>>) target(%dma_start3A_327 : memref<10000x32xf32, #tpu.memory_space<vmem_shared>>) offsets(%dma_start3A_324 : memref<128xi32, #tpu.memory_space<vmem>>) semaphore(%dma_start3A_329 : memref<!tpu.dma_semaphore, #tpu.memory_space<semaphore_mem>>) {add = true}
      } else {
      }
      %mul3A_278 = arith.constant 6 : i32
      %mul3A_279 = arith.muli %mul3A_278, %scan3A_159 : i32
      %add3A_280 = arith.constant 5 : i32
      %add3A_281 = arith.addi %mul3A_279, %add3A_280 : i32
      %ge3A_282 = arith.constant 3 : i32
      %ge3A_283 = arith.cmpi sge, %add3A_281, %ge3A_282 : i32
      %lt3A_284 = arith.constant 81 : i32
      %lt3A_285 = arith.cmpi slt, %add3A_281, %lt3A_284 : i32
      %and3A_286 = arith.andi %ge3A_283, %lt3A_285 : i1
      %convert_element_type3A_287 = arith.extui %and3A_286 : i1 to i32
      %cond3A_288 = arith.constant 0 : i32
      %cond3A_289 = arith.cmpi ne, %convert_element_type3A_287, %cond3A_288 : i32
      scf.if %cond3A_289 {
        %sub3A = arith.constant 3 : i32
        %sub3A_302 = arith.subi %add3A_281, %sub3A : i32
        %mul3A_303 = arith.constant 128 : i32
        %mul3A_304 = arith.muli %sub3A_302, %mul3A_303 : i32
        %dma_wait3A_305 = arith.constant 2 : i32
        %dma_wait3A_306 = arith.constant 2 : i32
        %dma_wait3A_307 = arith.constant 0 : i32
        %dma_wait3A_308 = arith.constant 0 : i32
        %dma_wait3A_309 = tpu.memref_slice %arg8[%dma_wait3A_305, %dma_wait3A_307, %dma_wait3A_308] : memref<6x128x32xf32, #tpu.memory_space<vmem>> -> memref<1x128x32xf32, #tpu.memory_space<vmem>>
        %dma_wait3A_310 = tpu.memref_squeeze %dma_wait3A_309 : memref<1x128x32xf32, #tpu.memory_space<vmem>> -> memref<128x32xf32, #tpu.memory_space<vmem>>
        %dma_wait3A_311 = tpu.memref_slice %arg7[%mul3A_304] : memref<10000xi32, #tpu.memory_space<vmem>> -> memref<128xi32, #tpu.memory_space<vmem>>
        %dma_wait3A_312 = arith.constant 0 : i32
        %dma_wait3A_313 = arith.constant 0 : i32
        %dma_wait3A_314 = tpu.memref_slice %arg11[%dma_wait3A_312, %dma_wait3A_313] : memref<10000x32xf32, #tpu.memory_space<vmem_shared>> -> memref<10000x32xf32, #tpu.memory_space<vmem_shared>>
        %dma_wait3A_315 = tpu.memref_slice %arg13[%dma_wait3A_306] : memref<6x!tpu.dma_semaphore, #tpu.memory_space<semaphore_mem>> -> memref<1x!tpu.dma_semaphore, #tpu.memory_space<semaphore_mem>>
        %dma_wait3A_316 = tpu.memref_squeeze %dma_wait3A_315 : memref<1x!tpu.dma_semaphore, #tpu.memory_space<semaphore_mem>> -> memref<!tpu.dma_semaphore, #tpu.memory_space<semaphore_mem>>
        tpu.wait_indirect_dma semaphore(%dma_wait3A_316 : memref<!tpu.dma_semaphore, #tpu.memory_space<semaphore_mem>>) src(%dma_wait3A_310 : memref<128x32xf32, #tpu.memory_space<vmem>>) dst(%dma_wait3A_314 : memref<10000x32xf32, #tpu.memory_space<vmem_shared>>)
      } else {
      }
      %add3A_290 = arith.constant 3 : i32
      %add3A_291 = arith.addi %add3A_281, %add3A_290 : i32
      %lt3A_292 = arith.constant 78 : i32
      %lt3A_293 = arith.cmpi slt, %add3A_291, %lt3A_292 : i32
      %convert_element_type3A_294 = arith.extui %lt3A_293 : i1 to i32
      %cond3A_295 = arith.constant 0 : i32
      %cond3A_296 = arith.cmpi ne, %convert_element_type3A_294, %cond3A_295 : i32
      scf.if %cond3A_296 {
        %add3A_302 = arith.constant 3 : i32
        %add3A_303 = arith.addi %add3A_281, %add3A_302 : i32
        %mul3A_304 = arith.constant 128 : i32
        %mul3A_305 = arith.muli %add3A_303, %mul3A_304 : i32
        %dma_start3A_306 = arith.constant 2 : i32
        %dma_start3A_307 = arith.constant 2 : i32
        %dma_start3A_308 = arith.constant 0 : i32
        %dma_start3A_309 = arith.constant 0 : i32
        %dma_start3A_310 = tpu.memref_slice %arg8[%dma_start3A_306, %dma_start3A_308, %dma_start3A_309] : memref<6x128x32xf32, #tpu.memory_space<vmem>> -> memref<1x128x32xf32, #tpu.memory_space<vmem>>
        %dma_start3A_311 = tpu.memref_squeeze %dma_start3A_310 : memref<1x128x32xf32, #tpu.memory_space<vmem>> -> memref<128x32xf32, #tpu.memory_space<vmem>>
        %dma_start3A_312 = tpu.memref_slice %arg6[%mul3A_305] : memref<10000xi32, #tpu.memory_space<vmem>> -> memref<128xi32, #tpu.memory_space<vmem>>
        %dma_start3A_313 = arith.constant 0 : i32
        %dma_start3A_314 = arith.constant 0 : i32
        %dma_start3A_315 = tpu.memref_slice %arg2[%dma_start3A_313, %dma_start3A_314] : memref<10000x32xf32, #tpu.memory_space<hbm>> -> memref<10000x32xf32, #tpu.memory_space<hbm>>
        %dma_start3A_316 = tpu.memref_slice %arg12[%dma_start3A_307] : memref<6x!tpu.dma_semaphore, #tpu.memory_space<semaphore_mem>> -> memref<1x!tpu.dma_semaphore, #tpu.memory_space<semaphore_mem>>
        %dma_start3A_317 = tpu.memref_squeeze %dma_start3A_316 : memref<1x!tpu.dma_semaphore, #tpu.memory_space<semaphore_mem>> -> memref<!tpu.dma_semaphore, #tpu.memory_space<semaphore_mem>>
        tpu.enqueue_indirect_dma source(%dma_start3A_315 : memref<10000x32xf32, #tpu.memory_space<hbm>>) target(%dma_start3A_311 : memref<128x32xf32, #tpu.memory_space<vmem>>) offsets(%dma_start3A_312 : memref<128xi32, #tpu.memory_space<vmem>>) semaphore(%dma_start3A_317 : memref<!tpu.dma_semaphore, #tpu.memory_space<semaphore_mem>>)
      } else {
      }
      %lt3A_297 = arith.constant 78 : i32
      %lt3A_298 = arith.cmpi slt, %add3A_281, %lt3A_297 : i32
      %convert_element_type3A_299 = arith.extui %lt3A_298 : i1 to i32
      %cond3A_300 = arith.constant 0 : i32
      %cond3A_301 = arith.cmpi ne, %convert_element_type3A_299, %cond3A_300 : i32
      scf.if %cond3A_301 {
        %mul3A_302 = arith.constant 128 : i32
        %mul3A_303 = arith.muli %add3A_281, %mul3A_302 : i32
        %dma_wait3A_304 = arith.constant 5 : i32
        %dma_wait3A_305 = arith.constant 5 : i32
        %dma_wait3A_306 = arith.constant 0 : i32
        %dma_wait3A_307 = arith.constant 0 : i32
        %dma_wait3A_308 = tpu.memref_slice %arg8[%dma_wait3A_304, %dma_wait3A_306, %dma_wait3A_307] : memref<6x128x32xf32, #tpu.memory_space<vmem>> -> memref<1x128x32xf32, #tpu.memory_space<vmem>>
        %dma_wait3A_309 = tpu.memref_squeeze %dma_wait3A_308 : memref<1x128x32xf32, #tpu.memory_space<vmem>> -> memref<128x32xf32, #tpu.memory_space<vmem>>
        %dma_wait3A_310 = tpu.memref_slice %arg6[%mul3A_303] : memref<10000xi32, #tpu.memory_space<vmem>> -> memref<128xi32, #tpu.memory_space<vmem>>
        %dma_wait3A_311 = arith.constant 0 : i32
        %dma_wait3A_312 = arith.constant 0 : i32
        %dma_wait3A_313 = tpu.memref_slice %arg2[%dma_wait3A_311, %dma_wait3A_312] : memref<10000x32xf32, #tpu.memory_space<hbm>> -> memref<10000x32xf32, #tpu.memory_space<hbm>>
        %dma_wait3A_314 = tpu.memref_slice %arg12[%dma_wait3A_305] : memref<6x!tpu.dma_semaphore, #tpu.memory_space<semaphore_mem>> -> memref<1x!tpu.dma_semaphore, #tpu.memory_space<semaphore_mem>>
        %dma_wait3A_315 = tpu.memref_squeeze %dma_wait3A_314 : memref<1x!tpu.dma_semaphore, #tpu.memory_space<semaphore_mem>> -> memref<!tpu.dma_semaphore, #tpu.memory_space<semaphore_mem>>
        tpu.wait_indirect_dma semaphore(%dma_wait3A_315 : memref<!tpu.dma_semaphore, #tpu.memory_space<semaphore_mem>>) src(%dma_wait3A_313 : memref<10000x32xf32, #tpu.memory_space<hbm>>) dst(%dma_wait3A_309 : memref<128x32xf32, #tpu.memory_space<vmem>>)
        %mul3A_316 = arith.constant 128 : i32
        %mul3A_317 = arith.muli %add3A_281, %mul3A_316 : i32
        %dma_start3A_318 = arith.constant 5 : i32
        %dma_start3A_319 = arith.constant 5 : i32
        %dma_start3A_320 = arith.constant 0 : i32
        %dma_start3A_321 = arith.constant 0 : i32
        %dma_start3A_322 = tpu.memref_slice %arg8[%dma_start3A_318, %dma_start3A_320, %dma_start3A_321] : memref<6x128x32xf32, #tpu.memory_space<vmem>> -> memref<1x128x32xf32, #tpu.memory_space<vmem>>
        %dma_start3A_323 = tpu.memref_squeeze %dma_start3A_322 : memref<1x128x32xf32, #tpu.memory_space<vmem>> -> memref<128x32xf32, #tpu.memory_space<vmem>>
        %dma_start3A_324 = tpu.memref_slice %arg7[%mul3A_317] : memref<10000xi32, #tpu.memory_space<vmem>> -> memref<128xi32, #tpu.memory_space<vmem>>
        %dma_start3A_325 = arith.constant 0 : i32
        %dma_start3A_326 = arith.constant 0 : i32
        %dma_start3A_327 = tpu.memref_slice %arg11[%dma_start3A_325, %dma_start3A_326] : memref<10000x32xf32, #tpu.memory_space<vmem_shared>> -> memref<10000x32xf32, #tpu.memory_space<vmem_shared>>
        %dma_start3A_328 = tpu.memref_slice %arg13[%dma_start3A_319] : memref<6x!tpu.dma_semaphore, #tpu.memory_space<semaphore_mem>> -> memref<1x!tpu.dma_semaphore, #tpu.memory_space<semaphore_mem>>
        %dma_start3A_329 = tpu.memref_squeeze %dma_start3A_328 : memref<1x!tpu.dma_semaphore, #tpu.memory_space<semaphore_mem>> -> memref<!tpu.dma_semaphore, #tpu.memory_space<semaphore_mem>>
        tpu.enqueue_indirect_dma source(%dma_start3A_323 : memref<128x32xf32, #tpu.memory_space<vmem>>) target(%dma_start3A_327 : memref<10000x32xf32, #tpu.memory_space<vmem_shared>>) offsets(%dma_start3A_324 : memref<128xi32, #tpu.memory_space<vmem>>) semaphore(%dma_start3A_329 : memref<!tpu.dma_semaphore, #tpu.memory_space<semaphore_mem>>) {add = true}
      } else {
      }
    }
    %scan3A_76 = arith.constant 13 : i32
    %dma_wait3A = arith.constant 3 : i32
    %dma_wait3A_77 = arith.constant 3 : i32
    %dma_wait3A_78 = arith.constant 0 : i32
    %dma_wait3A_79 = arith.constant 0 : i32
    %dma_wait3A_80 = tpu.memref_slice %arg8[%dma_wait3A, %dma_wait3A_78, %dma_wait3A_79] : memref<6x128x32xf32, #tpu.memory_space<vmem>> -> memref<1x128x32xf32, #tpu.memory_space<vmem>>
    %dma_wait3A_81 = tpu.memref_squeeze %dma_wait3A_80 : memref<1x128x32xf32, #tpu.memory_space<vmem>> -> memref<128x32xf32, #tpu.memory_space<vmem>>
    %dma_wait3A_82 = arith.constant 9600 : i32
    %dma_wait3A_83 = tpu.memref_slice %arg7[%dma_wait3A_82] : memref<10000xi32, #tpu.memory_space<vmem>> -> memref<128xi32, #tpu.memory_space<vmem>>
    %dma_wait3A_84 = arith.constant 0 : i32
    %dma_wait3A_85 = arith.constant 0 : i32
    %dma_wait3A_86 = tpu.memref_slice %arg11[%dma_wait3A_84, %dma_wait3A_85] : memref<10000x32xf32, #tpu.memory_space<vmem_shared>> -> memref<10000x32xf32, #tpu.memory_space<vmem_shared>>
    %dma_wait3A_87 = tpu.memref_slice %arg13[%dma_wait3A_77] : memref<6x!tpu.dma_semaphore, #tpu.memory_space<semaphore_mem>> -> memref<1x!tpu.dma_semaphore, #tpu.memory_space<semaphore_mem>>
    %dma_wait3A_88 = tpu.memref_squeeze %dma_wait3A_87 : memref<1x!tpu.dma_semaphore, #tpu.memory_space<semaphore_mem>> -> memref<!tpu.dma_semaphore, #tpu.memory_space<semaphore_mem>>
    tpu.wait_indirect_dma semaphore(%dma_wait3A_88 : memref<!tpu.dma_semaphore, #tpu.memory_space<semaphore_mem>>) src(%dma_wait3A_81 : memref<128x32xf32, #tpu.memory_space<vmem>>) dst(%dma_wait3A_86 : memref<10000x32xf32, #tpu.memory_space<vmem_shared>>)
    %dma_wait3A_89 = arith.constant 4 : i32
    %dma_wait3A_90 = arith.constant 4 : i32
    %dma_wait3A_91 = arith.constant 0 : i32
    %dma_wait3A_92 = arith.constant 0 : i32
    %dma_wait3A_93 = tpu.memref_slice %arg8[%dma_wait3A_89, %dma_wait3A_91, %dma_wait3A_92] : memref<6x128x32xf32, #tpu.memory_space<vmem>> -> memref<1x128x32xf32, #tpu.memory_space<vmem>>
    %dma_wait3A_94 = tpu.memref_squeeze %dma_wait3A_93 : memref<1x128x32xf32, #tpu.memory_space<vmem>> -> memref<128x32xf32, #tpu.memory_space<vmem>>
    %dma_wait3A_95 = arith.constant 9728 : i32
    %dma_wait3A_96 = tpu.memref_slice %arg7[%dma_wait3A_95] : memref<10000xi32, #tpu.memory_space<vmem>> -> memref<128xi32, #tpu.memory_space<vmem>>
    %dma_wait3A_97 = arith.constant 0 : i32
    %dma_wait3A_98 = arith.constant 0 : i32
    %dma_wait3A_99 = tpu.memref_slice %arg11[%dma_wait3A_97, %dma_wait3A_98] : memref<10000x32xf32, #tpu.memory_space<vmem_shared>> -> memref<10000x32xf32, #tpu.memory_space<vmem_shared>>
    %dma_wait3A_100 = tpu.memref_slice %arg13[%dma_wait3A_90] : memref<6x!tpu.dma_semaphore, #tpu.memory_space<semaphore_mem>> -> memref<1x!tpu.dma_semaphore, #tpu.memory_space<semaphore_mem>>
    %dma_wait3A_101 = tpu.memref_squeeze %dma_wait3A_100 : memref<1x!tpu.dma_semaphore, #tpu.memory_space<semaphore_mem>> -> memref<!tpu.dma_semaphore, #tpu.memory_space<semaphore_mem>>
    tpu.wait_indirect_dma semaphore(%dma_wait3A_101 : memref<!tpu.dma_semaphore, #tpu.memory_space<semaphore_mem>>) src(%dma_wait3A_94 : memref<128x32xf32, #tpu.memory_space<vmem>>) dst(%dma_wait3A_99 : memref<10000x32xf32, #tpu.memory_space<vmem_shared>>)
    %dma_wait3A_102 = arith.constant 5 : i32
    %dma_wait3A_103 = arith.constant 5 : i32
    %dma_wait3A_104 = arith.constant 0 : i32
    %dma_wait3A_105 = arith.constant 0 : i32
    %dma_wait3A_106 = tpu.memref_slice %arg8[%dma_wait3A_102, %dma_wait3A_104, %dma_wait3A_105] : memref<6x128x32xf32, #tpu.memory_space<vmem>> -> memref<1x128x32xf32, #tpu.memory_space<vmem>>
    %dma_wait3A_107 = tpu.memref_squeeze %dma_wait3A_106 : memref<1x128x32xf32, #tpu.memory_space<vmem>> -> memref<128x32xf32, #tpu.memory_space<vmem>>
    %dma_wait3A_108 = arith.constant 9856 : i32
    %dma_wait3A_109 = tpu.memref_slice %arg7[%dma_wait3A_108] : memref<10000xi32, #tpu.memory_space<vmem>> -> memref<128xi32, #tpu.memory_space<vmem>>
    %dma_wait3A_110 = arith.constant 0 : i32
    %dma_wait3A_111 = arith.constant 0 : i32
    %dma_wait3A_112 = tpu.memref_slice %arg11[%dma_wait3A_110, %dma_wait3A_111] : memref<10000x32xf32, #tpu.memory_space<vmem_shared>> -> memref<10000x32xf32, #tpu.memory_space<vmem_shared>>
    %dma_wait3A_113 = tpu.memref_slice %arg13[%dma_wait3A_103] : memref<6x!tpu.dma_semaphore, #tpu.memory_space<semaphore_mem>> -> memref<1x!tpu.dma_semaphore, #tpu.memory_space<semaphore_mem>>
    %dma_wait3A_114 = tpu.memref_squeeze %dma_wait3A_113 : memref<1x!tpu.dma_semaphore, #tpu.memory_space<semaphore_mem>> -> memref<!tpu.dma_semaphore, #tpu.memory_space<semaphore_mem>>
    tpu.wait_indirect_dma semaphore(%dma_wait3A_114 : memref<!tpu.dma_semaphore, #tpu.memory_space<semaphore_mem>>) src(%dma_wait3A_107 : memref<128x32xf32, #tpu.memory_space<vmem>>) dst(%dma_wait3A_112 : memref<10000x32xf32, #tpu.memory_space<vmem_shared>>)
    %dma_wait3A_115 = arith.constant 9984 : i32
    %dma_wait3A_116 = tpu.memref_slice %arg6[%dma_wait3A_115] : memref<10000xi32, #tpu.memory_space<vmem>> -> memref<16xi32, #tpu.memory_space<vmem>>
    %dma_wait3A_117 = arith.constant 0 : i32
    %dma_wait3A_118 = arith.constant 0 : i32
    %dma_wait3A_119 = tpu.memref_slice %arg2[%dma_wait3A_117, %dma_wait3A_118] : memref<10000x32xf32, #tpu.memory_space<hbm>> -> memref<10000x32xf32, #tpu.memory_space<hbm>>
    tpu.wait_indirect_dma semaphore(%arg14 : memref<!tpu.dma_semaphore, #tpu.memory_space<semaphore_mem>>) src(%dma_wait3A_119 : memref<10000x32xf32, #tpu.memory_space<hbm>>) dst(%arg9 : memref<16x32xf32, #tpu.memory_space<vmem>>)
    %dma_start3A_120 = arith.constant 9984 : i32
    %dma_start3A_121 = tpu.memref_slice %arg7[%dma_start3A_120] : memref<10000xi32, #tpu.memory_space<vmem>> -> memref<16xi32, #tpu.memory_space<vmem>>
    %dma_start3A_122 = arith.constant 0 : i32
    %dma_start3A_123 = arith.constant 0 : i32
    %dma_start3A_124 = tpu.memref_slice %arg11[%dma_start3A_122, %dma_start3A_123] : memref<10000x32xf32, #tpu.memory_space<vmem_shared>> -> memref<10000x32xf32, #tpu.memory_space<vmem_shared>>
    tpu.enqueue_indirect_dma source(%arg9 : memref<16x32xf32, #tpu.memory_space<vmem>>) target(%dma_start3A_124 : memref<10000x32xf32, #tpu.memory_space<vmem_shared>>) offsets(%dma_start3A_121 : memref<16xi32, #tpu.memory_space<vmem>>) semaphore(%arg14 : memref<!tpu.dma_semaphore, #tpu.memory_space<semaphore_mem>>) {add = true}
    %dma_wait3A_125 = arith.constant 9984 : i32
    %dma_wait3A_126 = tpu.memref_slice %arg7[%dma_wait3A_125] : memref<10000xi32, #tpu.memory_space<vmem>> -> memref<16xi32, #tpu.memory_space<vmem>>
    %dma_wait3A_127 = arith.constant 0 : i32
    %dma_wait3A_128 = arith.constant 0 : i32
    %dma_wait3A_129 = tpu.memref_slice %arg11[%dma_wait3A_127, %dma_wait3A_128] : memref<10000x32xf32, #tpu.memory_space<vmem_shared>> -> memref<10000x32xf32, #tpu.memory_space<vmem_shared>>
    tpu.wait_indirect_dma semaphore(%arg14 : memref<!tpu.dma_semaphore, #tpu.memory_space<semaphore_mem>>) src(%arg9 : memref<16x32xf32, #tpu.memory_space<vmem>>) dst(%dma_wait3A_129 : memref<10000x32xf32, #tpu.memory_space<vmem_shared>>)
    %barrier3A_130 = arith.constant 0 : index
    tpu.barrier barrier_id(%barrier3A_130)
    %add3A_131 = arith.constant 0 : i32
    %add3A_132 = arith.addi %arg1, %add3A_131 : i32
    %lt3A_133 = arith.constant 50 : i32
    %lt3A_134 = arith.cmpi slt, %add3A_132, %lt3A_133 : i32
    %convert_element_type3A_135 = arith.extui %lt3A_134 : i1 to i32
    %cond3A_136 = arith.constant 0 : i32
    %cond3A_137 = arith.cmpi ne, %convert_element_type3A_135, %cond3A_136 : i32
    scf.if %cond3A_137 {
      %mul3A_159 = arith.constant 200 : i32
      %mul3A_160 = arith.muli %add3A_132, %mul3A_159 : i32
      %multiple_of3A_161 = tpu.assume_multiple %mul3A_160, 200 : i32
      "tpu.region"() ({
        %run_scoped3A_162 = tpu.sem_alloc : memref<!tpu.dma_semaphore, #tpu.memory_space<semaphore_mem>>
        %dma_start3A_163 = arith.constant 0 : i32
        %dma_start3A_164 = tpu.memref_slice %arg11[%multiple_of3A_161, %dma_start3A_163] : memref<10000x32xf32, #tpu.memory_space<vmem_shared>> -> memref<200x32xf32, #tpu.memory_space<vmem_shared>>
        %dma_start3A_165 = arith.constant 0 : i32
        %dma_start3A_166 = tpu.memref_slice %arg11[%multiple_of3A_161, %dma_start3A_165] : memref<10000x32xf32, #tpu.memory_space<vmem_shared>> -> memref<200x32xf32, #tpu.memory_space<vmem_shared>>
        tpu.enqueue_dma source(%dma_start3A_166 : memref<200x32xf32, #tpu.memory_space<vmem_shared>>) target(%arg10 : memref<200x32xf32, #tpu.memory_space<vmem>>) target_semaphore(%run_scoped3A_162 : memref<!tpu.dma_semaphore, #tpu.memory_space<semaphore_mem>>)
        %dma_wait3A_167 = arith.constant 0 : i32
        %dma_wait3A_168 = tpu.memref_slice %arg11[%multiple_of3A_161, %dma_wait3A_167] : memref<10000x32xf32, #tpu.memory_space<vmem_shared>> -> memref<200x32xf32, #tpu.memory_space<vmem_shared>>
        %dma_wait3A_169 = arith.constant 0 : i32
        %dma_wait3A_170 = tpu.memref_slice %arg11[%multiple_of3A_161, %dma_wait3A_169] : memref<10000x32xf32, #tpu.memory_space<vmem_shared>> -> memref<200x32xf32, #tpu.memory_space<vmem_shared>>
        tpu.wait_dma2 semaphore(%run_scoped3A_162 : memref<!tpu.dma_semaphore, #tpu.memory_space<semaphore_mem>>) src(%dma_wait3A_170 : memref<200x32xf32, #tpu.memory_space<vmem_shared>>) dst(%arg10 : memref<200x32xf32, #tpu.memory_space<vmem>>)
        tpu.yield
      }) : () -> ()
      "tpu.region"() ({
        %run_scoped3A_162 = tpu.sem_alloc : memref<!tpu.dma_semaphore, #tpu.memory_space<semaphore_mem>>
        %dma_start3A_163 = arith.constant 0 : i32
        %dma_start3A_164 = tpu.memref_slice %arg5[%arg0, %multiple_of3A_161, %dma_start3A_163] : memref<2x10000x32xf32, #tpu.memory_space<hbm>> -> memref<1x200x32xf32, #tpu.memory_space<hbm>>
        %dma_start3A_165 = tpu.memref_squeeze %dma_start3A_164 : memref<1x200x32xf32, #tpu.memory_space<hbm>> -> memref<200x32xf32, #tpu.memory_space<hbm>>
        %dma_start3A_166 = arith.constant 0 : i32
        %dma_start3A_167 = tpu.memref_slice %arg5[%arg0, %multiple_of3A_161, %dma_start3A_166] : memref<2x10000x32xf32, #tpu.memory_space<hbm>> -> memref<1x200x32xf32, #tpu.memory_space<hbm>>
        %dma_start3A_168 = tpu.memref_squeeze %dma_start3A_167 : memref<1x200x32xf32, #tpu.memory_space<hbm>> -> memref<200x32xf32, #tpu.memory_space<hbm>>
        tpu.enqueue_dma source(%arg10 : memref<200x32xf32, #tpu.memory_space<vmem>>) target(%dma_start3A_168 : memref<200x32xf32, #tpu.memory_space<hbm>>) target_semaphore(%run_scoped3A_162 : memref<!tpu.dma_semaphore, #tpu.memory_space<semaphore_mem>>)
        %dma_wait3A_169 = arith.constant 0 : i32
        %dma_wait3A_170 = tpu.memref_slice %arg5[%arg0, %multiple_of3A_161, %dma_wait3A_169] : memref<2x10000x32xf32, #tpu.memory_space<hbm>> -> memref<1x200x32xf32, #tpu.memory_space<hbm>>
        %dma_wait3A_171 = tpu.memref_squeeze %dma_wait3A_170 : memref<1x200x32xf32, #tpu.memory_space<hbm>> -> memref<200x32xf32, #tpu.memory_space<hbm>>
        %dma_wait3A_172 = arith.constant 0 : i32
        %dma_wait3A_173 = tpu.memref_slice %arg5[%arg0, %multiple_of3A_161, %dma_wait3A_172] : memref<2x10000x32xf32, #tpu.memory_space<hbm>> -> memref<1x200x32xf32, #tpu.memory_space<hbm>>
        %dma_wait3A_174 = tpu.memref_squeeze %dma_wait3A_173 : memref<1x200x32xf32, #tpu.memory_space<hbm>> -> memref<200x32xf32, #tpu.memory_space<hbm>>
        tpu.wait_dma2 semaphore(%run_scoped3A_162 : memref<!tpu.dma_semaphore, #tpu.memory_space<semaphore_mem>>) src(%arg10 : memref<200x32xf32, #tpu.memory_space<vmem>>) dst(%dma_wait3A_174 : memref<200x32xf32, #tpu.memory_space<hbm>>)
        tpu.yield
      }) : () -> ()
    } else {
    }
    %add3A_138 = arith.constant 16 : i32
    %add3A_139 = arith.addi %arg1, %add3A_138 : i32
    %lt3A_140 = arith.constant 50 : i32
    %lt3A_141 = arith.cmpi slt, %add3A_139, %lt3A_140 : i32
    %convert_element_type3A_142 = arith.extui %lt3A_141 : i1 to i32
    %cond3A_143 = arith.constant 0 : i32
    %cond3A_144 = arith.cmpi ne, %convert_element_type3A_142, %cond3A_143 : i32
    scf.if %cond3A_144 {
      %mul3A_159 = arith.constant 200 : i32
      %mul3A_160 = arith.muli %add3A_139, %mul3A_159 : i32
      %multiple_of3A_161 = tpu.assume_multiple %mul3A_160, 200 : i32
      "tpu.region"() ({
        %run_scoped3A_162 = tpu.sem_alloc : memref<!tpu.dma_semaphore, #tpu.memory_space<semaphore_mem>>
        %dma_start3A_163 = arith.constant 0 : i32
        %dma_start3A_164 = tpu.memref_slice %arg11[%multiple_of3A_161, %dma_start3A_163] : memref<10000x32xf32, #tpu.memory_space<vmem_shared>> -> memref<200x32xf32, #tpu.memory_space<vmem_shared>>
        %dma_start3A_165 = arith.constant 0 : i32
        %dma_start3A_166 = tpu.memref_slice %arg11[%multiple_of3A_161, %dma_start3A_165] : memref<10000x32xf32, #tpu.memory_space<vmem_shared>> -> memref<200x32xf32, #tpu.memory_space<vmem_shared>>
        tpu.enqueue_dma source(%dma_start3A_166 : memref<200x32xf32, #tpu.memory_space<vmem_shared>>) target(%arg10 : memref<200x32xf32, #tpu.memory_space<vmem>>) target_semaphore(%run_scoped3A_162 : memref<!tpu.dma_semaphore, #tpu.memory_space<semaphore_mem>>)
        %dma_wait3A_167 = arith.constant 0 : i32
        %dma_wait3A_168 = tpu.memref_slice %arg11[%multiple_of3A_161, %dma_wait3A_167] : memref<10000x32xf32, #tpu.memory_space<vmem_shared>> -> memref<200x32xf32, #tpu.memory_space<vmem_shared>>
        %dma_wait3A_169 = arith.constant 0 : i32
        %dma_wait3A_170 = tpu.memref_slice %arg11[%multiple_of3A_161, %dma_wait3A_169] : memref<10000x32xf32, #tpu.memory_space<vmem_shared>> -> memref<200x32xf32, #tpu.memory_space<vmem_shared>>
        tpu.wait_dma2 semaphore(%run_scoped3A_162 : memref<!tpu.dma_semaphore, #tpu.memory_space<semaphore_mem>>) src(%dma_wait3A_170 : memref<200x32xf32, #tpu.memory_space<vmem_shared>>) dst(%arg10 : memref<200x32xf32, #tpu.memory_space<vmem>>)
        tpu.yield
      }) : () -> ()
      "tpu.region"() ({
        %run_scoped3A_162 = tpu.sem_alloc : memref<!tpu.dma_semaphore, #tpu.memory_space<semaphore_mem>>
        %dma_start3A_163 = arith.constant 0 : i32
        %dma_start3A_164 = tpu.memref_slice %arg5[%arg0, %multiple_of3A_161, %dma_start3A_163] : memref<2x10000x32xf32, #tpu.memory_space<hbm>> -> memref<1x200x32xf32, #tpu.memory_space<hbm>>
        %dma_start3A_165 = tpu.memref_squeeze %dma_start3A_164 : memref<1x200x32xf32, #tpu.memory_space<hbm>> -> memref<200x32xf32, #tpu.memory_space<hbm>>
        %dma_start3A_166 = arith.constant 0 : i32
        %dma_start3A_167 = tpu.memref_slice %arg5[%arg0, %multiple_of3A_161, %dma_start3A_166] : memref<2x10000x32xf32, #tpu.memory_space<hbm>> -> memref<1x200x32xf32, #tpu.memory_space<hbm>>
        %dma_start3A_168 = tpu.memref_squeeze %dma_start3A_167 : memref<1x200x32xf32, #tpu.memory_space<hbm>> -> memref<200x32xf32, #tpu.memory_space<hbm>>
        tpu.enqueue_dma source(%arg10 : memref<200x32xf32, #tpu.memory_space<vmem>>) target(%dma_start3A_168 : memref<200x32xf32, #tpu.memory_space<hbm>>) target_semaphore(%run_scoped3A_162 : memref<!tpu.dma_semaphore, #tpu.memory_space<semaphore_mem>>)
        %dma_wait3A_169 = arith.constant 0 : i32
        %dma_wait3A_170 = tpu.memref_slice %arg5[%arg0, %multiple_of3A_161, %dma_wait3A_169] : memref<2x10000x32xf32, #tpu.memory_space<hbm>> -> memref<1x200x32xf32, #tpu.memory_space<hbm>>
        %dma_wait3A_171 = tpu.memref_squeeze %dma_wait3A_170 : memref<1x200x32xf32, #tpu.memory_space<hbm>> -> memref<200x32xf32, #tpu.memory_space<hbm>>
        %dma_wait3A_172 = arith.constant 0 : i32
        %dma_wait3A_173 = tpu.memref_slice %arg5[%arg0, %multiple_of3A_161, %dma_wait3A_172] : memref<2x10000x32xf32, #tpu.memory_space<hbm>> -> memref<1x200x32xf32, #tpu.memory_space<hbm>>
        %dma_wait3A_174 = tpu.memref_squeeze %dma_wait3A_173 : memref<1x200x32xf32, #tpu.memory_space<hbm>> -> memref<200x32xf32, #tpu.memory_space<hbm>>
        tpu.wait_dma2 semaphore(%run_scoped3A_162 : memref<!tpu.dma_semaphore, #tpu.memory_space<semaphore_mem>>) src(%arg10 : memref<200x32xf32, #tpu.memory_space<vmem>>) dst(%dma_wait3A_174 : memref<200x32xf32, #tpu.memory_space<hbm>>)
        tpu.yield
      }) : () -> ()
    } else {
    }
    %add3A_145 = arith.constant 32 : i32
    %add3A_146 = arith.addi %arg1, %add3A_145 : i32
    %lt3A_147 = arith.constant 50 : i32
    %lt3A_148 = arith.cmpi slt, %add3A_146, %lt3A_147 : i32
    %convert_element_type3A_149 = arith.extui %lt3A_148 : i1 to i32
    %cond3A_150 = arith.constant 0 : i32
    %cond3A_151 = arith.cmpi ne, %convert_element_type3A_149, %cond3A_150 : i32
    scf.if %cond3A_151 {
      %mul3A_159 = arith.constant 200 : i32
      %mul3A_160 = arith.muli %add3A_146, %mul3A_159 : i32
      %multiple_of3A_161 = tpu.assume_multiple %mul3A_160, 200 : i32
      "tpu.region"() ({
        %run_scoped3A_162 = tpu.sem_alloc : memref<!tpu.dma_semaphore, #tpu.memory_space<semaphore_mem>>
        %dma_start3A_163 = arith.constant 0 : i32
        %dma_start3A_164 = tpu.memref_slice %arg11[%multiple_of3A_161, %dma_start3A_163] : memref<10000x32xf32, #tpu.memory_space<vmem_shared>> -> memref<200x32xf32, #tpu.memory_space<vmem_shared>>
        %dma_start3A_165 = arith.constant 0 : i32
        %dma_start3A_166 = tpu.memref_slice %arg11[%multiple_of3A_161, %dma_start3A_165] : memref<10000x32xf32, #tpu.memory_space<vmem_shared>> -> memref<200x32xf32, #tpu.memory_space<vmem_shared>>
        tpu.enqueue_dma source(%dma_start3A_166 : memref<200x32xf32, #tpu.memory_space<vmem_shared>>) target(%arg10 : memref<200x32xf32, #tpu.memory_space<vmem>>) target_semaphore(%run_scoped3A_162 : memref<!tpu.dma_semaphore, #tpu.memory_space<semaphore_mem>>)
        %dma_wait3A_167 = arith.constant 0 : i32
        %dma_wait3A_168 = tpu.memref_slice %arg11[%multiple_of3A_161, %dma_wait3A_167] : memref<10000x32xf32, #tpu.memory_space<vmem_shared>> -> memref<200x32xf32, #tpu.memory_space<vmem_shared>>
        %dma_wait3A_169 = arith.constant 0 : i32
        %dma_wait3A_170 = tpu.memref_slice %arg11[%multiple_of3A_161, %dma_wait3A_169] : memref<10000x32xf32, #tpu.memory_space<vmem_shared>> -> memref<200x32xf32, #tpu.memory_space<vmem_shared>>
        tpu.wait_dma2 semaphore(%run_scoped3A_162 : memref<!tpu.dma_semaphore, #tpu.memory_space<semaphore_mem>>) src(%dma_wait3A_170 : memref<200x32xf32, #tpu.memory_space<vmem_shared>>) dst(%arg10 : memref<200x32xf32, #tpu.memory_space<vmem>>)
        tpu.yield
      }) : () -> ()
      "tpu.region"() ({
        %run_scoped3A_162 = tpu.sem_alloc : memref<!tpu.dma_semaphore, #tpu.memory_space<semaphore_mem>>
        %dma_start3A_163 = arith.constant 0 : i32
        %dma_start3A_164 = tpu.memref_slice %arg5[%arg0, %multiple_of3A_161, %dma_start3A_163] : memref<2x10000x32xf32, #tpu.memory_space<hbm>> -> memref<1x200x32xf32, #tpu.memory_space<hbm>>
        %dma_start3A_165 = tpu.memref_squeeze %dma_start3A_164 : memref<1x200x32xf32, #tpu.memory_space<hbm>> -> memref<200x32xf32, #tpu.memory_space<hbm>>
        %dma_start3A_166 = arith.constant 0 : i32
        %dma_start3A_167 = tpu.memref_slice %arg5[%arg0, %multiple_of3A_161, %dma_start3A_166] : memref<2x10000x32xf32, #tpu.memory_space<hbm>> -> memref<1x200x32xf32, #tpu.memory_space<hbm>>
        %dma_start3A_168 = tpu.memref_squeeze %dma_start3A_167 : memref<1x200x32xf32, #tpu.memory_space<hbm>> -> memref<200x32xf32, #tpu.memory_space<hbm>>
        tpu.enqueue_dma source(%arg10 : memref<200x32xf32, #tpu.memory_space<vmem>>) target(%dma_start3A_168 : memref<200x32xf32, #tpu.memory_space<hbm>>) target_semaphore(%run_scoped3A_162 : memref<!tpu.dma_semaphore, #tpu.memory_space<semaphore_mem>>)
        %dma_wait3A_169 = arith.constant 0 : i32
        %dma_wait3A_170 = tpu.memref_slice %arg5[%arg0, %multiple_of3A_161, %dma_wait3A_169] : memref<2x10000x32xf32, #tpu.memory_space<hbm>> -> memref<1x200x32xf32, #tpu.memory_space<hbm>>
        %dma_wait3A_171 = tpu.memref_squeeze %dma_wait3A_170 : memref<1x200x32xf32, #tpu.memory_space<hbm>> -> memref<200x32xf32, #tpu.memory_space<hbm>>
        %dma_wait3A_172 = arith.constant 0 : i32
        %dma_wait3A_173 = tpu.memref_slice %arg5[%arg0, %multiple_of3A_161, %dma_wait3A_172] : memref<2x10000x32xf32, #tpu.memory_space<hbm>> -> memref<1x200x32xf32, #tpu.memory_space<hbm>>
        %dma_wait3A_174 = tpu.memref_squeeze %dma_wait3A_173 : memref<1x200x32xf32, #tpu.memory_space<hbm>> -> memref<200x32xf32, #tpu.memory_space<hbm>>
        tpu.wait_dma2 semaphore(%run_scoped3A_162 : memref<!tpu.dma_semaphore, #tpu.memory_space<semaphore_mem>>) src(%arg10 : memref<200x32xf32, #tpu.memory_space<vmem>>) dst(%dma_wait3A_174 : memref<200x32xf32, #tpu.memory_space<hbm>>)
        tpu.yield
      }) : () -> ()
    } else {
    }
    %add3A_152 = arith.constant 48 : i32
    %add3A_153 = arith.addi %arg1, %add3A_152 : i32
    %lt3A_154 = arith.constant 50 : i32
    %lt3A_155 = arith.cmpi slt, %add3A_153, %lt3A_154 : i32
    %convert_element_type3A_156 = arith.extui %lt3A_155 : i1 to i32
    %cond3A_157 = arith.constant 0 : i32
    %cond3A_158 = arith.cmpi ne, %convert_element_type3A_156, %cond3A_157 : i32
    scf.if %cond3A_158 {
      %mul3A_159 = arith.constant 200 : i32
      %mul3A_160 = arith.muli %add3A_153, %mul3A_159 : i32
      %multiple_of3A_161 = tpu.assume_multiple %mul3A_160, 200 : i32
      "tpu.region"() ({
        %run_scoped3A_162 = tpu.sem_alloc : memref<!tpu.dma_semaphore, #tpu.memory_space<semaphore_mem>>
        %dma_start3A_163 = arith.constant 0 : i32
        %dma_start3A_164 = tpu.memref_slice %arg11[%multiple_of3A_161, %dma_start3A_163] : memref<10000x32xf32, #tpu.memory_space<vmem_shared>> -> memref<200x32xf32, #tpu.memory_space<vmem_shared>>
        %dma_start3A_165 = arith.constant 0 : i32
        %dma_start3A_166 = tpu.memref_slice %arg11[%multiple_of3A_161, %dma_start3A_165] : memref<10000x32xf32, #tpu.memory_space<vmem_shared>> -> memref<200x32xf32, #tpu.memory_space<vmem_shared>>
        tpu.enqueue_dma source(%dma_start3A_166 : memref<200x32xf32, #tpu.memory_space<vmem_shared>>) target(%arg10 : memref<200x32xf32, #tpu.memory_space<vmem>>) target_semaphore(%run_scoped3A_162 : memref<!tpu.dma_semaphore, #tpu.memory_space<semaphore_mem>>)
        %dma_wait3A_167 = arith.constant 0 : i32
        %dma_wait3A_168 = tpu.memref_slice %arg11[%multiple_of3A_161, %dma_wait3A_167] : memref<10000x32xf32, #tpu.memory_space<vmem_shared>> -> memref<200x32xf32, #tpu.memory_space<vmem_shared>>
        %dma_wait3A_169 = arith.constant 0 : i32
        %dma_wait3A_170 = tpu.memref_slice %arg11[%multiple_of3A_161, %dma_wait3A_169] : memref<10000x32xf32, #tpu.memory_space<vmem_shared>> -> memref<200x32xf32, #tpu.memory_space<vmem_shared>>
        tpu.wait_dma2 semaphore(%run_scoped3A_162 : memref<!tpu.dma_semaphore, #tpu.memory_space<semaphore_mem>>) src(%dma_wait3A_170 : memref<200x32xf32, #tpu.memory_space<vmem_shared>>) dst(%arg10 : memref<200x32xf32, #tpu.memory_space<vmem>>)
        tpu.yield
      }) : () -> ()
      "tpu.region"() ({
        %run_scoped3A_162 = tpu.sem_alloc : memref<!tpu.dma_semaphore, #tpu.memory_space<semaphore_mem>>
        %dma_start3A_163 = arith.constant 0 : i32
        %dma_start3A_164 = tpu.memref_slice %arg5[%arg0, %multiple_of3A_161, %dma_start3A_163] : memref<2x10000x32xf32, #tpu.memory_space<hbm>> -> memref<1x200x32xf32, #tpu.memory_space<hbm>>
        %dma_start3A_165 = tpu.memref_squeeze %dma_start3A_164 : memref<1x200x32xf32, #tpu.memory_space<hbm>> -> memref<200x32xf32, #tpu.memory_space<hbm>>
        %dma_start3A_166 = arith.constant 0 : i32
        %dma_start3A_167 = tpu.memref_slice %arg5[%arg0, %multiple_of3A_161, %dma_start3A_166] : memref<2x10000x32xf32, #tpu.memory_space<hbm>> -> memref<1x200x32xf32, #tpu.memory_space<hbm>>
        %dma_start3A_168 = tpu.memref_squeeze %dma_start3A_167 : memref<1x200x32xf32, #tpu.memory_space<hbm>> -> memref<200x32xf32, #tpu.memory_space<hbm>>
        tpu.enqueue_dma source(%arg10 : memref<200x32xf32, #tpu.memory_space<vmem>>) target(%dma_start3A_168 : memref<200x32xf32, #tpu.memory_space<hbm>>) target_semaphore(%run_scoped3A_162 : memref<!tpu.dma_semaphore, #tpu.memory_space<semaphore_mem>>)
        %dma_wait3A_169 = arith.constant 0 : i32
        %dma_wait3A_170 = tpu.memref_slice %arg5[%arg0, %multiple_of3A_161, %dma_wait3A_169] : memref<2x10000x32xf32, #tpu.memory_space<hbm>> -> memref<1x200x32xf32, #tpu.memory_space<hbm>>
        %dma_wait3A_171 = tpu.memref_squeeze %dma_wait3A_170 : memref<1x200x32xf32, #tpu.memory_space<hbm>> -> memref<200x32xf32, #tpu.memory_space<hbm>>
        %dma_wait3A_172 = arith.constant 0 : i32
        %dma_wait3A_173 = tpu.memref_slice %arg5[%arg0, %multiple_of3A_161, %dma_wait3A_172] : memref<2x10000x32xf32, #tpu.memory_space<hbm>> -> memref<1x200x32xf32, #tpu.memory_space<hbm>>
        %dma_wait3A_174 = tpu.memref_squeeze %dma_wait3A_173 : memref<1x200x32xf32, #tpu.memory_space<hbm>> -> memref<200x32xf32, #tpu.memory_space<hbm>>
        tpu.wait_dma2 semaphore(%run_scoped3A_162 : memref<!tpu.dma_semaphore, #tpu.memory_space<semaphore_mem>>) src(%arg10 : memref<200x32xf32, #tpu.memory_space<vmem>>) dst(%dma_wait3A_174 : memref<200x32xf32, #tpu.memory_space<hbm>>)
        tpu.yield
      }) : () -> ()
    } else {
    }
    return
  }
}

#map = affine_map<(d0, d1) -> (0, 0)>
#map1 = affine_map<(d0, d1) -> (0, 0, 0)>
module attributes {stable_mosaic.version = 14 : i64} {
  func.func @seg(%arg0: i32, %arg1: i32, %arg2: memref<10000x32xf32, #tpu.memory_space<hbm>>, %arg3: memref<2x320000xi32, #tpu.memory_space<hbm>>, %arg4: memref<200x32xf32, #tpu.memory_space<hbm>>, %arg5: memref<2x10000x32xf32, #tpu.memory_space<hbm>>, %arg6: memref<10000xi32, #tpu.memory_space<vmem>>, %arg7: memref<10000xi32, #tpu.memory_space<vmem>>, %arg8: memref<6x128x32xf32, #tpu.memory_space<vmem>>, %arg9: memref<16x32xf32, #tpu.memory_space<vmem>>, %arg10: memref<200x32xf32, #tpu.memory_space<vmem>>, %arg11: memref<10000x32xf32, #tpu.memory_space<vmem_shared>>, %arg12: memref<6x!tpu.dma_semaphore, #tpu.memory_space<semaphore_mem>>, %arg13: memref<6x!tpu.dma_semaphore, #tpu.memory_space<semaphore_mem>>, %arg14: memref<!tpu.dma_semaphore, #tpu.memory_space<semaphore_mem>>) attributes {dimension_semantics = [#tpu.dimension_semantics<core_parallel>, #tpu.dimension_semantics<subcore_parallel>], iteration_bounds = array<i64: 2, 16>, scalar_prefetch = 0 : i64, scratch_operands = 9 : i64, tpu.core_type = #tpu.core_type<sc_vector_subcore>, window_params = [{transform_indices = #map}, {transform_indices = #map}, {transform_indices = #map}, {transform_indices = #map1}]} {
    %mul3A = arith.constant 16 : i32
    %mul3A_0 = arith.muli %arg0, %mul3A : i32
    %add3A = arith.addi %mul3A_0, %arg1 : i32
    %mul3A_1 = arith.constant 10000 : i32
    %mul3A_2 = arith.muli %add3A, %mul3A_1 : i32
    %multiple_of3A = tpu.assume_multiple %mul3A_2, 128 : i32
    %run_scoped3A = arith.constant 0 : i32
    "tpu.region"() ({
      %run_scoped3A_159 = tpu.sem_alloc : memref<!tpu.dma_semaphore, #tpu.memory_space<semaphore_mem>>
      %dma_start3A_160 = tpu.memref_slice %arg3[%run_scoped3A, %multiple_of3A] : memref<2x320000xi32, #tpu.memory_space<hbm>> -> memref<1x10000xi32, #tpu.memory_space<hbm>>
      %dma_start3A_161 = tpu.memref_squeeze %dma_start3A_160 : memref<1x10000xi32, #tpu.memory_space<hbm>> -> memref<10000xi32, #tpu.memory_space<hbm>>
      %dma_start3A_162 = tpu.memref_slice %arg3[%run_scoped3A, %multiple_of3A] : memref<2x320000xi32, #tpu.memory_space<hbm>> -> memref<1x10000xi32, #tpu.memory_space<hbm>>
      %dma_start3A_163 = tpu.memref_squeeze %dma_start3A_162 : memref<1x10000xi32, #tpu.memory_space<hbm>> -> memref<10000xi32, #tpu.memory_space<hbm>>
      tpu.enqueue_dma source(%dma_start3A_163 : memref<10000xi32, #tpu.memory_space<hbm>>) target(%arg6 : memref<10000xi32, #tpu.memory_space<vmem>>) target_semaphore(%run_scoped3A_159 : memref<!tpu.dma_semaphore, #tpu.memory_space<semaphore_mem>>)
      %dma_wait3A_164 = tpu.memref_slice %arg3[%run_scoped3A, %multiple_of3A] : memref<2x320000xi32, #tpu.memory_space<hbm>> -> memref<1x10000xi32, #tpu.memory_space<hbm>>
      %dma_wait3A_165 = tpu.memref_squeeze %dma_wait3A_164 : memref<1x10000xi32, #tpu.memory_space<hbm>> -> memref<10000xi32, #tpu.memory_space<hbm>>
      %dma_wait3A_166 = tpu.memref_slice %arg3[%run_scoped3A, %multiple_of3A] : memref<2x320000xi32, #tpu.memory_space<hbm>> -> memref<1x10000xi32, #tpu.memory_space<hbm>>
      %dma_wait3A_167 = tpu.memref_squeeze %dma_wait3A_166 : memref<1x10000xi32, #tpu.memory_space<hbm>> -> memref<10000xi32, #tpu.memory_space<hbm>>
      tpu.wait_dma2 semaphore(%run_scoped3A_159 : memref<!tpu.dma_semaphore, #tpu.memory_space<semaphore_mem>>) src(%dma_wait3A_167 : memref<10000xi32, #tpu.memory_space<hbm>>) dst(%arg6 : memref<10000xi32, #tpu.memory_space<vmem>>)
      tpu.yield
    }) : () -> ()
    %run_scoped3A_3 = arith.constant 1 : i32
    "tpu.region"() ({
      %run_scoped3A_159 = tpu.sem_alloc : memref<!tpu.dma_semaphore, #tpu.memory_space<semaphore_mem>>
      %dma_start3A_160 = tpu.memref_slice %arg3[%run_scoped3A_3, %multiple_of3A] : memref<2x320000xi32, #tpu.memory_space<hbm>> -> memref<1x10000xi32, #tpu.memory_space<hbm>>
      %dma_start3A_161 = tpu.memref_squeeze %dma_start3A_160 : memref<1x10000xi32, #tpu.memory_space<hbm>> -> memref<10000xi32, #tpu.memory_space<hbm>>
      %dma_start3A_162 = tpu.memref_slice %arg3[%run_scoped3A_3, %multiple_of3A] : memref<2x320000xi32, #tpu.memory_space<hbm>> -> memref<1x10000xi32, #tpu.memory_space<hbm>>
      %dma_start3A_163 = tpu.memref_squeeze %dma_start3A_162 : memref<1x10000xi32, #tpu.memory_space<hbm>> -> memref<10000xi32, #tpu.memory_space<hbm>>
      tpu.enqueue_dma source(%dma_start3A_163 : memref<10000xi32, #tpu.memory_space<hbm>>) target(%arg7 : memref<10000xi32, #tpu.memory_space<vmem>>) target_semaphore(%run_scoped3A_159 : memref<!tpu.dma_semaphore, #tpu.memory_space<semaphore_mem>>)
      %dma_wait3A_164 = tpu.memref_slice %arg3[%run_scoped3A_3, %multiple_of3A] : memref<2x320000xi32, #tpu.memory_space<hbm>> -> memref<1x10000xi32, #tpu.memory_space<hbm>>
      %dma_wait3A_165 = tpu.memref_squeeze %dma_wait3A_164 : memref<1x10000xi32, #tpu.memory_space<hbm>> -> memref<10000xi32, #tpu.memory_space<hbm>>
      %dma_wait3A_166 = tpu.memref_slice %arg3[%run_scoped3A_3, %multiple_of3A] : memref<2x320000xi32, #tpu.memory_space<hbm>> -> memref<1x10000xi32, #tpu.memory_space<hbm>>
      %dma_wait3A_167 = tpu.memref_squeeze %dma_wait3A_166 : memref<1x10000xi32, #tpu.memory_space<hbm>> -> memref<10000xi32, #tpu.memory_space<hbm>>
      tpu.wait_dma2 semaphore(%run_scoped3A_159 : memref<!tpu.dma_semaphore, #tpu.memory_space<semaphore_mem>>) src(%dma_wait3A_167 : memref<10000xi32, #tpu.memory_space<hbm>>) dst(%arg7 : memref<10000xi32, #tpu.memory_space<vmem>>)
      tpu.yield
    }) : () -> ()
    "tpu.region"() ({
      %run_scoped3A_159 = tpu.sem_alloc : memref<!tpu.dma_semaphore, #tpu.memory_space<semaphore_mem>>
      tpu.enqueue_dma source(%arg4 : memref<200x32xf32, #tpu.memory_space<hbm>>) target(%arg10 : memref<200x32xf32, #tpu.memory_space<vmem>>) target_semaphore(%run_scoped3A_159 : memref<!tpu.dma_semaphore, #tpu.memory_space<semaphore_mem>>)
      tpu.wait_dma2 semaphore(%run_scoped3A_159 : memref<!tpu.dma_semaphore, #tpu.memory_space<semaphore_mem>>) src(%arg4 : memref<200x32xf32, #tpu.memory_space<hbm>>) dst(%arg10 : memref<200x32xf32, #tpu.memory_space<vmem>>)
      tpu.yield
    }) : () -> ()
    %add3A_4 = arith.constant 0 : i32
    %add3A_5 = arith.addi %arg1, %add3A_4 : i32
    %lt3A = arith.constant 50 : i32
    %lt3A_6 = arith.cmpi slt, %add3A_5, %lt3A : i32
    %convert_element_type3A = arith.extui %lt3A_6 : i1 to i32
    %cond3A = arith.constant 0 : i32
    %cond3A_7 = arith.cmpi ne, %convert_element_type3A, %cond3A : i32
    scf.if %cond3A_7 {
      %mul3A_159 = arith.constant 200 : i32
      %mul3A_160 = arith.muli %add3A_5, %mul3A_159 : i32
      %multiple_of3A_161 = tpu.assume_multiple %mul3A_160, 200 : i32
      "tpu.region"() ({
        %run_scoped3A_162 = tpu.sem_alloc : memref<!tpu.dma_semaphore, #tpu.memory_space<semaphore_mem>>
        %dma_start3A_163 = arith.constant 0 : i32
        %dma_start3A_164 = tpu.memref_slice %arg11[%multiple_of3A_161, %dma_start3A_163] : memref<10000x32xf32, #tpu.memory_space<vmem_shared>> -> memref<200x32xf32, #tpu.memory_space<vmem_shared>>
        %dma_start3A_165 = arith.constant 0 : i32
        %dma_start3A_166 = tpu.memref_slice %arg11[%multiple_of3A_161, %dma_start3A_165] : memref<10000x32xf32, #tpu.memory_space<vmem_shared>> -> memref<200x32xf32, #tpu.memory_space<vmem_shared>>
        tpu.enqueue_dma source(%arg10 : memref<200x32xf32, #tpu.memory_space<vmem>>) target(%dma_start3A_166 : memref<200x32xf32, #tpu.memory_space<vmem_shared>>) target_semaphore(%run_scoped3A_162 : memref<!tpu.dma_semaphore, #tpu.memory_space<semaphore_mem>>)
        %dma_wait3A_167 = arith.constant 0 : i32
        %dma_wait3A_168 = tpu.memref_slice %arg11[%multiple_of3A_161, %dma_wait3A_167] : memref<10000x32xf32, #tpu.memory_space<vmem_shared>> -> memref<200x32xf32, #tpu.memory_space<vmem_shared>>
        %dma_wait3A_169 = arith.constant 0 : i32
        %dma_wait3A_170 = tpu.memref_slice %arg11[%multiple_of3A_161, %dma_wait3A_169] : memref<10000x32xf32, #tpu.memory_space<vmem_shared>> -> memref<200x32xf32, #tpu.memory_space<vmem_shared>>
        tpu.wait_dma2 semaphore(%run_scoped3A_162 : memref<!tpu.dma_semaphore, #tpu.memory_space<semaphore_mem>>) src(%arg10 : memref<200x32xf32, #tpu.memory_space<vmem>>) dst(%dma_wait3A_170 : memref<200x32xf32, #tpu.memory_space<vmem_shared>>)
        tpu.yield
      }) : () -> ()
    } else {
    }
    %add3A_8 = arith.constant 16 : i32
    %add3A_9 = arith.addi %arg1, %add3A_8 : i32
    %lt3A_10 = arith.constant 50 : i32
    %lt3A_11 = arith.cmpi slt, %add3A_9, %lt3A_10 : i32
    %convert_element_type3A_12 = arith.extui %lt3A_11 : i1 to i32
    %cond3A_13 = arith.constant 0 : i32
    %cond3A_14 = arith.cmpi ne, %convert_element_type3A_12, %cond3A_13 : i32
    scf.if %cond3A_14 {
      %mul3A_159 = arith.constant 200 : i32
      %mul3A_160 = arith.muli %add3A_9, %mul3A_159 : i32
      %multiple_of3A_161 = tpu.assume_multiple %mul3A_160, 200 : i32
      "tpu.region"() ({
        %run_scoped3A_162 = tpu.sem_alloc : memref<!tpu.dma_semaphore, #tpu.memory_space<semaphore_mem>>
        %dma_start3A_163 = arith.constant 0 : i32
        %dma_start3A_164 = tpu.memref_slice %arg11[%multiple_of3A_161, %dma_start3A_163] : memref<10000x32xf32, #tpu.memory_space<vmem_shared>> -> memref<200x32xf32, #tpu.memory_space<vmem_shared>>
        %dma_start3A_165 = arith.constant 0 : i32
        %dma_start3A_166 = tpu.memref_slice %arg11[%multiple_of3A_161, %dma_start3A_165] : memref<10000x32xf32, #tpu.memory_space<vmem_shared>> -> memref<200x32xf32, #tpu.memory_space<vmem_shared>>
        tpu.enqueue_dma source(%arg10 : memref<200x32xf32, #tpu.memory_space<vmem>>) target(%dma_start3A_166 : memref<200x32xf32, #tpu.memory_space<vmem_shared>>) target_semaphore(%run_scoped3A_162 : memref<!tpu.dma_semaphore, #tpu.memory_space<semaphore_mem>>)
        %dma_wait3A_167 = arith.constant 0 : i32
        %dma_wait3A_168 = tpu.memref_slice %arg11[%multiple_of3A_161, %dma_wait3A_167] : memref<10000x32xf32, #tpu.memory_space<vmem_shared>> -> memref<200x32xf32, #tpu.memory_space<vmem_shared>>
        %dma_wait3A_169 = arith.constant 0 : i32
        %dma_wait3A_170 = tpu.memref_slice %arg11[%multiple_of3A_161, %dma_wait3A_169] : memref<10000x32xf32, #tpu.memory_space<vmem_shared>> -> memref<200x32xf32, #tpu.memory_space<vmem_shared>>
        tpu.wait_dma2 semaphore(%run_scoped3A_162 : memref<!tpu.dma_semaphore, #tpu.memory_space<semaphore_mem>>) src(%arg10 : memref<200x32xf32, #tpu.memory_space<vmem>>) dst(%dma_wait3A_170 : memref<200x32xf32, #tpu.memory_space<vmem_shared>>)
        tpu.yield
      }) : () -> ()
    } else {
    }
    %add3A_15 = arith.constant 32 : i32
    %add3A_16 = arith.addi %arg1, %add3A_15 : i32
    %lt3A_17 = arith.constant 50 : i32
    %lt3A_18 = arith.cmpi slt, %add3A_16, %lt3A_17 : i32
    %convert_element_type3A_19 = arith.extui %lt3A_18 : i1 to i32
    %cond3A_20 = arith.constant 0 : i32
    %cond3A_21 = arith.cmpi ne, %convert_element_type3A_19, %cond3A_20 : i32
    scf.if %cond3A_21 {
      %mul3A_159 = arith.constant 200 : i32
      %mul3A_160 = arith.muli %add3A_16, %mul3A_159 : i32
      %multiple_of3A_161 = tpu.assume_multiple %mul3A_160, 200 : i32
      "tpu.region"() ({
        %run_scoped3A_162 = tpu.sem_alloc : memref<!tpu.dma_semaphore, #tpu.memory_space<semaphore_mem>>
        %dma_start3A_163 = arith.constant 0 : i32
        %dma_start3A_164 = tpu.memref_slice %arg11[%multiple_of3A_161, %dma_start3A_163] : memref<10000x32xf32, #tpu.memory_space<vmem_shared>> -> memref<200x32xf32, #tpu.memory_space<vmem_shared>>
        %dma_start3A_165 = arith.constant 0 : i32
        %dma_start3A_166 = tpu.memref_slice %arg11[%multiple_of3A_161, %dma_start3A_165] : memref<10000x32xf32, #tpu.memory_space<vmem_shared>> -> memref<200x32xf32, #tpu.memory_space<vmem_shared>>
        tpu.enqueue_dma source(%arg10 : memref<200x32xf32, #tpu.memory_space<vmem>>) target(%dma_start3A_166 : memref<200x32xf32, #tpu.memory_space<vmem_shared>>) target_semaphore(%run_scoped3A_162 : memref<!tpu.dma_semaphore, #tpu.memory_space<semaphore_mem>>)
        %dma_wait3A_167 = arith.constant 0 : i32
        %dma_wait3A_168 = tpu.memref_slice %arg11[%multiple_of3A_161, %dma_wait3A_167] : memref<10000x32xf32, #tpu.memory_space<vmem_shared>> -> memref<200x32xf32, #tpu.memory_space<vmem_shared>>
        %dma_wait3A_169 = arith.constant 0 : i32
        %dma_wait3A_170 = tpu.memref_slice %arg11[%multiple_of3A_161, %dma_wait3A_169] : memref<10000x32xf32, #tpu.memory_space<vmem_shared>> -> memref<200x32xf32, #tpu.memory_space<vmem_shared>>
        tpu.wait_dma2 semaphore(%run_scoped3A_162 : memref<!tpu.dma_semaphore, #tpu.memory_space<semaphore_mem>>) src(%arg10 : memref<200x32xf32, #tpu.memory_space<vmem>>) dst(%dma_wait3A_170 : memref<200x32xf32, #tpu.memory_space<vmem_shared>>)
        tpu.yield
      }) : () -> ()
    } else {
    }
    %add3A_22 = arith.constant 48 : i32
    %add3A_23 = arith.addi %arg1, %add3A_22 : i32
    %lt3A_24 = arith.constant 50 : i32
    %lt3A_25 = arith.cmpi slt, %add3A_23, %lt3A_24 : i32
    %convert_element_type3A_26 = arith.extui %lt3A_25 : i1 to i32
    %cond3A_27 = arith.constant 0 : i32
    %cond3A_28 = arith.cmpi ne, %convert_element_type3A_26, %cond3A_27 : i32
    scf.if %cond3A_28 {
      %mul3A_159 = arith.constant 200 : i32
      %mul3A_160 = arith.muli %add3A_23, %mul3A_159 : i32
      %multiple_of3A_161 = tpu.assume_multiple %mul3A_160, 200 : i32
      "tpu.region"() ({
        %run_scoped3A_162 = tpu.sem_alloc : memref<!tpu.dma_semaphore, #tpu.memory_space<semaphore_mem>>
        %dma_start3A_163 = arith.constant 0 : i32
        %dma_start3A_164 = tpu.memref_slice %arg11[%multiple_of3A_161, %dma_start3A_163] : memref<10000x32xf32, #tpu.memory_space<vmem_shared>> -> memref<200x32xf32, #tpu.memory_space<vmem_shared>>
        %dma_start3A_165 = arith.constant 0 : i32
        %dma_start3A_166 = tpu.memref_slice %arg11[%multiple_of3A_161, %dma_start3A_165] : memref<10000x32xf32, #tpu.memory_space<vmem_shared>> -> memref<200x32xf32, #tpu.memory_space<vmem_shared>>
        tpu.enqueue_dma source(%arg10 : memref<200x32xf32, #tpu.memory_space<vmem>>) target(%dma_start3A_166 : memref<200x32xf32, #tpu.memory_space<vmem_shared>>) target_semaphore(%run_scoped3A_162 : memref<!tpu.dma_semaphore, #tpu.memory_space<semaphore_mem>>)
        %dma_wait3A_167 = arith.constant 0 : i32
        %dma_wait3A_168 = tpu.memref_slice %arg11[%multiple_of3A_161, %dma_wait3A_167] : memref<10000x32xf32, #tpu.memory_space<vmem_shared>> -> memref<200x32xf32, #tpu.memory_space<vmem_shared>>
        %dma_wait3A_169 = arith.constant 0 : i32
        %dma_wait3A_170 = tpu.memref_slice %arg11[%multiple_of3A_161, %dma_wait3A_169] : memref<10000x32xf32, #tpu.memory_space<vmem_shared>> -> memref<200x32xf32, #tpu.memory_space<vmem_shared>>
        tpu.wait_dma2 semaphore(%run_scoped3A_162 : memref<!tpu.dma_semaphore, #tpu.memory_space<semaphore_mem>>) src(%arg10 : memref<200x32xf32, #tpu.memory_space<vmem>>) dst(%dma_wait3A_170 : memref<200x32xf32, #tpu.memory_space<vmem_shared>>)
        tpu.yield
      }) : () -> ()
    } else {
    }
    %barrier3A = arith.constant 0 : index
    tpu.barrier barrier_id(%barrier3A)
    %dma_start3A = arith.constant 0 : i32
    %dma_start3A_29 = arith.constant 0 : i32
    %dma_start3A_30 = arith.constant 0 : i32
    %dma_start3A_31 = arith.constant 0 : i32
    %dma_start3A_32 = tpu.memref_slice %arg8[%dma_start3A, %dma_start3A_30, %dma_start3A_31] : memref<6x128x32xf32, #tpu.memory_space<vmem>> -> memref<1x128x32xf32, #tpu.memory_space<vmem>>
    %dma_start3A_33 = tpu.memref_squeeze %dma_start3A_32 : memref<1x128x32xf32, #tpu.memory_space<vmem>> -> memref<128x32xf32, #tpu.memory_space<vmem>>
    %dma_start3A_34 = arith.constant 0 : i32
    %dma_start3A_35 = tpu.memref_slice %arg6[%dma_start3A_34] : memref<10000xi32, #tpu.memory_space<vmem>> -> memref<128xi32, #tpu.memory_space<vmem>>
    %dma_start3A_36 = arith.constant 0 : i32
    %dma_start3A_37 = arith.constant 0 : i32
    %dma_start3A_38 = tpu.memref_slice %arg2[%dma_start3A_36, %dma_start3A_37] : memref<10000x32xf32, #tpu.memory_space<hbm>> -> memref<10000x32xf32, #tpu.memory_space<hbm>>
    %dma_start3A_39 = tpu.memref_slice %arg12[%dma_start3A_29] : memref<6x!tpu.dma_semaphore, #tpu.memory_space<semaphore_mem>> -> memref<1x!tpu.dma_semaphore, #tpu.memory_space<semaphore_mem>>
    %dma_start3A_40 = tpu.memref_squeeze %dma_start3A_39 : memref<1x!tpu.dma_semaphore, #tpu.memory_space<semaphore_mem>> -> memref<!tpu.dma_semaphore, #tpu.memory_space<semaphore_mem>>
    tpu.enqueue_indirect_dma source(%dma_start3A_38 : memref<10000x32xf32, #tpu.memory_space<hbm>>) target(%dma_start3A_33 : memref<128x32xf32, #tpu.memory_space<vmem>>) offsets(%dma_start3A_35 : memref<128xi32, #tpu.memory_space<vmem>>) semaphore(%dma_start3A_40 : memref<!tpu.dma_semaphore, #tpu.memory_space<semaphore_mem>>)
    %dma_start3A_41 = arith.constant 1 : i32
    %dma_start3A_42 = arith.constant 1 : i32
    %dma_start3A_43 = arith.constant 0 : i32
    %dma_start3A_44 = arith.constant 0 : i32
    %dma_start3A_45 = tpu.memref_slice %arg8[%dma_start3A_41, %dma_start3A_43, %dma_start3A_44] : memref<6x128x32xf32, #tpu.memory_space<vmem>> -> memref<1x128x32xf32, #tpu.memory_space<vmem>>
    %dma_start3A_46 = tpu.memref_squeeze %dma_start3A_45 : memref<1x128x32xf32, #tpu.memory_space<vmem>> -> memref<128x32xf32, #tpu.memory_space<vmem>>
    %dma_start3A_47 = arith.constant 128 : i32
    %dma_start3A_48 = tpu.memref_slice %arg6[%dma_start3A_47] : memref<10000xi32, #tpu.memory_space<vmem>> -> memref<128xi32, #tpu.memory_space<vmem>>
    %dma_start3A_49 = arith.constant 0 : i32
    %dma_start3A_50 = arith.constant 0 : i32
    %dma_start3A_51 = tpu.memref_slice %arg2[%dma_start3A_49, %dma_start3A_50] : memref<10000x32xf32, #tpu.memory_space<hbm>> -> memref<10000x32xf32, #tpu.memory_space<hbm>>
    %dma_start3A_52 = tpu.memref_slice %arg12[%dma_start3A_42] : memref<6x!tpu.dma_semaphore, #tpu.memory_space<semaphore_mem>> -> memref<1x!tpu.dma_semaphore, #tpu.memory_space<semaphore_mem>>
    %dma_start3A_53 = tpu.memref_squeeze %dma_start3A_52 : memref<1x!tpu.dma_semaphore, #tpu.memory_space<semaphore_mem>> -> memref<!tpu.dma_semaphore, #tpu.memory_space<semaphore_mem>>
    tpu.enqueue_indirect_dma source(%dma_start3A_51 : memref<10000x32xf32, #tpu.memory_space<hbm>>) target(%dma_start3A_46 : memref<128x32xf32, #tpu.memory_space<vmem>>) offsets(%dma_start3A_48 : memref<128xi32, #tpu.memory_space<vmem>>) semaphore(%dma_start3A_53 : memref<!tpu.dma_semaphore, #tpu.memory_space<semaphore_mem>>)
    %dma_start3A_54 = arith.constant 2 : i32
    %dma_start3A_55 = arith.constant 2 : i32
    %dma_start3A_56 = arith.constant 0 : i32
    %dma_start3A_57 = arith.constant 0 : i32
    %dma_start3A_58 = tpu.memref_slice %arg8[%dma_start3A_54, %dma_start3A_56, %dma_start3A_57] : memref<6x128x32xf32, #tpu.memory_space<vmem>> -> memref<1x128x32xf32, #tpu.memory_space<vmem>>
    %dma_start3A_59 = tpu.memref_squeeze %dma_start3A_58 : memref<1x128x32xf32, #tpu.memory_space<vmem>> -> memref<128x32xf32, #tpu.memory_space<vmem>>
    %dma_start3A_60 = arith.constant 256 : i32
    %dma_start3A_61 = tpu.memref_slice %arg6[%dma_start3A_60] : memref<10000xi32, #tpu.memory_space<vmem>> -> memref<128xi32, #tpu.memory_space<vmem>>
    %dma_start3A_62 = arith.constant 0 : i32
    %dma_start3A_63 = arith.constant 0 : i32
    %dma_start3A_64 = tpu.memref_slice %arg2[%dma_start3A_62, %dma_start3A_63] : memref<10000x32xf32, #tpu.memory_space<hbm>> -> memref<10000x32xf32, #tpu.memory_space<hbm>>
    %dma_start3A_65 = tpu.memref_slice %arg12[%dma_start3A_55] : memref<6x!tpu.dma_semaphore, #tpu.memory_space<semaphore_mem>> -> memref<1x!tpu.dma_semaphore, #tpu.memory_space<semaphore_mem>>
    %dma_start3A_66 = tpu.memref_squeeze %dma_start3A_65 : memref<1x!tpu.dma_semaphore, #tpu.memory_space<semaphore_mem>> -> memref<!tpu.dma_semaphore, #tpu.memory_space<semaphore_mem>>
    tpu.enqueue_indirect_dma source(%dma_start3A_64 : memref<10000x32xf32, #tpu.memory_space<hbm>>) target(%dma_start3A_59 : memref<128x32xf32, #tpu.memory_space<vmem>>) offsets(%dma_start3A_61 : memref<128xi32, #tpu.memory_space<vmem>>) semaphore(%dma_start3A_66 : memref<!tpu.dma_semaphore, #tpu.memory_space<semaphore_mem>>)
    %dma_start3A_67 = arith.constant 9984 : i32
    %dma_start3A_68 = tpu.memref_slice %arg6[%dma_start3A_67] : memref<10000xi32, #tpu.memory_space<vmem>> -> memref<16xi32, #tpu.memory_space<vmem>>
    %dma_start3A_69 = arith.constant 0 : i32
    %dma_start3A_70 = arith.constant 0 : i32
    %dma_start3A_71 = tpu.memref_slice %arg2[%dma_start3A_69, %dma_start3A_70] : memref<10000x32xf32, #tpu.memory_space<hbm>> -> memref<10000x32xf32, #tpu.memory_space<hbm>>
    tpu.enqueue_indirect_dma source(%dma_start3A_71 : memref<10000x32xf32, #tpu.memory_space<hbm>>) target(%arg9 : memref<16x32xf32, #tpu.memory_space<vmem>>) offsets(%dma_start3A_68 : memref<16xi32, #tpu.memory_space<vmem>>) semaphore(%arg14 : memref<!tpu.dma_semaphore, #tpu.memory_space<semaphore_mem>>)
    %scan3A = arith.constant 0 : i32
    %scan3A_72 = arith.constant 0 : i32
    %scan3A_73 = arith.constant 13 : i32
    %scan3A_74 = arith.addi %scan3A_72, %scan3A_73 : i32
    %scan3A_75 = arith.constant 1 : i32
    scf.for %scan3A_159 = %scan3A_72 to %scan3A_74 step %scan3A_75  : i32 {
      %mul3A_160 = arith.constant 6 : i32
      %mul3A_161 = arith.muli %mul3A_160, %scan3A_159 : i32
      %add3A_162 = arith.constant 0 : i32
      %add3A_163 = arith.addi %mul3A_161, %add3A_162 : i32
      %ge3A = arith.constant 3 : i32
      %ge3A_164 = arith.cmpi sge, %add3A_163, %ge3A : i32
      %lt3A_165 = arith.constant 81 : i32
      %lt3A_166 = arith.cmpi slt, %add3A_163, %lt3A_165 : i32
      %and3A = arith.andi %ge3A_164, %lt3A_166 : i1
      %convert_element_type3A_167 = arith.extui %and3A : i1 to i32
      %cond3A_168 = arith.constant 0 : i32
      %cond3A_169 = arith.cmpi ne, %convert_element_type3A_167, %cond3A_168 : i32
      scf.if %cond3A_169 {
        %sub3A = arith.constant 3 : i32
        %sub3A_302 = arith.subi %add3A_163, %sub3A : i32
        %mul3A_303 = arith.constant 128 : i32
        %mul3A_304 = arith.muli %sub3A_302, %mul3A_303 : i32
        %dma_wait3A_305 = arith.constant 3 : i32
        %dma_wait3A_306 = arith.constant 3 : i32
        %dma_wait3A_307 = arith.constant 0 : i32
        %dma_wait3A_308 = arith.constant 0 : i32
        %dma_wait3A_309 = tpu.memref_slice %arg8[%dma_wait3A_305, %dma_wait3A_307, %dma_wait3A_308] : memref<6x128x32xf32, #tpu.memory_space<vmem>> -> memref<1x128x32xf32, #tpu.memory_space<vmem>>
        %dma_wait3A_310 = tpu.memref_squeeze %dma_wait3A_309 : memref<1x128x32xf32, #tpu.memory_space<vmem>> -> memref<128x32xf32, #tpu.memory_space<vmem>>
        %dma_wait3A_311 = tpu.memref_slice %arg7[%mul3A_304] : memref<10000xi32, #tpu.memory_space<vmem>> -> memref<128xi32, #tpu.memory_space<vmem>>
        %dma_wait3A_312 = arith.constant 0 : i32
        %dma_wait3A_313 = arith.constant 0 : i32
        %dma_wait3A_314 = tpu.memref_slice %arg11[%dma_wait3A_312, %dma_wait3A_313] : memref<10000x32xf32, #tpu.memory_space<vmem_shared>> -> memref<10000x32xf32, #tpu.memory_space<vmem_shared>>
        %dma_wait3A_315 = tpu.memref_slice %arg13[%dma_wait3A_306] : memref<6x!tpu.dma_semaphore, #tpu.memory_space<semaphore_mem>> -> memref<1x!tpu.dma_semaphore, #tpu.memory_space<semaphore_mem>>
        %dma_wait3A_316 = tpu.memref_squeeze %dma_wait3A_315 : memref<1x!tpu.dma_semaphore, #tpu.memory_space<semaphore_mem>> -> memref<!tpu.dma_semaphore, #tpu.memory_space<semaphore_mem>>
        tpu.wait_indirect_dma semaphore(%dma_wait3A_316 : memref<!tpu.dma_semaphore, #tpu.memory_space<semaphore_mem>>) src(%dma_wait3A_310 : memref<128x32xf32, #tpu.memory_space<vmem>>) dst(%dma_wait3A_314 : memref<10000x32xf32, #tpu.memory_space<vmem_shared>>)
      } else {
      }
      %add3A_170 = arith.constant 3 : i32
      %add3A_171 = arith.addi %add3A_163, %add3A_170 : i32
      %lt3A_172 = arith.constant 78 : i32
      %lt3A_173 = arith.cmpi slt, %add3A_171, %lt3A_172 : i32
      %convert_element_type3A_174 = arith.extui %lt3A_173 : i1 to i32
      %cond3A_175 = arith.constant 0 : i32
      %cond3A_176 = arith.cmpi ne, %convert_element_type3A_174, %cond3A_175 : i32
      scf.if %cond3A_176 {
        %add3A_302 = arith.constant 3 : i32
        %add3A_303 = arith.addi %add3A_163, %add3A_302 : i32
        %mul3A_304 = arith.constant 128 : i32
        %mul3A_305 = arith.muli %add3A_303, %mul3A_304 : i32
        %dma_start3A_306 = arith.constant 3 : i32
        %dma_start3A_307 = arith.constant 3 : i32
        %dma_start3A_308 = arith.constant 0 : i32
        %dma_start3A_309 = arith.constant 0 : i32
        %dma_start3A_310 = tpu.memref_slice %arg8[%dma_start3A_306, %dma_start3A_308, %dma_start3A_309] : memref<6x128x32xf32, #tpu.memory_space<vmem>> -> memref<1x128x32xf32, #tpu.memory_space<vmem>>
        %dma_start3A_311 = tpu.memref_squeeze %dma_start3A_310 : memref<1x128x32xf32, #tpu.memory_space<vmem>> -> memref<128x32xf32, #tpu.memory_space<vmem>>
        %dma_start3A_312 = tpu.memref_slice %arg6[%mul3A_305] : memref<10000xi32, #tpu.memory_space<vmem>> -> memref<128xi32, #tpu.memory_space<vmem>>
        %dma_start3A_313 = arith.constant 0 : i32
        %dma_start3A_314 = arith.constant 0 : i32
        %dma_start3A_315 = tpu.memref_slice %arg2[%dma_start3A_313, %dma_start3A_314] : memref<10000x32xf32, #tpu.memory_space<hbm>> -> memref<10000x32xf32, #tpu.memory_space<hbm>>
        %dma_start3A_316 = tpu.memref_slice %arg12[%dma_start3A_307] : memref<6x!tpu.dma_semaphore, #tpu.memory_space<semaphore_mem>> -> memref<1x!tpu.dma_semaphore, #tpu.memory_space<semaphore_mem>>
        %dma_start3A_317 = tpu.memref_squeeze %dma_start3A_316 : memref<1x!tpu.dma_semaphore, #tpu.memory_space<semaphore_mem>> -> memref<!tpu.dma_semaphore, #tpu.memory_space<semaphore_mem>>
        tpu.enqueue_indirect_dma source(%dma_start3A_315 : memref<10000x32xf32, #tpu.memory_space<hbm>>) target(%dma_start3A_311 : memref<128x32xf32, #tpu.memory_space<vmem>>) offsets(%dma_start3A_312 : memref<128xi32, #tpu.memory_space<vmem>>) semaphore(%dma_start3A_317 : memref<!tpu.dma_semaphore, #tpu.memory_space<semaphore_mem>>)
      } else {
      }
      %lt3A_177 = arith.constant 78 : i32
      %lt3A_178 = arith.cmpi slt, %add3A_163, %lt3A_177 : i32
      %convert_element_type3A_179 = arith.extui %lt3A_178 : i1 to i32
      %cond3A_180 = arith.constant 0 : i32
      %cond3A_181 = arith.cmpi ne, %convert_element_type3A_179, %cond3A_180 : i32
      scf.if %cond3A_181 {
        %mul3A_302 = arith.constant 128 : i32
        %mul3A_303 = arith.muli %add3A_163, %mul3A_302 : i32
        %dma_wait3A_304 = arith.constant 0 : i32
        %dma_wait3A_305 = arith.constant 0 : i32
        %dma_wait3A_306 = arith.constant 0 : i32
        %dma_wait3A_307 = arith.constant 0 : i32
        %dma_wait3A_308 = tpu.memref_slice %arg8[%dma_wait3A_304, %dma_wait3A_306, %dma_wait3A_307] : memref<6x128x32xf32, #tpu.memory_space<vmem>> -> memref<1x128x32xf32, #tpu.memory_space<vmem>>
        %dma_wait3A_309 = tpu.memref_squeeze %dma_wait3A_308 : memref<1x128x32xf32, #tpu.memory_space<vmem>> -> memref<128x32xf32, #tpu.memory_space<vmem>>
        %dma_wait3A_310 = tpu.memref_slice %arg6[%mul3A_303] : memref<10000xi32, #tpu.memory_space<vmem>> -> memref<128xi32, #tpu.memory_space<vmem>>
        %dma_wait3A_311 = arith.constant 0 : i32
        %dma_wait3A_312 = arith.constant 0 : i32
        %dma_wait3A_313 = tpu.memref_slice %arg2[%dma_wait3A_311, %dma_wait3A_312] : memref<10000x32xf32, #tpu.memory_space<hbm>> -> memref<10000x32xf32, #tpu.memory_space<hbm>>
        %dma_wait3A_314 = tpu.memref_slice %arg12[%dma_wait3A_305] : memref<6x!tpu.dma_semaphore, #tpu.memory_space<semaphore_mem>> -> memref<1x!tpu.dma_semaphore, #tpu.memory_space<semaphore_mem>>
        %dma_wait3A_315 = tpu.memref_squeeze %dma_wait3A_314 : memref<1x!tpu.dma_semaphore, #tpu.memory_space<semaphore_mem>> -> memref<!tpu.dma_semaphore, #tpu.memory_space<semaphore_mem>>
        tpu.wait_indirect_dma semaphore(%dma_wait3A_315 : memref<!tpu.dma_semaphore, #tpu.memory_space<semaphore_mem>>) src(%dma_wait3A_313 : memref<10000x32xf32, #tpu.memory_space<hbm>>) dst(%dma_wait3A_309 : memref<128x32xf32, #tpu.memory_space<vmem>>)
        %mul3A_316 = arith.constant 128 : i32
        %mul3A_317 = arith.muli %add3A_163, %mul3A_316 : i32
        %dma_start3A_318 = arith.constant 0 : i32
        %dma_start3A_319 = arith.constant 0 : i32
        %dma_start3A_320 = arith.constant 0 : i32
        %dma_start3A_321 = arith.constant 0 : i32
        %dma_start3A_322 = tpu.memref_slice %arg8[%dma_start3A_318, %dma_start3A_320, %dma_start3A_321] : memref<6x128x32xf32, #tpu.memory_space<vmem>> -> memref<1x128x32xf32, #tpu.memory_space<vmem>>
        %dma_start3A_323 = tpu.memref_squeeze %dma_start3A_322 : memref<1x128x32xf32, #tpu.memory_space<vmem>> -> memref<128x32xf32, #tpu.memory_space<vmem>>
        %dma_start3A_324 = tpu.memref_slice %arg7[%mul3A_317] : memref<10000xi32, #tpu.memory_space<vmem>> -> memref<128xi32, #tpu.memory_space<vmem>>
        %dma_start3A_325 = arith.constant 0 : i32
        %dma_start3A_326 = arith.constant 0 : i32
        %dma_start3A_327 = tpu.memref_slice %arg11[%dma_start3A_325, %dma_start3A_326] : memref<10000x32xf32, #tpu.memory_space<vmem_shared>> -> memref<10000x32xf32, #tpu.memory_space<vmem_shared>>
        %dma_start3A_328 = tpu.memref_slice %arg13[%dma_start3A_319] : memref<6x!tpu.dma_semaphore, #tpu.memory_space<semaphore_mem>> -> memref<1x!tpu.dma_semaphore, #tpu.memory_space<semaphore_mem>>
        %dma_start3A_329 = tpu.memref_squeeze %dma_start3A_328 : memref<1x!tpu.dma_semaphore, #tpu.memory_space<semaphore_mem>> -> memref<!tpu.dma_semaphore, #tpu.memory_space<semaphore_mem>>
        tpu.enqueue_indirect_dma source(%dma_start3A_323 : memref<128x32xf32, #tpu.memory_space<vmem>>) target(%dma_start3A_327 : memref<10000x32xf32, #tpu.memory_space<vmem_shared>>) offsets(%dma_start3A_324 : memref<128xi32, #tpu.memory_space<vmem>>) semaphore(%dma_start3A_329 : memref<!tpu.dma_semaphore, #tpu.memory_space<semaphore_mem>>) {add = true}
      } else {
      }
      %mul3A_182 = arith.constant 6 : i32
      %mul3A_183 = arith.muli %mul3A_182, %scan3A_159 : i32
      %add3A_184 = arith.constant 1 : i32
      %add3A_185 = arith.addi %mul3A_183, %add3A_184 : i32
      %ge3A_186 = arith.constant 3 : i32
      %ge3A_187 = arith.cmpi sge, %add3A_185, %ge3A_186 : i32
      %lt3A_188 = arith.constant 81 : i32
      %lt3A_189 = arith.cmpi slt, %add3A_185, %lt3A_188 : i32
      %and3A_190 = arith.andi %ge3A_187, %lt3A_189 : i1
      %convert_element_type3A_191 = arith.extui %and3A_190 : i1 to i32
      %cond3A_192 = arith.constant 0 : i32
      %cond3A_193 = arith.cmpi ne, %convert_element_type3A_191, %cond3A_192 : i32
      scf.if %cond3A_193 {
        %sub3A = arith.constant 3 : i32
        %sub3A_302 = arith.subi %add3A_185, %sub3A : i32
        %mul3A_303 = arith.constant 128 : i32
        %mul3A_304 = arith.muli %sub3A_302, %mul3A_303 : i32
        %dma_wait3A_305 = arith.constant 4 : i32
        %dma_wait3A_306 = arith.constant 4 : i32
        %dma_wait3A_307 = arith.constant 0 : i32
        %dma_wait3A_308 = arith.constant 0 : i32
        %dma_wait3A_309 = tpu.memref_slice %arg8[%dma_wait3A_305, %dma_wait3A_307, %dma_wait3A_308] : memref<6x128x32xf32, #tpu.memory_space<vmem>> -> memref<1x128x32xf32, #tpu.memory_space<vmem>>
        %dma_wait3A_310 = tpu.memref_squeeze %dma_wait3A_309 : memref<1x128x32xf32, #tpu.memory_space<vmem>> -> memref<128x32xf32, #tpu.memory_space<vmem>>
        %dma_wait3A_311 = tpu.memref_slice %arg7[%mul3A_304] : memref<10000xi32, #tpu.memory_space<vmem>> -> memref<128xi32, #tpu.memory_space<vmem>>
        %dma_wait3A_312 = arith.constant 0 : i32
        %dma_wait3A_313 = arith.constant 0 : i32
        %dma_wait3A_314 = tpu.memref_slice %arg11[%dma_wait3A_312, %dma_wait3A_313] : memref<10000x32xf32, #tpu.memory_space<vmem_shared>> -> memref<10000x32xf32, #tpu.memory_space<vmem_shared>>
        %dma_wait3A_315 = tpu.memref_slice %arg13[%dma_wait3A_306] : memref<6x!tpu.dma_semaphore, #tpu.memory_space<semaphore_mem>> -> memref<1x!tpu.dma_semaphore, #tpu.memory_space<semaphore_mem>>
        %dma_wait3A_316 = tpu.memref_squeeze %dma_wait3A_315 : memref<1x!tpu.dma_semaphore, #tpu.memory_space<semaphore_mem>> -> memref<!tpu.dma_semaphore, #tpu.memory_space<semaphore_mem>>
        tpu.wait_indirect_dma semaphore(%dma_wait3A_316 : memref<!tpu.dma_semaphore, #tpu.memory_space<semaphore_mem>>) src(%dma_wait3A_310 : memref<128x32xf32, #tpu.memory_space<vmem>>) dst(%dma_wait3A_314 : memref<10000x32xf32, #tpu.memory_space<vmem_shared>>)
      } else {
      }
      %add3A_194 = arith.constant 3 : i32
      %add3A_195 = arith.addi %add3A_185, %add3A_194 : i32
      %lt3A_196 = arith.constant 78 : i32
      %lt3A_197 = arith.cmpi slt, %add3A_195, %lt3A_196 : i32
      %convert_element_type3A_198 = arith.extui %lt3A_197 : i1 to i32
      %cond3A_199 = arith.constant 0 : i32
      %cond3A_200 = arith.cmpi ne, %convert_element_type3A_198, %cond3A_199 : i32
      scf.if %cond3A_200 {
        %add3A_302 = arith.constant 3 : i32
        %add3A_303 = arith.addi %add3A_185, %add3A_302 : i32
        %mul3A_304 = arith.constant 128 : i32
        %mul3A_305 = arith.muli %add3A_303, %mul3A_304 : i32
        %dma_start3A_306 = arith.constant 4 : i32
        %dma_start3A_307 = arith.constant 4 : i32
        %dma_start3A_308 = arith.constant 0 : i32
        %dma_start3A_309 = arith.constant 0 : i32
        %dma_start3A_310 = tpu.memref_slice %arg8[%dma_start3A_306, %dma_start3A_308, %dma_start3A_309] : memref<6x128x32xf32, #tpu.memory_space<vmem>> -> memref<1x128x32xf32, #tpu.memory_space<vmem>>
        %dma_start3A_311 = tpu.memref_squeeze %dma_start3A_310 : memref<1x128x32xf32, #tpu.memory_space<vmem>> -> memref<128x32xf32, #tpu.memory_space<vmem>>
        %dma_start3A_312 = tpu.memref_slice %arg6[%mul3A_305] : memref<10000xi32, #tpu.memory_space<vmem>> -> memref<128xi32, #tpu.memory_space<vmem>>
        %dma_start3A_313 = arith.constant 0 : i32
        %dma_start3A_314 = arith.constant 0 : i32
        %dma_start3A_315 = tpu.memref_slice %arg2[%dma_start3A_313, %dma_start3A_314] : memref<10000x32xf32, #tpu.memory_space<hbm>> -> memref<10000x32xf32, #tpu.memory_space<hbm>>
        %dma_start3A_316 = tpu.memref_slice %arg12[%dma_start3A_307] : memref<6x!tpu.dma_semaphore, #tpu.memory_space<semaphore_mem>> -> memref<1x!tpu.dma_semaphore, #tpu.memory_space<semaphore_mem>>
        %dma_start3A_317 = tpu.memref_squeeze %dma_start3A_316 : memref<1x!tpu.dma_semaphore, #tpu.memory_space<semaphore_mem>> -> memref<!tpu.dma_semaphore, #tpu.memory_space<semaphore_mem>>
        tpu.enqueue_indirect_dma source(%dma_start3A_315 : memref<10000x32xf32, #tpu.memory_space<hbm>>) target(%dma_start3A_311 : memref<128x32xf32, #tpu.memory_space<vmem>>) offsets(%dma_start3A_312 : memref<128xi32, #tpu.memory_space<vmem>>) semaphore(%dma_start3A_317 : memref<!tpu.dma_semaphore, #tpu.memory_space<semaphore_mem>>)
      } else {
      }
      %lt3A_201 = arith.constant 78 : i32
      %lt3A_202 = arith.cmpi slt, %add3A_185, %lt3A_201 : i32
      %convert_element_type3A_203 = arith.extui %lt3A_202 : i1 to i32
      %cond3A_204 = arith.constant 0 : i32
      %cond3A_205 = arith.cmpi ne, %convert_element_type3A_203, %cond3A_204 : i32
      scf.if %cond3A_205 {
        %mul3A_302 = arith.constant 128 : i32
        %mul3A_303 = arith.muli %add3A_185, %mul3A_302 : i32
        %dma_wait3A_304 = arith.constant 1 : i32
        %dma_wait3A_305 = arith.constant 1 : i32
        %dma_wait3A_306 = arith.constant 0 : i32
        %dma_wait3A_307 = arith.constant 0 : i32
        %dma_wait3A_308 = tpu.memref_slice %arg8[%dma_wait3A_304, %dma_wait3A_306, %dma_wait3A_307] : memref<6x128x32xf32, #tpu.memory_space<vmem>> -> memref<1x128x32xf32, #tpu.memory_space<vmem>>
        %dma_wait3A_309 = tpu.memref_squeeze %dma_wait3A_308 : memref<1x128x32xf32, #tpu.memory_space<vmem>> -> memref<128x32xf32, #tpu.memory_space<vmem>>
        %dma_wait3A_310 = tpu.memref_slice %arg6[%mul3A_303] : memref<10000xi32, #tpu.memory_space<vmem>> -> memref<128xi32, #tpu.memory_space<vmem>>
        %dma_wait3A_311 = arith.constant 0 : i32
        %dma_wait3A_312 = arith.constant 0 : i32
        %dma_wait3A_313 = tpu.memref_slice %arg2[%dma_wait3A_311, %dma_wait3A_312] : memref<10000x32xf32, #tpu.memory_space<hbm>> -> memref<10000x32xf32, #tpu.memory_space<hbm>>
        %dma_wait3A_314 = tpu.memref_slice %arg12[%dma_wait3A_305] : memref<6x!tpu.dma_semaphore, #tpu.memory_space<semaphore_mem>> -> memref<1x!tpu.dma_semaphore, #tpu.memory_space<semaphore_mem>>
        %dma_wait3A_315 = tpu.memref_squeeze %dma_wait3A_314 : memref<1x!tpu.dma_semaphore, #tpu.memory_space<semaphore_mem>> -> memref<!tpu.dma_semaphore, #tpu.memory_space<semaphore_mem>>
        tpu.wait_indirect_dma semaphore(%dma_wait3A_315 : memref<!tpu.dma_semaphore, #tpu.memory_space<semaphore_mem>>) src(%dma_wait3A_313 : memref<10000x32xf32, #tpu.memory_space<hbm>>) dst(%dma_wait3A_309 : memref<128x32xf32, #tpu.memory_space<vmem>>)
        %mul3A_316 = arith.constant 128 : i32
        %mul3A_317 = arith.muli %add3A_185, %mul3A_316 : i32
        %dma_start3A_318 = arith.constant 1 : i32
        %dma_start3A_319 = arith.constant 1 : i32
        %dma_start3A_320 = arith.constant 0 : i32
        %dma_start3A_321 = arith.constant 0 : i32
        %dma_start3A_322 = tpu.memref_slice %arg8[%dma_start3A_318, %dma_start3A_320, %dma_start3A_321] : memref<6x128x32xf32, #tpu.memory_space<vmem>> -> memref<1x128x32xf32, #tpu.memory_space<vmem>>
        %dma_start3A_323 = tpu.memref_squeeze %dma_start3A_322 : memref<1x128x32xf32, #tpu.memory_space<vmem>> -> memref<128x32xf32, #tpu.memory_space<vmem>>
        %dma_start3A_324 = tpu.memref_slice %arg7[%mul3A_317] : memref<10000xi32, #tpu.memory_space<vmem>> -> memref<128xi32, #tpu.memory_space<vmem>>
        %dma_start3A_325 = arith.constant 0 : i32
        %dma_start3A_326 = arith.constant 0 : i32
        %dma_start3A_327 = tpu.memref_slice %arg11[%dma_start3A_325, %dma_start3A_326] : memref<10000x32xf32, #tpu.memory_space<vmem_shared>> -> memref<10000x32xf32, #tpu.memory_space<vmem_shared>>
        %dma_start3A_328 = tpu.memref_slice %arg13[%dma_start3A_319] : memref<6x!tpu.dma_semaphore, #tpu.memory_space<semaphore_mem>> -> memref<1x!tpu.dma_semaphore, #tpu.memory_space<semaphore_mem>>
        %dma_start3A_329 = tpu.memref_squeeze %dma_start3A_328 : memref<1x!tpu.dma_semaphore, #tpu.memory_space<semaphore_mem>> -> memref<!tpu.dma_semaphore, #tpu.memory_space<semaphore_mem>>
        tpu.enqueue_indirect_dma source(%dma_start3A_323 : memref<128x32xf32, #tpu.memory_space<vmem>>) target(%dma_start3A_327 : memref<10000x32xf32, #tpu.memory_space<vmem_shared>>) offsets(%dma_start3A_324 : memref<128xi32, #tpu.memory_space<vmem>>) semaphore(%dma_start3A_329 : memref<!tpu.dma_semaphore, #tpu.memory_space<semaphore_mem>>) {add = true}
      } else {
      }
      %mul3A_206 = arith.constant 6 : i32
      %mul3A_207 = arith.muli %mul3A_206, %scan3A_159 : i32
      %add3A_208 = arith.constant 2 : i32
      %add3A_209 = arith.addi %mul3A_207, %add3A_208 : i32
      %ge3A_210 = arith.constant 3 : i32
      %ge3A_211 = arith.cmpi sge, %add3A_209, %ge3A_210 : i32
      %lt3A_212 = arith.constant 81 : i32
      %lt3A_213 = arith.cmpi slt, %add3A_209, %lt3A_212 : i32
      %and3A_214 = arith.andi %ge3A_211, %lt3A_213 : i1
      %convert_element_type3A_215 = arith.extui %and3A_214 : i1 to i32
      %cond3A_216 = arith.constant 0 : i32
      %cond3A_217 = arith.cmpi ne, %convert_element_type3A_215, %cond3A_216 : i32
      scf.if %cond3A_217 {
        %sub3A = arith.constant 3 : i32
        %sub3A_302 = arith.subi %add3A_209, %sub3A : i32
        %mul3A_303 = arith.constant 128 : i32
        %mul3A_304 = arith.muli %sub3A_302, %mul3A_303 : i32
        %dma_wait3A_305 = arith.constant 5 : i32
        %dma_wait3A_306 = arith.constant 5 : i32
        %dma_wait3A_307 = arith.constant 0 : i32
        %dma_wait3A_308 = arith.constant 0 : i32
        %dma_wait3A_309 = tpu.memref_slice %arg8[%dma_wait3A_305, %dma_wait3A_307, %dma_wait3A_308] : memref<6x128x32xf32, #tpu.memory_space<vmem>> -> memref<1x128x32xf32, #tpu.memory_space<vmem>>
        %dma_wait3A_310 = tpu.memref_squeeze %dma_wait3A_309 : memref<1x128x32xf32, #tpu.memory_space<vmem>> -> memref<128x32xf32, #tpu.memory_space<vmem>>
        %dma_wait3A_311 = tpu.memref_slice %arg7[%mul3A_304] : memref<10000xi32, #tpu.memory_space<vmem>> -> memref<128xi32, #tpu.memory_space<vmem>>
        %dma_wait3A_312 = arith.constant 0 : i32
        %dma_wait3A_313 = arith.constant 0 : i32
        %dma_wait3A_314 = tpu.memref_slice %arg11[%dma_wait3A_312, %dma_wait3A_313] : memref<10000x32xf32, #tpu.memory_space<vmem_shared>> -> memref<10000x32xf32, #tpu.memory_space<vmem_shared>>
        %dma_wait3A_315 = tpu.memref_slice %arg13[%dma_wait3A_306] : memref<6x!tpu.dma_semaphore, #tpu.memory_space<semaphore_mem>> -> memref<1x!tpu.dma_semaphore, #tpu.memory_space<semaphore_mem>>
        %dma_wait3A_316 = tpu.memref_squeeze %dma_wait3A_315 : memref<1x!tpu.dma_semaphore, #tpu.memory_space<semaphore_mem>> -> memref<!tpu.dma_semaphore, #tpu.memory_space<semaphore_mem>>
        tpu.wait_indirect_dma semaphore(%dma_wait3A_316 : memref<!tpu.dma_semaphore, #tpu.memory_space<semaphore_mem>>) src(%dma_wait3A_310 : memref<128x32xf32, #tpu.memory_space<vmem>>) dst(%dma_wait3A_314 : memref<10000x32xf32, #tpu.memory_space<vmem_shared>>)
      } else {
      }
      %add3A_218 = arith.constant 3 : i32
      %add3A_219 = arith.addi %add3A_209, %add3A_218 : i32
      %lt3A_220 = arith.constant 78 : i32
      %lt3A_221 = arith.cmpi slt, %add3A_219, %lt3A_220 : i32
      %convert_element_type3A_222 = arith.extui %lt3A_221 : i1 to i32
      %cond3A_223 = arith.constant 0 : i32
      %cond3A_224 = arith.cmpi ne, %convert_element_type3A_222, %cond3A_223 : i32
      scf.if %cond3A_224 {
        %add3A_302 = arith.constant 3 : i32
        %add3A_303 = arith.addi %add3A_209, %add3A_302 : i32
        %mul3A_304 = arith.constant 128 : i32
        %mul3A_305 = arith.muli %add3A_303, %mul3A_304 : i32
        %dma_start3A_306 = arith.constant 5 : i32
        %dma_start3A_307 = arith.constant 5 : i32
        %dma_start3A_308 = arith.constant 0 : i32
        %dma_start3A_309 = arith.constant 0 : i32
        %dma_start3A_310 = tpu.memref_slice %arg8[%dma_start3A_306, %dma_start3A_308, %dma_start3A_309] : memref<6x128x32xf32, #tpu.memory_space<vmem>> -> memref<1x128x32xf32, #tpu.memory_space<vmem>>
        %dma_start3A_311 = tpu.memref_squeeze %dma_start3A_310 : memref<1x128x32xf32, #tpu.memory_space<vmem>> -> memref<128x32xf32, #tpu.memory_space<vmem>>
        %dma_start3A_312 = tpu.memref_slice %arg6[%mul3A_305] : memref<10000xi32, #tpu.memory_space<vmem>> -> memref<128xi32, #tpu.memory_space<vmem>>
        %dma_start3A_313 = arith.constant 0 : i32
        %dma_start3A_314 = arith.constant 0 : i32
        %dma_start3A_315 = tpu.memref_slice %arg2[%dma_start3A_313, %dma_start3A_314] : memref<10000x32xf32, #tpu.memory_space<hbm>> -> memref<10000x32xf32, #tpu.memory_space<hbm>>
        %dma_start3A_316 = tpu.memref_slice %arg12[%dma_start3A_307] : memref<6x!tpu.dma_semaphore, #tpu.memory_space<semaphore_mem>> -> memref<1x!tpu.dma_semaphore, #tpu.memory_space<semaphore_mem>>
        %dma_start3A_317 = tpu.memref_squeeze %dma_start3A_316 : memref<1x!tpu.dma_semaphore, #tpu.memory_space<semaphore_mem>> -> memref<!tpu.dma_semaphore, #tpu.memory_space<semaphore_mem>>
        tpu.enqueue_indirect_dma source(%dma_start3A_315 : memref<10000x32xf32, #tpu.memory_space<hbm>>) target(%dma_start3A_311 : memref<128x32xf32, #tpu.memory_space<vmem>>) offsets(%dma_start3A_312 : memref<128xi32, #tpu.memory_space<vmem>>) semaphore(%dma_start3A_317 : memref<!tpu.dma_semaphore, #tpu.memory_space<semaphore_mem>>)
      } else {
      }
      %lt3A_225 = arith.constant 78 : i32
      %lt3A_226 = arith.cmpi slt, %add3A_209, %lt3A_225 : i32
      %convert_element_type3A_227 = arith.extui %lt3A_226 : i1 to i32
      %cond3A_228 = arith.constant 0 : i32
      %cond3A_229 = arith.cmpi ne, %convert_element_type3A_227, %cond3A_228 : i32
      scf.if %cond3A_229 {
        %mul3A_302 = arith.constant 128 : i32
        %mul3A_303 = arith.muli %add3A_209, %mul3A_302 : i32
        %dma_wait3A_304 = arith.constant 2 : i32
        %dma_wait3A_305 = arith.constant 2 : i32
        %dma_wait3A_306 = arith.constant 0 : i32
        %dma_wait3A_307 = arith.constant 0 : i32
        %dma_wait3A_308 = tpu.memref_slice %arg8[%dma_wait3A_304, %dma_wait3A_306, %dma_wait3A_307] : memref<6x128x32xf32, #tpu.memory_space<vmem>> -> memref<1x128x32xf32, #tpu.memory_space<vmem>>
        %dma_wait3A_309 = tpu.memref_squeeze %dma_wait3A_308 : memref<1x128x32xf32, #tpu.memory_space<vmem>> -> memref<128x32xf32, #tpu.memory_space<vmem>>
        %dma_wait3A_310 = tpu.memref_slice %arg6[%mul3A_303] : memref<10000xi32, #tpu.memory_space<vmem>> -> memref<128xi32, #tpu.memory_space<vmem>>
        %dma_wait3A_311 = arith.constant 0 : i32
        %dma_wait3A_312 = arith.constant 0 : i32
        %dma_wait3A_313 = tpu.memref_slice %arg2[%dma_wait3A_311, %dma_wait3A_312] : memref<10000x32xf32, #tpu.memory_space<hbm>> -> memref<10000x32xf32, #tpu.memory_space<hbm>>
        %dma_wait3A_314 = tpu.memref_slice %arg12[%dma_wait3A_305] : memref<6x!tpu.dma_semaphore, #tpu.memory_space<semaphore_mem>> -> memref<1x!tpu.dma_semaphore, #tpu.memory_space<semaphore_mem>>
        %dma_wait3A_315 = tpu.memref_squeeze %dma_wait3A_314 : memref<1x!tpu.dma_semaphore, #tpu.memory_space<semaphore_mem>> -> memref<!tpu.dma_semaphore, #tpu.memory_space<semaphore_mem>>
        tpu.wait_indirect_dma semaphore(%dma_wait3A_315 : memref<!tpu.dma_semaphore, #tpu.memory_space<semaphore_mem>>) src(%dma_wait3A_313 : memref<10000x32xf32, #tpu.memory_space<hbm>>) dst(%dma_wait3A_309 : memref<128x32xf32, #tpu.memory_space<vmem>>)
        %mul3A_316 = arith.constant 128 : i32
        %mul3A_317 = arith.muli %add3A_209, %mul3A_316 : i32
        %dma_start3A_318 = arith.constant 2 : i32
        %dma_start3A_319 = arith.constant 2 : i32
        %dma_start3A_320 = arith.constant 0 : i32
        %dma_start3A_321 = arith.constant 0 : i32
        %dma_start3A_322 = tpu.memref_slice %arg8[%dma_start3A_318, %dma_start3A_320, %dma_start3A_321] : memref<6x128x32xf32, #tpu.memory_space<vmem>> -> memref<1x128x32xf32, #tpu.memory_space<vmem>>
        %dma_start3A_323 = tpu.memref_squeeze %dma_start3A_322 : memref<1x128x32xf32, #tpu.memory_space<vmem>> -> memref<128x32xf32, #tpu.memory_space<vmem>>
        %dma_start3A_324 = tpu.memref_slice %arg7[%mul3A_317] : memref<10000xi32, #tpu.memory_space<vmem>> -> memref<128xi32, #tpu.memory_space<vmem>>
        %dma_start3A_325 = arith.constant 0 : i32
        %dma_start3A_326 = arith.constant 0 : i32
        %dma_start3A_327 = tpu.memref_slice %arg11[%dma_start3A_325, %dma_start3A_326] : memref<10000x32xf32, #tpu.memory_space<vmem_shared>> -> memref<10000x32xf32, #tpu.memory_space<vmem_shared>>
        %dma_start3A_328 = tpu.memref_slice %arg13[%dma_start3A_319] : memref<6x!tpu.dma_semaphore, #tpu.memory_space<semaphore_mem>> -> memref<1x!tpu.dma_semaphore, #tpu.memory_space<semaphore_mem>>
        %dma_start3A_329 = tpu.memref_squeeze %dma_start3A_328 : memref<1x!tpu.dma_semaphore, #tpu.memory_space<semaphore_mem>> -> memref<!tpu.dma_semaphore, #tpu.memory_space<semaphore_mem>>
        tpu.enqueue_indirect_dma source(%dma_start3A_323 : memref<128x32xf32, #tpu.memory_space<vmem>>) target(%dma_start3A_327 : memref<10000x32xf32, #tpu.memory_space<vmem_shared>>) offsets(%dma_start3A_324 : memref<128xi32, #tpu.memory_space<vmem>>) semaphore(%dma_start3A_329 : memref<!tpu.dma_semaphore, #tpu.memory_space<semaphore_mem>>) {add = true}
      } else {
      }
      %mul3A_230 = arith.constant 6 : i32
      %mul3A_231 = arith.muli %mul3A_230, %scan3A_159 : i32
      %add3A_232 = arith.constant 3 : i32
      %add3A_233 = arith.addi %mul3A_231, %add3A_232 : i32
      %ge3A_234 = arith.constant 3 : i32
      %ge3A_235 = arith.cmpi sge, %add3A_233, %ge3A_234 : i32
      %lt3A_236 = arith.constant 81 : i32
      %lt3A_237 = arith.cmpi slt, %add3A_233, %lt3A_236 : i32
      %and3A_238 = arith.andi %ge3A_235, %lt3A_237 : i1
      %convert_element_type3A_239 = arith.extui %and3A_238 : i1 to i32
      %cond3A_240 = arith.constant 0 : i32
      %cond3A_241 = arith.cmpi ne, %convert_element_type3A_239, %cond3A_240 : i32
      scf.if %cond3A_241 {
        %sub3A = arith.constant 3 : i32
        %sub3A_302 = arith.subi %add3A_233, %sub3A : i32
        %mul3A_303 = arith.constant 128 : i32
        %mul3A_304 = arith.muli %sub3A_302, %mul3A_303 : i32
        %dma_wait3A_305 = arith.constant 0 : i32
        %dma_wait3A_306 = arith.constant 0 : i32
        %dma_wait3A_307 = arith.constant 0 : i32
        %dma_wait3A_308 = arith.constant 0 : i32
        %dma_wait3A_309 = tpu.memref_slice %arg8[%dma_wait3A_305, %dma_wait3A_307, %dma_wait3A_308] : memref<6x128x32xf32, #tpu.memory_space<vmem>> -> memref<1x128x32xf32, #tpu.memory_space<vmem>>
        %dma_wait3A_310 = tpu.memref_squeeze %dma_wait3A_309 : memref<1x128x32xf32, #tpu.memory_space<vmem>> -> memref<128x32xf32, #tpu.memory_space<vmem>>
        %dma_wait3A_311 = tpu.memref_slice %arg7[%mul3A_304] : memref<10000xi32, #tpu.memory_space<vmem>> -> memref<128xi32, #tpu.memory_space<vmem>>
        %dma_wait3A_312 = arith.constant 0 : i32
        %dma_wait3A_313 = arith.constant 0 : i32
        %dma_wait3A_314 = tpu.memref_slice %arg11[%dma_wait3A_312, %dma_wait3A_313] : memref<10000x32xf32, #tpu.memory_space<vmem_shared>> -> memref<10000x32xf32, #tpu.memory_space<vmem_shared>>
        %dma_wait3A_315 = tpu.memref_slice %arg13[%dma_wait3A_306] : memref<6x!tpu.dma_semaphore, #tpu.memory_space<semaphore_mem>> -> memref<1x!tpu.dma_semaphore, #tpu.memory_space<semaphore_mem>>
        %dma_wait3A_316 = tpu.memref_squeeze %dma_wait3A_315 : memref<1x!tpu.dma_semaphore, #tpu.memory_space<semaphore_mem>> -> memref<!tpu.dma_semaphore, #tpu.memory_space<semaphore_mem>>
        tpu.wait_indirect_dma semaphore(%dma_wait3A_316 : memref<!tpu.dma_semaphore, #tpu.memory_space<semaphore_mem>>) src(%dma_wait3A_310 : memref<128x32xf32, #tpu.memory_space<vmem>>) dst(%dma_wait3A_314 : memref<10000x32xf32, #tpu.memory_space<vmem_shared>>)
      } else {
      }
      %add3A_242 = arith.constant 3 : i32
      %add3A_243 = arith.addi %add3A_233, %add3A_242 : i32
      %lt3A_244 = arith.constant 78 : i32
      %lt3A_245 = arith.cmpi slt, %add3A_243, %lt3A_244 : i32
      %convert_element_type3A_246 = arith.extui %lt3A_245 : i1 to i32
      %cond3A_247 = arith.constant 0 : i32
      %cond3A_248 = arith.cmpi ne, %convert_element_type3A_246, %cond3A_247 : i32
      scf.if %cond3A_248 {
        %add3A_302 = arith.constant 3 : i32
        %add3A_303 = arith.addi %add3A_233, %add3A_302 : i32
        %mul3A_304 = arith.constant 128 : i32
        %mul3A_305 = arith.muli %add3A_303, %mul3A_304 : i32
        %dma_start3A_306 = arith.constant 0 : i32
        %dma_start3A_307 = arith.constant 0 : i32
        %dma_start3A_308 = arith.constant 0 : i32
        %dma_start3A_309 = arith.constant 0 : i32
        %dma_start3A_310 = tpu.memref_slice %arg8[%dma_start3A_306, %dma_start3A_308, %dma_start3A_309] : memref<6x128x32xf32, #tpu.memory_space<vmem>> -> memref<1x128x32xf32, #tpu.memory_space<vmem>>
        %dma_start3A_311 = tpu.memref_squeeze %dma_start3A_310 : memref<1x128x32xf32, #tpu.memory_space<vmem>> -> memref<128x32xf32, #tpu.memory_space<vmem>>
        %dma_start3A_312 = tpu.memref_slice %arg6[%mul3A_305] : memref<10000xi32, #tpu.memory_space<vmem>> -> memref<128xi32, #tpu.memory_space<vmem>>
        %dma_start3A_313 = arith.constant 0 : i32
        %dma_start3A_314 = arith.constant 0 : i32
        %dma_start3A_315 = tpu.memref_slice %arg2[%dma_start3A_313, %dma_start3A_314] : memref<10000x32xf32, #tpu.memory_space<hbm>> -> memref<10000x32xf32, #tpu.memory_space<hbm>>
        %dma_start3A_316 = tpu.memref_slice %arg12[%dma_start3A_307] : memref<6x!tpu.dma_semaphore, #tpu.memory_space<semaphore_mem>> -> memref<1x!tpu.dma_semaphore, #tpu.memory_space<semaphore_mem>>
        %dma_start3A_317 = tpu.memref_squeeze %dma_start3A_316 : memref<1x!tpu.dma_semaphore, #tpu.memory_space<semaphore_mem>> -> memref<!tpu.dma_semaphore, #tpu.memory_space<semaphore_mem>>
        tpu.enqueue_indirect_dma source(%dma_start3A_315 : memref<10000x32xf32, #tpu.memory_space<hbm>>) target(%dma_start3A_311 : memref<128x32xf32, #tpu.memory_space<vmem>>) offsets(%dma_start3A_312 : memref<128xi32, #tpu.memory_space<vmem>>) semaphore(%dma_start3A_317 : memref<!tpu.dma_semaphore, #tpu.memory_space<semaphore_mem>>)
      } else {
      }
      %lt3A_249 = arith.constant 78 : i32
      %lt3A_250 = arith.cmpi slt, %add3A_233, %lt3A_249 : i32
      %convert_element_type3A_251 = arith.extui %lt3A_250 : i1 to i32
      %cond3A_252 = arith.constant 0 : i32
      %cond3A_253 = arith.cmpi ne, %convert_element_type3A_251, %cond3A_252 : i32
      scf.if %cond3A_253 {
        %mul3A_302 = arith.constant 128 : i32
        %mul3A_303 = arith.muli %add3A_233, %mul3A_302 : i32
        %dma_wait3A_304 = arith.constant 3 : i32
        %dma_wait3A_305 = arith.constant 3 : i32
        %dma_wait3A_306 = arith.constant 0 : i32
        %dma_wait3A_307 = arith.constant 0 : i32
        %dma_wait3A_308 = tpu.memref_slice %arg8[%dma_wait3A_304, %dma_wait3A_306, %dma_wait3A_307] : memref<6x128x32xf32, #tpu.memory_space<vmem>> -> memref<1x128x32xf32, #tpu.memory_space<vmem>>
        %dma_wait3A_309 = tpu.memref_squeeze %dma_wait3A_308 : memref<1x128x32xf32, #tpu.memory_space<vmem>> -> memref<128x32xf32, #tpu.memory_space<vmem>>
        %dma_wait3A_310 = tpu.memref_slice %arg6[%mul3A_303] : memref<10000xi32, #tpu.memory_space<vmem>> -> memref<128xi32, #tpu.memory_space<vmem>>
        %dma_wait3A_311 = arith.constant 0 : i32
        %dma_wait3A_312 = arith.constant 0 : i32
        %dma_wait3A_313 = tpu.memref_slice %arg2[%dma_wait3A_311, %dma_wait3A_312] : memref<10000x32xf32, #tpu.memory_space<hbm>> -> memref<10000x32xf32, #tpu.memory_space<hbm>>
        %dma_wait3A_314 = tpu.memref_slice %arg12[%dma_wait3A_305] : memref<6x!tpu.dma_semaphore, #tpu.memory_space<semaphore_mem>> -> memref<1x!tpu.dma_semaphore, #tpu.memory_space<semaphore_mem>>
        %dma_wait3A_315 = tpu.memref_squeeze %dma_wait3A_314 : memref<1x!tpu.dma_semaphore, #tpu.memory_space<semaphore_mem>> -> memref<!tpu.dma_semaphore, #tpu.memory_space<semaphore_mem>>
        tpu.wait_indirect_dma semaphore(%dma_wait3A_315 : memref<!tpu.dma_semaphore, #tpu.memory_space<semaphore_mem>>) src(%dma_wait3A_313 : memref<10000x32xf32, #tpu.memory_space<hbm>>) dst(%dma_wait3A_309 : memref<128x32xf32, #tpu.memory_space<vmem>>)
        %mul3A_316 = arith.constant 128 : i32
        %mul3A_317 = arith.muli %add3A_233, %mul3A_316 : i32
        %dma_start3A_318 = arith.constant 3 : i32
        %dma_start3A_319 = arith.constant 3 : i32
        %dma_start3A_320 = arith.constant 0 : i32
        %dma_start3A_321 = arith.constant 0 : i32
        %dma_start3A_322 = tpu.memref_slice %arg8[%dma_start3A_318, %dma_start3A_320, %dma_start3A_321] : memref<6x128x32xf32, #tpu.memory_space<vmem>> -> memref<1x128x32xf32, #tpu.memory_space<vmem>>
        %dma_start3A_323 = tpu.memref_squeeze %dma_start3A_322 : memref<1x128x32xf32, #tpu.memory_space<vmem>> -> memref<128x32xf32, #tpu.memory_space<vmem>>
        %dma_start3A_324 = tpu.memref_slice %arg7[%mul3A_317] : memref<10000xi32, #tpu.memory_space<vmem>> -> memref<128xi32, #tpu.memory_space<vmem>>
        %dma_start3A_325 = arith.constant 0 : i32
        %dma_start3A_326 = arith.constant 0 : i32
        %dma_start3A_327 = tpu.memref_slice %arg11[%dma_start3A_325, %dma_start3A_326] : memref<10000x32xf32, #tpu.memory_space<vmem_shared>> -> memref<10000x32xf32, #tpu.memory_space<vmem_shared>>
        %dma_start3A_328 = tpu.memref_slice %arg13[%dma_start3A_319] : memref<6x!tpu.dma_semaphore, #tpu.memory_space<semaphore_mem>> -> memref<1x!tpu.dma_semaphore, #tpu.memory_space<semaphore_mem>>
        %dma_start3A_329 = tpu.memref_squeeze %dma_start3A_328 : memref<1x!tpu.dma_semaphore, #tpu.memory_space<semaphore_mem>> -> memref<!tpu.dma_semaphore, #tpu.memory_space<semaphore_mem>>
        tpu.enqueue_indirect_dma source(%dma_start3A_323 : memref<128x32xf32, #tpu.memory_space<vmem>>) target(%dma_start3A_327 : memref<10000x32xf32, #tpu.memory_space<vmem_shared>>) offsets(%dma_start3A_324 : memref<128xi32, #tpu.memory_space<vmem>>) semaphore(%dma_start3A_329 : memref<!tpu.dma_semaphore, #tpu.memory_space<semaphore_mem>>) {add = true}
      } else {
      }
      %mul3A_254 = arith.constant 6 : i32
      %mul3A_255 = arith.muli %mul3A_254, %scan3A_159 : i32
      %add3A_256 = arith.constant 4 : i32
      %add3A_257 = arith.addi %mul3A_255, %add3A_256 : i32
      %ge3A_258 = arith.constant 3 : i32
      %ge3A_259 = arith.cmpi sge, %add3A_257, %ge3A_258 : i32
      %lt3A_260 = arith.constant 81 : i32
      %lt3A_261 = arith.cmpi slt, %add3A_257, %lt3A_260 : i32
      %and3A_262 = arith.andi %ge3A_259, %lt3A_261 : i1
      %convert_element_type3A_263 = arith.extui %and3A_262 : i1 to i32
      %cond3A_264 = arith.constant 0 : i32
      %cond3A_265 = arith.cmpi ne, %convert_element_type3A_263, %cond3A_264 : i32
      scf.if %cond3A_265 {
        %sub3A = arith.constant 3 : i32
        %sub3A_302 = arith.subi %add3A_257, %sub3A : i32
        %mul3A_303 = arith.constant 128 : i32
        %mul3A_304 = arith.muli %sub3A_302, %mul3A_303 : i32
        %dma_wait3A_305 = arith.constant 1 : i32
        %dma_wait3A_306 = arith.constant 1 : i32
        %dma_wait3A_307 = arith.constant 0 : i32
        %dma_wait3A_308 = arith.constant 0 : i32
        %dma_wait3A_309 = tpu.memref_slice %arg8[%dma_wait3A_305, %dma_wait3A_307, %dma_wait3A_308] : memref<6x128x32xf32, #tpu.memory_space<vmem>> -> memref<1x128x32xf32, #tpu.memory_space<vmem>>
        %dma_wait3A_310 = tpu.memref_squeeze %dma_wait3A_309 : memref<1x128x32xf32, #tpu.memory_space<vmem>> -> memref<128x32xf32, #tpu.memory_space<vmem>>
        %dma_wait3A_311 = tpu.memref_slice %arg7[%mul3A_304] : memref<10000xi32, #tpu.memory_space<vmem>> -> memref<128xi32, #tpu.memory_space<vmem>>
        %dma_wait3A_312 = arith.constant 0 : i32
        %dma_wait3A_313 = arith.constant 0 : i32
        %dma_wait3A_314 = tpu.memref_slice %arg11[%dma_wait3A_312, %dma_wait3A_313] : memref<10000x32xf32, #tpu.memory_space<vmem_shared>> -> memref<10000x32xf32, #tpu.memory_space<vmem_shared>>
        %dma_wait3A_315 = tpu.memref_slice %arg13[%dma_wait3A_306] : memref<6x!tpu.dma_semaphore, #tpu.memory_space<semaphore_mem>> -> memref<1x!tpu.dma_semaphore, #tpu.memory_space<semaphore_mem>>
        %dma_wait3A_316 = tpu.memref_squeeze %dma_wait3A_315 : memref<1x!tpu.dma_semaphore, #tpu.memory_space<semaphore_mem>> -> memref<!tpu.dma_semaphore, #tpu.memory_space<semaphore_mem>>
        tpu.wait_indirect_dma semaphore(%dma_wait3A_316 : memref<!tpu.dma_semaphore, #tpu.memory_space<semaphore_mem>>) src(%dma_wait3A_310 : memref<128x32xf32, #tpu.memory_space<vmem>>) dst(%dma_wait3A_314 : memref<10000x32xf32, #tpu.memory_space<vmem_shared>>)
      } else {
      }
      %add3A_266 = arith.constant 3 : i32
      %add3A_267 = arith.addi %add3A_257, %add3A_266 : i32
      %lt3A_268 = arith.constant 78 : i32
      %lt3A_269 = arith.cmpi slt, %add3A_267, %lt3A_268 : i32
      %convert_element_type3A_270 = arith.extui %lt3A_269 : i1 to i32
      %cond3A_271 = arith.constant 0 : i32
      %cond3A_272 = arith.cmpi ne, %convert_element_type3A_270, %cond3A_271 : i32
      scf.if %cond3A_272 {
        %add3A_302 = arith.constant 3 : i32
        %add3A_303 = arith.addi %add3A_257, %add3A_302 : i32
        %mul3A_304 = arith.constant 128 : i32
        %mul3A_305 = arith.muli %add3A_303, %mul3A_304 : i32
        %dma_start3A_306 = arith.constant 1 : i32
        %dma_start3A_307 = arith.constant 1 : i32
        %dma_start3A_308 = arith.constant 0 : i32
        %dma_start3A_309 = arith.constant 0 : i32
        %dma_start3A_310 = tpu.memref_slice %arg8[%dma_start3A_306, %dma_start3A_308, %dma_start3A_309] : memref<6x128x32xf32, #tpu.memory_space<vmem>> -> memref<1x128x32xf32, #tpu.memory_space<vmem>>
        %dma_start3A_311 = tpu.memref_squeeze %dma_start3A_310 : memref<1x128x32xf32, #tpu.memory_space<vmem>> -> memref<128x32xf32, #tpu.memory_space<vmem>>
        %dma_start3A_312 = tpu.memref_slice %arg6[%mul3A_305] : memref<10000xi32, #tpu.memory_space<vmem>> -> memref<128xi32, #tpu.memory_space<vmem>>
        %dma_start3A_313 = arith.constant 0 : i32
        %dma_start3A_314 = arith.constant 0 : i32
        %dma_start3A_315 = tpu.memref_slice %arg2[%dma_start3A_313, %dma_start3A_314] : memref<10000x32xf32, #tpu.memory_space<hbm>> -> memref<10000x32xf32, #tpu.memory_space<hbm>>
        %dma_start3A_316 = tpu.memref_slice %arg12[%dma_start3A_307] : memref<6x!tpu.dma_semaphore, #tpu.memory_space<semaphore_mem>> -> memref<1x!tpu.dma_semaphore, #tpu.memory_space<semaphore_mem>>
        %dma_start3A_317 = tpu.memref_squeeze %dma_start3A_316 : memref<1x!tpu.dma_semaphore, #tpu.memory_space<semaphore_mem>> -> memref<!tpu.dma_semaphore, #tpu.memory_space<semaphore_mem>>
        tpu.enqueue_indirect_dma source(%dma_start3A_315 : memref<10000x32xf32, #tpu.memory_space<hbm>>) target(%dma_start3A_311 : memref<128x32xf32, #tpu.memory_space<vmem>>) offsets(%dma_start3A_312 : memref<128xi32, #tpu.memory_space<vmem>>) semaphore(%dma_start3A_317 : memref<!tpu.dma_semaphore, #tpu.memory_space<semaphore_mem>>)
      } else {
      }
      %lt3A_273 = arith.constant 78 : i32
      %lt3A_274 = arith.cmpi slt, %add3A_257, %lt3A_273 : i32
      %convert_element_type3A_275 = arith.extui %lt3A_274 : i1 to i32
      %cond3A_276 = arith.constant 0 : i32
      %cond3A_277 = arith.cmpi ne, %convert_element_type3A_275, %cond3A_276 : i32
      scf.if %cond3A_277 {
        %mul3A_302 = arith.constant 128 : i32
        %mul3A_303 = arith.muli %add3A_257, %mul3A_302 : i32
        %dma_wait3A_304 = arith.constant 4 : i32
        %dma_wait3A_305 = arith.constant 4 : i32
        %dma_wait3A_306 = arith.constant 0 : i32
        %dma_wait3A_307 = arith.constant 0 : i32
        %dma_wait3A_308 = tpu.memref_slice %arg8[%dma_wait3A_304, %dma_wait3A_306, %dma_wait3A_307] : memref<6x128x32xf32, #tpu.memory_space<vmem>> -> memref<1x128x32xf32, #tpu.memory_space<vmem>>
        %dma_wait3A_309 = tpu.memref_squeeze %dma_wait3A_308 : memref<1x128x32xf32, #tpu.memory_space<vmem>> -> memref<128x32xf32, #tpu.memory_space<vmem>>
        %dma_wait3A_310 = tpu.memref_slice %arg6[%mul3A_303] : memref<10000xi32, #tpu.memory_space<vmem>> -> memref<128xi32, #tpu.memory_space<vmem>>
        %dma_wait3A_311 = arith.constant 0 : i32
        %dma_wait3A_312 = arith.constant 0 : i32
        %dma_wait3A_313 = tpu.memref_slice %arg2[%dma_wait3A_311, %dma_wait3A_312] : memref<10000x32xf32, #tpu.memory_space<hbm>> -> memref<10000x32xf32, #tpu.memory_space<hbm>>
        %dma_wait3A_314 = tpu.memref_slice %arg12[%dma_wait3A_305] : memref<6x!tpu.dma_semaphore, #tpu.memory_space<semaphore_mem>> -> memref<1x!tpu.dma_semaphore, #tpu.memory_space<semaphore_mem>>
        %dma_wait3A_315 = tpu.memref_squeeze %dma_wait3A_314 : memref<1x!tpu.dma_semaphore, #tpu.memory_space<semaphore_mem>> -> memref<!tpu.dma_semaphore, #tpu.memory_space<semaphore_mem>>
        tpu.wait_indirect_dma semaphore(%dma_wait3A_315 : memref<!tpu.dma_semaphore, #tpu.memory_space<semaphore_mem>>) src(%dma_wait3A_313 : memref<10000x32xf32, #tpu.memory_space<hbm>>) dst(%dma_wait3A_309 : memref<128x32xf32, #tpu.memory_space<vmem>>)
        %mul3A_316 = arith.constant 128 : i32
        %mul3A_317 = arith.muli %add3A_257, %mul3A_316 : i32
        %dma_start3A_318 = arith.constant 4 : i32
        %dma_start3A_319 = arith.constant 4 : i32
        %dma_start3A_320 = arith.constant 0 : i32
        %dma_start3A_321 = arith.constant 0 : i32
        %dma_start3A_322 = tpu.memref_slice %arg8[%dma_start3A_318, %dma_start3A_320, %dma_start3A_321] : memref<6x128x32xf32, #tpu.memory_space<vmem>> -> memref<1x128x32xf32, #tpu.memory_space<vmem>>
        %dma_start3A_323 = tpu.memref_squeeze %dma_start3A_322 : memref<1x128x32xf32, #tpu.memory_space<vmem>> -> memref<128x32xf32, #tpu.memory_space<vmem>>
        %dma_start3A_324 = tpu.memref_slice %arg7[%mul3A_317] : memref<10000xi32, #tpu.memory_space<vmem>> -> memref<128xi32, #tpu.memory_space<vmem>>
        %dma_start3A_325 = arith.constant 0 : i32
        %dma_start3A_326 = arith.constant 0 : i32
        %dma_start3A_327 = tpu.memref_slice %arg11[%dma_start3A_325, %dma_start3A_326] : memref<10000x32xf32, #tpu.memory_space<vmem_shared>> -> memref<10000x32xf32, #tpu.memory_space<vmem_shared>>
        %dma_start3A_328 = tpu.memref_slice %arg13[%dma_start3A_319] : memref<6x!tpu.dma_semaphore, #tpu.memory_space<semaphore_mem>> -> memref<1x!tpu.dma_semaphore, #tpu.memory_space<semaphore_mem>>
        %dma_start3A_329 = tpu.memref_squeeze %dma_start3A_328 : memref<1x!tpu.dma_semaphore, #tpu.memory_space<semaphore_mem>> -> memref<!tpu.dma_semaphore, #tpu.memory_space<semaphore_mem>>
        tpu.enqueue_indirect_dma source(%dma_start3A_323 : memref<128x32xf32, #tpu.memory_space<vmem>>) target(%dma_start3A_327 : memref<10000x32xf32, #tpu.memory_space<vmem_shared>>) offsets(%dma_start3A_324 : memref<128xi32, #tpu.memory_space<vmem>>) semaphore(%dma_start3A_329 : memref<!tpu.dma_semaphore, #tpu.memory_space<semaphore_mem>>) {add = true}
      } else {
      }
      %mul3A_278 = arith.constant 6 : i32
      %mul3A_279 = arith.muli %mul3A_278, %scan3A_159 : i32
      %add3A_280 = arith.constant 5 : i32
      %add3A_281 = arith.addi %mul3A_279, %add3A_280 : i32
      %ge3A_282 = arith.constant 3 : i32
      %ge3A_283 = arith.cmpi sge, %add3A_281, %ge3A_282 : i32
      %lt3A_284 = arith.constant 81 : i32
      %lt3A_285 = arith.cmpi slt, %add3A_281, %lt3A_284 : i32
      %and3A_286 = arith.andi %ge3A_283, %lt3A_285 : i1
      %convert_element_type3A_287 = arith.extui %and3A_286 : i1 to i32
      %cond3A_288 = arith.constant 0 : i32
      %cond3A_289 = arith.cmpi ne, %convert_element_type3A_287, %cond3A_288 : i32
      scf.if %cond3A_289 {
        %sub3A = arith.constant 3 : i32
        %sub3A_302 = arith.subi %add3A_281, %sub3A : i32
        %mul3A_303 = arith.constant 128 : i32
        %mul3A_304 = arith.muli %sub3A_302, %mul3A_303 : i32
        %dma_wait3A_305 = arith.constant 2 : i32
        %dma_wait3A_306 = arith.constant 2 : i32
        %dma_wait3A_307 = arith.constant 0 : i32
        %dma_wait3A_308 = arith.constant 0 : i32
        %dma_wait3A_309 = tpu.memref_slice %arg8[%dma_wait3A_305, %dma_wait3A_307, %dma_wait3A_308] : memref<6x128x32xf32, #tpu.memory_space<vmem>> -> memref<1x128x32xf32, #tpu.memory_space<vmem>>
        %dma_wait3A_310 = tpu.memref_squeeze %dma_wait3A_309 : memref<1x128x32xf32, #tpu.memory_space<vmem>> -> memref<128x32xf32, #tpu.memory_space<vmem>>
        %dma_wait3A_311 = tpu.memref_slice %arg7[%mul3A_304] : memref<10000xi32, #tpu.memory_space<vmem>> -> memref<128xi32, #tpu.memory_space<vmem>>
        %dma_wait3A_312 = arith.constant 0 : i32
        %dma_wait3A_313 = arith.constant 0 : i32
        %dma_wait3A_314 = tpu.memref_slice %arg11[%dma_wait3A_312, %dma_wait3A_313] : memref<10000x32xf32, #tpu.memory_space<vmem_shared>> -> memref<10000x32xf32, #tpu.memory_space<vmem_shared>>
        %dma_wait3A_315 = tpu.memref_slice %arg13[%dma_wait3A_306] : memref<6x!tpu.dma_semaphore, #tpu.memory_space<semaphore_mem>> -> memref<1x!tpu.dma_semaphore, #tpu.memory_space<semaphore_mem>>
        %dma_wait3A_316 = tpu.memref_squeeze %dma_wait3A_315 : memref<1x!tpu.dma_semaphore, #tpu.memory_space<semaphore_mem>> -> memref<!tpu.dma_semaphore, #tpu.memory_space<semaphore_mem>>
        tpu.wait_indirect_dma semaphore(%dma_wait3A_316 : memref<!tpu.dma_semaphore, #tpu.memory_space<semaphore_mem>>) src(%dma_wait3A_310 : memref<128x32xf32, #tpu.memory_space<vmem>>) dst(%dma_wait3A_314 : memref<10000x32xf32, #tpu.memory_space<vmem_shared>>)
      } else {
      }
      %add3A_290 = arith.constant 3 : i32
      %add3A_291 = arith.addi %add3A_281, %add3A_290 : i32
      %lt3A_292 = arith.constant 78 : i32
      %lt3A_293 = arith.cmpi slt, %add3A_291, %lt3A_292 : i32
      %convert_element_type3A_294 = arith.extui %lt3A_293 : i1 to i32
      %cond3A_295 = arith.constant 0 : i32
      %cond3A_296 = arith.cmpi ne, %convert_element_type3A_294, %cond3A_295 : i32
      scf.if %cond3A_296 {
        %add3A_302 = arith.constant 3 : i32
        %add3A_303 = arith.addi %add3A_281, %add3A_302 : i32
        %mul3A_304 = arith.constant 128 : i32
        %mul3A_305 = arith.muli %add3A_303, %mul3A_304 : i32
        %dma_start3A_306 = arith.constant 2 : i32
        %dma_start3A_307 = arith.constant 2 : i32
        %dma_start3A_308 = arith.constant 0 : i32
        %dma_start3A_309 = arith.constant 0 : i32
        %dma_start3A_310 = tpu.memref_slice %arg8[%dma_start3A_306, %dma_start3A_308, %dma_start3A_309] : memref<6x128x32xf32, #tpu.memory_space<vmem>> -> memref<1x128x32xf32, #tpu.memory_space<vmem>>
        %dma_start3A_311 = tpu.memref_squeeze %dma_start3A_310 : memref<1x128x32xf32, #tpu.memory_space<vmem>> -> memref<128x32xf32, #tpu.memory_space<vmem>>
        %dma_start3A_312 = tpu.memref_slice %arg6[%mul3A_305] : memref<10000xi32, #tpu.memory_space<vmem>> -> memref<128xi32, #tpu.memory_space<vmem>>
        %dma_start3A_313 = arith.constant 0 : i32
        %dma_start3A_314 = arith.constant 0 : i32
        %dma_start3A_315 = tpu.memref_slice %arg2[%dma_start3A_313, %dma_start3A_314] : memref<10000x32xf32, #tpu.memory_space<hbm>> -> memref<10000x32xf32, #tpu.memory_space<hbm>>
        %dma_start3A_316 = tpu.memref_slice %arg12[%dma_start3A_307] : memref<6x!tpu.dma_semaphore, #tpu.memory_space<semaphore_mem>> -> memref<1x!tpu.dma_semaphore, #tpu.memory_space<semaphore_mem>>
        %dma_start3A_317 = tpu.memref_squeeze %dma_start3A_316 : memref<1x!tpu.dma_semaphore, #tpu.memory_space<semaphore_mem>> -> memref<!tpu.dma_semaphore, #tpu.memory_space<semaphore_mem>>
        tpu.enqueue_indirect_dma source(%dma_start3A_315 : memref<10000x32xf32, #tpu.memory_space<hbm>>) target(%dma_start3A_311 : memref<128x32xf32, #tpu.memory_space<vmem>>) offsets(%dma_start3A_312 : memref<128xi32, #tpu.memory_space<vmem>>) semaphore(%dma_start3A_317 : memref<!tpu.dma_semaphore, #tpu.memory_space<semaphore_mem>>)
      } else {
      }
      %lt3A_297 = arith.constant 78 : i32
      %lt3A_298 = arith.cmpi slt, %add3A_281, %lt3A_297 : i32
      %convert_element_type3A_299 = arith.extui %lt3A_298 : i1 to i32
      %cond3A_300 = arith.constant 0 : i32
      %cond3A_301 = arith.cmpi ne, %convert_element_type3A_299, %cond3A_300 : i32
      scf.if %cond3A_301 {
        %mul3A_302 = arith.constant 128 : i32
        %mul3A_303 = arith.muli %add3A_281, %mul3A_302 : i32
        %dma_wait3A_304 = arith.constant 5 : i32
        %dma_wait3A_305 = arith.constant 5 : i32
        %dma_wait3A_306 = arith.constant 0 : i32
        %dma_wait3A_307 = arith.constant 0 : i32
        %dma_wait3A_308 = tpu.memref_slice %arg8[%dma_wait3A_304, %dma_wait3A_306, %dma_wait3A_307] : memref<6x128x32xf32, #tpu.memory_space<vmem>> -> memref<1x128x32xf32, #tpu.memory_space<vmem>>
        %dma_wait3A_309 = tpu.memref_squeeze %dma_wait3A_308 : memref<1x128x32xf32, #tpu.memory_space<vmem>> -> memref<128x32xf32, #tpu.memory_space<vmem>>
        %dma_wait3A_310 = tpu.memref_slice %arg6[%mul3A_303] : memref<10000xi32, #tpu.memory_space<vmem>> -> memref<128xi32, #tpu.memory_space<vmem>>
        %dma_wait3A_311 = arith.constant 0 : i32
        %dma_wait3A_312 = arith.constant 0 : i32
        %dma_wait3A_313 = tpu.memref_slice %arg2[%dma_wait3A_311, %dma_wait3A_312] : memref<10000x32xf32, #tpu.memory_space<hbm>> -> memref<10000x32xf32, #tpu.memory_space<hbm>>
        %dma_wait3A_314 = tpu.memref_slice %arg12[%dma_wait3A_305] : memref<6x!tpu.dma_semaphore, #tpu.memory_space<semaphore_mem>> -> memref<1x!tpu.dma_semaphore, #tpu.memory_space<semaphore_mem>>
        %dma_wait3A_315 = tpu.memref_squeeze %dma_wait3A_314 : memref<1x!tpu.dma_semaphore, #tpu.memory_space<semaphore_mem>> -> memref<!tpu.dma_semaphore, #tpu.memory_space<semaphore_mem>>
        tpu.wait_indirect_dma semaphore(%dma_wait3A_315 : memref<!tpu.dma_semaphore, #tpu.memory_space<semaphore_mem>>) src(%dma_wait3A_313 : memref<10000x32xf32, #tpu.memory_space<hbm>>) dst(%dma_wait3A_309 : memref<128x32xf32, #tpu.memory_space<vmem>>)
        %mul3A_316 = arith.constant 128 : i32
        %mul3A_317 = arith.muli %add3A_281, %mul3A_316 : i32
        %dma_start3A_318 = arith.constant 5 : i32
        %dma_start3A_319 = arith.constant 5 : i32
        %dma_start3A_320 = arith.constant 0 : i32
        %dma_start3A_321 = arith.constant 0 : i32
        %dma_start3A_322 = tpu.memref_slice %arg8[%dma_start3A_318, %dma_start3A_320, %dma_start3A_321] : memref<6x128x32xf32, #tpu.memory_space<vmem>> -> memref<1x128x32xf32, #tpu.memory_space<vmem>>
        %dma_start3A_323 = tpu.memref_squeeze %dma_start3A_322 : memref<1x128x32xf32, #tpu.memory_space<vmem>> -> memref<128x32xf32, #tpu.memory_space<vmem>>
        %dma_start3A_324 = tpu.memref_slice %arg7[%mul3A_317] : memref<10000xi32, #tpu.memory_space<vmem>> -> memref<128xi32, #tpu.memory_space<vmem>>
        %dma_start3A_325 = arith.constant 0 : i32
        %dma_start3A_326 = arith.constant 0 : i32
        %dma_start3A_327 = tpu.memref_slice %arg11[%dma_start3A_325, %dma_start3A_326] : memref<10000x32xf32, #tpu.memory_space<vmem_shared>> -> memref<10000x32xf32, #tpu.memory_space<vmem_shared>>
        %dma_start3A_328 = tpu.memref_slice %arg13[%dma_start3A_319] : memref<6x!tpu.dma_semaphore, #tpu.memory_space<semaphore_mem>> -> memref<1x!tpu.dma_semaphore, #tpu.memory_space<semaphore_mem>>
        %dma_start3A_329 = tpu.memref_squeeze %dma_start3A_328 : memref<1x!tpu.dma_semaphore, #tpu.memory_space<semaphore_mem>> -> memref<!tpu.dma_semaphore, #tpu.memory_space<semaphore_mem>>
        tpu.enqueue_indirect_dma source(%dma_start3A_323 : memref<128x32xf32, #tpu.memory_space<vmem>>) target(%dma_start3A_327 : memref<10000x32xf32, #tpu.memory_space<vmem_shared>>) offsets(%dma_start3A_324 : memref<128xi32, #tpu.memory_space<vmem>>) semaphore(%dma_start3A_329 : memref<!tpu.dma_semaphore, #tpu.memory_space<semaphore_mem>>) {add = true}
      } else {
      }
    }
    %scan3A_76 = arith.constant 13 : i32
    %dma_wait3A = arith.constant 3 : i32
    %dma_wait3A_77 = arith.constant 3 : i32
    %dma_wait3A_78 = arith.constant 0 : i32
    %dma_wait3A_79 = arith.constant 0 : i32
    %dma_wait3A_80 = tpu.memref_slice %arg8[%dma_wait3A, %dma_wait3A_78, %dma_wait3A_79] : memref<6x128x32xf32, #tpu.memory_space<vmem>> -> memref<1x128x32xf32, #tpu.memory_space<vmem>>
    %dma_wait3A_81 = tpu.memref_squeeze %dma_wait3A_80 : memref<1x128x32xf32, #tpu.memory_space<vmem>> -> memref<128x32xf32, #tpu.memory_space<vmem>>
    %dma_wait3A_82 = arith.constant 9600 : i32
    %dma_wait3A_83 = tpu.memref_slice %arg7[%dma_wait3A_82] : memref<10000xi32, #tpu.memory_space<vmem>> -> memref<128xi32, #tpu.memory_space<vmem>>
    %dma_wait3A_84 = arith.constant 0 : i32
    %dma_wait3A_85 = arith.constant 0 : i32
    %dma_wait3A_86 = tpu.memref_slice %arg11[%dma_wait3A_84, %dma_wait3A_85] : memref<10000x32xf32, #tpu.memory_space<vmem_shared>> -> memref<10000x32xf32, #tpu.memory_space<vmem_shared>>
    %dma_wait3A_87 = tpu.memref_slice %arg13[%dma_wait3A_77] : memref<6x!tpu.dma_semaphore, #tpu.memory_space<semaphore_mem>> -> memref<1x!tpu.dma_semaphore, #tpu.memory_space<semaphore_mem>>
    %dma_wait3A_88 = tpu.memref_squeeze %dma_wait3A_87 : memref<1x!tpu.dma_semaphore, #tpu.memory_space<semaphore_mem>> -> memref<!tpu.dma_semaphore, #tpu.memory_space<semaphore_mem>>
    tpu.wait_indirect_dma semaphore(%dma_wait3A_88 : memref<!tpu.dma_semaphore, #tpu.memory_space<semaphore_mem>>) src(%dma_wait3A_81 : memref<128x32xf32, #tpu.memory_space<vmem>>) dst(%dma_wait3A_86 : memref<10000x32xf32, #tpu.memory_space<vmem_shared>>)
    %dma_wait3A_89 = arith.constant 4 : i32
    %dma_wait3A_90 = arith.constant 4 : i32
    %dma_wait3A_91 = arith.constant 0 : i32
    %dma_wait3A_92 = arith.constant 0 : i32
    %dma_wait3A_93 = tpu.memref_slice %arg8[%dma_wait3A_89, %dma_wait3A_91, %dma_wait3A_92] : memref<6x128x32xf32, #tpu.memory_space<vmem>> -> memref<1x128x32xf32, #tpu.memory_space<vmem>>
    %dma_wait3A_94 = tpu.memref_squeeze %dma_wait3A_93 : memref<1x128x32xf32, #tpu.memory_space<vmem>> -> memref<128x32xf32, #tpu.memory_space<vmem>>
    %dma_wait3A_95 = arith.constant 9728 : i32
    %dma_wait3A_96 = tpu.memref_slice %arg7[%dma_wait3A_95] : memref<10000xi32, #tpu.memory_space<vmem>> -> memref<128xi32, #tpu.memory_space<vmem>>
    %dma_wait3A_97 = arith.constant 0 : i32
    %dma_wait3A_98 = arith.constant 0 : i32
    %dma_wait3A_99 = tpu.memref_slice %arg11[%dma_wait3A_97, %dma_wait3A_98] : memref<10000x32xf32, #tpu.memory_space<vmem_shared>> -> memref<10000x32xf32, #tpu.memory_space<vmem_shared>>
    %dma_wait3A_100 = tpu.memref_slice %arg13[%dma_wait3A_90] : memref<6x!tpu.dma_semaphore, #tpu.memory_space<semaphore_mem>> -> memref<1x!tpu.dma_semaphore, #tpu.memory_space<semaphore_mem>>
    %dma_wait3A_101 = tpu.memref_squeeze %dma_wait3A_100 : memref<1x!tpu.dma_semaphore, #tpu.memory_space<semaphore_mem>> -> memref<!tpu.dma_semaphore, #tpu.memory_space<semaphore_mem>>
    tpu.wait_indirect_dma semaphore(%dma_wait3A_101 : memref<!tpu.dma_semaphore, #tpu.memory_space<semaphore_mem>>) src(%dma_wait3A_94 : memref<128x32xf32, #tpu.memory_space<vmem>>) dst(%dma_wait3A_99 : memref<10000x32xf32, #tpu.memory_space<vmem_shared>>)
    %dma_wait3A_102 = arith.constant 5 : i32
    %dma_wait3A_103 = arith.constant 5 : i32
    %dma_wait3A_104 = arith.constant 0 : i32
    %dma_wait3A_105 = arith.constant 0 : i32
    %dma_wait3A_106 = tpu.memref_slice %arg8[%dma_wait3A_102, %dma_wait3A_104, %dma_wait3A_105] : memref<6x128x32xf32, #tpu.memory_space<vmem>> -> memref<1x128x32xf32, #tpu.memory_space<vmem>>
    %dma_wait3A_107 = tpu.memref_squeeze %dma_wait3A_106 : memref<1x128x32xf32, #tpu.memory_space<vmem>> -> memref<128x32xf32, #tpu.memory_space<vmem>>
    %dma_wait3A_108 = arith.constant 9856 : i32
    %dma_wait3A_109 = tpu.memref_slice %arg7[%dma_wait3A_108] : memref<10000xi32, #tpu.memory_space<vmem>> -> memref<128xi32, #tpu.memory_space<vmem>>
    %dma_wait3A_110 = arith.constant 0 : i32
    %dma_wait3A_111 = arith.constant 0 : i32
    %dma_wait3A_112 = tpu.memref_slice %arg11[%dma_wait3A_110, %dma_wait3A_111] : memref<10000x32xf32, #tpu.memory_space<vmem_shared>> -> memref<10000x32xf32, #tpu.memory_space<vmem_shared>>
    %dma_wait3A_113 = tpu.memref_slice %arg13[%dma_wait3A_103] : memref<6x!tpu.dma_semaphore, #tpu.memory_space<semaphore_mem>> -> memref<1x!tpu.dma_semaphore, #tpu.memory_space<semaphore_mem>>
    %dma_wait3A_114 = tpu.memref_squeeze %dma_wait3A_113 : memref<1x!tpu.dma_semaphore, #tpu.memory_space<semaphore_mem>> -> memref<!tpu.dma_semaphore, #tpu.memory_space<semaphore_mem>>
    tpu.wait_indirect_dma semaphore(%dma_wait3A_114 : memref<!tpu.dma_semaphore, #tpu.memory_space<semaphore_mem>>) src(%dma_wait3A_107 : memref<128x32xf32, #tpu.memory_space<vmem>>) dst(%dma_wait3A_112 : memref<10000x32xf32, #tpu.memory_space<vmem_shared>>)
    %dma_wait3A_115 = arith.constant 9984 : i32
    %dma_wait3A_116 = tpu.memref_slice %arg6[%dma_wait3A_115] : memref<10000xi32, #tpu.memory_space<vmem>> -> memref<16xi32, #tpu.memory_space<vmem>>
    %dma_wait3A_117 = arith.constant 0 : i32
    %dma_wait3A_118 = arith.constant 0 : i32
    %dma_wait3A_119 = tpu.memref_slice %arg2[%dma_wait3A_117, %dma_wait3A_118] : memref<10000x32xf32, #tpu.memory_space<hbm>> -> memref<10000x32xf32, #tpu.memory_space<hbm>>
    tpu.wait_indirect_dma semaphore(%arg14 : memref<!tpu.dma_semaphore, #tpu.memory_space<semaphore_mem>>) src(%dma_wait3A_119 : memref<10000x32xf32, #tpu.memory_space<hbm>>) dst(%arg9 : memref<16x32xf32, #tpu.memory_space<vmem>>)
    %dma_start3A_120 = arith.constant 9984 : i32
    %dma_start3A_121 = tpu.memref_slice %arg7[%dma_start3A_120] : memref<10000xi32, #tpu.memory_space<vmem>> -> memref<16xi32, #tpu.memory_space<vmem>>
    %dma_start3A_122 = arith.constant 0 : i32
    %dma_start3A_123 = arith.constant 0 : i32
    %dma_start3A_124 = tpu.memref_slice %arg11[%dma_start3A_122, %dma_start3A_123] : memref<10000x32xf32, #tpu.memory_space<vmem_shared>> -> memref<10000x32xf32, #tpu.memory_space<vmem_shared>>
    tpu.enqueue_indirect_dma source(%arg9 : memref<16x32xf32, #tpu.memory_space<vmem>>) target(%dma_start3A_124 : memref<10000x32xf32, #tpu.memory_space<vmem_shared>>) offsets(%dma_start3A_121 : memref<16xi32, #tpu.memory_space<vmem>>) semaphore(%arg14 : memref<!tpu.dma_semaphore, #tpu.memory_space<semaphore_mem>>) {add = true}
    %dma_wait3A_125 = arith.constant 9984 : i32
    %dma_wait3A_126 = tpu.memref_slice %arg7[%dma_wait3A_125] : memref<10000xi32, #tpu.memory_space<vmem>> -> memref<16xi32, #tpu.memory_space<vmem>>
    %dma_wait3A_127 = arith.constant 0 : i32
    %dma_wait3A_128 = arith.constant 0 : i32
    %dma_wait3A_129 = tpu.memref_slice %arg11[%dma_wait3A_127, %dma_wait3A_128] : memref<10000x32xf32, #tpu.memory_space<vmem_shared>> -> memref<10000x32xf32, #tpu.memory_space<vmem_shared>>
    tpu.wait_indirect_dma semaphore(%arg14 : memref<!tpu.dma_semaphore, #tpu.memory_space<semaphore_mem>>) src(%arg9 : memref<16x32xf32, #tpu.memory_space<vmem>>) dst(%dma_wait3A_129 : memref<10000x32xf32, #tpu.memory_space<vmem_shared>>)
    %barrier3A_130 = arith.constant 0 : index
    tpu.barrier barrier_id(%barrier3A_130)
    %add3A_131 = arith.constant 0 : i32
    %add3A_132 = arith.addi %arg1, %add3A_131 : i32
    %lt3A_133 = arith.constant 50 : i32
    %lt3A_134 = arith.cmpi slt, %add3A_132, %lt3A_133 : i32
    %convert_element_type3A_135 = arith.extui %lt3A_134 : i1 to i32
    %cond3A_136 = arith.constant 0 : i32
    %cond3A_137 = arith.cmpi ne, %convert_element_type3A_135, %cond3A_136 : i32
    scf.if %cond3A_137 {
      %mul3A_159 = arith.constant 200 : i32
      %mul3A_160 = arith.muli %add3A_132, %mul3A_159 : i32
      %multiple_of3A_161 = tpu.assume_multiple %mul3A_160, 200 : i32
      "tpu.region"() ({
        %run_scoped3A_162 = tpu.sem_alloc : memref<!tpu.dma_semaphore, #tpu.memory_space<semaphore_mem>>
        %dma_start3A_163 = arith.constant 0 : i32
        %dma_start3A_164 = tpu.memref_slice %arg11[%multiple_of3A_161, %dma_start3A_163] : memref<10000x32xf32, #tpu.memory_space<vmem_shared>> -> memref<200x32xf32, #tpu.memory_space<vmem_shared>>
        %dma_start3A_165 = arith.constant 0 : i32
        %dma_start3A_166 = tpu.memref_slice %arg11[%multiple_of3A_161, %dma_start3A_165] : memref<10000x32xf32, #tpu.memory_space<vmem_shared>> -> memref<200x32xf32, #tpu.memory_space<vmem_shared>>
        tpu.enqueue_dma source(%dma_start3A_166 : memref<200x32xf32, #tpu.memory_space<vmem_shared>>) target(%arg10 : memref<200x32xf32, #tpu.memory_space<vmem>>) target_semaphore(%run_scoped3A_162 : memref<!tpu.dma_semaphore, #tpu.memory_space<semaphore_mem>>)
        %dma_wait3A_167 = arith.constant 0 : i32
        %dma_wait3A_168 = tpu.memref_slice %arg11[%multiple_of3A_161, %dma_wait3A_167] : memref<10000x32xf32, #tpu.memory_space<vmem_shared>> -> memref<200x32xf32, #tpu.memory_space<vmem_shared>>
        %dma_wait3A_169 = arith.constant 0 : i32
        %dma_wait3A_170 = tpu.memref_slice %arg11[%multiple_of3A_161, %dma_wait3A_169] : memref<10000x32xf32, #tpu.memory_space<vmem_shared>> -> memref<200x32xf32, #tpu.memory_space<vmem_shared>>
        tpu.wait_dma2 semaphore(%run_scoped3A_162 : memref<!tpu.dma_semaphore, #tpu.memory_space<semaphore_mem>>) src(%dma_wait3A_170 : memref<200x32xf32, #tpu.memory_space<vmem_shared>>) dst(%arg10 : memref<200x32xf32, #tpu.memory_space<vmem>>)
        tpu.yield
      }) : () -> ()
      "tpu.region"() ({
        %run_scoped3A_162 = tpu.sem_alloc : memref<!tpu.dma_semaphore, #tpu.memory_space<semaphore_mem>>
        %dma_start3A_163 = arith.constant 0 : i32
        %dma_start3A_164 = tpu.memref_slice %arg5[%arg0, %multiple_of3A_161, %dma_start3A_163] : memref<2x10000x32xf32, #tpu.memory_space<hbm>> -> memref<1x200x32xf32, #tpu.memory_space<hbm>>
        %dma_start3A_165 = tpu.memref_squeeze %dma_start3A_164 : memref<1x200x32xf32, #tpu.memory_space<hbm>> -> memref<200x32xf32, #tpu.memory_space<hbm>>
        %dma_start3A_166 = arith.constant 0 : i32
        %dma_start3A_167 = tpu.memref_slice %arg5[%arg0, %multiple_of3A_161, %dma_start3A_166] : memref<2x10000x32xf32, #tpu.memory_space<hbm>> -> memref<1x200x32xf32, #tpu.memory_space<hbm>>
        %dma_start3A_168 = tpu.memref_squeeze %dma_start3A_167 : memref<1x200x32xf32, #tpu.memory_space<hbm>> -> memref<200x32xf32, #tpu.memory_space<hbm>>
        tpu.enqueue_dma source(%arg10 : memref<200x32xf32, #tpu.memory_space<vmem>>) target(%dma_start3A_168 : memref<200x32xf32, #tpu.memory_space<hbm>>) target_semaphore(%run_scoped3A_162 : memref<!tpu.dma_semaphore, #tpu.memory_space<semaphore_mem>>)
        %dma_wait3A_169 = arith.constant 0 : i32
        %dma_wait3A_170 = tpu.memref_slice %arg5[%arg0, %multiple_of3A_161, %dma_wait3A_169] : memref<2x10000x32xf32, #tpu.memory_space<hbm>> -> memref<1x200x32xf32, #tpu.memory_space<hbm>>
        %dma_wait3A_171 = tpu.memref_squeeze %dma_wait3A_170 : memref<1x200x32xf32, #tpu.memory_space<hbm>> -> memref<200x32xf32, #tpu.memory_space<hbm>>
        %dma_wait3A_172 = arith.constant 0 : i32
        %dma_wait3A_173 = tpu.memref_slice %arg5[%arg0, %multiple_of3A_161, %dma_wait3A_172] : memref<2x10000x32xf32, #tpu.memory_space<hbm>> -> memref<1x200x32xf32, #tpu.memory_space<hbm>>
        %dma_wait3A_174 = tpu.memref_squeeze %dma_wait3A_173 : memref<1x200x32xf32, #tpu.memory_space<hbm>> -> memref<200x32xf32, #tpu.memory_space<hbm>>
        tpu.wait_dma2 semaphore(%run_scoped3A_162 : memref<!tpu.dma_semaphore, #tpu.memory_space<semaphore_mem>>) src(%arg10 : memref<200x32xf32, #tpu.memory_space<vmem>>) dst(%dma_wait3A_174 : memref<200x32xf32, #tpu.memory_space<hbm>>)
        tpu.yield
      }) : () -> ()
    } else {
    }
    %add3A_138 = arith.constant 16 : i32
    %add3A_139 = arith.addi %arg1, %add3A_138 : i32
    %lt3A_140 = arith.constant 50 : i32
    %lt3A_141 = arith.cmpi slt, %add3A_139, %lt3A_140 : i32
    %convert_element_type3A_142 = arith.extui %lt3A_141 : i1 to i32
    %cond3A_143 = arith.constant 0 : i32
    %cond3A_144 = arith.cmpi ne, %convert_element_type3A_142, %cond3A_143 : i32
    scf.if %cond3A_144 {
      %mul3A_159 = arith.constant 200 : i32
      %mul3A_160 = arith.muli %add3A_139, %mul3A_159 : i32
      %multiple_of3A_161 = tpu.assume_multiple %mul3A_160, 200 : i32
      "tpu.region"() ({
        %run_scoped3A_162 = tpu.sem_alloc : memref<!tpu.dma_semaphore, #tpu.memory_space<semaphore_mem>>
        %dma_start3A_163 = arith.constant 0 : i32
        %dma_start3A_164 = tpu.memref_slice %arg11[%multiple_of3A_161, %dma_start3A_163] : memref<10000x32xf32, #tpu.memory_space<vmem_shared>> -> memref<200x32xf32, #tpu.memory_space<vmem_shared>>
        %dma_start3A_165 = arith.constant 0 : i32
        %dma_start3A_166 = tpu.memref_slice %arg11[%multiple_of3A_161, %dma_start3A_165] : memref<10000x32xf32, #tpu.memory_space<vmem_shared>> -> memref<200x32xf32, #tpu.memory_space<vmem_shared>>
        tpu.enqueue_dma source(%dma_start3A_166 : memref<200x32xf32, #tpu.memory_space<vmem_shared>>) target(%arg10 : memref<200x32xf32, #tpu.memory_space<vmem>>) target_semaphore(%run_scoped3A_162 : memref<!tpu.dma_semaphore, #tpu.memory_space<semaphore_mem>>)
        %dma_wait3A_167 = arith.constant 0 : i32
        %dma_wait3A_168 = tpu.memref_slice %arg11[%multiple_of3A_161, %dma_wait3A_167] : memref<10000x32xf32, #tpu.memory_space<vmem_shared>> -> memref<200x32xf32, #tpu.memory_space<vmem_shared>>
        %dma_wait3A_169 = arith.constant 0 : i32
        %dma_wait3A_170 = tpu.memref_slice %arg11[%multiple_of3A_161, %dma_wait3A_169] : memref<10000x32xf32, #tpu.memory_space<vmem_shared>> -> memref<200x32xf32, #tpu.memory_space<vmem_shared>>
        tpu.wait_dma2 semaphore(%run_scoped3A_162 : memref<!tpu.dma_semaphore, #tpu.memory_space<semaphore_mem>>) src(%dma_wait3A_170 : memref<200x32xf32, #tpu.memory_space<vmem_shared>>) dst(%arg10 : memref<200x32xf32, #tpu.memory_space<vmem>>)
        tpu.yield
      }) : () -> ()
      "tpu.region"() ({
        %run_scoped3A_162 = tpu.sem_alloc : memref<!tpu.dma_semaphore, #tpu.memory_space<semaphore_mem>>
        %dma_start3A_163 = arith.constant 0 : i32
        %dma_start3A_164 = tpu.memref_slice %arg5[%arg0, %multiple_of3A_161, %dma_start3A_163] : memref<2x10000x32xf32, #tpu.memory_space<hbm>> -> memref<1x200x32xf32, #tpu.memory_space<hbm>>
        %dma_start3A_165 = tpu.memref_squeeze %dma_start3A_164 : memref<1x200x32xf32, #tpu.memory_space<hbm>> -> memref<200x32xf32, #tpu.memory_space<hbm>>
        %dma_start3A_166 = arith.constant 0 : i32
        %dma_start3A_167 = tpu.memref_slice %arg5[%arg0, %multiple_of3A_161, %dma_start3A_166] : memref<2x10000x32xf32, #tpu.memory_space<hbm>> -> memref<1x200x32xf32, #tpu.memory_space<hbm>>
        %dma_start3A_168 = tpu.memref_squeeze %dma_start3A_167 : memref<1x200x32xf32, #tpu.memory_space<hbm>> -> memref<200x32xf32, #tpu.memory_space<hbm>>
        tpu.enqueue_dma source(%arg10 : memref<200x32xf32, #tpu.memory_space<vmem>>) target(%dma_start3A_168 : memref<200x32xf32, #tpu.memory_space<hbm>>) target_semaphore(%run_scoped3A_162 : memref<!tpu.dma_semaphore, #tpu.memory_space<semaphore_mem>>)
        %dma_wait3A_169 = arith.constant 0 : i32
        %dma_wait3A_170 = tpu.memref_slice %arg5[%arg0, %multiple_of3A_161, %dma_wait3A_169] : memref<2x10000x32xf32, #tpu.memory_space<hbm>> -> memref<1x200x32xf32, #tpu.memory_space<hbm>>
        %dma_wait3A_171 = tpu.memref_squeeze %dma_wait3A_170 : memref<1x200x32xf32, #tpu.memory_space<hbm>> -> memref<200x32xf32, #tpu.memory_space<hbm>>
        %dma_wait3A_172 = arith.constant 0 : i32
        %dma_wait3A_173 = tpu.memref_slice %arg5[%arg0, %multiple_of3A_161, %dma_wait3A_172] : memref<2x10000x32xf32, #tpu.memory_space<hbm>> -> memref<1x200x32xf32, #tpu.memory_space<hbm>>
        %dma_wait3A_174 = tpu.memref_squeeze %dma_wait3A_173 : memref<1x200x32xf32, #tpu.memory_space<hbm>> -> memref<200x32xf32, #tpu.memory_space<hbm>>
        tpu.wait_dma2 semaphore(%run_scoped3A_162 : memref<!tpu.dma_semaphore, #tpu.memory_space<semaphore_mem>>) src(%arg10 : memref<200x32xf32, #tpu.memory_space<vmem>>) dst(%dma_wait3A_174 : memref<200x32xf32, #tpu.memory_space<hbm>>)
        tpu.yield
      }) : () -> ()
    } else {
    }
    %add3A_145 = arith.constant 32 : i32
    %add3A_146 = arith.addi %arg1, %add3A_145 : i32
    %lt3A_147 = arith.constant 50 : i32
    %lt3A_148 = arith.cmpi slt, %add3A_146, %lt3A_147 : i32
    %convert_element_type3A_149 = arith.extui %lt3A_148 : i1 to i32
    %cond3A_150 = arith.constant 0 : i32
    %cond3A_151 = arith.cmpi ne, %convert_element_type3A_149, %cond3A_150 : i32
    scf.if %cond3A_151 {
      %mul3A_159 = arith.constant 200 : i32
      %mul3A_160 = arith.muli %add3A_146, %mul3A_159 : i32
      %multiple_of3A_161 = tpu.assume_multiple %mul3A_160, 200 : i32
      "tpu.region"() ({
        %run_scoped3A_162 = tpu.sem_alloc : memref<!tpu.dma_semaphore, #tpu.memory_space<semaphore_mem>>
        %dma_start3A_163 = arith.constant 0 : i32
        %dma_start3A_164 = tpu.memref_slice %arg11[%multiple_of3A_161, %dma_start3A_163] : memref<10000x32xf32, #tpu.memory_space<vmem_shared>> -> memref<200x32xf32, #tpu.memory_space<vmem_shared>>
        %dma_start3A_165 = arith.constant 0 : i32
        %dma_start3A_166 = tpu.memref_slice %arg11[%multiple_of3A_161, %dma_start3A_165] : memref<10000x32xf32, #tpu.memory_space<vmem_shared>> -> memref<200x32xf32, #tpu.memory_space<vmem_shared>>
        tpu.enqueue_dma source(%dma_start3A_166 : memref<200x32xf32, #tpu.memory_space<vmem_shared>>) target(%arg10 : memref<200x32xf32, #tpu.memory_space<vmem>>) target_semaphore(%run_scoped3A_162 : memref<!tpu.dma_semaphore, #tpu.memory_space<semaphore_mem>>)
        %dma_wait3A_167 = arith.constant 0 : i32
        %dma_wait3A_168 = tpu.memref_slice %arg11[%multiple_of3A_161, %dma_wait3A_167] : memref<10000x32xf32, #tpu.memory_space<vmem_shared>> -> memref<200x32xf32, #tpu.memory_space<vmem_shared>>
        %dma_wait3A_169 = arith.constant 0 : i32
        %dma_wait3A_170 = tpu.memref_slice %arg11[%multiple_of3A_161, %dma_wait3A_169] : memref<10000x32xf32, #tpu.memory_space<vmem_shared>> -> memref<200x32xf32, #tpu.memory_space<vmem_shared>>
        tpu.wait_dma2 semaphore(%run_scoped3A_162 : memref<!tpu.dma_semaphore, #tpu.memory_space<semaphore_mem>>) src(%dma_wait3A_170 : memref<200x32xf32, #tpu.memory_space<vmem_shared>>) dst(%arg10 : memref<200x32xf32, #tpu.memory_space<vmem>>)
        tpu.yield
      }) : () -> ()
      "tpu.region"() ({
        %run_scoped3A_162 = tpu.sem_alloc : memref<!tpu.dma_semaphore, #tpu.memory_space<semaphore_mem>>
        %dma_start3A_163 = arith.constant 0 : i32
        %dma_start3A_164 = tpu.memref_slice %arg5[%arg0, %multiple_of3A_161, %dma_start3A_163] : memref<2x10000x32xf32, #tpu.memory_space<hbm>> -> memref<1x200x32xf32, #tpu.memory_space<hbm>>
        %dma_start3A_165 = tpu.memref_squeeze %dma_start3A_164 : memref<1x200x32xf32, #tpu.memory_space<hbm>> -> memref<200x32xf32, #tpu.memory_space<hbm>>
        %dma_start3A_166 = arith.constant 0 : i32
        %dma_start3A_167 = tpu.memref_slice %arg5[%arg0, %multiple_of3A_161, %dma_start3A_166] : memref<2x10000x32xf32, #tpu.memory_space<hbm>> -> memref<1x200x32xf32, #tpu.memory_space<hbm>>
        %dma_start3A_168 = tpu.memref_squeeze %dma_start3A_167 : memref<1x200x32xf32, #tpu.memory_space<hbm>> -> memref<200x32xf32, #tpu.memory_space<hbm>>
        tpu.enqueue_dma source(%arg10 : memref<200x32xf32, #tpu.memory_space<vmem>>) target(%dma_start3A_168 : memref<200x32xf32, #tpu.memory_space<hbm>>) target_semaphore(%run_scoped3A_162 : memref<!tpu.dma_semaphore, #tpu.memory_space<semaphore_mem>>)
        %dma_wait3A_169 = arith.constant 0 : i32
        %dma_wait3A_170 = tpu.memref_slice %arg5[%arg0, %multiple_of3A_161, %dma_wait3A_169] : memref<2x10000x32xf32, #tpu.memory_space<hbm>> -> memref<1x200x32xf32, #tpu.memory_space<hbm>>
        %dma_wait3A_171 = tpu.memref_squeeze %dma_wait3A_170 : memref<1x200x32xf32, #tpu.memory_space<hbm>> -> memref<200x32xf32, #tpu.memory_space<hbm>>
        %dma_wait3A_172 = arith.constant 0 : i32
        %dma_wait3A_173 = tpu.memref_slice %arg5[%arg0, %multiple_of3A_161, %dma_wait3A_172] : memref<2x10000x32xf32, #tpu.memory_space<hbm>> -> memref<1x200x32xf32, #tpu.memory_space<hbm>>
        %dma_wait3A_174 = tpu.memref_squeeze %dma_wait3A_173 : memref<1x200x32xf32, #tpu.memory_space<hbm>> -> memref<200x32xf32, #tpu.memory_space<hbm>>
        tpu.wait_dma2 semaphore(%run_scoped3A_162 : memref<!tpu.dma_semaphore, #tpu.memory_space<semaphore_mem>>) src(%arg10 : memref<200x32xf32, #tpu.memory_space<vmem>>) dst(%dma_wait3A_174 : memref<200x32xf32, #tpu.memory_space<hbm>>)
        tpu.yield
      }) : () -> ()
    } else {
    }
    %add3A_152 = arith.constant 48 : i32
    %add3A_153 = arith.addi %arg1, %add3A_152 : i32
    %lt3A_154 = arith.constant 50 : i32
    %lt3A_155 = arith.cmpi slt, %add3A_153, %lt3A_154 : i32
    %convert_element_type3A_156 = arith.extui %lt3A_155 : i1 to i32
    %cond3A_157 = arith.constant 0 : i32
    %cond3A_158 = arith.cmpi ne, %convert_element_type3A_156, %cond3A_157 : i32
    scf.if %cond3A_158 {
      %mul3A_159 = arith.constant 200 : i32
      %mul3A_160 = arith.muli %add3A_153, %mul3A_159 : i32
      %multiple_of3A_161 = tpu.assume_multiple %mul3A_160, 200 : i32
      "tpu.region"() ({
        %run_scoped3A_162 = tpu.sem_alloc : memref<!tpu.dma_semaphore, #tpu.memory_space<semaphore_mem>>
        %dma_start3A_163 = arith.constant 0 : i32
        %dma_start3A_164 = tpu.memref_slice %arg11[%multiple_of3A_161, %dma_start3A_163] : memref<10000x32xf32, #tpu.memory_space<vmem_shared>> -> memref<200x32xf32, #tpu.memory_space<vmem_shared>>
        %dma_start3A_165 = arith.constant 0 : i32
        %dma_start3A_166 = tpu.memref_slice %arg11[%multiple_of3A_161, %dma_start3A_165] : memref<10000x32xf32, #tpu.memory_space<vmem_shared>> -> memref<200x32xf32, #tpu.memory_space<vmem_shared>>
        tpu.enqueue_dma source(%dma_start3A_166 : memref<200x32xf32, #tpu.memory_space<vmem_shared>>) target(%arg10 : memref<200x32xf32, #tpu.memory_space<vmem>>) target_semaphore(%run_scoped3A_162 : memref<!tpu.dma_semaphore, #tpu.memory_space<semaphore_mem>>)
        %dma_wait3A_167 = arith.constant 0 : i32
        %dma_wait3A_168 = tpu.memref_slice %arg11[%multiple_of3A_161, %dma_wait3A_167] : memref<10000x32xf32, #tpu.memory_space<vmem_shared>> -> memref<200x32xf32, #tpu.memory_space<vmem_shared>>
        %dma_wait3A_169 = arith.constant 0 : i32
        %dma_wait3A_170 = tpu.memref_slice %arg11[%multiple_of3A_161, %dma_wait3A_169] : memref<10000x32xf32, #tpu.memory_space<vmem_shared>> -> memref<200x32xf32, #tpu.memory_space<vmem_shared>>
        tpu.wait_dma2 semaphore(%run_scoped3A_162 : memref<!tpu.dma_semaphore, #tpu.memory_space<semaphore_mem>>) src(%dma_wait3A_170 : memref<200x32xf32, #tpu.memory_space<vmem_shared>>) dst(%arg10 : memref<200x32xf32, #tpu.memory_space<vmem>>)
        tpu.yield
      }) : () -> ()
      "tpu.region"() ({
        %run_scoped3A_162 = tpu.sem_alloc : memref<!tpu.dma_semaphore, #tpu.memory_space<semaphore_mem>>
        %dma_start3A_163 = arith.constant 0 : i32
        %dma_start3A_164 = tpu.memref_slice %arg5[%arg0, %multiple_of3A_161, %dma_start3A_163] : memref<2x10000x32xf32, #tpu.memory_space<hbm>> -> memref<1x200x32xf32, #tpu.memory_space<hbm>>
        %dma_start3A_165 = tpu.memref_squeeze %dma_start3A_164 : memref<1x200x32xf32, #tpu.memory_space<hbm>> -> memref<200x32xf32, #tpu.memory_space<hbm>>
        %dma_start3A_166 = arith.constant 0 : i32
        %dma_start3A_167 = tpu.memref_slice %arg5[%arg0, %multiple_of3A_161, %dma_start3A_166] : memref<2x10000x32xf32, #tpu.memory_space<hbm>> -> memref<1x200x32xf32, #tpu.memory_space<hbm>>
        %dma_start3A_168 = tpu.memref_squeeze %dma_start3A_167 : memref<1x200x32xf32, #tpu.memory_space<hbm>> -> memref<200x32xf32, #tpu.memory_space<hbm>>
        tpu.enqueue_dma source(%arg10 : memref<200x32xf32, #tpu.memory_space<vmem>>) target(%dma_start3A_168 : memref<200x32xf32, #tpu.memory_space<hbm>>) target_semaphore(%run_scoped3A_162 : memref<!tpu.dma_semaphore, #tpu.memory_space<semaphore_mem>>)
        %dma_wait3A_169 = arith.constant 0 : i32
        %dma_wait3A_170 = tpu.memref_slice %arg5[%arg0, %multiple_of3A_161, %dma_wait3A_169] : memref<2x10000x32xf32, #tpu.memory_space<hbm>> -> memref<1x200x32xf32, #tpu.memory_space<hbm>>
        %dma_wait3A_171 = tpu.memref_squeeze %dma_wait3A_170 : memref<1x200x32xf32, #tpu.memory_space<hbm>> -> memref<200x32xf32, #tpu.memory_space<hbm>>
        %dma_wait3A_172 = arith.constant 0 : i32
        %dma_wait3A_173 = tpu.memref_slice %arg5[%arg0, %multiple_of3A_161, %dma_wait3A_172] : memref<2x10000x32xf32, #tpu.memory_space<hbm>> -> memref<1x200x32xf32, #tpu.memory_space<hbm>>
        %dma_wait3A_174 = tpu.memref_squeeze %dma_wait3A_173 : memref<1x200x32xf32, #tpu.memory_space<hbm>> -> memref<200x32xf32, #tpu.memory_space<hbm>>
        tpu.wait_dma2 semaphore(%run_scoped3A_162 : memref<!tpu.dma_semaphore, #tpu.memory_space<semaphore_mem>>) src(%arg10 : memref<200x32xf32, #tpu.memory_space<vmem>>) dst(%dma_wait3A_174 : memref<200x32xf32, #tpu.memory_space<hbm>>)
        tpu.yield
      }) : () -> ()
    } else {
    }
    return
  }
}

module attributes {stable_mosaic.version = 14 : i64} {
  func.func @_t0_body(%arg0: i32, %arg1: memref<1000x128xf32, #tpu.memory_space<vmem>>, %arg2: memref<128x64xf32, #tpu.memory_space<vmem>>, %arg3: memref<128x64xf32, #tpu.memory_space<vmem>>, %arg4: memref<1000x80xf32, #tpu.memory_space<vmem>>, %arg5: memref<1000x64xf32, #tpu.memory_space<vmem>>) attributes {dimension_semantics = [#tpu.dimension_semantics<arbitrary>], iteration_bounds = array<i64: 10>, scalar_prefetch = 0 : i64, scratch_operands = 0 : i64, tpu.core_type = #tpu.core_type<tc>, window_params = [{transform_indices = @transform_0, window_bounds = array<i64: 1000, 128>}, {pipeline_mode = #tpu.pipeline_mode<synchronous>, transform_indices = @transform_1, window_bounds = array<i64: 128, 64>}, {pipeline_mode = #tpu.pipeline_mode<synchronous>, transform_indices = @transform_2, window_bounds = array<i64: 128, 64>}, {transform_indices = @transform_3, window_bounds = array<i64: 1000, 80>}, {transform_indices = @transform_4, window_bounds = array<i64: 1000, 64>}]} {
    %get3A = arith.constant 0 : index
    %get3A_0 = arith.constant 0 : index
    %get3A_1 = vector.load %arg1[%get3A, %get3A_0] : memref<1000x128xf32, #tpu.memory_space<vmem>>, vector<1000x128xf32>
    %get3A_2 = arith.constant 0 : index
    %get3A_3 = arith.constant 0 : index
    %get3A_4 = vector.load %arg2[%get3A_2, %get3A_3] : memref<128x64xf32, #tpu.memory_space<vmem>>, vector<128x64xf32>
    %dot_general3A = arith.constant dense<0.000000e+00> : vector<1000x64xf32>
    %dot_general3A_5 = tpu.matmul %get3A_1, %get3A_4, %dot_general3A {dimension_numbers = #tpu.dot_dimension_numbers<[1], [0], [0], [1], [0, 0, 1, 1], [], []>, transpose_lhs_hint = false} : vector<1000x128xf32>, vector<128x64xf32>, vector<1000x64xf32> -> vector<1000x64xf32>
    %broadcast_in_dim3A = arith.constant 1.000000e+00 : f32
    %broadcast_in_dim3A_6 = vector.broadcast %broadcast_in_dim3A : f32 to vector<1000x16xf32>
    %concatenate3A = tpu.concatenate %dot_general3A_5, %broadcast_in_dim3A_6 in 1 : vector<1000x64xf32>, vector<1000x16xf32> -> vector<1000x80xf32>
    %swap3A = arith.constant 0 : index
    %swap3A_7 = arith.constant 0 : index
    %swap3A_8 = vector.load %arg4[%swap3A, %swap3A_7] : memref<1000x80xf32, #tpu.memory_space<vmem>>, vector<1000x80xf32>
    tpu.vector_store %arg4[%swap3A, %swap3A_7], %concatenate3A {strides = array<i32>} : memref<1000x80xf32, #tpu.memory_space<vmem>>, vector<1000x80xf32>,
    %get3A_9 = arith.constant 0 : index
    %get3A_10 = arith.constant 0 : index
    %get3A_11 = vector.load %arg3[%get3A_9, %get3A_10] : memref<128x64xf32, #tpu.memory_space<vmem>>, vector<128x64xf32>
    %dot_general3A_12 = arith.constant dense<0.000000e+00> : vector<1000x64xf32>
    %dot_general3A_13 = tpu.matmul %get3A_1, %get3A_11, %dot_general3A_12 {dimension_numbers = #tpu.dot_dimension_numbers<[1], [0], [0], [1], [0, 0, 1, 1], [], []>, transpose_lhs_hint = false} : vector<1000x128xf32>, vector<128x64xf32>, vector<1000x64xf32> -> vector<1000x64xf32>
    %swap3A_14 = arith.constant 0 : index
    %swap3A_15 = arith.constant 0 : index
    %swap3A_16 = vector.load %arg5[%swap3A_14, %swap3A_15] : memref<1000x64xf32, #tpu.memory_space<vmem>>, vector<1000x64xf32>
    tpu.vector_store %arg5[%swap3A_14, %swap3A_15], %dot_general3A_13 {strides = array<i32>} : memref<1000x64xf32, #tpu.memory_space<vmem>>, vector<1000x64xf32>,
    return
  }
  func.func @transform_0(%arg0: i32) -> (i32, i32) {
    %c0_i32 = arith.constant 0 : i32
    %c0_i32_0 = arith.constant 0 : i32
    return %arg0, %c0_i32 : i32, i32
  }
  func.func @transform_1(%arg0: i32) -> (i32, i32) {
    %c0_i32 = arith.constant 0 : i32
    %c0_i32_0 = arith.constant 0 : i32
    %c0_i32_1 = arith.constant 0 : i32
    return %c0_i32, %c0_i32_0 : i32, i32
  }
  func.func @transform_2(%arg0: i32) -> (i32, i32) {
    %c0_i32 = arith.constant 0 : i32
    %c0_i32_0 = arith.constant 0 : i32
    %c0_i32_1 = arith.constant 0 : i32
    return %c0_i32, %c0_i32_0 : i32, i32
  }
  func.func @transform_3(%arg0: i32) -> (i32, i32) {
    %c0_i32 = arith.constant 0 : i32
    %c0_i32_0 = arith.constant 0 : i32
    return %arg0, %c0_i32 : i32, i32
  }
  func.func @transform_4(%arg0: i32) -> (i32, i32) {
    %c0_i32 = arith.constant 0 : i32
    %c0_i32_0 = arith.constant 0 : i32
    return %arg0, %c0_i32 : i32, i32
  }
}

module attributes {stable_mosaic.version = 14 : i64} {
  func.func @_c1a_body(%arg0: i32, %arg1: memref<2x1000x80xf32, #tpu.memory_space<vmem>>, %arg2: memref<1000x64xf32, #tpu.memory_space<vmem>>, %arg3: memref<1x64xf32, #tpu.memory_space<vmem>>, %arg4: memref<64x32xf32, #tpu.memory_space<vmem>>, %arg5: memref<1000x32xf32, #tpu.memory_space<vmem>>, %arg6: memref<1000x64xf32, #tpu.memory_space<vmem>>, %arg7: memref<1000x8xf32, #tpu.memory_space<vmem>>) attributes {dimension_semantics = [#tpu.dimension_semantics<arbitrary>], iteration_bounds = array<i64: 10>, scalar_prefetch = 0 : i64, scratch_operands = 0 : i64, tpu.core_type = #tpu.core_type<tc>, window_params = [{transform_indices = @transform_0, window_bounds = array<i64: 2, 1000, 80>}, {transform_indices = @transform_1, window_bounds = array<i64: 1000, 64>}, {pipeline_mode = #tpu.pipeline_mode<synchronous>, transform_indices = @transform_2, window_bounds = array<i64: 1, 64>}, {pipeline_mode = #tpu.pipeline_mode<synchronous>, transform_indices = @transform_3, window_bounds = array<i64: 64, 32>}, {transform_indices = @transform_4, window_bounds = array<i64: 1000, 32>}, {transform_indices = @transform_5, window_bounds = array<i64: 1000, 64>}, {transform_indices = @transform_6, window_bounds = array<i64: 1000, 8>}]} {
    %get3A = arith.constant 0 : index
    %get3A_0 = arith.constant 0 : index
    %get3A_1 = arith.constant 0 : index
    %get3A_2 = vector.load %arg1[%get3A, %get3A_0, %get3A_1] : memref<2x1000x80xf32, #tpu.memory_space<vmem>>, vector<1x1000x80xf32>
    %get3A_3 = vector.shape_cast %get3A_2 : vector<1x1000x80xf32> to vector<1000x80xf32>
    %get3A_4 = arith.constant 1 : index
    %get3A_5 = arith.constant 0 : index
    %get3A_6 = arith.constant 0 : index
    %get3A_7 = vector.load %arg1[%get3A_4, %get3A_5, %get3A_6] : memref<2x1000x80xf32, #tpu.memory_space<vmem>>, vector<1x1000x80xf32>
    %get3A_8 = vector.shape_cast %get3A_7 : vector<1x1000x80xf32> to vector<1000x80xf32>
    %add3A = arith.addf %get3A_3, %get3A_8 : vector<1000x80xf32>
    %slice3A = vector.extract_strided_slice %add3A {offsets = [0, 64], sizes = [1000, 1], strides = [1, 1]} : vector<1000x80xf32> to vector<1000x1xf32>
    %max3A = arith.constant 1.000000e+00 : f32
    %max3A_9 = vector.broadcast %max3A : f32 to vector<1000x1xf32>
    %max3A_10 = arith.maximumf %slice3A, %max3A_9 : vector<1000x1xf32>
    %div3A = arith.constant 1.000000e+00 : f32
    %div3A_11 = vector.broadcast %div3A : f32 to vector<1000x1xf32>
    %div3A_12 = arith.divf %div3A_11, %max3A_10 : vector<1000x1xf32>
    %get3A_13 = arith.constant 0 : index
    %get3A_14 = arith.constant 0 : index
    %get3A_15 = vector.load %arg2[%get3A_13, %get3A_14] : memref<1000x64xf32, #tpu.memory_space<vmem>>, vector<1000x64xf32>
    %slice3A_16 = vector.extract_strided_slice %add3A {offsets = [0, 0], sizes = [1000, 64], strides = [1, 1]} : vector<1000x80xf32> to vector<1000x64xf32>
    %mul3A = vector.broadcast %div3A_12 : vector<1000x1xf32> to vector<1000x64xf32>
    %mul3A_17 = arith.mulf %slice3A_16, %mul3A : vector<1000x64xf32>
    %add3A_18 = arith.addf %get3A_15, %mul3A_17 : vector<1000x64xf32>
    %get3A_19 = arith.constant 0 : index
    %get3A_20 = arith.constant 0 : index
    %get3A_21 = vector.load %arg3[%get3A_19, %get3A_20] : memref<1x64xf32, #tpu.memory_space<vmem>>, vector<1x64xf32>
    %add3A_22 = vector.broadcast %get3A_21 : vector<1x64xf32> to vector<1000x64xf32>
    %add3A_23 = arith.addf %add3A_18, %add3A_22 : vector<1000x64xf32>
    %max3A_24 = arith.constant 0.000000e+00 : f32
    %max3A_25 = vector.broadcast %max3A_24 : f32 to vector<1000x64xf32>
    %max3A_26 = arith.maximumf %add3A_23, %max3A_25 : vector<1000x64xf32>
    %get3A_27 = arith.constant 0 : index
    %get3A_28 = arith.constant 0 : index
    %get3A_29 = vector.load %arg4[%get3A_27, %get3A_28] : memref<64x32xf32, #tpu.memory_space<vmem>>, vector<64x32xf32>
    %dot_general3A = arith.constant dense<0.000000e+00> : vector<1000x32xf32>
    %dot_general3A_30 = tpu.matmul %max3A_26, %get3A_29, %dot_general3A {dimension_numbers = #tpu.dot_dimension_numbers<[1], [0], [0], [1], [0, 0, 1, 1], [], []>, transpose_lhs_hint = false} : vector<1000x64xf32>, vector<64x32xf32>, vector<1000x32xf32> -> vector<1000x32xf32>
    %swap3A = arith.constant 0 : index
    %swap3A_31 = arith.constant 0 : index
    %swap3A_32 = vector.load %arg5[%swap3A, %swap3A_31] : memref<1000x32xf32, #tpu.memory_space<vmem>>, vector<1000x32xf32>
    tpu.vector_store %arg5[%swap3A, %swap3A_31], %dot_general3A_30 {strides = array<i32>} : memref<1000x32xf32, #tpu.memory_space<vmem>>, vector<1000x32xf32>,
    %swap3A_33 = arith.constant 0 : index
    %swap3A_34 = arith.constant 0 : index
    %swap3A_35 = vector.load %arg6[%swap3A_33, %swap3A_34] : memref<1000x64xf32, #tpu.memory_space<vmem>>, vector<1000x64xf32>
    tpu.vector_store %arg6[%swap3A_33, %swap3A_34], %max3A_26 {strides = array<i32>} : memref<1000x64xf32, #tpu.memory_space<vmem>>, vector<1000x64xf32>,
    %broadcast_in_dim3A = vector.shape_cast %div3A_12 : vector<1000x1xf32> to vector<1000x1xf32>
    %broadcast_in_dim3A_36 = vector.broadcast %broadcast_in_dim3A : vector<1000x1xf32> to vector<1000x8xf32>
    %swap3A_37 = arith.constant 0 : index
    %swap3A_38 = arith.constant 0 : index
    %swap3A_39 = vector.load %arg7[%swap3A_37, %swap3A_38] : memref<1000x8xf32, #tpu.memory_space<vmem>>, vector<1000x8xf32>
    tpu.vector_store %arg7[%swap3A_37, %swap3A_38], %broadcast_in_dim3A_36 {strides = array<i32>} : memref<1000x8xf32, #tpu.memory_space<vmem>>, vector<1000x8xf32>,
    return
  }
  func.func @transform_0(%arg0: i32) -> (i32, i32, i32) {
    %c0_i32 = arith.constant 0 : i32
    %c0_i32_0 = arith.constant 0 : i32
    %c0_i32_1 = arith.constant 0 : i32
    return %c0_i32, %arg0, %c0_i32_0 : i32, i32, i32
  }
  func.func @transform_1(%arg0: i32) -> (i32, i32) {
    %c0_i32 = arith.constant 0 : i32
    %c0_i32_0 = arith.constant 0 : i32
    return %arg0, %c0_i32 : i32, i32
  }
  func.func @transform_2(%arg0: i32) -> (i32, i32) {
    %c0_i32 = arith.constant 0 : i32
    %c0_i32_0 = arith.constant 0 : i32
    %c0_i32_1 = arith.constant 0 : i32
    return %c0_i32, %c0_i32_0 : i32, i32
  }
  func.func @transform_3(%arg0: i32) -> (i32, i32) {
    %c0_i32 = arith.constant 0 : i32
    %c0_i32_0 = arith.constant 0 : i32
    %c0_i32_1 = arith.constant 0 : i32
    return %c0_i32, %c0_i32_0 : i32, i32
  }
  func.func @transform_4(%arg0: i32) -> (i32, i32) {
    %c0_i32 = arith.constant 0 : i32
    %c0_i32_0 = arith.constant 0 : i32
    return %arg0, %c0_i32 : i32, i32
  }
  func.func @transform_5(%arg0: i32) -> (i32, i32) {
    %c0_i32 = arith.constant 0 : i32
    %c0_i32_0 = arith.constant 0 : i32
    return %arg0, %c0_i32 : i32, i32
  }
  func.func @transform_6(%arg0: i32) -> (i32, i32) {
    %c0_i32 = arith.constant 0 : i32
    %c0_i32_0 = arith.constant 0 : i32
    return %arg0, %c0_i32 : i32, i32
  }
}

module attributes {stable_mosaic.version = 14 : i64} {
  func.func @_c1b_body(%arg0: i32, %arg1: memref<1000x64xf32, #tpu.memory_space<vmem>>, %arg2: memref<64x32xf32, #tpu.memory_space<vmem>>, %arg3: memref<1000x32xf32, #tpu.memory_space<vmem>>) attributes {dimension_semantics = [#tpu.dimension_semantics<arbitrary>], iteration_bounds = array<i64: 10>, scalar_prefetch = 0 : i64, scratch_operands = 0 : i64, tpu.core_type = #tpu.core_type<tc>, window_params = [{transform_indices = @transform_0, window_bounds = array<i64: 1000, 64>}, {pipeline_mode = #tpu.pipeline_mode<synchronous>, transform_indices = @transform_1, window_bounds = array<i64: 64, 32>}, {transform_indices = @transform_2, window_bounds = array<i64: 1000, 32>}]} {
    %get3A = arith.constant 0 : index
    %get3A_0 = arith.constant 0 : index
    %get3A_1 = vector.load %arg1[%get3A, %get3A_0] : memref<1000x64xf32, #tpu.memory_space<vmem>>, vector<1000x64xf32>
    %get3A_2 = arith.constant 0 : index
    %get3A_3 = arith.constant 0 : index
    %get3A_4 = vector.load %arg2[%get3A_2, %get3A_3] : memref<64x32xf32, #tpu.memory_space<vmem>>, vector<64x32xf32>
    %dot_general3A = arith.constant dense<0.000000e+00> : vector<1000x32xf32>
    %dot_general3A_5 = tpu.matmul %get3A_1, %get3A_4, %dot_general3A {dimension_numbers = #tpu.dot_dimension_numbers<[1], [0], [0], [1], [0, 0, 1, 1], [], []>, transpose_lhs_hint = false} : vector<1000x64xf32>, vector<64x32xf32>, vector<1000x32xf32> -> vector<1000x32xf32>
    %swap3A = arith.constant 0 : index
    %swap3A_6 = arith.constant 0 : index
    %swap3A_7 = vector.load %arg3[%swap3A, %swap3A_6] : memref<1000x32xf32, #tpu.memory_space<vmem>>, vector<1000x32xf32>
    tpu.vector_store %arg3[%swap3A, %swap3A_6], %dot_general3A_5 {strides = array<i32>} : memref<1000x32xf32, #tpu.memory_space<vmem>>, vector<1000x32xf32>,
    return
  }
  func.func @transform_0(%arg0: i32) -> (i32, i32) {
    %c0_i32 = arith.constant 0 : i32
    %c0_i32_0 = arith.constant 0 : i32
    return %arg0, %c0_i32 : i32, i32
  }
  func.func @transform_1(%arg0: i32) -> (i32, i32) {
    %c0_i32 = arith.constant 0 : i32
    %c0_i32_0 = arith.constant 0 : i32
    %c0_i32_1 = arith.constant 0 : i32
    return %c0_i32, %c0_i32_0 : i32, i32
  }
  func.func @transform_2(%arg0: i32) -> (i32, i32) {
    %c0_i32 = arith.constant 0 : i32
    %c0_i32_0 = arith.constant 0 : i32
    return %arg0, %c0_i32 : i32, i32
  }
}

module attributes {stable_mosaic.version = 14 : i64} {
  func.func @_c2a_body(%arg0: i32, %arg1: memref<2x1000x32xf32, #tpu.memory_space<vmem>>, %arg2: memref<1000x32xf32, #tpu.memory_space<vmem>>, %arg3: memref<1x32xf32, #tpu.memory_space<vmem>>, %arg4: memref<1000x8xf32, #tpu.memory_space<vmem>>, %arg5: memref<1000x32xf32, #tpu.memory_space<vmem>>) attributes {dimension_semantics = [#tpu.dimension_semantics<arbitrary>], iteration_bounds = array<i64: 10>, scalar_prefetch = 0 : i64, scratch_operands = 0 : i64, tpu.core_type = #tpu.core_type<tc>, window_params = [{transform_indices = @transform_0, window_bounds = array<i64: 2, 1000, 32>}, {transform_indices = @transform_1, window_bounds = array<i64: 1000, 32>}, {pipeline_mode = #tpu.pipeline_mode<synchronous>, transform_indices = @transform_2, window_bounds = array<i64: 1, 32>}, {transform_indices = @transform_3, window_bounds = array<i64: 1000, 8>}, {transform_indices = @transform_4, window_bounds = array<i64: 1000, 32>}]} {
    %get3A = arith.constant 0 : index
    %get3A_0 = arith.constant 0 : index
    %get3A_1 = arith.constant 0 : index
    %get3A_2 = vector.load %arg1[%get3A, %get3A_0, %get3A_1] : memref<2x1000x32xf32, #tpu.memory_space<vmem>>, vector<1x1000x32xf32>
    %get3A_3 = vector.shape_cast %get3A_2 : vector<1x1000x32xf32> to vector<1000x32xf32>
    %get3A_4 = arith.constant 1 : index
    %get3A_5 = arith.constant 0 : index
    %get3A_6 = arith.constant 0 : index
    %get3A_7 = vector.load %arg1[%get3A_4, %get3A_5, %get3A_6] : memref<2x1000x32xf32, #tpu.memory_space<vmem>>, vector<1x1000x32xf32>
    %get3A_8 = vector.shape_cast %get3A_7 : vector<1x1000x32xf32> to vector<1000x32xf32>
    %add3A = arith.addf %get3A_3, %get3A_8 : vector<1000x32xf32>
    %get3A_9 = arith.constant 0 : index
    %get3A_10 = arith.constant 0 : index
    %get3A_11 = vector.load %arg2[%get3A_9, %get3A_10] : memref<1000x32xf32, #tpu.memory_space<vmem>>, vector<1000x32xf32>
    %get3A_12 = arith.constant 0 : index
    %get3A_13 = arith.constant 0 : index
    %get3A_14 = vector.load %arg4[%get3A_12, %get3A_13] : memref<1000x8xf32, #tpu.memory_space<vmem>>, vector<1000x1xf32>
    %mul3A = vector.broadcast %get3A_14 : vector<1000x1xf32> to vector<1000x32xf32>
    %mul3A_15 = arith.mulf %add3A, %mul3A : vector<1000x32xf32>
    %add3A_16 = arith.addf %get3A_11, %mul3A_15 : vector<1000x32xf32>
    %get3A_17 = arith.constant 0 : index
    %get3A_18 = arith.constant 0 : index
    %get3A_19 = vector.load %arg3[%get3A_17, %get3A_18] : memref<1x32xf32, #tpu.memory_space<vmem>>, vector<1x32xf32>
    %add3A_20 = vector.broadcast %get3A_19 : vector<1x32xf32> to vector<1000x32xf32>
    %add3A_21 = arith.addf %add3A_16, %add3A_20 : vector<1000x32xf32>
    %max3A = arith.constant 0.000000e+00 : f32
    %max3A_22 = vector.broadcast %max3A : f32 to vector<1000x32xf32>
    %max3A_23 = arith.maximumf %add3A_21, %max3A_22 : vector<1000x32xf32>
    %swap3A = arith.constant 0 : index
    %swap3A_24 = arith.constant 0 : index
    %swap3A_25 = vector.load %arg5[%swap3A, %swap3A_24] : memref<1000x32xf32, #tpu.memory_space<vmem>>, vector<1000x32xf32>
    tpu.vector_store %arg5[%swap3A, %swap3A_24], %max3A_23 {strides = array<i32>} : memref<1000x32xf32, #tpu.memory_space<vmem>>, vector<1000x32xf32>,
    return
  }
  func.func @transform_0(%arg0: i32) -> (i32, i32, i32) {
    %c0_i32 = arith.constant 0 : i32
    %c0_i32_0 = arith.constant 0 : i32
    %c0_i32_1 = arith.constant 0 : i32
    return %c0_i32, %arg0, %c0_i32_0 : i32, i32, i32
  }
  func.func @transform_1(%arg0: i32) -> (i32, i32) {
    %c0_i32 = arith.constant 0 : i32
    %c0_i32_0 = arith.constant 0 : i32
    return %arg0, %c0_i32 : i32, i32
  }
  func.func @transform_2(%arg0: i32) -> (i32, i32) {
    %c0_i32 = arith.constant 0 : i32
    %c0_i32_0 = arith.constant 0 : i32
    %c0_i32_1 = arith.constant 0 : i32
    return %c0_i32, %c0_i32_0 : i32, i32
  }
  func.func @transform_3(%arg0: i32) -> (i32, i32) {
    %c0_i32 = arith.constant 0 : i32
    %c0_i32_0 = arith.constant 0 : i32
    return %arg0, %c0_i32 : i32, i32
  }
  func.func @transform_4(%arg0: i32) -> (i32, i32) {
    %c0_i32 = arith.constant 0 : i32
    %c0_i32_0 = arith.constant 0 : i32
    return %arg0, %c0_i32 : i32, i32
  }
}

module attributes {stable_mosaic.version = 14 : i64} {
  func.func @_c2b_body(%arg0: i32, %arg1: memref<1000x32xf32, #tpu.memory_space<vmem>>, %arg2: memref<32x128xf32, #tpu.memory_space<vmem>>, %arg3: memref<1000x128xf32, #tpu.memory_space<vmem>>) attributes {dimension_semantics = [#tpu.dimension_semantics<arbitrary>], iteration_bounds = array<i64: 10>, scalar_prefetch = 0 : i64, scratch_operands = 0 : i64, tpu.core_type = #tpu.core_type<tc>, window_params = [{transform_indices = @transform_0, window_bounds = array<i64: 1000, 32>}, {pipeline_mode = #tpu.pipeline_mode<synchronous>, transform_indices = @transform_1, window_bounds = array<i64: 32, 128>}, {transform_indices = @transform_2, window_bounds = array<i64: 1000, 128>}]} {
    %get3A = arith.constant 0 : index
    %get3A_0 = arith.constant 0 : index
    %get3A_1 = vector.load %arg1[%get3A, %get3A_0] : memref<1000x32xf32, #tpu.memory_space<vmem>>, vector<1000x32xf32>
    %get3A_2 = arith.constant 0 : index
    %get3A_3 = arith.constant 0 : index
    %get3A_4 = vector.load %arg2[%get3A_2, %get3A_3] : memref<32x128xf32, #tpu.memory_space<vmem>>, vector<32x128xf32>
    %dot_general3A = arith.constant dense<0.000000e+00> : vector<1000x128xf32>
    %dot_general3A_5 = tpu.matmul %get3A_1, %get3A_4, %dot_general3A {dimension_numbers = #tpu.dot_dimension_numbers<[1], [0], [0], [1], [0, 0, 1, 1], [], []>, transpose_lhs_hint = false} : vector<1000x32xf32>, vector<32x128xf32>, vector<1000x128xf32> -> vector<1000x128xf32>
    %swap3A = arith.constant 0 : index
    %swap3A_6 = arith.constant 0 : index
    %swap3A_7 = vector.load %arg3[%swap3A, %swap3A_6] : memref<1000x128xf32, #tpu.memory_space<vmem>>, vector<1000x128xf32>
    tpu.vector_store %arg3[%swap3A, %swap3A_6], %dot_general3A_5 {strides = array<i32>} : memref<1000x128xf32, #tpu.memory_space<vmem>>, vector<1000x128xf32>,
    return
  }
  func.func @transform_0(%arg0: i32) -> (i32, i32) {
    %c0_i32 = arith.constant 0 : i32
    %c0_i32_0 = arith.constant 0 : i32
    return %arg0, %c0_i32 : i32, i32
  }
  func.func @transform_1(%arg0: i32) -> (i32, i32) {
    %c0_i32 = arith.constant 0 : i32
    %c0_i32_0 = arith.constant 0 : i32
    %c0_i32_1 = arith.constant 0 : i32
    return %c0_i32, %c0_i32_0 : i32, i32
  }
  func.func @transform_2(%arg0: i32) -> (i32, i32) {
    %c0_i32 = arith.constant 0 : i32
    %c0_i32_0 = arith.constant 0 : i32
    return %arg0, %c0_i32 : i32, i32
  }
}

module attributes {stable_mosaic.version = 14 : i64} {
  func.func @_c3_body(%arg0: i32, %arg1: memref<2x1000x32xf32, #tpu.memory_space<vmem>>, %arg2: memref<1000x128xf32, #tpu.memory_space<vmem>>, %arg3: memref<1000x8xf32, #tpu.memory_space<vmem>>, %arg4: memref<32x128xf32, #tpu.memory_space<vmem>>, %arg5: memref<1x128xf32, #tpu.memory_space<vmem>>, %arg6: memref<1000x128xf32, #tpu.memory_space<vmem>>) attributes {dimension_semantics = [#tpu.dimension_semantics<arbitrary>], iteration_bounds = array<i64: 10>, scalar_prefetch = 0 : i64, scratch_operands = 0 : i64, tpu.core_type = #tpu.core_type<tc>, window_params = [{transform_indices = @transform_0, window_bounds = array<i64: 2, 1000, 32>}, {transform_indices = @transform_1, window_bounds = array<i64: 1000, 128>}, {transform_indices = @transform_2, window_bounds = array<i64: 1000, 8>}, {pipeline_mode = #tpu.pipeline_mode<synchronous>, transform_indices = @transform_3, window_bounds = array<i64: 32, 128>}, {pipeline_mode = #tpu.pipeline_mode<synchronous>, transform_indices = @transform_4, window_bounds = array<i64: 1, 128>}, {transform_indices = @transform_5, window_bounds = array<i64: 1000, 128>}]} {
    %get3A = arith.constant 0 : index
    %get3A_0 = arith.constant 0 : index
    %get3A_1 = arith.constant 0 : index
    %get3A_2 = vector.load %arg1[%get3A, %get3A_0, %get3A_1] : memref<2x1000x32xf32, #tpu.memory_space<vmem>>, vector<1x1000x32xf32>
    %get3A_3 = vector.shape_cast %get3A_2 : vector<1x1000x32xf32> to vector<1000x32xf32>
    %get3A_4 = arith.constant 1 : index
    %get3A_5 = arith.constant 0 : index
    %get3A_6 = arith.constant 0 : index
    %get3A_7 = vector.load %arg1[%get3A_4, %get3A_5, %get3A_6] : memref<2x1000x32xf32, #tpu.memory_space<vmem>>, vector<1x1000x32xf32>
    %get3A_8 = vector.shape_cast %get3A_7 : vector<1x1000x32xf32> to vector<1000x32xf32>
    %add3A = arith.addf %get3A_3, %get3A_8 : vector<1000x32xf32>
    %get3A_9 = arith.constant 0 : index
    %get3A_10 = arith.constant 0 : index
    %get3A_11 = vector.load %arg3[%get3A_9, %get3A_10] : memref<1000x8xf32, #tpu.memory_space<vmem>>, vector<1000x1xf32>
    %mul3A = vector.broadcast %get3A_11 : vector<1000x1xf32> to vector<1000x32xf32>
    %mul3A_12 = arith.mulf %add3A, %mul3A : vector<1000x32xf32>
    %get3A_13 = arith.constant 0 : index
    %get3A_14 = arith.constant 0 : index
    %get3A_15 = vector.load %arg2[%get3A_13, %get3A_14] : memref<1000x128xf32, #tpu.memory_space<vmem>>, vector<1000x128xf32>
    %get3A_16 = arith.constant 0 : index
    %get3A_17 = arith.constant 0 : index
    %get3A_18 = vector.load %arg4[%get3A_16, %get3A_17] : memref<32x128xf32, #tpu.memory_space<vmem>>, vector<32x128xf32>
    %dot_general3A = arith.constant dense<0.000000e+00> : vector<1000x128xf32>
    %dot_general3A_19 = tpu.matmul %mul3A_12, %get3A_18, %dot_general3A {dimension_numbers = #tpu.dot_dimension_numbers<[1], [0], [0], [1], [0, 0, 1, 1], [], []>, transpose_lhs_hint = false} : vector<1000x32xf32>, vector<32x128xf32>, vector<1000x128xf32> -> vector<1000x128xf32>
    %add3A_20 = arith.addf %get3A_15, %dot_general3A_19 : vector<1000x128xf32>
    %get3A_21 = arith.constant 0 : index
    %get3A_22 = arith.constant 0 : index
    %get3A_23 = vector.load %arg5[%get3A_21, %get3A_22] : memref<1x128xf32, #tpu.memory_space<vmem>>, vector<1x128xf32>
    %add3A_24 = vector.broadcast %get3A_23 : vector<1x128xf32> to vector<1000x128xf32>
    %add3A_25 = arith.addf %add3A_20, %add3A_24 : vector<1000x128xf32>
    %max3A = arith.constant 0.000000e+00 : f32
    %max3A_26 = vector.broadcast %max3A : f32 to vector<1000x128xf32>
    %max3A_27 = arith.maximumf %add3A_25, %max3A_26 : vector<1000x128xf32>
    %swap3A = arith.constant 0 : index
    %swap3A_28 = arith.constant 0 : index
    %swap3A_29 = vector.load %arg6[%swap3A, %swap3A_28] : memref<1000x128xf32, #tpu.memory_space<vmem>>, vector<1000x128xf32>
    tpu.vector_store %arg6[%swap3A, %swap3A_28], %max3A_27 {strides = array<i32>} : memref<1000x128xf32, #tpu.memory_space<vmem>>, vector<1000x128xf32>,
    return
  }
  func.func @transform_0(%arg0: i32) -> (i32, i32, i32) {
    %c0_i32 = arith.constant 0 : i32
    %c0_i32_0 = arith.constant 0 : i32
    %c0_i32_1 = arith.constant 0 : i32
    return %c0_i32, %arg0, %c0_i32_0 : i32, i32, i32
  }
  func.func @transform_1(%arg0: i32) -> (i32, i32) {
    %c0_i32 = arith.constant 0 : i32
    %c0_i32_0 = arith.constant 0 : i32
    return %arg0, %c0_i32 : i32, i32
  }
  func.func @transform_2(%arg0: i32) -> (i32, i32) {
    %c0_i32 = arith.constant 0 : i32
    %c0_i32_0 = arith.constant 0 : i32
    return %arg0, %c0_i32 : i32, i32
  }
  func.func @transform_3(%arg0: i32) -> (i32, i32) {
    %c0_i32 = arith.constant 0 : i32
    %c0_i32_0 = arith.constant 0 : i32
    %c0_i32_1 = arith.constant 0 : i32
    return %c0_i32, %c0_i32_0 : i32, i32
  }
  func.func @transform_4(%arg0: i32) -> (i32, i32) {
    %c0_i32 = arith.constant 0 : i32
    %c0_i32_0 = arith.constant 0 : i32
    %c0_i32_1 = arith.constant 0 : i32
    return %c0_i32, %c0_i32_0 : i32, i32
  }
  func.func @transform_5(%arg0: i32) -> (i32, i32) {
    %c0_i32 = arith.constant 0 : i32
    %c0_i32_0 = arith.constant 0 : i32
    return %arg0, %c0_i32 : i32, i32
  }
}

</mosaic_0001>

<sc_bundles>
// kernel: kernel.11.cloned.1.call-start
scs
__scs_entry_jumppad:
0x0: {  	(pc) =	sbr.rel $0x88, $3  }
0x1: {  	(tag) =	ssettag $0x0;
	lr =	simm.s32 $0x1  }
0x2: {  	[smem:$0x3F96] =	sst lr;
	_ =	strace $0xD0000000  }
0x3: {  	_ = 	snop  }
0x4: {  	_ = 	snop  }
0x5: {  	_ = 	snop  }
0x6: {  	_ = 	snop  }
0x7: {  	_ = 	snop  }
__scs_overlays_trampoline_lowered:
0x8: {  	[smem:$0x3FA5] =	sst s0  }
0x9: {  	[smem:$0x3FA6] =	sst s1  }
0xa: {  	[smem:$0x3FA7] =	sst s2  }
0xb: {  	[smem:$0x3FA8] =	sst s3  }
0xc: {  	[smem:$0x3FA9] =	sst s4  }
0xd: {  	[smem:$0x3FAA] =	sst s5  }
0xe: {  	[smem:$0x3FAB] =	sst s6  }
0xf: {  	[smem:$0x3FAC] =	sst s7  }
0x10: {  	[smem:$0x3FAD] =	sst s8  }
0x11: {  	[smem:$0x3FAE] =	sst s9;
	s0 =	simm.s32 @!p0 $0x0  }
0x12: {  	s1 =	sld [smem:$0x3F94];
	s0 =	simm.s32 @p0 $0x1  }
0x13: {  	[smem:$0x3FAF] =	sst s0;
	s0 =	simm.s32 @!p1 $0x0  }
0x14: {  	s2 =	sld [smem:$0x3F93];
	s0 =	simm.s32 @p1 $0x1  }
0x15: {  	[smem:$0x3FB0] =	sst s0;
	s0 =	simm.s32 @!p2 $0x0  }
0x16: {  	s3 =	sld [smem:$0x3FDB];
	s0 =	simm.s32 @p2 $0x1  }
0x17: {  	s4 =	simm.s32 $0x1BF5;
	[smem:$0x3FB2] =	sst s0  }
0x18: {  	s0 =	sld [smem:$0x3F95];
	_ =	swait.ge [sflag:s4], $0x0  }
0x19: {  	s7 =	sld [smem:$0x3F96]  }
0x1a: {  	s8 =	sadd.s32 $0xFFFFE003, lr  }
0x1b: {  	s9 =	sadd.s32 $0xFFFFFEF7, lr;
	s5 =	simm.s32 $0xFFFFFFFF;
	p2 =	slt.u32 s8, $0xFFFFF086  }
0x1c: {  	p1 =	slt.u32 s9, $0xF7A;
	s5 =	simm.s32 @!p2 $0x0  }
0x1d: {  	s5 =	simm.s32 @p1 $0x1;
	p0 =	seq.s32 s7, s2  }
0x1e: {  	s7 =	smul.u32 @!p0 $0xF7A, s2;
	p2 =	seq.s32 @!p0 s5, $0x0  }
0x1f: {  	s9 =	smul.u32 $0xF7A, s1;
	s8 =	simm.s32 @!p0 $0x1BF5;
	p2 =	por !p2, p0  }
0x20: {  	[sflag:s8] =	ssyncset.s32 @!p0 $0xFFFFF086;
	s6 =	sadd.s32 @!p0 s3, s7;
	s7 =	simm.s32 @!p0 $0x108  }
0x21: {  	s3 =	sadd.s32 s3, s9;
	s6 =	sadd.s32 @!p0 $0x88, s6;
	s7 =	simm.s32 @p2 $0x1082  }
0x22: {  	[simem:s7], [sflag:s8] =	dma.local @!p0 [hbm:s6], $0xF7A  }
0x23: {  	s9 =	sor.u32 $0xD0000000, s2;
	s6 =	simm.s32 $0x108;
	_ =	swait.ge @!p0 [sflag:s8], $0x0  }
0x24: {  	s3 =	sadd.s32 $0x88, s3;
	s6 =	simm.s32 @!p1 $0x1082;
	[sflag:s4] =	ssyncset.s32 $0xFFFFF086  }
0x25: {  	[simem:s6], [sflag:s4] =	dma.local [hbm:s3], $0xF7A  }
0x26: {  	[smem:$0x3F96] =	sst s1;
	(tag) =	ssettag s2;
	_ =	strace s9  }
0x27: {  	s1 =	sld [smem:$0x3FA6]  }
0x28: {  	s2 =	sld [smem:$0x3FA7]  }
0x29: {  	s4 =	sld [smem:$0x3FA9]  }
0x2a: {  	p0 =	seq.s32 s5, $0x0;
	s5 =	sld [smem:$0x3FAA]  }
0x2b: {  	s6 =	sld [smem:$0x3FAB]  }
0x2c: {  	s7 =	sld [smem:$0x3FAC]  }
0x2d: {  	s3 =	simm.s32 $0x108;
	s8 =	sld [smem:$0x3FAD]  }
0x2e: {  	s3 =	simm.s32 @!p0 $0x1082;
	s9 =	sld [smem:$0x3FAE]  }
0x2f: {  	lr =	sadd.s32 s0, s3;
	s0 =	sld [smem:$0x3FA5]  }
0x30: {  	s3 =	sld [smem:$0x3FA8]  }
0x31: {  	[smem:$0x3FB1] =	sst s10  }
0x32: {  	s10 =	sld [smem:$0x3FAF];
	_ =	sdelay $0x3  }
0x33: {  	p0 =	seq.s32 s10, $0x1;
	s10 =	sld [smem:$0x3FB1];
	_ =	sdelay $0x3  }
0x34: {  	[smem:$0x3FB1] =	sst s10  }
0x35: {  	s10 =	sld [smem:$0x3FB0];
	_ =	sdelay $0x3  }
0x36: {  	p1 =	seq.s32 s10, $0x1;
	s10 =	sld [smem:$0x3FB1];
	_ =	sdelay $0x3  }
0x37: {  	[smem:$0x3FB1] =	sst s10  }
0x38: {  	s10 =	sld [smem:$0x3FB2]  }
0x39: {  	_ = 	snop;
	(pc) =	sbr.ind lr, $3  }
0x3a: {  	_ = 	snop  }
0x3b: {  	_ = 	snop  }
0x3c: {  	p2 =	seq.s32 s10, $0x1;
	s10 =	sld [smem:$0x3FB1]  }
0x3d: {  	_ =	shalt  }
0x3e: {  	_ =	shalt  }
0x3f: {  	_ =	shalt  }
0x40: {  	_ =	shalt  }
0x41: {  	_ =	shalt  }
0x42: {  	_ =	shalt  }
0x43: {  	_ =	shalt  }
0x44: {  	_ =	shalt  }
0x45: {  	_ =	shalt  }
0x46: {  	_ =	shalt  }
0x47: {  	_ =	shalt  }
0x48: {  	_ =	shalt  }
0x49: {  	_ =	shalt  }
0x4a: {  	_ =	shalt  }
0x4b: {  	_ =	shalt  }
0x4c: {  	_ =	shalt  }
0x4d: {  	_ =	shalt  }
0x4e: {  	_ =	shalt  }
0x4f: {  	_ =	shalt  }
0x50: {  	_ =	shalt  }
0x51: {  	_ =	shalt  }
0x52: {  	_ =	shalt  }
0x53: {  	_ =	shalt  }
0x54: {  	_ =	shalt  }
0x55: {  	_ =	shalt  }
0x56: {  	_ =	shalt  }
0x57: {  	_ =	shalt  }
0x58: {  	_ =	shalt  }
0x59: {  	_ =	shalt  }
0x5a: {  	_ =	shalt  }
0x5b: {  	_ =	shalt  }
0x5c: {  	_ =	shalt  }
0x5d: {  	_ =	shalt  }
0x5e: {  	_ =	shalt  }
0x5f: {  	_ =	shalt  }
0x60: {  	_ =	shalt  }
0x61: {  	_ =	shalt  }
0x62: {  	_ =	shalt  }
0x63: {  	_ =	shalt  }
0x64: {  	_ =	shalt  }
0x65: {  	_ =	shalt  }
0x66: {  	_ =	shalt  }
0x67: {  	_ =	shalt  }
0x68: {  	_ =	shalt  }
0x69: {  	_ =	shalt  }
0x6a: {  	_ =	shalt  }
0x6b: {  	_ =	shalt  }
0x6c: {  	_ =	shalt  }
0x6d: {  	_ =	shalt  }
0x6e: {  	_ =	shalt  }
0x6f: {  	_ =	shalt  }
0x70: {  	_ =	shalt  }
0x71: {  	_ =	shalt  }
0x72: {  	_ =	shalt  }
0x73: {  	_ =	shalt  }
0x74: {  	_ =	shalt  }
0x75: {  	_ =	shalt  }
0x76: {  	_ =	shalt  }
0x77: {  	_ =	shalt  }
0x78: {  	_ =	shalt  }
0x79: {  	_ =	shalt  }
0x7a: {  	_ =	shalt  }
0x7b: {  	_ =	shalt  }
0x7c: {  	_ =	shalt  }
0x7d: {  	_ =	shalt  }
0x7e: {  	_ =	shalt  }
0x7f: {  	_ =	shalt  }
0x80: {  	_ =	shalt  }
0x81: {  	_ =	shalt  }
0x82: {  	_ =	shalt  }
0x83: {  	_ =	shalt  }
0x84: {  	_ =	shalt  }
0x85: {  	_ =	shalt  }
0x86: {  	_ =	shalt  }
0x87: {  	_ =	shalt  }
.Lfunc_end0:
.L_simem_size_0:
called_computation_lowered:
.L_overlay_start_0:
0x88: {  	s2 =	sld [smem:$0x3FD9]  }
0x89: {  	s3 =	sld [smem:$0x3FFE];
	_ =	sdelay $0x1  }
0x8a: {  	s1 =	srdreg.scid  }
0x8b: {  	s0 =	sand.u32 $0x1, s1  }
0x8c: {  	s17 =	sshll.u32 s0, $0xA;
	s2 =	sadd.s32 s3, s2  }
0x8d: {  	s2 =	sadd.s32 s2, s17  }
0x8e: {  	[smem:$0x3FBD] =	sst s2  }
0x8f: {  	_ = 	snop  }
0x90: {  	s2 =	sld [smem:$0x3FD0];
	(tm) =	ssettm $0x1  }
0x91: {  	s18 =	sld [smem:$0x3FFB];
	_ =	sdelay $0x3  }
0x92: {  	_ =	strace s18  }
0x93: {  	s3 =	sld [smem:$0x3FFC];
	_ =	sdelay $0x3  }
0x94: {  	_ =	strace s3  }
0x95: {  	s3 =	sld [smem:$0x3FFD];
	_ =	sdelay $0x3  }
0x96: {  	_ =	strace s3  }
0x97: {  	_ =	strace $0x8FFFFFFF  }
0x98: {  	s19 =	sld [smem:$0x3FDB];
	_ =	sdelay $0x1  }
0x99: {  	s4 =	simm.s32 $_scs_section_size  }
0x9a: {  	s5 =	simm.s32 $_size__tile_overlayer_lowered;
	s6 =	simm.s32 $_tile_overlayer_lowered  }
0x9b: {  	s22 =	simm.s32 $0x1BFF;
	s21 =	sshll.u32 s6, $0x1;
	s3 =	sadd.s32 s4, s19  }
0x9c: {  	s7 =	simm.s32 $0x0;
	s20 =	sshll.u32 s5, $0x1;
	s5 =	sadd.s32 s21, s3  }
0x9d: {  	[timem:s7], [sflag:s22] =	dma.local [hbm:s5], s20  }
0x9e: {  	_ =	swait.ge [sflag:s22], s20  }
0x9f: {  	s4 =	ssub.s32 $0x0, s20;
	[sflag:s22] =	ssyncset.done $0x0  }
0xa0: {  	[sflag:s22] =	ssyncadd.s32 s4;
	_ =	sdelay $0x1  }
0xa1: {  	s23 =	simm.s32 $0x1B8B  }
0xa2: {  	_ =	swait.ge [sflag:s23], $0x1  }
0xa3: {  	[sflag:s23] =	ssyncset.done $0x0  }
0xa4: {  	s25 =	simm.s32 $0x1B8E;
	s24 =	sld [smem:$0x3FFE];
	[sflag:s23] =	ssyncadd.s32 $0xFFFFFFFF  }
0xa5: {  	s26 =	simm.s32 $execute0_lowered;
	[smem:$0x3FD2] =	sst s25  }
0xa6: {  	s5 =	sshll.u32 s26, $0x1;
	_ =	strace $0x80000046;
	[dreg:$0x1] =	wrdreg $0xFFFFFFFF  }
0xa7: {  	s28 =	simm.s32 $_size_execute0_lowered;
	s3 =	sadd.s32 s3, s5;
	[dreg:$0x0] =	wrdreg $0x0  }
0xa8: {  	s5 =	sshll.u32 s28, $0x1;
	[dreg:$0x2] =	wrdreg s3  }
0xa9: {  	[dreg:$0x3] =	wrdreg s5  }
0xaa: {  	[dreg:$0x4] =	wrdreg $0xC0  }
0xab: {  	_ =	task [dreg:s7], $0x5FFFF  }
0xac: {  	[dreg:$0x1] =	wrdreg $0xFFFFFFFF  }
0xad: {  	[dreg:$0x0] =	wrdreg $0x60  }
0xae: {  	[dreg:$0x2] =	wrdreg s2  }
0xaf: {  	[dreg:$0x3] =	wrdreg s24  }
0xb0: {  	[dreg:$0x4] =	wrdreg $0x122A00  }
0xb1: {  	[dreg:$0x5] =	wrdreg $0x9  }
0xb2: {  	_ =	task.clear_ibuf [dreg:s7], $0x6FFFF;
	_ =	strace $0x90000046  }
0xb3: {  	s29 =	simm.s32 $0x9;
	_ =	strace $0x80000048  }
0xb4: {  	_ =	swait.ge [sflag:s29], $0x1  }
0xb5: {  	[sflag:s29] =	ssyncadd.s32 $0xFFFFFFFF  }
0xb6: {  	_ =	strace $0x90000048  }
0xb7: {  	_ =	sfence  }
0xb8: {  	s30 =	sld [smem:$0x0];
	_ =	sdelay $0x2  }
0xb9: {  	s31 =	sshll.u32 s1, $0xD;
	s1 =	sshrl.u32 s1, $0x2  }
0xba: {  	s3 =	sand.u32 $0x4000, s31;
	s1 =	sadd.s32 s1, s30  }
0xbb: {  	s0 =	sor.u32 s3, s0;
	s1 =	sshll.u32 s1, $0x11  }
0xbc: {  	s0 =	sor.u32 s1, s0  }
0xbd: {  	s0 =	sadd.s32 $0x8F2B, s0  }
0xbe: {  	[sflag:s0] =	ssyncadd.remote.s32 $0x1  }
0xbf: {  	_ =	sfence.sel $0xFFFF  }
0xc0: {  	[dreg:$0x0] =	wrdreg $0xFFFFFFFF;
	(pc) =	sbr.abs _section_cstart, $3  }
0xc1: {  	[dreg:$0x1] =	wrdreg $0xFFFFFFFF  }
0xc2: {  	_ =	task.clear_ibuf [dreg:s7], $0x2FFFF;
	_ =	strace $0x9FFFFFFF  }
0xc3: {  	(tm) =	ssettm $0x7FFFFFFF  }
tec
execute0_lowered:
.L_overlay_start_1:
0x0: {  	(tag) =	ssettag $0x1  }
0x1: {  	s1 =	rddreg [dreg:$0x0]  }
0x2: {  	s0 =	srdreg.scid;
	s5 =	rddreg [dreg:$0x1]  }
0x3: {  	s13 =	stileid.u32;
	s3 =	rddreg [dreg:$0x2]  }
0x4: {  	s4 =	simm.s32 $0x0;
	s29 =	simm.s32 $0x8020;
	s26 =	smul.u32 $0xFA00, s13  }
0x5: {  	s30 =	simm.s32 $0x9920;
	s8 =	sor.u32 $0x10, s13;
	s16 =	smul.u32 $0x3E80, s13  }
0x6: {  	s31 =	simm.s32 $0x1;
	s10 =	sor.u32 $0x20, s13;
	s12 =	smul.u32 $0xFA00, s8  }
0x7: {  	s28 =	simm.s32 $0x9;
	s0 =	sand.u32 $0x1, s0;
	s14 =	smul.u32 $0xFA00, s10  }
0x8: {  	s2 =	sshll.u32 s0, $0x4;
	s6 =	ssub.s32 $0x2, s0;
	s0 =	smul.u32 $0xC3500, s0  }
0x9: {  	[smem:$0x7FF] =	sst s4;
	s7 =	sadd.s32 $0x15E00, s5;
	s19 =	smul.u32 $0x3E80, s8  }
0xa: {  	s11 =	sor.u32 $0x30, s13;
	p0 =	sgt.u32 s13, $0x1;
	s21 =	smul.u32 $0x3E80, s10  }
0xb: {  	_ =	strace $0x80000047;
	[dreg:$0x4] =	wrdreg s7;
	s23 =	smul.u32 $0x3E80, s11  }
0xc: {  	s8 =	simm.s32 $0xCB20;
	s2 =	sor.u32 s13, s2;
	s25 =	sshrl.u32 s6, $0x1  }
0xd: {  	s7 =	sshrl.u32 s26, $0x2;
	s20 =	sadd.s32 s16, s3;
	s2 =	smul.u32 $0x2710, s2  }
0xe: {  	s6 =	ssub.s32 s6, s25;
	s7 =	sadd.s32 s7, s3;
	[dreg:$0xb] =	wrdreg s20  }
0xf: {  	s22 =	sadd.s32 s0, s19;
	s25 =	sadd.s32 s0, s21;
	s26 =	sadd.s32 s21, s3  }
0x10: {  	s21 =	simm.s32 $0xD;
	[dreg:$0x7] =	wrdreg s7;
	s7 =	sadd.s32 s16, s0  }
0x11: {  	s24 =	sshrl.u32 s22, $0x3;
	s0 =	sadd.s32 s0, s23;
	[dreg:$0xf] =	wrdreg s26  }
0x12: {  	s20 =	smax.u32 s6, $0x1;
	s26 =	simm.s32 $0x6720;
	s2 =	sshrl.u32 s2, $0x3  }
0x13: {  	s22 =	simm.s32 $0x5;
	s6 =	simm.s32 $0xB;
	s2 =	sadd.s32 s2, s5  }
0x14: {  	s7 =	sshrl.u32 s7, $0x3;
	s0 =	sshrl.u32 s0, $0x3;
	s9 =	sadd.s32 $0x2400, s2  }
0x15: {  	s5 =	sadd.s32 $0x16600, s5;
	s2 =	sadd.s32 $0xC040, s2;
	[dreg:$0x5] =	wrdreg s9  }
0x16: {  	s7 =	sadd.s32 s5, s7;
	[dreg:$0x6] =	wrdreg s2;
	s9 =	sshrl.u32 s12, $0x2  }
0x17: {  	s12 =	smul.u32 $0xFA00, s11;
	s2 =	sshrl.u32 s14, $0x2;
	[dreg:$0xc] =	wrdreg s7  }
0x18: {  	s7 =	simm.s32 $0x6;
	s15 =	sadd.s32 s9, s3;
	s2 =	sadd.s32 s2, s3  }
0x19: {  	s9 =	simm.s32 $0x0;
	[dreg:$0x8] =	wrdreg s15;
	s17 =	sshrl.u32 s12, $0x2  }
0x1a: {  	[dreg:$0x9] =	wrdreg s2;
	s2 =	sadd.s32 s19, s3;
	s19 =	sadd.s32 s5, s0  }
.Ltmp0:
0x1b: {  	s18 =	sadd.s32 s17, s3;
	[dreg:$0xd] =	wrdreg s2;
	(pc) =	sbr.rel .LBB2_1-.Ltmp0, $4  }
0x1c: {  	s0 =	simm.s32 $0x2;
	s2 =	sadd.s32 s5, s24;
	[dreg:$0xa] =	wrdreg s18  }
0x1d: {  	s24 =	simm.s32 $0x50;
	[dreg:$0xe] =	wrdreg s2;
	s2 =	sshrl.u32 s25, $0x3  }
0x1e: {  	s18 =	sadd.s32 s23, s3;
	s23 =	simm.s32 $0xE420;
	s25 =	simm.s32 $0x4E20  }
0x1f: {  	s17 =	sadd.s32 s5, s2;
	s2 =	simm.s32 $0xB220;
	s5 =	simm.s32 $0xA  }
.LBB2_4:
0x20: {  	_ =	swait.ge [sflag:s5], $0x1900  }
0x21: {  	[sflag:s5] =	ssyncset.done $0x0  }
0x22: {  	[sflag:s5] =	ssyncadd.s32 $0xFFFFE700  }
0x23: {  	_ =	swait.ge [sflag:s6], $0x1900  }
0x24: {  	[sflag:s6] =	ssyncset.done $0x0  }
0x25: {  	[sflag:s6] =	ssyncadd.s32 $0xFFFFE700  }
0x26: {  	[bflag:$0x0] =	sbarrier.arrive $0xFFFF  }
0x27: {  	s10 =	rddreg [dreg:$0xb]  }
0x28: {  	[tilespmem:s23], [sflag:$0xD] =	stream.linear.gather [spmem:s10], $0x3E80, $0x38;
	[tilespmem:$0x1E5F0] =	vst v63  }
0x29: {  	_ =	swait.ge [sflag:s21], $0x3E80  }
0x2a: {  	[sflag:s21] =	ssyncset.done $0x0  }
0x2b: {  	s13 =	rddreg [dreg:$0xc];
	[sflag:s21] =	ssyncadd.s32 $0xFFFFC180  }
0x2c: {  	[hbm4b:s13+s4] =	stream.linear.scatter [tilespmem:s23], [sflag:$0xD], $0x3E80, $0x38;
	[tilespmem:$0x1E5F0] =	vst v63  }
0x2d: {  	_ =	swait.ge [sflag:s21], $0x3E80  }
0x2e: {  	[sflag:s21] =	ssyncset.done $0x0  }
0x2f: {  	s14 =	rddreg [dreg:$0xd];
	[sflag:s21] =	ssyncadd.s32 $0xFFFFC180  }
0x30: {  	[tilespmem:s23], [sflag:$0xD] =	stream.linear.gather [spmem:s14], $0x3E80, $0x38;
	[tilespmem:$0x1E5F0] =	vst v63  }
0x31: {  	_ =	swait.ge [sflag:s21], $0x3E80  }
0x32: {  	[sflag:s21] =	ssyncset.done $0x0  }
0x33: {  	s15 =	rddreg [dreg:$0xe];
	[sflag:s21] =	ssyncadd.s32 $0xFFFFC180  }
0x34: {  	[hbm4b:s15+s4] =	stream.linear.scatter [tilespmem:s23], [sflag:$0xD], $0x3E80, $0x38;
	[tilespmem:$0x1E5F0] =	vst v63  }
0x35: {  	_ =	swait.ge [sflag:s21], $0x3E80  }
0x36: {  	[sflag:s21] =	ssyncset.done $0x0  }
0x37: {  	s16 =	rddreg [dreg:$0xf];
	[sflag:s21] =	ssyncadd.s32 $0xFFFFC180  }
0x38: {  	[tilespmem:s23], [sflag:$0xD] =	stream.linear.gather [spmem:s16], $0x3E80, $0x38;
	[tilespmem:$0x1E5F0] =	vst v63  }
0x39: {  	_ =	swait.ge [sflag:s21], $0x3E80  }
0x3a: {  	[sflag:s21] =	ssyncset.done $0x0  }
0x3b: {  	[sflag:s21] =	ssyncadd.s32 $0xFFFFC180  }
0x3c: {  	[hbm4b:s17+s4] =	stream.linear.scatter [tilespmem:s23], [sflag:$0xD], $0x3E80, $0x38;
	[tilespmem:$0x1E5F0] =	vst v63  }
0x3d: {  	_ =	swait.ge [sflag:s21], $0x3E80  }
0x3e: {  	[sflag:s21] =	ssyncset.done $0x0  }
0x3f: {  	s11 =	simm.s32 @!p0 $0xD;
	s10 =	simm.s32 @!p0 $0xE420;
	[sflag:s21] =	ssyncadd.s32 $0xFFFFC180  }
0x40: {  	[tilespmem:s10], [sflag:$0xD] =	stream.linear.gather @!p0 [spmem:s18], $0x3E80, $0x38;
	[tilespmem:$0x1E5F0] =	vst v63  }
0x41: {  	s9 =	sadd.s32 $0x1, s9;
	_ =	swait.ge @!p0 [sflag:s11], $0x3E80  }
0x42: {  	p1 =	sne.s32 s9, s20;
	[sflag:s11] =	ssyncset.done @!p0 $0x0  }
.Ltmp1:
0x43: {  	s12 =	simm.s32 @!p0 $0x0;
	[sflag:s11] =	ssyncadd.s32 @!p0 $0xFFFFC180;
	(pc) =	sbr.rel @!p1 .LBB2_5-.Ltmp1, $4  }
0x44: {  	[hbm4b:s19+s12] =	stream.linear.scatter @!p0 [tilespmem:s10], [sflag:$0xD], $0x3E80, $0x38;
	[tilespmem:$0x1E5F0] =	vst v63  }
0x45: {  	_ =	swait.ge @!p0 [sflag:s11], $0x3E80  }
0x46: {  	[sflag:s11] =	ssyncset.done @!p0 $0x0  }
0x47: {  	[sflag:s11] =	ssyncadd.s32 @!p0 $0xFFFFC180  }
.LBB2_1:
0x48: {  	s10 =	rddreg [dreg:$0x5]  }
0x49: {  	[tilespmem:s4], [sflag:$0xD] =	stream.linear.gather [hbm4b:s10+s4], $0x2710, $0x38;
	[tilespmem:$0x1E5F0] =	vst v63  }
0x4a: {  	_ =	swait.ge [sflag:s21], $0x2710  }
0x4b: {  	[sflag:s21] =	ssyncset.done $0x0  }
0x4c: {  	s11 =	simm.s32 $0x2710;
	s16 =	rddreg [dreg:$0x6];
	[sflag:s21] =	ssyncadd.s32 $0xFFFFD8F0  }
0x4d: {  	[tilespmem:s11], [sflag:$0xD] =	stream.linear.gather [hbm4b:s16+s4], $0x2710, $0x38;
	[tilespmem:$0x1E5F0] =	vst v63  }
0x4e: {  	_ =	swait.ge [sflag:s21], $0x2710  }
0x4f: {  	[sflag:s21] =	ssyncset.done $0x0  }
0x50: {  	s12 =	rddreg [dreg:$0x4];
	[sflag:s21] =	ssyncadd.s32 $0xFFFFD8F0  }
0x51: {  	[tilespmem:s23], [sflag:$0xD] =	stream.linear.gather [hbm4b:s12+s4], $0x3E80, $0x38;
	[tilespmem:$0x1E5F0] =	vst v63  }
0x52: {  	_ =	swait.ge [sflag:s21], $0x3E80  }
0x53: {  	[sflag:s21] =	ssyncset.done $0x0  }
0x54: {  	s13 =	rddreg [dreg:$0x7];
	[sflag:s21] =	ssyncadd.s32 $0xFFFFC180  }
0x55: {  	[spmem:s13] =	stream.linear.scatter [tilespmem:s23], [sflag:$0xD], $0x3E80, $0x38;
	[tilespmem:$0x1E5F0] =	vst v63  }
0x56: {  	_ =	swait.ge [sflag:s21], $0x3E80  }
0x57: {  	[sflag:s21] =	ssyncset.done $0x0  }
0x58: {  	s14 =	rddreg [dreg:$0x8];
	[sflag:s21] =	ssyncadd.s32 $0xFFFFC180  }
0x59: {  	[spmem:s14] =	stream.linear.scatter [tilespmem:s23], [sflag:$0xD], $0x3E80, $0x38;
	[tilespmem:$0x1E5F0] =	vst v63  }
0x5a: {  	_ =	swait.ge [sflag:s21], $0x3E80  }
0x5b: {  	[sflag:s21] =	ssyncset.done $0x0  }
0x5c: {  	s15 =	rddreg [dreg:$0x9];
	[sflag:s21] =	ssyncadd.s32 $0xFFFFC180  }
0x5d: {  	[spmem:s15] =	stream.linear.scatter [tilespmem:s23], [sflag:$0xD], $0x3E80, $0x38;
	[tilespmem:$0x1E5F0] =	vst v63  }
0x5e: {  	_ =	swait.ge [sflag:s21], $0x3E80  }
0x5f: {  	[sflag:s21] =	ssyncset.done $0x0  }
0x60: {  	s10 =	simm.s32 @!p0 $0xE420;
	s11 =	rddreg [dreg:$0xa];
	[sflag:s21] =	ssyncadd.s32 $0xFFFFC180  }
0x61: {  	[spmem:s11] =	stream.linear.scatter @!p0 [tilespmem:s10], [sflag:$0xD], $0x3E80, $0x38;
	[tilespmem:$0x1E5F0] =	vst v63  }
0x62: {  	s10 =	simm.s32 @!p0 $0xD  }
0x63: {  	_ =	swait.ge @!p0 [sflag:s10], $0x3E80  }
0x64: {  	[sflag:s10] =	ssyncset.done @!p0 $0x0  }
0x65: {  	[sflag:s10] =	ssyncadd.s32 @!p0 $0xFFFFC180  }
0x66: {  	[bflag:$0x0] =	sbarrier.arrive $0xFFFF  }
0x67: {  	[tilespmem:s25], [sflag:$0x1] =	stream.indirect.gather [hbm4b:s1+s24], $0x50, s4, s24, $0xb8;
	[tilespmem:$0x1E5F0] =	vst v63  }
0x68: {  	_ = 	snop  }
0x69: {  	[tilespmem:s26], [sflag:$0x2] =	stream.indirect.gather [hbm4b:s1+s24], $0x50, s24, s24, $0xb8;
	[tilespmem:$0x1E5F0] =	vst v63  }
0x6a: {  	s16 =	simm.s32 $0xA0;
	s11 =	simm.s32 $0x0;
	s10 =	simm.s32 $0xFFFFFFFD  }
0x6b: {  	[tilespmem:s29], [sflag:$0x3] =	stream.indirect.gather [hbm4b:s1+s24], $0x50, s16, s24, $0xb8;
	[tilespmem:$0x1E5F0] =	vst v63  }
.LBB2_2:
0x6c: {  	p1 =	sgt.u32 s10, $0x7C  }
0x6d: {  	s13 =	simm.s32 @!p1 $0xA  }
0x6e: {  	_ =	swait.ge @!p1 [sflag:s13], $0x1900  }
0x6f: {  	s12 =	sshra.s32 s11, $0x2;
	[sflag:s13] =	ssyncset.done @!p1 $0x0  }
0x70: {  	s14 =	sadd.s32 $0xF0, s12;
	[sflag:s13] =	ssyncadd.s32 @!p1 $0xFFFFE700  }
0x71: {  	[tilespmem:s30], [sflag:$0x4] =	stream.indirect.gather [hbm4b:s1+s24], $0x50, s14, s24, $0xb8;
	[tilespmem:$0x1E5F0] =	vst v63  }
0x72: {  	_ =	swait.ge [sflag:s31], $0x1900  }
0x73: {  	p1 =	seq.s32 s11, $0x0;
	[sflag:s31] =	ssyncset.done $0x0  }
0x74: {  	s15 =	sadd.s32 $0x2710, s12;
	s13 =	simm.s32 @!p1 $0xB;
	[sflag:s31] =	ssyncadd.s32 $0xFFFFE700  }
0x75: {  	[spmem:s3] =	stream.indirect.scatter.add.f32 [tilespmem:s25], [sflag:$0x7], $0x50, s15, s24, $0xb8;
	[tilespmem:$0x1E5F0] =	vst v63  }
0x76: {  	_ =	swait.ge @!p1 [sflag:s13], $0x1900  }
0x77: {  	[sflag:s13] =	ssyncset.done @!p1 $0x0  }
0x78: {  	s16 =	sadd.s32 $0x140, s12;
	[sflag:s13] =	ssyncadd.s32 @!p1 $0xFFFFE700  }
0x79: {  	[tilespmem:s2], [sflag:$0x5] =	stream.indirect.gather [hbm4b:s1+s24], $0x50, s16, s24, $0xb8;
	[tilespmem:$0x1E5F0] =	vst v63  }
0x7a: {  	s15 =	sadd.s32 $0x2, s10;
	_ =	swait.ge [sflag:s0], $0x1900  }
0x7b: {  	p2 =	sgt.u32 s15, $0x7C;
	[sflag:s0] =	ssyncset.done $0x0  }
0x7c: {  	s14 =	sadd.s32 $0x2760, s12;
	s13 =	simm.s32 @!p2 $0xC;
	[sflag:s0] =	ssyncadd.s32 $0xFFFFE700  }
0x7d: {  	[spmem:s3] =	stream.indirect.scatter.add.f32 [tilespmem:s26], [sflag:$0x8], $0x50, s14, s24, $0xb8;
	[tilespmem:$0x1E5F0] =	vst v63  }
0x7e: {  	_ =	swait.ge @!p2 [sflag:s13], $0x1900  }
0x7f: {  	p1 =	seq.s32 s11, $0x9600;
	[sflag:s13] =	ssyncset.done @!p2 $0x0  }
0x80: {  	[sflag:s13] =	ssyncadd.s32 @!p2 $0xFFFFE700;
	s13 =	simm.s32 @p1 $0x3  }
0x81: {  	_ =	swait.ge @p1 [sflag:s13], $0x1900  }
0x82: {  	[sflag:s13] =	ssyncset.done @p1 $0x0  }
0x83: {  	[sflag:s13] =	ssyncadd.s32 @p1 $0xFFFFE700;
	s13 =	sshra.s32 @p1 s11, $0x2  }
0x84: {  	s15 =	simm.s32 @p1 $0x50;
	s16 =	simm.s32 @p1 $0x8020;
	s14 =	sadd.s32 @p1 $0x27B0, s13  }
0x85: {  	[spmem:s3] =	stream.indirect.scatter.add.f32 @p1 [tilespmem:s16], [sflag:$0x9], $0x50, s14, s15, $0xb8;
	[tilespmem:$0x1E5F0] =	vst v63  }
0x86: {  	s14 =	simm.s32 @p1 $0x7  }
0x87: {  	_ =	swait.ge @p1 [sflag:s14], $0x1900  }
0x88: {  	[sflag:s14] =	ssyncset.done @p1 $0x0  }
0x89: {  	[sflag:s14] =	ssyncadd.s32 @p1 $0xFFFFE700;
	s14 =	simm.s32 @p1 $0x4  }
0x8a: {  	_ =	swait.ge @p1 [sflag:s14], $0x1900  }
0x8b: {  	[sflag:s14] =	ssyncset.done @p1 $0x0  }
0x8c: {  	s13 =	sadd.s32 @p1 $0x2800, s13;
	[sflag:s14] =	ssyncadd.s32 @p1 $0xFFFFE700;
	s14 =	simm.s32 @p1 $0x9920  }
0x8d: {  	[spmem:s3] =	stream.indirect.scatter.add.f32 @p1 [tilespmem:s14], [sflag:$0xA], $0x50, s13, s15, $0xb8;
	[tilespmem:$0x1E5F0] =	vst v63  }
0x8e: {  	s13 =	simm.s32 @p1 $0x8  }
0x8f: {  	_ =	swait.ge @p1 [sflag:s13], $0x1900  }
0x90: {  	[sflag:s13] =	ssyncset.done @p1 $0x0  }
0x91: {  	[sflag:s13] =	ssyncadd.s32 @p1 $0xFFFFE700;
	s13 =	sshra.s32 @!p1 s11, $0x2  }
0x92: {  	s16 =	simm.s32 @!p1 $0xCB20;
	s15 =	simm.s32 @!p1 $0x50;
	s14 =	sadd.s32 @!p1 $0x190, s13  }
0x93: {  	[tilespmem:s16], [sflag:$0x6] =	stream.indirect.gather @!p1 [hbm4b:s1+s15], $0x50, s14, s15, $0xb8;
	[tilespmem:$0x1E5F0] =	vst v63  }
0x94: {  	s14 =	simm.s32 @!p1 $0x3  }
0x95: {  	_ =	swait.ge @!p1 [sflag:s14], $0x1900  }
0x96: {  	[sflag:s14] =	ssyncset.done @!p1 $0x0  }
0x97: {  	s16 =	simm.s32 @!p1 $0x8020;
	[sflag:s14] =	ssyncadd.s32 @!p1 $0xFFFFE700;
	s14 =	sadd.s32 @!p1 $0x27B0, s13  }
0x98: {  	[spmem:s3] =	stream.indirect.scatter.add.f32 @!p1 [tilespmem:s16], [sflag:$0x9], $0x50, s14, s15, $0xb8;
	[tilespmem:$0x1E5F0] =	vst v63  }
0x99: {  	s14 =	simm.s32 @!p1 $0x7  }
0x9a: {  	_ =	swait.ge @!p1 [sflag:s14], $0x1900  }
0x9b: {  	[sflag:s14] =	ssyncset.done @!p1 $0x0  }
0x9c: {  	s16 =	simm.s32 @!p1 $0x4E20;
	[sflag:s14] =	ssyncadd.s32 @!p1 $0xFFFFE700;
	s14 =	sadd.s32 @!p1 $0x1E0, s13  }
0x9d: {  	[tilespmem:s16], [sflag:$0x1] =	stream.indirect.gather @!p1 [hbm4b:s1+s15], $0x50, s14, s15, $0xb8;
	[tilespmem:$0x1E5F0] =	vst v63  }
0x9e: {  	s14 =	simm.s32 @!p1 $0x4  }
0x9f: {  	_ =	swait.ge @!p1 [sflag:s14], $0x1900  }
0xa0: {  	[sflag:s14] =	ssyncset.done @!p1 $0x0  }
0xa1: {  	s16 =	simm.s32 @!p1 $0x9920;
	[sflag:s14] =	ssyncadd.s32 @!p1 $0xFFFFE700;
	s14 =	sadd.s32 @!p1 $0x2800, s13  }
0xa2: {  	[spmem:s3] =	stream.indirect.scatter.add.f32 @!p1 [tilespmem:s16], [sflag:$0xA], $0x50, s14, s15, $0xb8;
	[tilespmem:$0x1E5F0] =	vst v63  }
0xa3: {  	s14 =	simm.s32 @!p1 $0x8  }
0xa4: {  	_ =	swait.ge @!p1 [sflag:s14], $0x1900  }
0xa5: {  	[sflag:s14] =	ssyncset.done @!p1 $0x0  }
0xa6: {  	s13 =	sadd.s32 @!p1 $0x230, s13;
	[sflag:s14] =	ssyncadd.s32 @!p1 $0xFFFFE700;
	s14 =	simm.s32 @!p1 $0x6720  }
0xa7: {  	[tilespmem:s14], [sflag:$0x2] =	stream.indirect.gather @!p1 [hbm4b:s1+s15], $0x50, s13, s15, $0xb8;
	[tilespmem:$0x1E5F0] =	vst v63  }
0xa8: {  	_ =	swait.ge [sflag:s22], $0x1900  }
0xa9: {  	[sflag:s22] =	ssyncset.done $0x0  }
.Ltmp2:
0xaa: {  	s16 =	sadd.s32 $0x2850, s12;
	[sflag:s22] =	ssyncadd.s32 $0xFFFFE700;
	(pc) =	sbr.rel @p1 .LBB2_4-.Ltmp2, $4  }
0xab: {  	[spmem:s3] =	stream.indirect.scatter.add.f32 [tilespmem:s2], [sflag:$0xB], $0x50, s16, s24, $0xb8;
	[tilespmem:$0x1E5F0] =	vst v63  }
0xac: {  	_ =	swait.ge [sflag:s28], $0x1900  }
0xad: {  	[sflag:s28] =	ssyncset.done $0x0  }
0xae: {  	[sflag:s28] =	ssyncadd.s32 $0xFFFFE700  }
0xaf: {  	s13 =	sadd.s32 $0x280, s12  }
0xb0: {  	[tilespmem:s29], [sflag:$0x3] =	stream.indirect.gather [hbm4b:s1+s24], $0x50, s13, s24, $0xb8;
	[tilespmem:$0x1E5F0] =	vst v63  }
.Ltmp3:
0xb1: {  	_ = 	snop;
	(pc) =	sbr.rel .LBB2_2-.Ltmp3, $4  }
0xb2: {  	_ =	swait.ge [sflag:s7], $0x1900  }
0xb3: {  	s16 =	sadd.s32 $0x28A0, s12;
	[sflag:s7] =	ssyncset.done $0x0  }
0xb4: {  	s10 =	sadd.s32 $0x6, s10;
	s11 =	sadd.s32 $0x780, s11;
	[sflag:s7] =	ssyncadd.s32 $0xFFFFE700  }
0xb5: {  	[spmem:s3] =	stream.indirect.scatter.add.f32 [tilespmem:s8], [sflag:$0xC], $0x50, s16, s24, $0xb8;
	[tilespmem:$0x1E5F0] =	vst v63  }
.LBB2_5:
0xb6: {  	_ =	sfence.sel $0x180000  }
0xb7: {  	[bflag:$0x0] =	sbarrier.arrive $0xFFFF  }
0xb8: {  	_ =	strace $0x90000047  }
0xb9: {  	s0 =	stileid.u32;
	[bflag:$0x2] =	sbarrier.arrive $0xFFFF  }
0xba: {  	p0 =	sne.s32 s0, $0x0;
	s0 =	rddreg [dreg:$0x3]  }
0xbb: {  	s0 =	sadd.s32 @!p0 $0x100000, s0  }
0xbc: {  	[sflag:s0] =	ssyncadd.tile.s32 @!p0 $0x1;
	_ =	shalt  }
.Lfunc_end2:
_tile_overlayer_lowered:
.L_overlay_start_2:
0xbd: {  	(tag) =	ssettag $0x2  }
0xbe: {  	s0 =	rddreg [dreg:$0x0];
	s2 =	stileid.u32  }
0xbf: {  	s1 =	rddreg [dreg:$0x1];
	p0 =	sne.s32 s2, $0x0  }
0xc0: {  	s3 =	rddreg [dreg:$0x2];
	[bflag:$0x3] =	sbarrier.arrive $0xFFFF;
	s2 =	simm.s32 @!p0 $0x1C0D  }
0xc1: {  	[timem:s3], [sflag:s2] =	dma.local @!p0 [hbm:s0], s1  }
0xc2: {  	s0 =	simm.s32 @!p0 $0xD  }
0xc3: {  	_ =	swait.ge @!p0 [sflag:s0], s1  }
0xc4: {  	s1 =	ssub.s32 @!p0 $0x0, s1;
	[sflag:s0] =	ssyncset.done @!p0 $0x0  }
0xc5: {  	[sflag:s0] =	ssyncadd.s32 @!p0 s1  }
0xc6: {  	[bflag:$0x3] =	sbarrier.arrive $0xFFFF  }
0xc7: {  	_ =	shalt  }

// kernel: kernel.14.cloned.1.call-start
scs
__scs_entry_jumppad:
0x0: {  	(pc) =	sbr.rel $0x88, $3  }
0x1: {  	(tag) =	ssettag $0x0;
	lr =	simm.s32 $0x1  }
0x2: {  	[smem:$0x3F96] =	sst lr;
	_ =	strace $0xD0000000  }
0x3: {  	_ = 	snop  }
0x4: {  	_ = 	snop  }
0x5: {  	_ = 	snop  }
0x6: {  	_ = 	snop  }
0x7: {  	_ = 	snop  }
__scs_overlays_trampoline_lowered:
0x8: {  	[smem:$0x3FA5] =	sst s0  }
0x9: {  	[smem:$0x3FA6] =	sst s1  }
0xa: {  	[smem:$0x3FA7] =	sst s2  }
0xb: {  	[smem:$0x3FA8] =	sst s3  }
0xc: {  	[smem:$0x3FA9] =	sst s4  }
0xd: {  	[smem:$0x3FAA] =	sst s5  }
0xe: {  	[smem:$0x3FAB] =	sst s6  }
0xf: {  	[smem:$0x3FAC] =	sst s7  }
0x10: {  	[smem:$0x3FAD] =	sst s8  }
0x11: {  	[smem:$0x3FAE] =	sst s9;
	s0 =	simm.s32 @!p0 $0x0  }
0x12: {  	s1 =	sld [smem:$0x3F94];
	s0 =	simm.s32 @p0 $0x1  }
0x13: {  	[smem:$0x3FAF] =	sst s0;
	s0 =	simm.s32 @!p1 $0x0  }
0x14: {  	s2 =	sld [smem:$0x3F93];
	s0 =	simm.s32 @p1 $0x1  }
0x15: {  	[smem:$0x3FB0] =	sst s0;
	s0 =	simm.s32 @!p2 $0x0  }
0x16: {  	s3 =	sld [smem:$0x3FDB];
	s0 =	simm.s32 @p2 $0x1  }
0x17: {  	s4 =	simm.s32 $0x1BF5;
	[smem:$0x3FB2] =	sst s0  }
0x18: {  	s0 =	sld [smem:$0x3F95];
	_ =	swait.ge [sflag:s4], $0x0  }
0x19: {  	s7 =	sld [smem:$0x3F96]  }
0x1a: {  	s8 =	sadd.s32 $0xFFFFE003, lr  }
0x1b: {  	s9 =	sadd.s32 $0xFFFFFEF7, lr;
	s5 =	simm.s32 $0xFFFFFFFF;
	p2 =	slt.u32 s8, $0xFFFFF086  }
0x1c: {  	p1 =	slt.u32 s9, $0xF7A;
	s5 =	simm.s32 @!p2 $0x0  }
0x1d: {  	s5 =	simm.s32 @p1 $0x1;
	p0 =	seq.s32 s7, s2  }
0x1e: {  	s7 =	smul.u32 @!p0 $0xF7A, s2;
	p2 =	seq.s32 @!p0 s5, $0x0  }
0x1f: {  	s9 =	smul.u32 $0xF7A, s1;
	s8 =	simm.s32 @!p0 $0x1BF5;
	p2 =	por !p2, p0  }
0x20: {  	[sflag:s8] =	ssyncset.s32 @!p0 $0xFFFFF086;
	s6 =	sadd.s32 @!p0 s3, s7;
	s7 =	simm.s32 @!p0 $0x108  }
0x21: {  	s3 =	sadd.s32 s3, s9;
	s6 =	sadd.s32 @!p0 $0x88, s6;
	s7 =	simm.s32 @p2 $0x1082  }
0x22: {  	[simem:s7], [sflag:s8] =	dma.local @!p0 [hbm:s6], $0xF7A  }
0x23: {  	s9 =	sor.u32 $0xD0000000, s2;
	s6 =	simm.s32 $0x108;
	_ =	swait.ge @!p0 [sflag:s8], $0x0  }
0x24: {  	s3 =	sadd.s32 $0x88, s3;
	s6 =	simm.s32 @!p1 $0x1082;
	[sflag:s4] =	ssyncset.s32 $0xFFFFF086  }
0x25: {  	[simem:s6], [sflag:s4] =	dma.local [hbm:s3], $0xF7A  }
0x26: {  	[smem:$0x3F96] =	sst s1;
	(tag) =	ssettag s2;
	_ =	strace s9  }
0x27: {  	s1 =	sld [smem:$0x3FA6]  }
0x28: {  	s2 =	sld [smem:$0x3FA7]  }
0x29: {  	s4 =	sld [smem:$0x3FA9]  }
0x2a: {  	p0 =	seq.s32 s5, $0x0;
	s5 =	sld [smem:$0x3FAA]  }
0x2b: {  	s6 =	sld [smem:$0x3FAB]  }
0x2c: {  	s7 =	sld [smem:$0x3FAC]  }
0x2d: {  	s3 =	simm.s32 $0x108;
	s8 =	sld [smem:$0x3FAD]  }
0x2e: {  	s3 =	simm.s32 @!p0 $0x1082;
	s9 =	sld [smem:$0x3FAE]  }
0x2f: {  	lr =	sadd.s32 s0, s3;
	s0 =	sld [smem:$0x3FA5]  }
0x30: {  	s3 =	sld [smem:$0x3FA8]  }
0x31: {  	[smem:$0x3FB1] =	sst s10  }
0x32: {  	s10 =	sld [smem:$0x3FAF];
	_ =	sdelay $0x3  }
0x33: {  	p0 =	seq.s32 s10, $0x1;
	s10 =	sld [smem:$0x3FB1];
	_ =	sdelay $0x3  }
0x34: {  	[smem:$0x3FB1] =	sst s10  }
0x35: {  	s10 =	sld [smem:$0x3FB0];
	_ =	sdelay $0x3  }
0x36: {  	p1 =	seq.s32 s10, $0x1;
	s10 =	sld [smem:$0x3FB1];
	_ =	sdelay $0x3  }
0x37: {  	[smem:$0x3FB1] =	sst s10  }
0x38: {  	s10 =	sld [smem:$0x3FB2]  }
0x39: {  	_ = 	snop;
	(pc) =	sbr.ind lr, $3  }
0x3a: {  	_ = 	snop  }
0x3b: {  	_ = 	snop  }
0x3c: {  	p2 =	seq.s32 s10, $0x1;
	s10 =	sld [smem:$0x3FB1]  }
0x3d: {  	_ =	shalt  }
0x3e: {  	_ =	shalt  }
0x3f: {  	_ =	shalt  }
0x40: {  	_ =	shalt  }
0x41: {  	_ =	shalt  }
0x42: {  	_ =	shalt  }
0x43: {  	_ =	shalt  }
0x44: {  	_ =	shalt  }
0x45: {  	_ =	shalt  }
0x46: {  	_ =	shalt  }
0x47: {  	_ =	shalt  }
0x48: {  	_ =	shalt  }
0x49: {  	_ =	shalt  }
0x4a: {  	_ =	shalt  }
0x4b: {  	_ =	shalt  }
0x4c: {  	_ =	shalt  }
0x4d: {  	_ =	shalt  }
0x4e: {  	_ =	shalt  }
0x4f: {  	_ =	shalt  }
0x50: {  	_ =	shalt  }
0x51: {  	_ =	shalt  }
0x52: {  	_ =	shalt  }
0x53: {  	_ =	shalt  }
0x54: {  	_ =	shalt  }
0x55: {  	_ =	shalt  }
0x56: {  	_ =	shalt  }
0x57: {  	_ =	shalt  }
0x58: {  	_ =	shalt  }
0x59: {  	_ =	shalt  }
0x5a: {  	_ =	shalt  }
0x5b: {  	_ =	shalt  }
0x5c: {  	_ =	shalt  }
0x5d: {  	_ =	shalt  }
0x5e: {  	_ =	shalt  }
0x5f: {  	_ =	shalt  }
0x60: {  	_ =	shalt  }
0x61: {  	_ =	shalt  }
0x62: {  	_ =	shalt  }
0x63: {  	_ =	shalt  }
0x64: {  	_ =	shalt  }
0x65: {  	_ =	shalt  }
0x66: {  	_ =	shalt  }
0x67: {  	_ =	shalt  }
0x68: {  	_ =	shalt  }
0x69: {  	_ =	shalt  }
0x6a: {  	_ =	shalt  }
0x6b: {  	_ =	shalt  }
0x6c: {  	_ =	shalt  }
0x6d: {  	_ =	shalt  }
0x6e: {  	_ =	shalt  }
0x6f: {  	_ =	shalt  }
0x70: {  	_ =	shalt  }
0x71: {  	_ =	shalt  }
0x72: {  	_ =	shalt  }
0x73: {  	_ =	shalt  }
0x74: {  	_ =	shalt  }
0x75: {  	_ =	shalt  }
0x76: {  	_ =	shalt  }
0x77: {  	_ =	shalt  }
0x78: {  	_ =	shalt  }
0x79: {  	_ =	shalt  }
0x7a: {  	_ =	shalt  }
0x7b: {  	_ =	shalt  }
0x7c: {  	_ =	shalt  }
0x7d: {  	_ =	shalt  }
0x7e: {  	_ =	shalt  }
0x7f: {  	_ =	shalt  }
0x80: {  	_ =	shalt  }
0x81: {  	_ =	shalt  }
0x82: {  	_ =	shalt  }
0x83: {  	_ =	shalt  }
0x84: {  	_ =	shalt  }
0x85: {  	_ =	shalt  }
0x86: {  	_ =	shalt  }
0x87: {  	_ =	shalt  }
.Lfunc_end0:
.L_simem_size_0:
called_computation.1_lowered:
.L_overlay_start_0:
0x88: {  	s2 =	sld [smem:$0x3FD9]  }
0x89: {  	s3 =	sld [smem:$0x3FFE];
	_ =	sdelay $0x1  }
0x8a: {  	s1 =	srdreg.scid  }
0x8b: {  	s0 =	sand.u32 $0x1, s1  }
0x8c: {  	s17 =	sshll.u32 s0, $0xA;
	s2 =	sadd.s32 s3, s2  }
0x8d: {  	s2 =	sadd.s32 s2, s17  }
0x8e: {  	[smem:$0x3FBD] =	sst s2  }
0x8f: {  	_ = 	snop  }
0x90: {  	s2 =	sld [smem:$0x3FD0];
	(tm) =	ssettm $0x1  }
0x91: {  	s18 =	sld [smem:$0x3FFB];
	_ =	sdelay $0x3  }
0x92: {  	_ =	strace s18  }
0x93: {  	s3 =	sld [smem:$0x3FFC];
	_ =	sdelay $0x3  }
0x94: {  	_ =	strace s3  }
0x95: {  	s3 =	sld [smem:$0x3FFD];
	_ =	sdelay $0x3  }
0x96: {  	_ =	strace s3  }
0x97: {  	_ =	strace $0x8FFFFFFF  }
0x98: {  	s19 =	sld [smem:$0x3FDB];
	_ =	sdelay $0x1  }
0x99: {  	s4 =	simm.s32 $_scs_section_size  }
0x9a: {  	s5 =	simm.s32 $_size__tile_overlayer_lowered;
	s6 =	simm.s32 $_tile_overlayer_lowered  }
0x9b: {  	s22 =	simm.s32 $0x1BFF;
	s21 =	sshll.u32 s6, $0x1;
	s3 =	sadd.s32 s4, s19  }
0x9c: {  	s7 =	simm.s32 $0x0;
	s20 =	sshll.u32 s5, $0x1;
	s5 =	sadd.s32 s21, s3  }
0x9d: {  	[timem:s7], [sflag:s22] =	dma.local [hbm:s5], s20  }
0x9e: {  	_ =	swait.ge [sflag:s22], s20  }
0x9f: {  	s4 =	ssub.s32 $0x0, s20;
	[sflag:s22] =	ssyncset.done $0x0  }
0xa0: {  	[sflag:s22] =	ssyncadd.s32 s4;
	_ =	sdelay $0x1  }
0xa1: {  	s23 =	simm.s32 $0x1B8B  }
0xa2: {  	_ =	swait.ge [sflag:s23], $0x1  }
0xa3: {  	[sflag:s23] =	ssyncset.done $0x0  }
0xa4: {  	s25 =	simm.s32 $0x1B8E;
	s24 =	sld [smem:$0x3FFE];
	[sflag:s23] =	ssyncadd.s32 $0xFFFFFFFF  }
0xa5: {  	s26 =	simm.s32 $execute0_lowered;
	[smem:$0x3FD2] =	sst s25  }
0xa6: {  	s5 =	sshll.u32 s26, $0x1;
	_ =	strace $0x80000049;
	[dreg:$0x1] =	wrdreg $0xFFFFFFFF  }
0xa7: {  	s28 =	simm.s32 $_size_execute0_lowered;
	s3 =	sadd.s32 s3, s5;
	[dreg:$0x0] =	wrdreg $0x0  }
0xa8: {  	s5 =	sshll.u32 s28, $0x1;
	[dreg:$0x2] =	wrdreg s3  }
0xa9: {  	[dreg:$0x3] =	wrdreg s5  }
0xaa: {  	[dreg:$0x4] =	wrdreg $0xC0  }
0xab: {  	_ =	task [dreg:s7], $0x5FFFF  }
0xac: {  	[dreg:$0x1] =	wrdreg $0xFFFFFFFF  }
0xad: {  	[dreg:$0x0] =	wrdreg $0x60  }
0xae: {  	[dreg:$0x2] =	wrdreg s24  }
0xaf: {  	[dreg:$0x3] =	wrdreg s2  }
0xb0: {  	[dreg:$0x4] =	wrdreg $0xC9200  }
0xb1: {  	[dreg:$0x5] =	wrdreg $0x9  }
0xb2: {  	_ =	task.clear_ibuf [dreg:s7], $0x6FFFF;
	_ =	strace $0x90000049  }
0xb3: {  	s29 =	simm.s32 $0x9;
	_ =	strace $0x8000004B  }
0xb4: {  	_ =	swait.ge [sflag:s29], $0x1  }
0xb5: {  	[sflag:s29] =	ssyncadd.s32 $0xFFFFFFFF  }
0xb6: {  	_ =	strace $0x9000004B  }
0xb7: {  	_ =	sfence  }
0xb8: {  	s30 =	sld [smem:$0x0];
	_ =	sdelay $0x2  }
0xb9: {  	s31 =	sshll.u32 s1, $0xD;
	s1 =	sshrl.u32 s1, $0x2  }
0xba: {  	s3 =	sand.u32 $0x4000, s31;
	s1 =	sadd.s32 s1, s30  }
0xbb: {  	s0 =	sor.u32 s3, s0;
	s1 =	sshll.u32 s1, $0x11  }
0xbc: {  	s0 =	sor.u32 s1, s0  }
0xbd: {  	s0 =	sadd.s32 $0x8F2B, s0  }
0xbe: {  	[sflag:s0] =	ssyncadd.remote.s32 $0x1  }
0xbf: {  	_ =	sfence.sel $0xFFFF  }
0xc0: {  	[dreg:$0x0] =	wrdreg $0xFFFFFFFF;
	(pc) =	sbr.abs _section_cstart, $3  }
0xc1: {  	[dreg:$0x1] =	wrdreg $0xFFFFFFFF  }
0xc2: {  	_ =	task.clear_ibuf [dreg:s7], $0x2FFFF;
	_ =	strace $0x9FFFFFFF  }
0xc3: {  	(tm) =	ssettm $0x7FFFFFFF  }
tec
execute0_lowered:
.L_overlay_start_1:
0x0: {  	(tag) =	ssettag $0x1  }
0x1: {  	s0 =	rddreg [dreg:$0x0]  }
0x2: {  	s1 =	srdreg.scid;
	s13 =	stileid.u32  }
0x3: {  	s5 =	rddreg [dreg:$0x1];
	s25 =	smul.u32 $0x6400, s13  }
0x4: {  	s2 =	rddreg [dreg:$0x2];
	s8 =	sor.u32 $0x10, s13;
	s15 =	smul.u32 $0x1900, s13  }
0x5: {  	s3 =	simm.s32 $0x0;
	s10 =	sor.u32 $0x20, s13;
	s26 =	smul.u32 $0x6400, s8  }
0x6: {  	s29 =	simm.s32 $0x6E20;
	s11 =	sor.u32 $0x30, s13;
	s30 =	smul.u32 $0x6400, s10  }
0x7: {  	s28 =	simm.s32 $0x2;
	s1 =	sand.u32 $0x1, s1;
	s12 =	smul.u32 $0x6400, s11  }
0x8: {  	s4 =	sshll.u32 s1, $0x4;
	s7 =	ssub.s32 $0x2, s1;
	s1 =	smul.u32 $0x4E200, s1  }
0x9: {  	s31 =	simm.s32 $0x9E20;
	[smem:$0x7FF] =	sst s3;
	s18 =	smul.u32 $0x1900, s8  }
0xa: {  	p0 =	sgt.u32 s13, $0x1;
	_ =	strace $0x8000004A;
	s20 =	smul.u32 $0x1900, s10  }
0xb: {  	s22 =	smul.u32 $0x1900, s11;
	s8 =	simm.s32 $0x9;
	s4 =	sor.u32 s13, s4  }
0xc: {  	s24 =	sshrl.u32 s7, $0x1;
	s19 =	sadd.s32 s15, s2;
	s13 =	simm.s32 $0x10  }
0xd: {  	s6 =	smul.u32 $0x2710, s4;
	s4 =	sadd.s32 $0x15E00, s0;
	s16 =	sshrl.u32 s12, $0x2  }
0xe: {  	[dreg:$0xc] =	wrdreg s19;
	s21 =	sadd.s32 s1, s18;
	s17 =	sadd.s32 s16, s2  }
0xf: {  	s23 =	sshrl.u32 s21, $0x3;
	s21 =	simm.s32 $0xE;
	s6 =	sshrl.u32 s6, $0x3  }
0x10: {  	[dreg:$0xb] =	wrdreg s17;
	s6 =	sadd.s32 s6, s0;
	s0 =	sadd.s32 $0x1FC00, s0  }
0x11: {  	s16 =	simm.s32 $0xAE20;
	[dreg:$0x5] =	wrdreg s0;
	s0 =	ssub.s32 s7, s24  }
0x12: {  	s9 =	sadd.s32 $0x2400, s6;
	s6 =	sadd.s32 $0xC040, s6;
	s7 =	sshrl.u32 s25, $0x2  }
0x13: {  	s24 =	sadd.s32 s1, s20;
	s25 =	sadd.s32 s20, s2;
	[dreg:$0x6] =	wrdreg s9  }
0x14: {  	[dreg:$0x7] =	wrdreg s6;
	s9 =	sshrl.u32 s26, $0x2;
	s7 =	sadd.s32 s7, s2  }
0x15: {  	s6 =	sshrl.u32 s30, $0x2;
	[dreg:$0x10] =	wrdreg s25;
	s26 =	sadd.s32 s22, s2  }
0x16: {  	s0 =	smax.u32 s0, $0x1;
	s30 =	simm.s32 $0x7E20;
	[dreg:$0x8] =	wrdreg s7  }
0x17: {  	s25 =	simm.s32 $0x4E20;
	s14 =	sadd.s32 s9, s2;
	[dreg:$0x12] =	wrdreg s26  }
0x18: {  	s6 =	sadd.s32 s6, s2;
	s7 =	sadd.s32 s15, s1;
	[dreg:$0x14] =	wrdreg s0  }
0x19: {  	s1 =	sadd.s32 s1, s22;
	[dreg:$0x4] =	wrdreg s30;
	s26 =	simm.s32 $0x5E20  }
0x1a: {  	s22 =	simm.s32 $0x8E20;
	s9 =	simm.s32 $0x6;
	[dreg:$0x9] =	wrdreg s14  }
0x1b: {  	[dreg:$0xa] =	wrdreg s6;
	s7 =	sshrl.u32 s7, $0x3;
	s6 =	sadd.s32 s18, s2  }
0x1c: {  	s1 =	sshrl.u32 s1, $0x3;
	s7 =	sadd.s32 s5, s7;
	[dreg:$0xe] =	wrdreg s6  }
0x1d: {  	s14 =	simm.s32 $0x0;
	s6 =	sadd.s32 s5, s23;
	[dreg:$0xd] =	wrdreg s7  }
0x1e: {  	s1 =	sadd.s32 s5, s1;
	s23 =	simm.s32 $0xB020;
	[dreg:$0xf] =	wrdreg s6  }
0x1f: {  	s6 =	sshrl.u32 s24, $0x3;
	[dreg:$0x13] =	wrdreg s1;
	s24 =	simm.s32 $0x80  }
0x20: {  	s1 =	simm.s32 $0x1;
	s7 =	simm.s32 $0x5;
	s6 =	sadd.s32 s5, s6  }
0x21: {  	s5 =	simm.s32 $0x3;
	[dreg:$0x11] =	wrdreg s6;
	s6 =	simm.s32 $0x7  }
.LBB2_1:
0x22: {  	s0 =	rddreg [dreg:$0x6]  }
0x23: {  	[tilespmem:s3], [sflag:$0xE] =	stream.linear.gather [hbm4b:s0+s3], $0x2710, $0x38;
	[tilespmem:$0x11740] =	vst v63  }
0x24: {  	_ =	swait.ge [sflag:s21], $0x2710  }
0x25: {  	[sflag:s21] =	ssyncset.done $0x0  }
0x26: {  	s10 =	simm.s32 $0x2710;
	s15 =	rddreg [dreg:$0x7];
	[sflag:s21] =	ssyncadd.s32 $0xFFFFD8F0  }
0x27: {  	[tilespmem:s10], [sflag:$0xE] =	stream.linear.gather [hbm4b:s15+s3], $0x2710, $0x38;
	[tilespmem:$0x11740] =	vst v63  }
0x28: {  	_ =	swait.ge [sflag:s21], $0x2710  }
0x29: {  	[sflag:s21] =	ssyncset.done $0x0  }
0x2a: {  	s17 =	rddreg [dreg:$0x5];
	[sflag:s21] =	ssyncadd.s32 $0xFFFFD8F0  }
0x2b: {  	[tilespmem:s23], [sflag:$0xE] =	stream.linear.gather [hbm4b:s17+s3], $0x1900, $0x38;
	[tilespmem:$0x11740] =	vst v63  }
0x2c: {  	_ =	swait.ge [sflag:s21], $0x1900  }
0x2d: {  	[sflag:s21] =	ssyncset.done $0x0  }
0x2e: {  	s18 =	rddreg [dreg:$0x8];
	[sflag:s21] =	ssyncadd.s32 $0xFFFFE700  }
0x2f: {  	[spmem:s18] =	stream.linear.scatter [tilespmem:s23], [sflag:$0xE], $0x1900, $0x38;
	[tilespmem:$0x11740] =	vst v63  }
0x30: {  	_ =	swait.ge [sflag:s21], $0x1900  }
0x31: {  	[sflag:s21] =	ssyncset.done $0x0  }
0x32: {  	s19 =	rddreg [dreg:$0x9];
	[sflag:s21] =	ssyncadd.s32 $0xFFFFE700  }
0x33: {  	[spmem:s19] =	stream.linear.scatter [tilespmem:s23], [sflag:$0xE], $0x1900, $0x38;
	[tilespmem:$0x11740] =	vst v63  }
0x34: {  	_ =	swait.ge [sflag:s21], $0x1900  }
0x35: {  	[sflag:s21] =	ssyncset.done $0x0  }
0x36: {  	s20 =	rddreg [dreg:$0xa];
	[sflag:s21] =	ssyncadd.s32 $0xFFFFE700  }
0x37: {  	[spmem:s20] =	stream.linear.scatter [tilespmem:s23], [sflag:$0xE], $0x1900, $0x38;
	[tilespmem:$0x11740] =	vst v63  }
0x38: {  	_ =	swait.ge [sflag:s21], $0x1900  }
0x39: {  	[sflag:s21] =	ssyncset.done $0x0  }
0x3a: {  	s15 =	simm.s32 @!p0 $0xB020;
	s0 =	rddreg [dreg:$0xb];
	[sflag:s21] =	ssyncadd.s32 $0xFFFFE700  }
0x3b: {  	[spmem:s0] =	stream.linear.scatter @!p0 [tilespmem:s15], [sflag:$0xE], $0x1900, $0x38;
	[tilespmem:$0x11740] =	vst v63  }
0x3c: {  	s15 =	simm.s32 @!p0 $0xE  }
0x3d: {  	_ =	swait.ge @!p0 [sflag:s15], $0x1900  }
0x3e: {  	[sflag:s15] =	ssyncset.done @!p0 $0x0  }
0x3f: {  	[sflag:s15] =	ssyncadd.s32 @!p0 $0xFFFFE700  }
0x40: {  	[bflag:$0x0] =	sbarrier.arrive $0xFFFF  }
0x41: {  	[tilespmem:s25], [sflag:$0x1] =	stream.indirect.gather [hbm4b:s4+s24], $0x20, s3, s24, $0xb8;
	[tilespmem:$0x11740] =	vst v63  }
0x42: {  	_ = 	snop  }
0x43: {  	[tilespmem:s26], [sflag:$0x2] =	stream.indirect.gather [hbm4b:s4+s24], $0x20, s24, s24, $0xb8;
	[tilespmem:$0x11740] =	vst v63  }
0x44: {  	s30 =	simm.s32 $0x100;
	p1 =	por $0x1, $0x1  }
0x45: {  	[tilespmem:s29], [sflag:$0x3] =	stream.indirect.gather [hbm4b:s4+s24], $0x20, s30, s24, $0xb8;
	[tilespmem:$0x11740] =	vst v63  }
0x46: {  	s10 =	simm.s32 $0x2700;
	s15 =	simm.s32 @!p1 $0xA  }
0x47: {  	[tilespmem:s16], [sflag:$0xD] =	stream.indirect.gather [hbm4b:s4+s13], $0x20, s10, s13, $0xb8;
	[tilespmem:$0x11740] =	vst v63  }
0x48: {  	_ =	swait.ge @!p1 [sflag:s15], $0x1000  }
0x49: {  	[sflag:s15] =	ssyncset.done @!p1 $0x0  }
0x4a: {  	s12 =	simm.s32 $0x180;
	s11 =	rddreg [dreg:$0x4];
	[sflag:s15] =	ssyncadd.s32 @!p1 $0xFFFFF000  }
0x4b: {  	[tilespmem:s11], [sflag:$0x4] =	stream.indirect.gather [hbm4b:s4+s24], $0x20, s12, s24, $0xb8;
	[tilespmem:$0x11740] =	vst v63  }
0x4c: {  	_ =	swait.ge [sflag:s1], $0x1000  }
0x4d: {  	p1 =	por $0x1, $0x1;
	[sflag:s1] =	ssyncset.done $0x0  }
0x4e: {  	s13 =	simm.s32 $0x2710;
	s16 =	simm.s32 @!p1 $0xB;
	[sflag:s1] =	ssyncadd.s32 $0xFFFFF000  }
0x4f: {  	[spmem:s2] =	stream.indirect.scatter.add.f32 [tilespmem:s25], [sflag:$0x7], $0x20, s13, s24, $0xb8;
	[tilespmem:$0x11740] =	vst v63  }
0x50: {  	_ =	swait.ge @!p1 [sflag:s16], $0x1000  }
0x51: {  	[sflag:s16] =	ssyncset.done @!p1 $0x0  }
0x52: {  	s17 =	simm.s32 $0x200;
	[sflag:s16] =	ssyncadd.s32 @!p1 $0xFFFFF000  }
0x53: {  	[tilespmem:s22], [sflag:$0x5] =	stream.indirect.gather [hbm4b:s4+s24], $0x20, s17, s24, $0xb8;
	[tilespmem:$0x11740] =	vst v63  }
0x54: {  	_ =	swait.ge [sflag:s28], $0x1000  }
0x55: {  	p1 =	por $0x1, $0x1;
	[sflag:s28] =	ssyncset.done $0x0  }
0x56: {  	s18 =	simm.s32 $0x2790;
	s16 =	simm.s32 @!p1 $0xC;
	[sflag:s28] =	ssyncadd.s32 $0xFFFFF000  }
0x57: {  	[spmem:s2] =	stream.indirect.scatter.add.f32 [tilespmem:s26], [sflag:$0x8], $0x20, s18, s24, $0xb8;
	[tilespmem:$0x11740] =	vst v63  }
0x58: {  	_ =	swait.ge @!p1 [sflag:s16], $0x1000  }
0x59: {  	[sflag:s16] =	ssyncset.done @!p1 $0x0  }
0x5a: {  	s19 =	simm.s32 $0x280;
	[sflag:s16] =	ssyncadd.s32 @!p1 $0xFFFFF000  }
0x5b: {  	[tilespmem:s31], [sflag:$0x6] =	stream.indirect.gather [hbm4b:s4+s24], $0x20, s19, s24, $0xb8;
	[tilespmem:$0x11740] =	vst v63  }
0x5c: {  	_ =	swait.ge [sflag:s5], $0x1000  }
0x5d: {  	[sflag:s5] =	ssyncset.done $0x0  }
0x5e: {  	s20 =	simm.s32 $0x2810;
	[sflag:s5] =	ssyncadd.s32 $0xFFFFF000  }
0x5f: {  	[spmem:s2] =	stream.indirect.scatter.add.f32 [tilespmem:s29], [sflag:$0x9], $0x20, s20, s24, $0xb8;
	[tilespmem:$0x11740] =	vst v63  }
0x60: {  	_ =	swait.ge [sflag:s6], $0x1000  }
0x61: {  	p1 =	por $0x0, $0x0;
	[sflag:s6] =	ssyncset.done $0x0  }
0x62: {  	s15 =	simm.s32 @p1 $0x4;
	[sflag:s6] =	ssyncadd.s32 $0xFFFFF000  }
0x63: {  	_ =	swait.ge @p1 [sflag:s15], $0x1000  }
0x64: {  	s16 =	simm.s32 @p1 $0x2890;
	s17 =	simm.s32 @p1 $0x80;
	[sflag:s15] =	ssyncset.done @p1 $0x0  }
0x65: {  	s18 =	simm.s32 @p1 $0x7E20;
	[sflag:s15] =	ssyncadd.s32 @p1 $0xFFFFF000;
	s15 =	simm.s32 @p1 $0x8  }
0x66: {  	[spmem:s2] =	stream.indirect.scatter.add.f32 @p1 [tilespmem:s18], [sflag:$0xA], $0x20, s16, s17, $0xb8;
	[tilespmem:$0x11740] =	vst v63  }
0x67: {  	_ =	swait.ge @p1 [sflag:s15], $0x1000  }
0x68: {  	s16 =	simm.s32 @!p1 $0x300;
	s17 =	simm.s32 @!p1 $0x80;
	[sflag:s15] =	ssyncset.done @p1 $0x0  }
0x69: {  	s18 =	simm.s32 @!p1 $0x4E20;
	[sflag:s15] =	ssyncadd.s32 @p1 $0xFFFFF000;
	s15 =	simm.s32 @!p1 $0x4  }
0x6a: {  	[tilespmem:s18], [sflag:$0x1] =	stream.indirect.gather @!p1 [hbm4b:s4+s17], $0x20, s16, s17, $0xb8;
	[tilespmem:$0x11740] =	vst v63  }
0x6b: {  	_ =	swait.ge @!p1 [sflag:s15], $0x1000  }
0x6c: {  	s16 =	simm.s32 @!p1 $0x2890;
	[sflag:s15] =	ssyncset.done @!p1 $0x0  }
0x6d: {  	s18 =	simm.s32 @!p1 $0x7E20;
	[sflag:s15] =	ssyncadd.s32 @!p1 $0xFFFFF000;
	s15 =	simm.s32 @!p1 $0x8  }
0x6e: {  	[spmem:s2] =	stream.indirect.scatter.add.f32 @!p1 [tilespmem:s18], [sflag:$0xA], $0x20, s16, s17, $0xb8;
	[tilespmem:$0x11740] =	vst v63  }
0x6f: {  	_ =	swait.ge @!p1 [sflag:s15], $0x1000  }
0x70: {  	[sflag:s15] =	ssyncset.done @!p1 $0x0  }
0x71: {  	s16 =	simm.s32 @!p1 $0x380;
	s18 =	simm.s32 @!p1 $0x5E20;
	[sflag:s15] =	ssyncadd.s32 @!p1 $0xFFFFF000  }
0x72: {  	[tilespmem:s18], [sflag:$0x2] =	stream.indirect.gather @!p1 [hbm4b:s4+s17], $0x20, s16, s17, $0xb8;
	[tilespmem:$0x11740] =	vst v63  }
0x73: {  	_ =	swait.ge [sflag:s7], $0x1000  }
0x74: {  	[sflag:s7] =	ssyncset.done $0x0  }
0x75: {  	s30 =	simm.s32 $0x2910;
	[sflag:s7] =	ssyncadd.s32 $0xFFFFF000  }
0x76: {  	[spmem:s2] =	stream.indirect.scatter.add.f32 [tilespmem:s22], [sflag:$0xB], $0x20, s30, s24, $0xb8;
	[tilespmem:$0x11740] =	vst v63  }
0x77: {  	_ =	swait.ge [sflag:s8], $0x1000  }
0x78: {  	[sflag:s8] =	ssyncset.done $0x0  }
0x79: {  	s15 =	simm.s32 @!p1 $0x400;
	s16 =	simm.s32 @!p1 $0x6E20;
	[sflag:s8] =	ssyncadd.s32 $0xFFFFF000  }
0x7a: {  	[tilespmem:s16], [sflag:$0x3] =	stream.indirect.gather @!p1 [hbm4b:s4+s17], $0x20, s15, s17, $0xb8;
	[tilespmem:$0x11740] =	vst v63  }
0x7b: {  	p2 =	por $0x0, $0x0;
	s18 =	simm.s32 $0x2990;
	s15 =	simm.s32 $0xC00  }
0x7c: {  	s17 =	simm.s32 $0x1800;
	s16 =	simm.s32 $0x2;
	_ =	swait.ge [sflag:s9], $0x1000  }
.LBB2_2:
0x7d: {  	[sflag:s9] =	ssyncset.done $0x0  }
0x7e: {  	s20 =	simm.s32 @!p2 $0xA;
	[sflag:s9] =	ssyncadd.s32 $0xFFFFF000  }
0x7f: {  	[spmem:s2] =	stream.indirect.scatter.add.f32 [tilespmem:s31], [sflag:$0xC], $0x20, s18, s24, $0xb8;
	[tilespmem:$0x11740] =	vst v63  }
0x80: {  	_ =	swait.ge @!p2 [sflag:s20], $0x1000  }
0x81: {  	s18 =	sshra.s32 s15, $0x2;
	[sflag:s20] =	ssyncset.done @!p2 $0x0  }
0x82: {  	s12 =	sadd.s32 $0x180, s18;
	s30 =	rddreg [dreg:$0x4];
	[sflag:s20] =	ssyncadd.s32 @!p2 $0xFFFFF000  }
0x83: {  	[tilespmem:s30], [sflag:$0x4] =	stream.indirect.gather [hbm4b:s4+s24], $0x20, s12, s24, $0xb8;
	[tilespmem:$0x11740] =	vst v63  }
0x84: {  	_ =	swait.ge [sflag:s1], $0x1000  }
0x85: {  	p2 =	seq.s32 s15, $0x0;
	[sflag:s1] =	ssyncset.done $0x0  }
0x86: {  	s13 =	sadd.s32 $0x2710, s18;
	s30 =	simm.s32 @!p2 $0xB;
	[sflag:s1] =	ssyncadd.s32 $0xFFFFF000  }
0x87: {  	[spmem:s2] =	stream.indirect.scatter.add.f32 [tilespmem:s25], [sflag:$0x7], $0x20, s13, s24, $0xb8;
	[tilespmem:$0x11740] =	vst v63  }
0x88: {  	_ =	swait.ge @!p2 [sflag:s30], $0x1000  }
0x89: {  	[sflag:s30] =	ssyncset.done @!p2 $0x0  }
0x8a: {  	s0 =	sadd.s32 $0x200, s18;
	[sflag:s30] =	ssyncadd.s32 @!p2 $0xFFFFF000  }
0x8b: {  	[tilespmem:s22], [sflag:$0x5] =	stream.indirect.gather [hbm4b:s4+s24], $0x20, s0, s24, $0xb8;
	[tilespmem:$0x11740] =	vst v63  }
0x8c: {  	s10 =	sadd.s32 $0x2, s16;
	_ =	swait.ge [sflag:s28], $0x1000  }
0x8d: {  	p2 =	sgt.u32 s10, $0x4D;
	[sflag:s28] =	ssyncset.done $0x0  }
0x8e: {  	s11 =	sadd.s32 $0x2790, s18;
	s20 =	simm.s32 @!p2 $0xC;
	[sflag:s28] =	ssyncadd.s32 $0xFFFFF000  }
0x8f: {  	[spmem:s2] =	stream.indirect.scatter.add.f32 [tilespmem:s26], [sflag:$0x8], $0x20, s11, s24, $0xb8;
	[tilespmem:$0x11740] =	vst v63  }
0x90: {  	_ =	swait.ge @!p2 [sflag:s20], $0x1000  }
0x91: {  	[sflag:s20] =	ssyncset.done @!p2 $0x0  }
0x92: {  	s12 =	sadd.s32 $0x280, s18;
	[sflag:s20] =	ssyncadd.s32 @!p2 $0xFFFFF000  }
0x93: {  	[tilespmem:s31], [sflag:$0x6] =	stream.indirect.gather [hbm4b:s4+s24], $0x20, s12, s24, $0xb8;
	[tilespmem:$0x11740] =	vst v63  }
0x94: {  	_ =	swait.ge [sflag:s5], $0x1000  }
0x95: {  	[sflag:s5] =	ssyncset.done $0x0  }
0x96: {  	s13 =	sadd.s32 $0x2810, s18;
	[sflag:s5] =	ssyncadd.s32 $0xFFFFF000  }
0x97: {  	[spmem:s2] =	stream.indirect.scatter.add.f32 [tilespmem:s29], [sflag:$0x9], $0x20, s13, s24, $0xb8;
	[tilespmem:$0x11740] =	vst v63  }
0x98: {  	p2 =	seq.s32 s15, $0x9000;
	_ =	swait.ge [sflag:s6], $0x1000  }
0x99: {  	s19 =	smov.u32 s17;
	s20 =	simm.s32 @p2 $0x4;
	[sflag:s6] =	ssyncset.done $0x0  }
0x9a: {  	s30 =	sshra.s32 @p2 s15, $0x2;
	s15 =	sshra.s32 @!p2 s15, $0x2;
	[sflag:s6] =	ssyncadd.s32 $0xFFFFF000  }
0x9b: {  	s11 =	simm.s32 @p2 $0x80;
	s12 =	simm.s32 @p2 $0x7E20;
	_ =	swait.ge @p2 [sflag:s20], $0x1000  }
0x9c: {  	s30 =	sadd.s32 @p2 $0x2890, s30;
	s0 =	sadd.s32 @!p2 $0x300, s15;
	[sflag:s20] =	ssyncset.done @p2 $0x0  }
0x9d: {  	s10 =	sadd.s32 @!p2 $0x2890, s15;
	[sflag:s20] =	ssyncadd.s32 @p2 $0xFFFFF000;
	s20 =	simm.s32 @p2 $0x8  }
0x9e: {  	[spmem:s2] =	stream.indirect.scatter.add.f32 @p2 [tilespmem:s12], [sflag:$0xA], $0x20, s30, s11, $0xb8;
	[tilespmem:$0x11740] =	vst v63  }
0x9f: {  	s13 =	sadd.s32 @!p2 $0x380, s15;
	s11 =	sadd.s32 @!p2 $0x400, s15;
	_ =	swait.ge @p2 [sflag:s20], $0x1000  }
0xa0: {  	s15 =	smov.u32 s19;
	s12 =	simm.s32 @!p2 $0x80;
	[sflag:s20] =	ssyncset.done @p2 $0x0  }
0xa1: {  	s19 =	simm.s32 @!p2 $0x4E20;
	[sflag:s20] =	ssyncadd.s32 @p2 $0xFFFFF000;
	s20 =	simm.s32 @!p2 $0x4  }
0xa2: {  	[tilespmem:s19], [sflag:$0x1] =	stream.indirect.gather @!p2 [hbm4b:s4+s12], $0x20, s0, s12, $0xb8;
	[tilespmem:$0x11740] =	vst v63  }
0xa3: {  	_ =	swait.ge @!p2 [sflag:s20], $0x1000  }
0xa4: {  	[sflag:s20] =	ssyncset.done @!p2 $0x0  }
0xa5: {  	s0 =	simm.s32 @!p2 $0x7E20;
	s19 =	simm.s32 @!p2 $0x8;
	[sflag:s20] =	ssyncadd.s32 @!p2 $0xFFFFF000  }
0xa6: {  	[spmem:s2] =	stream.indirect.scatter.add.f32 @!p2 [tilespmem:s0], [sflag:$0xA], $0x20, s10, s12, $0xb8;
	[tilespmem:$0x11740] =	vst v63  }
0xa7: {  	_ =	swait.ge @!p2 [sflag:s19], $0x1000  }
0xa8: {  	[sflag:s19] =	ssyncset.done @!p2 $0x0  }
0xa9: {  	s0 =	simm.s32 @!p2 $0x5E20;
	[sflag:s19] =	ssyncadd.s32 @!p2 $0xFFFFF000  }
0xaa: {  	[tilespmem:s0], [sflag:$0x2] =	stream.indirect.gather @!p2 [hbm4b:s4+s12], $0x20, s13, s12, $0xb8;
	[tilespmem:$0x11740] =	vst v63  }
0xab: {  	_ =	swait.ge [sflag:s7], $0x1000  }
0xac: {  	s17 =	sadd.s32 $0xC00, s17;
	[sflag:s7] =	ssyncset.done $0x0  }
0xad: {  	p1 =	sne.s32 s17, $0x9C00;
	s30 =	sadd.s32 $0x2910, s18;
	[sflag:s7] =	ssyncadd.s32 $0xFFFFF000  }
0xae: {  	[spmem:s2] =	stream.indirect.scatter.add.f32 [tilespmem:s22], [sflag:$0xB], $0x20, s30, s24, $0xb8;
	[tilespmem:$0x11740] =	vst v63  }
.Ltmp0:
0xaf: {  	_ =	swait.ge [sflag:s8], $0x1000;
	(pc) =	sbr.rel @p1 .LBB2_2-.Ltmp0, $4  }
0xb0: {  	[sflag:s8] =	ssyncset.done $0x0  }
0xb1: {  	s16 =	sadd.s32 $0x6, s16;
	s0 =	simm.s32 @!p2 $0x6E20;
	[sflag:s8] =	ssyncadd.s32 $0xFFFFF000  }
0xb2: {  	[tilespmem:s0], [sflag:$0x3] =	stream.indirect.gather @!p2 [hbm4b:s4+s12], $0x20, s11, s12, $0xb8;
	[tilespmem:$0x11740] =	vst v63  }
0xb3: {  	s18 =	sadd.s32 $0x2990, s18;
	p2 =	sgt.u32 s16, $0x4D;
	_ =	swait.ge [sflag:s9], $0x1000  }
0xb4: {  	[sflag:s9] =	ssyncset.done $0x0  }
0xb5: {  	s0 =	simm.s32 @!p2 $0xA;
	[sflag:s9] =	ssyncadd.s32 $0xFFFFF000  }
0xb6: {  	[spmem:s2] =	stream.indirect.scatter.add.f32 [tilespmem:s31], [sflag:$0xC], $0x20, s18, s24, $0xb8;
	[tilespmem:$0x11740] =	vst v63  }
0xb7: {  	_ =	swait.ge @!p2 [sflag:s0], $0x1000  }
0xb8: {  	s17 =	sshra.s32 s15, $0x2;
	[sflag:s0] =	ssyncset.done @!p2 $0x0  }
0xb9: {  	s19 =	sadd.s32 $0x180, s17;
	s10 =	rddreg [dreg:$0x4];
	[sflag:s0] =	ssyncadd.s32 @!p2 $0xFFFFF000  }
0xba: {  	[tilespmem:s10], [sflag:$0x4] =	stream.indirect.gather [hbm4b:s4+s24], $0x20, s19, s24, $0xb8;
	[tilespmem:$0x11740] =	vst v63  }
0xbb: {  	_ =	swait.ge [sflag:s1], $0x1000  }
0xbc: {  	p1 =	seq.s32 s15, $0x0;
	[sflag:s1] =	ssyncset.done $0x0  }
0xbd: {  	s20 =	sadd.s32 $0x2710, s17;
	s10 =	simm.s32 @!p1 $0xB;
	[sflag:s1] =	ssyncadd.s32 $0xFFFFF000  }
0xbe: {  	[spmem:s2] =	stream.indirect.scatter.add.f32 [tilespmem:s25], [sflag:$0x7], $0x20, s20, s24, $0xb8;
	[tilespmem:$0x11740] =	vst v63  }
0xbf: {  	_ =	swait.ge @!p1 [sflag:s10], $0x1000  }
0xc0: {  	[sflag:s10] =	ssyncset.done @!p1 $0x0  }
0xc1: {  	s30 =	sadd.s32 $0x200, s17;
	[sflag:s10] =	ssyncadd.s32 @!p1 $0xFFFFF000  }
0xc2: {  	[tilespmem:s22], [sflag:$0x5] =	stream.indirect.gather [hbm4b:s4+s24], $0x20, s30, s24, $0xb8;
	[tilespmem:$0x11740] =	vst v63  }
0xc3: {  	s10 =	sadd.s32 $0x2, s16;
	_ =	swait.ge [sflag:s28], $0x1000  }
0xc4: {  	p1 =	sgt.u32 s10, $0x4D;
	[sflag:s28] =	ssyncset.done $0x0  }
0xc5: {  	s11 =	sadd.s32 $0x2790, s17;
	s10 =	simm.s32 @!p1 $0xC;
	[sflag:s28] =	ssyncadd.s32 $0xFFFFF000  }
0xc6: {  	[spmem:s2] =	stream.indirect.scatter.add.f32 [tilespmem:s26], [sflag:$0x8], $0x20, s11, s24, $0xb8;
	[tilespmem:$0x11740] =	vst v63  }
0xc7: {  	_ =	swait.ge @!p1 [sflag:s10], $0x1000  }
0xc8: {  	[sflag:s10] =	ssyncset.done @!p1 $0x0  }
0xc9: {  	s12 =	sadd.s32 $0x280, s17;
	[sflag:s10] =	ssyncadd.s32 @!p1 $0xFFFFF000  }
0xca: {  	[tilespmem:s31], [sflag:$0x6] =	stream.indirect.gather [hbm4b:s4+s24], $0x20, s12, s24, $0xb8;
	[tilespmem:$0x11740] =	vst v63  }
0xcb: {  	_ =	swait.ge [sflag:s5], $0x1000  }
0xcc: {  	[sflag:s5] =	ssyncset.done $0x0  }
0xcd: {  	s13 =	sadd.s32 $0x2810, s17;
	[sflag:s5] =	ssyncadd.s32 $0xFFFFF000  }
0xce: {  	[spmem:s2] =	stream.indirect.scatter.add.f32 [tilespmem:s29], [sflag:$0x9], $0x20, s13, s24, $0xb8;
	[tilespmem:$0x11740] =	vst v63  }
0xcf: {  	_ =	swait.ge [sflag:s6], $0x1000  }
0xd0: {  	p1 =	seq.s32 s15, $0x9000;
	[sflag:s6] =	ssyncset.done $0x0  }
0xd1: {  	s0 =	simm.s32 @p1 $0x4;
	[sflag:s6] =	ssyncadd.s32 $0xFFFFF000  }
0xd2: {  	_ =	swait.ge @p1 [sflag:s0], $0x1000  }
0xd3: {  	s10 =	sshra.s32 @p1 s15, $0x2;
	s11 =	simm.s32 @p1 $0x80;
	[sflag:s0] =	ssyncset.done @p1 $0x0  }
0xd4: {  	s10 =	sadd.s32 @p1 $0x2890, s10;
	[sflag:s0] =	ssyncadd.s32 @p1 $0xFFFFF000;
	s0 =	simm.s32 @p1 $0x7E20  }
0xd5: {  	[spmem:s2] =	stream.indirect.scatter.add.f32 @p1 [tilespmem:s0], [sflag:$0xA], $0x20, s10, s11, $0xb8;
	[tilespmem:$0x11740] =	vst v63  }
0xd6: {  	s0 =	simm.s32 @p1 $0x8  }
0xd7: {  	_ =	swait.ge @p1 [sflag:s0], $0x1000  }
0xd8: {  	s12 =	simm.s32 @!p1 $0x80;
	s10 =	sshra.s32 @!p1 s15, $0x2;
	[sflag:s0] =	ssyncset.done @p1 $0x0  }
0xd9: {  	s11 =	sadd.s32 @!p1 $0x300, s10;
	[sflag:s0] =	ssyncadd.s32 @p1 $0xFFFFF000;
	s0 =	simm.s32 @!p1 $0x4E20  }
0xda: {  	[tilespmem:s0], [sflag:$0x1] =	stream.indirect.gather @!p1 [hbm4b:s4+s12], $0x20, s11, s12, $0xb8;
	[tilespmem:$0x11740] =	vst v63  }
0xdb: {  	s0 =	simm.s32 @!p1 $0x4  }
0xdc: {  	_ =	swait.ge @!p1 [sflag:s0], $0x1000  }
0xdd: {  	[sflag:s0] =	ssyncset.done @!p1 $0x0  }
0xde: {  	s11 =	sadd.s32 @!p1 $0x2890, s10;
	[sflag:s0] =	ssyncadd.s32 @!p1 $0xFFFFF000;
	s0 =	simm.s32 @!p1 $0x7E20  }
0xdf: {  	[spmem:s2] =	stream.indirect.scatter.add.f32 @!p1 [tilespmem:s0], [sflag:$0xA], $0x20, s11, s12, $0xb8;
	[tilespmem:$0x11740] =	vst v63  }
0xe0: {  	s0 =	simm.s32 @!p1 $0x8  }
0xe1: {  	_ =	swait.ge @!p1 [sflag:s0], $0x1000  }
0xe2: {  	[sflag:s0] =	ssyncset.done @!p1 $0x0  }
0xe3: {  	s11 =	sadd.s32 @!p1 $0x380, s10;
	[sflag:s0] =	ssyncadd.s32 @!p1 $0xFFFFF000;
	s0 =	simm.s32 @!p1 $0x5E20  }
0xe4: {  	[tilespmem:s0], [sflag:$0x2] =	stream.indirect.gather @!p1 [hbm4b:s4+s12], $0x20, s11, s12, $0xb8;
	[tilespmem:$0x11740] =	vst v63  }
0xe5: {  	_ =	swait.ge [sflag:s7], $0x1000  }
0xe6: {  	[sflag:s7] =	ssyncset.done $0x0  }
0xe7: {  	s16 =	sadd.s32 $0x2910, s17;
	[sflag:s7] =	ssyncadd.s32 $0xFFFFF000  }
0xe8: {  	[spmem:s2] =	stream.indirect.scatter.add.f32 [tilespmem:s22], [sflag:$0xB], $0x20, s16, s24, $0xb8;
	[tilespmem:$0x11740] =	vst v63  }
0xe9: {  	_ =	swait.ge [sflag:s8], $0x1000  }
0xea: {  	[sflag:s8] =	ssyncset.done $0x0  }
0xeb: {  	s0 =	sadd.s32 @!p1 $0x400, s10;
	s10 =	simm.s32 @!p1 $0x6E20;
	[sflag:s8] =	ssyncadd.s32 $0xFFFFF000  }
0xec: {  	[tilespmem:s10], [sflag:$0x3] =	stream.indirect.gather @!p1 [hbm4b:s4+s12], $0x20, s0, s12, $0xb8;
	[tilespmem:$0x11740] =	vst v63  }
0xed: {  	_ =	swait.ge [sflag:s9], $0x1000  }
0xee: {  	[sflag:s9] =	ssyncset.done $0x0  }
0xef: {  	s18 =	simm.s32 $0xA;
	s17 =	sadd.s32 $0x2990, s17;
	[sflag:s9] =	ssyncadd.s32 $0xFFFFF000  }
0xf0: {  	[spmem:s2] =	stream.indirect.scatter.add.f32 [tilespmem:s31], [sflag:$0xC], $0x20, s17, s24, $0xb8;
	[tilespmem:$0x11740] =	vst v63  }
0xf1: {  	_ =	swait.ge [sflag:s18], $0x1000  }
0xf2: {  	[sflag:s18] =	ssyncset.done $0x0  }
0xf3: {  	s19 =	simm.s32 $0xB;
	[sflag:s18] =	ssyncadd.s32 $0xFFFFF000  }
0xf4: {  	_ =	swait.ge [sflag:s19], $0x1000  }
0xf5: {  	[sflag:s19] =	ssyncset.done $0x0  }
0xf6: {  	s20 =	simm.s32 $0xC;
	[sflag:s19] =	ssyncadd.s32 $0xFFFFF000  }
0xf7: {  	_ =	swait.ge [sflag:s20], $0x1000  }
0xf8: {  	[sflag:s20] =	ssyncset.done $0x0  }
0xf9: {  	s30 =	simm.s32 $0xD;
	[sflag:s20] =	ssyncadd.s32 $0xFFFFF000  }
0xfa: {  	_ =	swait.ge [sflag:s30], $0x200  }
0xfb: {  	s13 =	simm.s32 $0x10;
	[sflag:s30] =	ssyncset.done $0x0  }
0xfc: {  	s11 =	simm.s32 $0x4E10;
	s16 =	simm.s32 $0xAE20;
	[sflag:s30] =	ssyncadd.s32 $0xFFFFFE00  }
0xfd: {  	[spmem:s2] =	stream.indirect.scatter.add.f32 [tilespmem:s16], [sflag:$0xD], $0x20, s11, s13, $0xb8;
	[tilespmem:$0x11740] =	vst v63  }
0xfe: {  	_ =	swait.ge [sflag:s30], $0x200  }
0xff: {  	[sflag:s30] =	ssyncset.done $0x0  }
0x100: {  	[sflag:s30] =	ssyncadd.s32 $0xFFFFFE00  }
0x101: {  	[bflag:$0x0] =	sbarrier.arrive $0xFFFF  }
0x102: {  	s12 =	rddreg [dreg:$0xc]  }
0x103: {  	[tilespmem:s23], [sflag:$0xE] =	stream.linear.gather [spmem:s12], $0x1900, $0x38;
	[tilespmem:$0x11740] =	vst v63  }
0x104: {  	_ =	swait.ge [sflag:s21], $0x1900  }
0x105: {  	[sflag:s21] =	ssyncset.done $0x0  }
0x106: {  	s15 =	rddreg [dreg:$0xd];
	[sflag:s21] =	ssyncadd.s32 $0xFFFFE700  }
0x107: {  	[hbm4b:s15+s3] =	stream.linear.scatter [tilespmem:s23], [sflag:$0xE], $0x1900, $0x38;
	[tilespmem:$0x11740] =	vst v63  }
0x108: {  	_ =	swait.ge [sflag:s21], $0x1900  }
0x109: {  	[sflag:s21] =	ssyncset.done $0x0  }
0x10a: {  	s17 =	rddreg [dreg:$0xe];
	[sflag:s21] =	ssyncadd.s32 $0xFFFFE700  }
0x10b: {  	[tilespmem:s23], [sflag:$0xE] =	stream.linear.gather [spmem:s17], $0x1900, $0x38;
	[tilespmem:$0x11740] =	vst v63  }
0x10c: {  	_ =	swait.ge [sflag:s21], $0x1900  }
0x10d: {  	[sflag:s21] =	ssyncset.done $0x0  }
0x10e: {  	s18 =	rddreg [dreg:$0xf];
	[sflag:s21] =	ssyncadd.s32 $0xFFFFE700  }
0x10f: {  	[hbm4b:s18+s3] =	stream.linear.scatter [tilespmem:s23], [sflag:$0xE], $0x1900, $0x38;
	[tilespmem:$0x11740] =	vst v63  }
0x110: {  	_ =	swait.ge [sflag:s21], $0x1900  }
0x111: {  	[sflag:s21] =	ssyncset.done $0x0  }
0x112: {  	s19 =	rddreg [dreg:$0x10];
	[sflag:s21] =	ssyncadd.s32 $0xFFFFE700  }
0x113: {  	[tilespmem:s23], [sflag:$0xE] =	stream.linear.gather [spmem:s19], $0x1900, $0x38;
	[tilespmem:$0x11740] =	vst v63  }
0x114: {  	_ =	swait.ge [sflag:s21], $0x1900  }
0x115: {  	[sflag:s21] =	ssyncset.done $0x0  }
0x116: {  	s20 =	rddreg [dreg:$0x11];
	[sflag:s21] =	ssyncadd.s32 $0xFFFFE700  }
0x117: {  	[hbm4b:s20+s3] =	stream.linear.scatter [tilespmem:s23], [sflag:$0xE], $0x1900, $0x38;
	[tilespmem:$0x11740] =	vst v63  }
0x118: {  	_ =	swait.ge [sflag:s21], $0x1900  }
0x119: {  	[sflag:s21] =	ssyncset.done $0x0  }
0x11a: {  	s0 =	simm.s32 @!p0 $0xB020;
	s10 =	rddreg [dreg:$0x12];
	[sflag:s21] =	ssyncadd.s32 $0xFFFFE700  }
0x11b: {  	[tilespmem:s0], [sflag:$0xE] =	stream.linear.gather @!p0 [spmem:s10], $0x1900, $0x38;
	[tilespmem:$0x11740] =	vst v63  }
0x11c: {  	s10 =	simm.s32 @!p0 $0xE  }
0x11d: {  	_ =	swait.ge @!p0 [sflag:s10], $0x1900  }
0x11e: {  	[sflag:s10] =	ssyncset.done @!p0 $0x0  }
0x11f: {  	s11 =	simm.s32 @!p0 $0x0;
	s12 =	rddreg [dreg:$0x13];
	[sflag:s10] =	ssyncadd.s32 @!p0 $0xFFFFE700  }
0x120: {  	[hbm4b:s12+s11] =	stream.linear.scatter @!p0 [tilespmem:s0], [sflag:$0xE], $0x1900, $0x38;
	[tilespmem:$0x11740] =	vst v63  }
0x121: {  	_ =	swait.ge @!p0 [sflag:s10], $0x1900  }
0x122: {  	s14 =	sadd.s32 $0x1, s14;
	s30 =	rddreg [dreg:$0x14]  }
0x123: {  	p1 =	sne.s32 s14, s30  }
.Ltmp1:
0x124: {  	_ = 	snop;
	(pc) =	sbr.rel @p1 .LBB2_1-.Ltmp1, $3  }
0x125: {  	_ =	sdelay $0x1  }
0x126: {  	[sflag:s10] =	ssyncset.done @!p0 $0x0  }
0x127: {  	[sflag:s10] =	ssyncadd.s32 @!p0 $0xFFFFE700  }
0x128: {  	_ =	sfence.sel $0x180000  }
0x129: {  	[bflag:$0x0] =	sbarrier.arrive $0xFFFF  }
0x12a: {  	_ =	strace $0x9000004A  }
0x12b: {  	s0 =	stileid.u32;
	[bflag:$0x2] =	sbarrier.arrive $0xFFFF  }
0x12c: {  	p0 =	sne.s32 s0, $0x0;
	s0 =	rddreg [dreg:$0x3]  }
0x12d: {  	s0 =	sadd.s32 @!p0 $0x100000, s0  }
0x12e: {  	[sflag:s0] =	ssyncadd.tile.s32 @!p0 $0x1;
	_ =	shalt  }
.Lfunc_end2:
_tile_overlayer_lowered:
.L_overlay_start_2:
0x12f: {  	(tag) =	ssettag $0x2  }
0x130: {  	s0 =	rddreg [dreg:$0x0];
	s2 =	stileid.u32  }
0x131: {  	s1 =	rddreg [dreg:$0x1];
	p0 =	sne.s32 s2, $0x0  }
0x132: {  	s3 =	rddreg [dreg:$0x2];
	[bflag:$0x3] =	sbarrier.arrive $0xFFFF;
	s2 =	simm.s32 @!p0 $0x1C0E  }
0x133: {  	[timem:s3], [sflag:s2] =	dma.local @!p0 [hbm:s0], s1  }
0x134: {  	s0 =	simm.s32 @!p0 $0xE  }
0x135: {  	_ =	swait.ge @!p0 [sflag:s0], s1  }
0x136: {  	s1 =	ssub.s32 @!p0 $0x0, s1;
	[sflag:s0] =	ssyncset.done @!p0 $0x0  }
0x137: {  	[sflag:s0] =	ssyncadd.s32 @!p0 s1  }
0x138: {  	[bflag:$0x3] =	sbarrier.arrive $0xFFFF  }
0x139: {  	_ =	shalt  }

// kernel: kernel.17.cloned.1.call-start
scs
__scs_entry_jumppad:
0x0: {  	(pc) =	sbr.rel $0x88, $3  }
0x1: {  	(tag) =	ssettag $0x0;
	lr =	simm.s32 $0x1  }
0x2: {  	[smem:$0x3F96] =	sst lr;
	_ =	strace $0xD0000000  }
0x3: {  	_ = 	snop  }
0x4: {  	_ = 	snop  }
0x5: {  	_ = 	snop  }
0x6: {  	_ = 	snop  }
0x7: {  	_ = 	snop  }
__scs_overlays_trampoline_lowered:
0x8: {  	[smem:$0x3FA5] =	sst s0  }
0x9: {  	[smem:$0x3FA6] =	sst s1  }
0xa: {  	[smem:$0x3FA7] =	sst s2  }
0xb: {  	[smem:$0x3FA8] =	sst s3  }
0xc: {  	[smem:$0x3FA9] =	sst s4  }
0xd: {  	[smem:$0x3FAA] =	sst s5  }
0xe: {  	[smem:$0x3FAB] =	sst s6  }
0xf: {  	[smem:$0x3FAC] =	sst s7  }
0x10: {  	[smem:$0x3FAD] =	sst s8  }
0x11: {  	[smem:$0x3FAE] =	sst s9;
	s0 =	simm.s32 @!p0 $0x0  }
0x12: {  	s1 =	sld [smem:$0x3F94];
	s0 =	simm.s32 @p0 $0x1  }
0x13: {  	[smem:$0x3FAF] =	sst s0;
	s0 =	simm.s32 @!p1 $0x0  }
0x14: {  	s2 =	sld [smem:$0x3F93];
	s0 =	simm.s32 @p1 $0x1  }
0x15: {  	[smem:$0x3FB0] =	sst s0;
	s0 =	simm.s32 @!p2 $0x0  }
0x16: {  	s3 =	sld [smem:$0x3FDB];
	s0 =	simm.s32 @p2 $0x1  }
0x17: {  	s4 =	simm.s32 $0x1BF5;
	[smem:$0x3FB2] =	sst s0  }
0x18: {  	s0 =	sld [smem:$0x3F95];
	_ =	swait.ge [sflag:s4], $0x0  }
0x19: {  	s7 =	sld [smem:$0x3F96]  }
0x1a: {  	s8 =	sadd.s32 $0xFFFFE003, lr  }
0x1b: {  	s9 =	sadd.s32 $0xFFFFFEF7, lr;
	s5 =	simm.s32 $0xFFFFFFFF;
	p2 =	slt.u32 s8, $0xFFFFF086  }
0x1c: {  	p1 =	slt.u32 s9, $0xF7A;
	s5 =	simm.s32 @!p2 $0x0  }
0x1d: {  	s5 =	simm.s32 @p1 $0x1;
	p0 =	seq.s32 s7, s2  }
0x1e: {  	s7 =	smul.u32 @!p0 $0xF7A, s2;
	p2 =	seq.s32 @!p0 s5, $0x0  }
0x1f: {  	s9 =	smul.u32 $0xF7A, s1;
	s8 =	simm.s32 @!p0 $0x1BF5;
	p2 =	por !p2, p0  }
0x20: {  	[sflag:s8] =	ssyncset.s32 @!p0 $0xFFFFF086;
	s6 =	sadd.s32 @!p0 s3, s7;
	s7 =	simm.s32 @!p0 $0x108  }
0x21: {  	s3 =	sadd.s32 s3, s9;
	s6 =	sadd.s32 @!p0 $0x88, s6;
	s7 =	simm.s32 @p2 $0x1082  }
0x22: {  	[simem:s7], [sflag:s8] =	dma.local @!p0 [hbm:s6], $0xF7A  }
0x23: {  	s9 =	sor.u32 $0xD0000000, s2;
	s6 =	simm.s32 $0x108;
	_ =	swait.ge @!p0 [sflag:s8], $0x0  }
0x24: {  	s3 =	sadd.s32 $0x88, s3;
	s6 =	simm.s32 @!p1 $0x1082;
	[sflag:s4] =	ssyncset.s32 $0xFFFFF086  }
0x25: {  	[simem:s6], [sflag:s4] =	dma.local [hbm:s3], $0xF7A  }
0x26: {  	[smem:$0x3F96] =	sst s1;
	(tag) =	ssettag s2;
	_ =	strace s9  }
0x27: {  	s1 =	sld [smem:$0x3FA6]  }
0x28: {  	s2 =	sld [smem:$0x3FA7]  }
0x29: {  	s4 =	sld [smem:$0x3FA9]  }
0x2a: {  	p0 =	seq.s32 s5, $0x0;
	s5 =	sld [smem:$0x3FAA]  }
0x2b: {  	s6 =	sld [smem:$0x3FAB]  }
0x2c: {  	s7 =	sld [smem:$0x3FAC]  }
0x2d: {  	s3 =	simm.s32 $0x108;
	s8 =	sld [smem:$0x3FAD]  }
0x2e: {  	s3 =	simm.s32 @!p0 $0x1082;
	s9 =	sld [smem:$0x3FAE]  }
0x2f: {  	lr =	sadd.s32 s0, s3;
	s0 =	sld [smem:$0x3FA5]  }
0x30: {  	s3 =	sld [smem:$0x3FA8]  }
0x31: {  	[smem:$0x3FB1] =	sst s10  }
0x32: {  	s10 =	sld [smem:$0x3FAF];
	_ =	sdelay $0x3  }
0x33: {  	p0 =	seq.s32 s10, $0x1;
	s10 =	sld [smem:$0x3FB1];
	_ =	sdelay $0x3  }
0x34: {  	[smem:$0x3FB1] =	sst s10  }
0x35: {  	s10 =	sld [smem:$0x3FB0];
	_ =	sdelay $0x3  }
0x36: {  	p1 =	seq.s32 s10, $0x1;
	s10 =	sld [smem:$0x3FB1];
	_ =	sdelay $0x3  }
0x37: {  	[smem:$0x3FB1] =	sst s10  }
0x38: {  	s10 =	sld [smem:$0x3FB2]  }
0x39: {  	_ = 	snop;
	(pc) =	sbr.ind lr, $3  }
0x3a: {  	_ = 	snop  }
0x3b: {  	_ = 	snop  }
0x3c: {  	p2 =	seq.s32 s10, $0x1;
	s10 =	sld [smem:$0x3FB1]  }
0x3d: {  	_ =	shalt  }
0x3e: {  	_ =	shalt  }
0x3f: {  	_ =	shalt  }
0x40: {  	_ =	shalt  }
0x41: {  	_ =	shalt  }
0x42: {  	_ =	shalt  }
0x43: {  	_ =	shalt  }
0x44: {  	_ =	shalt  }
0x45: {  	_ =	shalt  }
0x46: {  	_ =	shalt  }
0x47: {  	_ =	shalt  }
0x48: {  	_ =	shalt  }
0x49: {  	_ =	shalt  }
0x4a: {  	_ =	shalt  }
0x4b: {  	_ =	shalt  }
0x4c: {  	_ =	shalt  }
0x4d: {  	_ =	shalt  }
0x4e: {  	_ =	shalt  }
0x4f: {  	_ =	shalt  }
0x50: {  	_ =	shalt  }
0x51: {  	_ =	shalt  }
0x52: {  	_ =	shalt  }
0x53: {  	_ =	shalt  }
0x54: {  	_ =	shalt  }
0x55: {  	_ =	shalt  }
0x56: {  	_ =	shalt  }
0x57: {  	_ =	shalt  }
0x58: {  	_ =	shalt  }
0x59: {  	_ =	shalt  }
0x5a: {  	_ =	shalt  }
0x5b: {  	_ =	shalt  }
0x5c: {  	_ =	shalt  }
0x5d: {  	_ =	shalt  }
0x5e: {  	_ =	shalt  }
0x5f: {  	_ =	shalt  }
0x60: {  	_ =	shalt  }
0x61: {  	_ =	shalt  }
0x62: {  	_ =	shalt  }
0x63: {  	_ =	shalt  }
0x64: {  	_ =	shalt  }
0x65: {  	_ =	shalt  }
0x66: {  	_ =	shalt  }
0x67: {  	_ =	shalt  }
0x68: {  	_ =	shalt  }
0x69: {  	_ =	shalt  }
0x6a: {  	_ =	shalt  }
0x6b: {  	_ =	shalt  }
0x6c: {  	_ =	shalt  }
0x6d: {  	_ =	shalt  }
0x6e: {  	_ =	shalt  }
0x6f: {  	_ =	shalt  }
0x70: {  	_ =	shalt  }
0x71: {  	_ =	shalt  }
0x72: {  	_ =	shalt  }
0x73: {  	_ =	shalt  }
0x74: {  	_ =	shalt  }
0x75: {  	_ =	shalt  }
0x76: {  	_ =	shalt  }
0x77: {  	_ =	shalt  }
0x78: {  	_ =	shalt  }
0x79: {  	_ =	shalt  }
0x7a: {  	_ =	shalt  }
0x7b: {  	_ =	shalt  }
0x7c: {  	_ =	shalt  }
0x7d: {  	_ =	shalt  }
0x7e: {  	_ =	shalt  }
0x7f: {  	_ =	shalt  }
0x80: {  	_ =	shalt  }
0x81: {  	_ =	shalt  }
0x82: {  	_ =	shalt  }
0x83: {  	_ =	shalt  }
0x84: {  	_ =	shalt  }
0x85: {  	_ =	shalt  }
0x86: {  	_ =	shalt  }
0x87: {  	_ =	shalt  }
.Lfunc_end0:
.L_simem_size_0:
called_computation.2_lowered:
.L_overlay_start_0:
0x88: {  	s2 =	sld [smem:$0x3FD9]  }
0x89: {  	s3 =	sld [smem:$0x3FFE];
	_ =	sdelay $0x1  }
0x8a: {  	s1 =	srdreg.scid  }
0x8b: {  	s0 =	sand.u32 $0x1, s1  }
0x8c: {  	s17 =	sshll.u32 s0, $0xA;
	s2 =	sadd.s32 s3, s2  }
0x8d: {  	s2 =	sadd.s32 s2, s17  }
0x8e: {  	[smem:$0x3FBD] =	sst s2  }
0x8f: {  	_ = 	snop  }
0x90: {  	s2 =	sld [smem:$0x3FD0];
	(tm) =	ssettm $0x1  }
0x91: {  	s18 =	sld [smem:$0x3FFB];
	_ =	sdelay $0x3  }
0x92: {  	_ =	strace s18  }
0x93: {  	s3 =	sld [smem:$0x3FFC];
	_ =	sdelay $0x3  }
0x94: {  	_ =	strace s3  }
0x95: {  	s3 =	sld [smem:$0x3FFD];
	_ =	sdelay $0x3  }
0x96: {  	_ =	strace s3  }
0x97: {  	_ =	strace $0x8FFFFFFF  }
0x98: {  	s19 =	sld [smem:$0x3FDB];
	_ =	sdelay $0x1  }
0x99: {  	s4 =	simm.s32 $_scs_section_size  }
0x9a: {  	s5 =	simm.s32 $_size__tile_overlayer_lowered;
	s6 =	simm.s32 $_tile_overlayer_lowered  }
0x9b: {  	s22 =	simm.s32 $0x1BFF;
	s21 =	sshll.u32 s6, $0x1;
	s3 =	sadd.s32 s4, s19  }
0x9c: {  	s7 =	simm.s32 $0x0;
	s20 =	sshll.u32 s5, $0x1;
	s5 =	sadd.s32 s21, s3  }
0x9d: {  	[timem:s7], [sflag:s22] =	dma.local [hbm:s5], s20  }
0x9e: {  	_ =	swait.ge [sflag:s22], s20  }
0x9f: {  	s4 =	ssub.s32 $0x0, s20;
	[sflag:s22] =	ssyncset.done $0x0  }
0xa0: {  	[sflag:s22] =	ssyncadd.s32 s4;
	_ =	sdelay $0x1  }
0xa1: {  	s23 =	simm.s32 $0x1B8B  }
0xa2: {  	_ =	swait.ge [sflag:s23], $0x1  }
0xa3: {  	[sflag:s23] =	ssyncset.done $0x0  }
0xa4: {  	s25 =	simm.s32 $0x1B8E;
	s24 =	sld [smem:$0x3FFE];
	[sflag:s23] =	ssyncadd.s32 $0xFFFFFFFF  }
0xa5: {  	s26 =	simm.s32 $execute0_lowered;
	[smem:$0x3FD2] =	sst s25  }
0xa6: {  	s5 =	sshll.u32 s26, $0x1;
	_ =	strace $0x8000004C;
	[dreg:$0x1] =	wrdreg $0xFFFFFFFF  }
0xa7: {  	s28 =	simm.s32 $_size_execute0_lowered;
	s3 =	sadd.s32 s3, s5;
	[dreg:$0x0] =	wrdreg $0x0  }
0xa8: {  	s5 =	sshll.u32 s28, $0x1;
	[dreg:$0x2] =	wrdreg s3  }
0xa9: {  	[dreg:$0x3] =	wrdreg s5  }
0xaa: {  	[dreg:$0x4] =	wrdreg $0xC0  }
0xab: {  	_ =	task [dreg:s7], $0x5FFFF  }
0xac: {  	[dreg:$0x1] =	wrdreg $0xFFFFFFFF  }
0xad: {  	[dreg:$0x0] =	wrdreg $0x60  }
0xae: {  	[dreg:$0x2] =	wrdreg s24  }
0xaf: {  	[dreg:$0x3] =	wrdreg s2  }
0xb0: {  	[dreg:$0x4] =	wrdreg $0xC9200  }
0xb1: {  	[dreg:$0x5] =	wrdreg $0x9  }
0xb2: {  	_ =	task.clear_ibuf [dreg:s7], $0x6FFFF;
	_ =	strace $0x9000004C  }
0xb3: {  	s29 =	simm.s32 $0x9;
	_ =	strace $0x8000004E  }
0xb4: {  	_ =	swait.ge [sflag:s29], $0x1  }
0xb5: {  	[sflag:s29] =	ssyncadd.s32 $0xFFFFFFFF  }
0xb6: {  	_ =	strace $0x9000004E  }
0xb7: {  	_ =	sfence  }
0xb8: {  	s30 =	sld [smem:$0x0];
	_ =	sdelay $0x2  }
0xb9: {  	s31 =	sshll.u32 s1, $0xD;
	s1 =	sshrl.u32 s1, $0x2  }
0xba: {  	s3 =	sand.u32 $0x4000, s31;
	s1 =	sadd.s32 s1, s30  }
0xbb: {  	s0 =	sor.u32 s3, s0;
	s1 =	sshll.u32 s1, $0x11  }
0xbc: {  	s0 =	sor.u32 s1, s0  }
0xbd: {  	s0 =	sadd.s32 $0x8F2B, s0  }
0xbe: {  	[sflag:s0] =	ssyncadd.remote.s32 $0x1  }
0xbf: {  	_ =	sfence.sel $0xFFFF  }
0xc0: {  	[dreg:$0x0] =	wrdreg $0xFFFFFFFF;
	(pc) =	sbr.abs _section_cstart, $3  }
0xc1: {  	[dreg:$0x1] =	wrdreg $0xFFFFFFFF  }
0xc2: {  	_ =	task.clear_ibuf [dreg:s7], $0x2FFFF;
	_ =	strace $0x9FFFFFFF  }
0xc3: {  	(tm) =	ssettm $0x7FFFFFFF  }
tec
execute0_lowered:
.L_overlay_start_1:
0x0: {  	(tag) =	ssettag $0x1  }
0x1: {  	s0 =	rddreg [dreg:$0x0]  }
0x2: {  	s1 =	srdreg.scid;
	s13 =	stileid.u32  }
0x3: {  	s5 =	rddreg [dreg:$0x1];
	s25 =	smul.u32 $0x6400, s13  }
0x4: {  	s2 =	rddreg [dreg:$0x2];
	s8 =	sor.u32 $0x10, s13;
	s15 =	smul.u32 $0x1900, s13  }
0x5: {  	s3 =	simm.s32 $0x0;
	s10 =	sor.u32 $0x20, s13;
	s26 =	smul.u32 $0x6400, s8  }
0x6: {  	s29 =	simm.s32 $0x6E20;
	s11 =	sor.u32 $0x30, s13;
	s30 =	smul.u32 $0x6400, s10  }
0x7: {  	s28 =	simm.s32 $0x2;
	s1 =	sand.u32 $0x1, s1;
	s12 =	smul.u32 $0x6400, s11  }
0x8: {  	s4 =	sshll.u32 s1, $0x4;
	s7 =	ssub.s32 $0x2, s1;
	s1 =	smul.u32 $0x4E200, s1  }
0x9: {  	s31 =	simm.s32 $0x9E20;
	[smem:$0x7FF] =	sst s3;
	s18 =	smul.u32 $0x1900, s8  }
0xa: {  	p0 =	sgt.u32 s13, $0x1;
	_ =	strace $0x8000004D;
	s20 =	smul.u32 $0x1900, s10  }
0xb: {  	s22 =	smul.u32 $0x1900, s11;
	s8 =	simm.s32 $0x9;
	s4 =	sor.u32 s13, s4  }
0xc: {  	s24 =	sshrl.u32 s7, $0x1;
	s19 =	sadd.s32 s15, s2;
	s13 =	simm.s32 $0x10  }
0xd: {  	s6 =	smul.u32 $0x2710, s4;
	s4 =	sadd.s32 $0x15E00, s0;
	s16 =	sshrl.u32 s12, $0x2  }
0xe: {  	[dreg:$0xc] =	wrdreg s19;
	s21 =	sadd.s32 s1, s18;
	s17 =	sadd.s32 s16, s2  }
0xf: {  	s23 =	sshrl.u32 s21, $0x3;
	s21 =	simm.s32 $0xE;
	s6 =	sshrl.u32 s6, $0x3  }
0x10: {  	[dreg:$0xb] =	wrdreg s17;
	s6 =	sadd.s32 s6, s0;
	s0 =	sadd.s32 $0x1FC00, s0  }
0x11: {  	s16 =	simm.s32 $0xAE20;
	[dreg:$0x5] =	wrdreg s0;
	s0 =	ssub.s32 s7, s24  }
0x12: {  	s9 =	sadd.s32 $0x2400, s6;
	s6 =	sadd.s32 $0xC040, s6;
	s7 =	sshrl.u32 s25, $0x2  }
0x13: {  	s24 =	sadd.s32 s1, s20;
	s25 =	sadd.s32 s20, s2;
	[dreg:$0x6] =	wrdreg s9  }
0x14: {  	[dreg:$0x7] =	wrdreg s6;
	s9 =	sshrl.u32 s26, $0x2;
	s7 =	sadd.s32 s7, s2  }
0x15: {  	s6 =	sshrl.u32 s30, $0x2;
	[dreg:$0x10] =	wrdreg s25;
	s26 =	sadd.s32 s22, s2  }
0x16: {  	s0 =	smax.u32 s0, $0x1;
	s30 =	simm.s32 $0x7E20;
	[dreg:$0x8] =	wrdreg s7  }
0x17: {  	s25 =	simm.s32 $0x4E20;
	s14 =	sadd.s32 s9, s2;
	[dreg:$0x12] =	wrdreg s26  }
0x18: {  	s6 =	sadd.s32 s6, s2;
	s7 =	sadd.s32 s15, s1;
	[dreg:$0x14] =	wrdreg s0  }
0x19: {  	s1 =	sadd.s32 s1, s22;
	[dreg:$0x4] =	wrdreg s30;
	s26 =	simm.s32 $0x5E20  }
0x1a: {  	s22 =	simm.s32 $0x8E20;
	s9 =	simm.s32 $0x6;
	[dreg:$0x9] =	wrdreg s14  }
0x1b: {  	[dreg:$0xa] =	wrdreg s6;
	s7 =	sshrl.u32 s7, $0x3;
	s6 =	sadd.s32 s18, s2  }
0x1c: {  	s1 =	sshrl.u32 s1, $0x3;
	s7 =	sadd.s32 s5, s7;
	[dreg:$0xe] =	wrdreg s6  }
0x1d: {  	s14 =	simm.s32 $0x0;
	s6 =	sadd.s32 s5, s23;
	[dreg:$0xd] =	wrdreg s7  }
0x1e: {  	s1 =	sadd.s32 s5, s1;
	s23 =	simm.s32 $0xB020;
	[dreg:$0xf] =	wrdreg s6  }
0x1f: {  	s6 =	sshrl.u32 s24, $0x3;
	[dreg:$0x13] =	wrdreg s1;
	s24 =	simm.s32 $0x80  }
0x20: {  	s1 =	simm.s32 $0x1;
	s7 =	simm.s32 $0x5;
	s6 =	sadd.s32 s5, s6  }
0x21: {  	s5 =	simm.s32 $0x3;
	[dreg:$0x11] =	wrdreg s6;
	s6 =	simm.s32 $0x7  }
.LBB2_1:
0x22: {  	s0 =	rddreg [dreg:$0x6]  }
0x23: {  	[tilespmem:s3], [sflag:$0xE] =	stream.linear.gather [hbm4b:s0+s3], $0x2710, $0x38;
	[tilespmem:$0x11740] =	vst v63  }
0x24: {  	_ =	swait.ge [sflag:s21], $0x2710  }
0x25: {  	[sflag:s21] =	ssyncset.done $0x0  }
0x26: {  	s10 =	simm.s32 $0x2710;
	s15 =	rddreg [dreg:$0x7];
	[sflag:s21] =	ssyncadd.s32 $0xFFFFD8F0  }
0x27: {  	[tilespmem:s10], [sflag:$0xE] =	stream.linear.gather [hbm4b:s15+s3], $0x2710, $0x38;
	[tilespmem:$0x11740] =	vst v63  }
0x28: {  	_ =	swait.ge [sflag:s21], $0x2710  }
0x29: {  	[sflag:s21] =	ssyncset.done $0x0  }
0x2a: {  	s17 =	rddreg [dreg:$0x5];
	[sflag:s21] =	ssyncadd.s32 $0xFFFFD8F0  }
0x2b: {  	[tilespmem:s23], [sflag:$0xE] =	stream.linear.gather [hbm4b:s17+s3], $0x1900, $0x38;
	[tilespmem:$0x11740] =	vst v63  }
0x2c: {  	_ =	swait.ge [sflag:s21], $0x1900  }
0x2d: {  	[sflag:s21] =	ssyncset.done $0x0  }
0x2e: {  	s18 =	rddreg [dreg:$0x8];
	[sflag:s21] =	ssyncadd.s32 $0xFFFFE700  }
0x2f: {  	[spmem:s18] =	stream.linear.scatter [tilespmem:s23], [sflag:$0xE], $0x1900, $0x38;
	[tilespmem:$0x11740] =	vst v63  }
0x30: {  	_ =	swait.ge [sflag:s21], $0x1900  }
0x31: {  	[sflag:s21] =	ssyncset.done $0x0  }
0x32: {  	s19 =	rddreg [dreg:$0x9];
	[sflag:s21] =	ssyncadd.s32 $0xFFFFE700  }
0x33: {  	[spmem:s19] =	stream.linear.scatter [tilespmem:s23], [sflag:$0xE], $0x1900, $0x38;
	[tilespmem:$0x11740] =	vst v63  }
0x34: {  	_ =	swait.ge [sflag:s21], $0x1900  }
0x35: {  	[sflag:s21] =	ssyncset.done $0x0  }
0x36: {  	s20 =	rddreg [dreg:$0xa];
	[sflag:s21] =	ssyncadd.s32 $0xFFFFE700  }
0x37: {  	[spmem:s20] =	stream.linear.scatter [tilespmem:s23], [sflag:$0xE], $0x1900, $0x38;
	[tilespmem:$0x11740] =	vst v63  }
0x38: {  	_ =	swait.ge [sflag:s21], $0x1900  }
0x39: {  	[sflag:s21] =	ssyncset.done $0x0  }
0x3a: {  	s15 =	simm.s32 @!p0 $0xB020;
	s0 =	rddreg [dreg:$0xb];
	[sflag:s21] =	ssyncadd.s32 $0xFFFFE700  }
0x3b: {  	[spmem:s0] =	stream.linear.scatter @!p0 [tilespmem:s15], [sflag:$0xE], $0x1900, $0x38;
	[tilespmem:$0x11740] =	vst v63  }
0x3c: {  	s15 =	simm.s32 @!p0 $0xE  }
0x3d: {  	_ =	swait.ge @!p0 [sflag:s15], $0x1900  }
0x3e: {  	[sflag:s15] =	ssyncset.done @!p0 $0x0  }
0x3f: {  	[sflag:s15] =	ssyncadd.s32 @!p0 $0xFFFFE700  }
0x40: {  	[bflag:$0x0] =	sbarrier.arrive $0xFFFF  }
0x41: {  	[tilespmem:s25], [sflag:$0x1] =	stream.indirect.gather [hbm4b:s4+s24], $0x20, s3, s24, $0xb8;
	[tilespmem:$0x11740] =	vst v63  }
0x42: {  	_ = 	snop  }
0x43: {  	[tilespmem:s26], [sflag:$0x2] =	stream.indirect.gather [hbm4b:s4+s24], $0x20, s24, s24, $0xb8;
	[tilespmem:$0x11740] =	vst v63  }
0x44: {  	s30 =	simm.s32 $0x100;
	p1 =	por $0x1, $0x1  }
0x45: {  	[tilespmem:s29], [sflag:$0x3] =	stream.indirect.gather [hbm4b:s4+s24], $0x20, s30, s24, $0xb8;
	[tilespmem:$0x11740] =	vst v63  }
0x46: {  	s10 =	simm.s32 $0x2700;
	s15 =	simm.s32 @!p1 $0xA  }
0x47: {  	[tilespmem:s16], [sflag:$0xD] =	stream.indirect.gather [hbm4b:s4+s13], $0x20, s10, s13, $0xb8;
	[tilespmem:$0x11740] =	vst v63  }
0x48: {  	_ =	swait.ge @!p1 [sflag:s15], $0x1000  }
0x49: {  	[sflag:s15] =	ssyncset.done @!p1 $0x0  }
0x4a: {  	s12 =	simm.s32 $0x180;
	s11 =	rddreg [dreg:$0x4];
	[sflag:s15] =	ssyncadd.s32 @!p1 $0xFFFFF000  }
0x4b: {  	[tilespmem:s11], [sflag:$0x4] =	stream.indirect.gather [hbm4b:s4+s24], $0x20, s12, s24, $0xb8;
	[tilespmem:$0x11740] =	vst v63  }
0x4c: {  	_ =	swait.ge [sflag:s1], $0x1000  }
0x4d: {  	p1 =	por $0x1, $0x1;
	[sflag:s1] =	ssyncset.done $0x0  }
0x4e: {  	s13 =	simm.s32 $0x2710;
	s16 =	simm.s32 @!p1 $0xB;
	[sflag:s1] =	ssyncadd.s32 $0xFFFFF000  }
0x4f: {  	[spmem:s2] =	stream.indirect.scatter.add.f32 [tilespmem:s25], [sflag:$0x7], $0x20, s13, s24, $0xb8;
	[tilespmem:$0x11740] =	vst v63  }
0x50: {  	_ =	swait.ge @!p1 [sflag:s16], $0x1000  }
0x51: {  	[sflag:s16] =	ssyncset.done @!p1 $0x0  }
0x52: {  	s17 =	simm.s32 $0x200;
	[sflag:s16] =	ssyncadd.s32 @!p1 $0xFFFFF000  }
0x53: {  	[tilespmem:s22], [sflag:$0x5] =	stream.indirect.gather [hbm4b:s4+s24], $0x20, s17, s24, $0xb8;
	[tilespmem:$0x11740] =	vst v63  }
0x54: {  	_ =	swait.ge [sflag:s28], $0x1000  }
0x55: {  	p1 =	por $0x1, $0x1;
	[sflag:s28] =	ssyncset.done $0x0  }
0x56: {  	s18 =	simm.s32 $0x2790;
	s16 =	simm.s32 @!p1 $0xC;
	[sflag:s28] =	ssyncadd.s32 $0xFFFFF000  }
0x57: {  	[spmem:s2] =	stream.indirect.scatter.add.f32 [tilespmem:s26], [sflag:$0x8], $0x20, s18, s24, $0xb8;
	[tilespmem:$0x11740] =	vst v63  }
0x58: {  	_ =	swait.ge @!p1 [sflag:s16], $0x1000  }
0x59: {  	[sflag:s16] =	ssyncset.done @!p1 $0x0  }
0x5a: {  	s19 =	simm.s32 $0x280;
	[sflag:s16] =	ssyncadd.s32 @!p1 $0xFFFFF000  }
0x5b: {  	[tilespmem:s31], [sflag:$0x6] =	stream.indirect.gather [hbm4b:s4+s24], $0x20, s19, s24, $0xb8;
	[tilespmem:$0x11740] =	vst v63  }
0x5c: {  	_ =	swait.ge [sflag:s5], $0x1000  }
0x5d: {  	[sflag:s5] =	ssyncset.done $0x0  }
0x5e: {  	s20 =	simm.s32 $0x2810;
	[sflag:s5] =	ssyncadd.s32 $0xFFFFF000  }
0x5f: {  	[spmem:s2] =	stream.indirect.scatter.add.f32 [tilespmem:s29], [sflag:$0x9], $0x20, s20, s24, $0xb8;
	[tilespmem:$0x11740] =	vst v63  }
0x60: {  	_ =	swait.ge [sflag:s6], $0x1000  }
0x61: {  	p1 =	por $0x0, $0x0;
	[sflag:s6] =	ssyncset.done $0x0  }
0x62: {  	s15 =	simm.s32 @p1 $0x4;
	[sflag:s6] =	ssyncadd.s32 $0xFFFFF000  }
0x63: {  	_ =	swait.ge @p1 [sflag:s15], $0x1000  }
0x64: {  	s16 =	simm.s32 @p1 $0x2890;
	s17 =	simm.s32 @p1 $0x80;
	[sflag:s15] =	ssyncset.done @p1 $0x0  }
0x65: {  	s18 =	simm.s32 @p1 $0x7E20;
	[sflag:s15] =	ssyncadd.s32 @p1 $0xFFFFF000;
	s15 =	simm.s32 @p1 $0x8  }
0x66: {  	[spmem:s2] =	stream.indirect.scatter.add.f32 @p1 [tilespmem:s18], [sflag:$0xA], $0x20, s16, s17, $0xb8;
	[tilespmem:$0x11740] =	vst v63  }
0x67: {  	_ =	swait.ge @p1 [sflag:s15], $0x1000  }
0x68: {  	s16 =	simm.s32 @!p1 $0x300;
	s17 =	simm.s32 @!p1 $0x80;
	[sflag:s15] =	ssyncset.done @p1 $0x0  }
0x69: {  	s18 =	simm.s32 @!p1 $0x4E20;
	[sflag:s15] =	ssyncadd.s32 @p1 $0xFFFFF000;
	s15 =	simm.s32 @!p1 $0x4  }
0x6a: {  	[tilespmem:s18], [sflag:$0x1] =	stream.indirect.gather @!p1 [hbm4b:s4+s17], $0x20, s16, s17, $0xb8;
	[tilespmem:$0x11740] =	vst v63  }
0x6b: {  	_ =	swait.ge @!p1 [sflag:s15], $0x1000  }
0x6c: {  	s16 =	simm.s32 @!p1 $0x2890;
	[sflag:s15] =	ssyncset.done @!p1 $0x0  }
0x6d: {  	s18 =	simm.s32 @!p1 $0x7E20;
	[sflag:s15] =	ssyncadd.s32 @!p1 $0xFFFFF000;
	s15 =	simm.s32 @!p1 $0x8  }
0x6e: {  	[spmem:s2] =	stream.indirect.scatter.add.f32 @!p1 [tilespmem:s18], [sflag:$0xA], $0x20, s16, s17, $0xb8;
	[tilespmem:$0x11740] =	vst v63  }
0x6f: {  	_ =	swait.ge @!p1 [sflag:s15], $0x1000  }
0x70: {  	[sflag:s15] =	ssyncset.done @!p1 $0x0  }
0x71: {  	s16 =	simm.s32 @!p1 $0x380;
	s18 =	simm.s32 @!p1 $0x5E20;
	[sflag:s15] =	ssyncadd.s32 @!p1 $0xFFFFF000  }
0x72: {  	[tilespmem:s18], [sflag:$0x2] =	stream.indirect.gather @!p1 [hbm4b:s4+s17], $0x20, s16, s17, $0xb8;
	[tilespmem:$0x11740] =	vst v63  }
0x73: {  	_ =	swait.ge [sflag:s7], $0x1000  }
0x74: {  	[sflag:s7] =	ssyncset.done $0x0  }
0x75: {  	s30 =	simm.s32 $0x2910;
	[sflag:s7] =	ssyncadd.s32 $0xFFFFF000  }
0x76: {  	[spmem:s2] =	stream.indirect.scatter.add.f32 [tilespmem:s22], [sflag:$0xB], $0x20, s30, s24, $0xb8;
	[tilespmem:$0x11740] =	vst v63  }
0x77: {  	_ =	swait.ge [sflag:s8], $0x1000  }
0x78: {  	[sflag:s8] =	ssyncset.done $0x0  }
0x79: {  	s15 =	simm.s32 @!p1 $0x400;
	s16 =	simm.s32 @!p1 $0x6E20;
	[sflag:s8] =	ssyncadd.s32 $0xFFFFF000  }
0x7a: {  	[tilespmem:s16], [sflag:$0x3] =	stream.indirect.gather @!p1 [hbm4b:s4+s17], $0x20, s15, s17, $0xb8;
	[tilespmem:$0x11740] =	vst v63  }
0x7b: {  	p2 =	por $0x0, $0x0;
	s18 =	simm.s32 $0x2990;
	s15 =	simm.s32 $0xC00  }
0x7c: {  	s17 =	simm.s32 $0x1800;
	s16 =	simm.s32 $0x2;
	_ =	swait.ge [sflag:s9], $0x1000  }
.LBB2_2:
0x7d: {  	[sflag:s9] =	ssyncset.done $0x0  }
0x7e: {  	s20 =	simm.s32 @!p2 $0xA;
	[sflag:s9] =	ssyncadd.s32 $0xFFFFF000  }
0x7f: {  	[spmem:s2] =	stream.indirect.scatter.add.f32 [tilespmem:s31], [sflag:$0xC], $0x20, s18, s24, $0xb8;
	[tilespmem:$0x11740] =	vst v63  }
0x80: {  	_ =	swait.ge @!p2 [sflag:s20], $0x1000  }
0x81: {  	s18 =	sshra.s32 s15, $0x2;
	[sflag:s20] =	ssyncset.done @!p2 $0x0  }
0x82: {  	s12 =	sadd.s32 $0x180, s18;
	s30 =	rddreg [dreg:$0x4];
	[sflag:s20] =	ssyncadd.s32 @!p2 $0xFFFFF000  }
0x83: {  	[tilespmem:s30], [sflag:$0x4] =	stream.indirect.gather [hbm4b:s4+s24], $0x20, s12, s24, $0xb8;
	[tilespmem:$0x11740] =	vst v63  }
0x84: {  	_ =	swait.ge [sflag:s1], $0x1000  }
0x85: {  	p2 =	seq.s32 s15, $0x0;
	[sflag:s1] =	ssyncset.done $0x0  }
0x86: {  	s13 =	sadd.s32 $0x2710, s18;
	s30 =	simm.s32 @!p2 $0xB;
	[sflag:s1] =	ssyncadd.s32 $0xFFFFF000  }
0x87: {  	[spmem:s2] =	stream.indirect.scatter.add.f32 [tilespmem:s25], [sflag:$0x7], $0x20, s13, s24, $0xb8;
	[tilespmem:$0x11740] =	vst v63  }
0x88: {  	_ =	swait.ge @!p2 [sflag:s30], $0x1000  }
0x89: {  	[sflag:s30] =	ssyncset.done @!p2 $0x0  }
0x8a: {  	s0 =	sadd.s32 $0x200, s18;
	[sflag:s30] =	ssyncadd.s32 @!p2 $0xFFFFF000  }
0x8b: {  	[tilespmem:s22], [sflag:$0x5] =	stream.indirect.gather [hbm4b:s4+s24], $0x20, s0, s24, $0xb8;
	[tilespmem:$0x11740] =	vst v63  }
0x8c: {  	s10 =	sadd.s32 $0x2, s16;
	_ =	swait.ge [sflag:s28], $0x1000  }
0x8d: {  	p2 =	sgt.u32 s10, $0x4D;
	[sflag:s28] =	ssyncset.done $0x0  }
0x8e: {  	s11 =	sadd.s32 $0x2790, s18;
	s20 =	simm.s32 @!p2 $0xC;
	[sflag:s28] =	ssyncadd.s32 $0xFFFFF000  }
0x8f: {  	[spmem:s2] =	stream.indirect.scatter.add.f32 [tilespmem:s26], [sflag:$0x8], $0x20, s11, s24, $0xb8;
	[tilespmem:$0x11740] =	vst v63  }
0x90: {  	_ =	swait.ge @!p2 [sflag:s20], $0x1000  }
0x91: {  	[sflag:s20] =	ssyncset.done @!p2 $0x0  }
0x92: {  	s12 =	sadd.s32 $0x280, s18;
	[sflag:s20] =	ssyncadd.s32 @!p2 $0xFFFFF000  }
0x93: {  	[tilespmem:s31], [sflag:$0x6] =	stream.indirect.gather [hbm4b:s4+s24], $0x20, s12, s24, $0xb8;
	[tilespmem:$0x11740] =	vst v63  }
0x94: {  	_ =	swait.ge [sflag:s5], $0x1000  }
0x95: {  	[sflag:s5] =	ssyncset.done $0x0  }
0x96: {  	s13 =	sadd.s32 $0x2810, s18;
	[sflag:s5] =	ssyncadd.s32 $0xFFFFF000  }
0x97: {  	[spmem:s2] =	stream.indirect.scatter.add.f32 [tilespmem:s29], [sflag:$0x9], $0x20, s13, s24, $0xb8;
	[tilespmem:$0x11740] =	vst v63  }
0x98: {  	p2 =	seq.s32 s15, $0x9000;
	_ =	swait.ge [sflag:s6], $0x1000  }
0x99: {  	s19 =	smov.u32 s17;
	s20 =	simm.s32 @p2 $0x4;
	[sflag:s6] =	ssyncset.done $0x0  }
0x9a: {  	s30 =	sshra.s32 @p2 s15, $0x2;
	s15 =	sshra.s32 @!p2 s15, $0x2;
	[sflag:s6] =	ssyncadd.s32 $0xFFFFF000  }
0x9b: {  	s11 =	simm.s32 @p2 $0x80;
	s12 =	simm.s32 @p2 $0x7E20;
	_ =	swait.ge @p2 [sflag:s20], $0x1000  }
0x9c: {  	s30 =	sadd.s32 @p2 $0x2890, s30;
	s0 =	sadd.s32 @!p2 $0x300, s15;
	[sflag:s20] =	ssyncset.done @p2 $0x0  }
0x9d: {  	s10 =	sadd.s32 @!p2 $0x2890, s15;
	[sflag:s20] =	ssyncadd.s32 @p2 $0xFFFFF000;
	s20 =	simm.s32 @p2 $0x8  }
0x9e: {  	[spmem:s2] =	stream.indirect.scatter.add.f32 @p2 [tilespmem:s12], [sflag:$0xA], $0x20, s30, s11, $0xb8;
	[tilespmem:$0x11740] =	vst v63  }
0x9f: {  	s13 =	sadd.s32 @!p2 $0x380, s15;
	s11 =	sadd.s32 @!p2 $0x400, s15;
	_ =	swait.ge @p2 [sflag:s20], $0x1000  }
0xa0: {  	s15 =	smov.u32 s19;
	s12 =	simm.s32 @!p2 $0x80;
	[sflag:s20] =	ssyncset.done @p2 $0x0  }
0xa1: {  	s19 =	simm.s32 @!p2 $0x4E20;
	[sflag:s20] =	ssyncadd.s32 @p2 $0xFFFFF000;
	s20 =	simm.s32 @!p2 $0x4  }
0xa2: {  	[tilespmem:s19], [sflag:$0x1] =	stream.indirect.gather @!p2 [hbm4b:s4+s12], $0x20, s0, s12, $0xb8;
	[tilespmem:$0x11740] =	vst v63  }
0xa3: {  	_ =	swait.ge @!p2 [sflag:s20], $0x1000  }
0xa4: {  	[sflag:s20] =	ssyncset.done @!p2 $0x0  }
0xa5: {  	s0 =	simm.s32 @!p2 $0x7E20;
	s19 =	simm.s32 @!p2 $0x8;
	[sflag:s20] =	ssyncadd.s32 @!p2 $0xFFFFF000  }
0xa6: {  	[spmem:s2] =	stream.indirect.scatter.add.f32 @!p2 [tilespmem:s0], [sflag:$0xA], $0x20, s10, s12, $0xb8;
	[tilespmem:$0x11740] =	vst v63  }
0xa7: {  	_ =	swait.ge @!p2 [sflag:s19], $0x1000  }
0xa8: {  	[sflag:s19] =	ssyncset.done @!p2 $0x0  }
0xa9: {  	s0 =	simm.s32 @!p2 $0x5E20;
	[sflag:s19] =	ssyncadd.s32 @!p2 $0xFFFFF000  }
0xaa: {  	[tilespmem:s0], [sflag:$0x2] =	stream.indirect.gather @!p2 [hbm4b:s4+s12], $0x20, s13, s12, $0xb8;
	[tilespmem:$0x11740] =	vst v63  }
0xab: {  	_ =	swait.ge [sflag:s7], $0x1000  }
0xac: {  	s17 =	sadd.s32 $0xC00, s17;
	[sflag:s7] =	ssyncset.done $0x0  }
0xad: {  	p1 =	sne.s32 s17, $0x9C00;
	s30 =	sadd.s32 $0x2910, s18;
	[sflag:s7] =	ssyncadd.s32 $0xFFFFF000  }
0xae: {  	[spmem:s2] =	stream.indirect.scatter.add.f32 [tilespmem:s22], [sflag:$0xB], $0x20, s30, s24, $0xb8;
	[tilespmem:$0x11740] =	vst v63  }
.Ltmp0:
0xaf: {  	_ =	swait.ge [sflag:s8], $0x1000;
	(pc) =	sbr.rel @p1 .LBB2_2-.Ltmp0, $4  }
0xb0: {  	[sflag:s8] =	ssyncset.done $0x0  }
0xb1: {  	s16 =	sadd.s32 $0x6, s16;
	s0 =	simm.s32 @!p2 $0x6E20;
	[sflag:s8] =	ssyncadd.s32 $0xFFFFF000  }
0xb2: {  	[tilespmem:s0], [sflag:$0x3] =	stream.indirect.gather @!p2 [hbm4b:s4+s12], $0x20, s11, s12, $0xb8;
	[tilespmem:$0x11740] =	vst v63  }
0xb3: {  	s18 =	sadd.s32 $0x2990, s18;
	p2 =	sgt.u32 s16, $0x4D;
	_ =	swait.ge [sflag:s9], $0x1000  }
0xb4: {  	[sflag:s9] =	ssyncset.done $0x0  }
0xb5: {  	s0 =	simm.s32 @!p2 $0xA;
	[sflag:s9] =	ssyncadd.s32 $0xFFFFF000  }
0xb6: {  	[spmem:s2] =	stream.indirect.scatter.add.f32 [tilespmem:s31], [sflag:$0xC], $0x20, s18, s24, $0xb8;
	[tilespmem:$0x11740] =	vst v63  }
0xb7: {  	_ =	swait.ge @!p2 [sflag:s0], $0x1000  }
0xb8: {  	s17 =	sshra.s32 s15, $0x2;
	[sflag:s0] =	ssyncset.done @!p2 $0x0  }
0xb9: {  	s19 =	sadd.s32 $0x180, s17;
	s10 =	rddreg [dreg:$0x4];
	[sflag:s0] =	ssyncadd.s32 @!p2 $0xFFFFF000  }
0xba: {  	[tilespmem:s10], [sflag:$0x4] =	stream.indirect.gather [hbm4b:s4+s24], $0x20, s19, s24, $0xb8;
	[tilespmem:$0x11740] =	vst v63  }
0xbb: {  	_ =	swait.ge [sflag:s1], $0x1000  }
0xbc: {  	p1 =	seq.s32 s15, $0x0;
	[sflag:s1] =	ssyncset.done $0x0  }
0xbd: {  	s20 =	sadd.s32 $0x2710, s17;
	s10 =	simm.s32 @!p1 $0xB;
	[sflag:s1] =	ssyncadd.s32 $0xFFFFF000  }
0xbe: {  	[spmem:s2] =	stream.indirect.scatter.add.f32 [tilespmem:s25], [sflag:$0x7], $0x20, s20, s24, $0xb8;
	[tilespmem:$0x11740] =	vst v63  }
0xbf: {  	_ =	swait.ge @!p1 [sflag:s10], $0x1000  }
0xc0: {  	[sflag:s10] =	ssyncset.done @!p1 $0x0  }
0xc1: {  	s30 =	sadd.s32 $0x200, s17;
	[sflag:s10] =	ssyncadd.s32 @!p1 $0xFFFFF000  }
0xc2: {  	[tilespmem:s22], [sflag:$0x5] =	stream.indirect.gather [hbm4b:s4+s24], $0x20, s30, s24, $0xb8;
	[tilespmem:$0x11740] =	vst v63  }
0xc3: {  	s10 =	sadd.s32 $0x2, s16;
	_ =	swait.ge [sflag:s28], $0x1000  }
0xc4: {  	p1 =	sgt.u32 s10, $0x4D;
	[sflag:s28] =	ssyncset.done $0x0  }
0xc5: {  	s11 =	sadd.s32 $0x2790, s17;
	s10 =	simm.s32 @!p1 $0xC;
	[sflag:s28] =	ssyncadd.s32 $0xFFFFF000  }
0xc6: {  	[spmem:s2] =	stream.indirect.scatter.add.f32 [tilespmem:s26], [sflag:$0x8], $0x20, s11, s24, $0xb8;
	[tilespmem:$0x11740] =	vst v63  }
0xc7: {  	_ =	swait.ge @!p1 [sflag:s10], $0x1000  }
0xc8: {  	[sflag:s10] =	ssyncset.done @!p1 $0x0  }
0xc9: {  	s12 =	sadd.s32 $0x280, s17;
	[sflag:s10] =	ssyncadd.s32 @!p1 $0xFFFFF000  }
0xca: {  	[tilespmem:s31], [sflag:$0x6] =	stream.indirect.gather [hbm4b:s4+s24], $0x20, s12, s24, $0xb8;
	[tilespmem:$0x11740] =	vst v63  }
0xcb: {  	_ =	swait.ge [sflag:s5], $0x1000  }
0xcc: {  	[sflag:s5] =	ssyncset.done $0x0  }
0xcd: {  	s13 =	sadd.s32 $0x2810, s17;
	[sflag:s5] =	ssyncadd.s32 $0xFFFFF000  }
0xce: {  	[spmem:s2] =	stream.indirect.scatter.add.f32 [tilespmem:s29], [sflag:$0x9], $0x20, s13, s24, $0xb8;
	[tilespmem:$0x11740] =	vst v63  }
0xcf: {  	_ =	swait.ge [sflag:s6], $0x1000  }
0xd0: {  	p1 =	seq.s32 s15, $0x9000;
	[sflag:s6] =	ssyncset.done $0x0  }
0xd1: {  	s0 =	simm.s32 @p1 $0x4;
	[sflag:s6] =	ssyncadd.s32 $0xFFFFF000  }
0xd2: {  	_ =	swait.ge @p1 [sflag:s0], $0x1000  }
0xd3: {  	s10 =	sshra.s32 @p1 s15, $0x2;
	s11 =	simm.s32 @p1 $0x80;
	[sflag:s0] =	ssyncset.done @p1 $0x0  }
0xd4: {  	s10 =	sadd.s32 @p1 $0x2890, s10;
	[sflag:s0] =	ssyncadd.s32 @p1 $0xFFFFF000;
	s0 =	simm.s32 @p1 $0x7E20  }
0xd5: {  	[spmem:s2] =	stream.indirect.scatter.add.f32 @p1 [tilespmem:s0], [sflag:$0xA], $0x20, s10, s11, $0xb8;
	[tilespmem:$0x11740] =	vst v63  }
0xd6: {  	s0 =	simm.s32 @p1 $0x8  }
0xd7: {  	_ =	swait.ge @p1 [sflag:s0], $0x1000  }
0xd8: {  	s12 =	simm.s32 @!p1 $0x80;
	s10 =	sshra.s32 @!p1 s15, $0x2;
	[sflag:s0] =	ssyncset.done @p1 $0x0  }
0xd9: {  	s11 =	sadd.s32 @!p1 $0x300, s10;
	[sflag:s0] =	ssyncadd.s32 @p1 $0xFFFFF000;
	s0 =	simm.s32 @!p1 $0x4E20  }
0xda: {  	[tilespmem:s0], [sflag:$0x1] =	stream.indirect.gather @!p1 [hbm4b:s4+s12], $0x20, s11, s12, $0xb8;
	[tilespmem:$0x11740] =	vst v63  }
0xdb: {  	s0 =	simm.s32 @!p1 $0x4  }
0xdc: {  	_ =	swait.ge @!p1 [sflag:s0], $0x1000  }
0xdd: {  	[sflag:s0] =	ssyncset.done @!p1 $0x0  }
0xde: {  	s11 =	sadd.s32 @!p1 $0x2890, s10;
	[sflag:s0] =	ssyncadd.s32 @!p1 $0xFFFFF000;
	s0 =	simm.s32 @!p1 $0x7E20  }
0xdf: {  	[spmem:s2] =	stream.indirect.scatter.add.f32 @!p1 [tilespmem:s0], [sflag:$0xA], $0x20, s11, s12, $0xb8;
	[tilespmem:$0x11740] =	vst v63  }
0xe0: {  	s0 =	simm.s32 @!p1 $0x8  }
0xe1: {  	_ =	swait.ge @!p1 [sflag:s0], $0x1000  }
0xe2: {  	[sflag:s0] =	ssyncset.done @!p1 $0x0  }
0xe3: {  	s11 =	sadd.s32 @!p1 $0x380, s10;
	[sflag:s0] =	ssyncadd.s32 @!p1 $0xFFFFF000;
	s0 =	simm.s32 @!p1 $0x5E20  }
0xe4: {  	[tilespmem:s0], [sflag:$0x2] =	stream.indirect.gather @!p1 [hbm4b:s4+s12], $0x20, s11, s12, $0xb8;
	[tilespmem:$0x11740] =	vst v63  }
0xe5: {  	_ =	swait.ge [sflag:s7], $0x1000  }
0xe6: {  	[sflag:s7] =	ssyncset.done $0x0  }
0xe7: {  	s16 =	sadd.s32 $0x2910, s17;
	[sflag:s7] =	ssyncadd.s32 $0xFFFFF000  }
0xe8: {  	[spmem:s2] =	stream.indirect.scatter.add.f32 [tilespmem:s22], [sflag:$0xB], $0x20, s16, s24, $0xb8;
	[tilespmem:$0x11740] =	vst v63  }
0xe9: {  	_ =	swait.ge [sflag:s8], $0x1000  }
0xea: {  	[sflag:s8] =	ssyncset.done $0x0  }
0xeb: {  	s0 =	sadd.s32 @!p1 $0x400, s10;
	s10 =	simm.s32 @!p1 $0x6E20;
	[sflag:s8] =	ssyncadd.s32 $0xFFFFF000  }
0xec: {  	[tilespmem:s10], [sflag:$0x3] =	stream.indirect.gather @!p1 [hbm4b:s4+s12], $0x20, s0, s12, $0xb8;
	[tilespmem:$0x11740] =	vst v63  }
0xed: {  	_ =	swait.ge [sflag:s9], $0x1000  }
0xee: {  	[sflag:s9] =	ssyncset.done $0x0  }
0xef: {  	s18 =	simm.s32 $0xA;
	s17 =	sadd.s32 $0x2990, s17;
	[sflag:s9] =	ssyncadd.s32 $0xFFFFF000  }
0xf0: {  	[spmem:s2] =	stream.indirect.scatter.add.f32 [tilespmem:s31], [sflag:$0xC], $0x20, s17, s24, $0xb8;
	[tilespmem:$0x11740] =	vst v63  }
0xf1: {  	_ =	swait.ge [sflag:s18], $0x1000  }
0xf2: {  	[sflag:s18] =	ssyncset.done $0x0  }
0xf3: {  	s19 =	simm.s32 $0xB;
	[sflag:s18] =	ssyncadd.s32 $0xFFFFF000  }
0xf4: {  	_ =	swait.ge [sflag:s19], $0x1000  }
0xf5: {  	[sflag:s19] =	ssyncset.done $0x0  }
0xf6: {  	s20 =	simm.s32 $0xC;
	[sflag:s19] =	ssyncadd.s32 $0xFFFFF000  }
0xf7: {  	_ =	swait.ge [sflag:s20], $0x1000  }
0xf8: {  	[sflag:s20] =	ssyncset.done $0x0  }
0xf9: {  	s30 =	simm.s32 $0xD;
	[sflag:s20] =	ssyncadd.s32 $0xFFFFF000  }
0xfa: {  	_ =	swait.ge [sflag:s30], $0x200  }
0xfb: {  	s13 =	simm.s32 $0x10;
	[sflag:s30] =	ssyncset.done $0x0  }
0xfc: {  	s11 =	simm.s32 $0x4E10;
	s16 =	simm.s32 $0xAE20;
	[sflag:s30] =	ssyncadd.s32 $0xFFFFFE00  }
0xfd: {  	[spmem:s2] =	stream.indirect.scatter.add.f32 [tilespmem:s16], [sflag:$0xD], $0x20, s11, s13, $0xb8;
	[tilespmem:$0x11740] =	vst v63  }
0xfe: {  	_ =	swait.ge [sflag:s30], $0x200  }
0xff: {  	[sflag:s30] =	ssyncset.done $0x0  }
0x100: {  	[sflag:s30] =	ssyncadd.s32 $0xFFFFFE00  }
0x101: {  	[bflag:$0x0] =	sbarrier.arrive $0xFFFF  }
0x102: {  	s12 =	rddreg [dreg:$0xc]  }
0x103: {  	[tilespmem:s23], [sflag:$0xE] =	stream.linear.gather [spmem:s12], $0x1900, $0x38;
	[tilespmem:$0x11740] =	vst v63  }
0x104: {  	_ =	swait.ge [sflag:s21], $0x1900  }
0x105: {  	[sflag:s21] =	ssyncset.done $0x0  }
0x106: {  	s15 =	rddreg [dreg:$0xd];
	[sflag:s21] =	ssyncadd.s32 $0xFFFFE700  }
0x107: {  	[hbm4b:s15+s3] =	stream.linear.scatter [tilespmem:s23], [sflag:$0xE], $0x1900, $0x38;
	[tilespmem:$0x11740] =	vst v63  }
0x108: {  	_ =	swait.ge [sflag:s21], $0x1900  }
0x109: {  	[sflag:s21] =	ssyncset.done $0x0  }
0x10a: {  	s17 =	rddreg [dreg:$0xe];
	[sflag:s21] =	ssyncadd.s32 $0xFFFFE700  }
0x10b: {  	[tilespmem:s23], [sflag:$0xE] =	stream.linear.gather [spmem:s17], $0x1900, $0x38;
	[tilespmem:$0x11740] =	vst v63  }
0x10c: {  	_ =	swait.ge [sflag:s21], $0x1900  }
0x10d: {  	[sflag:s21] =	ssyncset.done $0x0  }
0x10e: {  	s18 =	rddreg [dreg:$0xf];
	[sflag:s21] =	ssyncadd.s32 $0xFFFFE700  }
0x10f: {  	[hbm4b:s18+s3] =	stream.linear.scatter [tilespmem:s23], [sflag:$0xE], $0x1900, $0x38;
	[tilespmem:$0x11740] =	vst v63  }
0x110: {  	_ =	swait.ge [sflag:s21], $0x1900  }
0x111: {  	[sflag:s21] =	ssyncset.done $0x0  }
0x112: {  	s19 =	rddreg [dreg:$0x10];
	[sflag:s21] =	ssyncadd.s32 $0xFFFFE700  }
0x113: {  	[tilespmem:s23], [sflag:$0xE] =	stream.linear.gather [spmem:s19], $0x1900, $0x38;
	[tilespmem:$0x11740] =	vst v63  }
0x114: {  	_ =	swait.ge [sflag:s21], $0x1900  }
0x115: {  	[sflag:s21] =	ssyncset.done $0x0  }
0x116: {  	s20 =	rddreg [dreg:$0x11];
	[sflag:s21] =	ssyncadd.s32 $0xFFFFE700  }
0x117: {  	[hbm4b:s20+s3] =	stream.linear.scatter [tilespmem:s23], [sflag:$0xE], $0x1900, $0x38;
	[tilespmem:$0x11740] =	vst v63  }
0x118: {  	_ =	swait.ge [sflag:s21], $0x1900  }
0x119: {  	[sflag:s21] =	ssyncset.done $0x0  }
0x11a: {  	s0 =	simm.s32 @!p0 $0xB020;
	s10 =	rddreg [dreg:$0x12];
	[sflag:s21] =	ssyncadd.s32 $0xFFFFE700  }
0x11b: {  	[tilespmem:s0], [sflag:$0xE] =	stream.linear.gather @!p0 [spmem:s10], $0x1900, $0x38;
	[tilespmem:$0x11740] =	vst v63  }
0x11c: {  	s10 =	simm.s32 @!p0 $0xE  }
0x11d: {  	_ =	swait.ge @!p0 [sflag:s10], $0x1900  }
0x11e: {  	[sflag:s10] =	ssyncset.done @!p0 $0x0  }
0x11f: {  	s11 =	simm.s32 @!p0 $0x0;
	s12 =	rddreg [dreg:$0x13];
	[sflag:s10] =	ssyncadd.s32 @!p0 $0xFFFFE700  }
0x120: {  	[hbm4b:s12+s11] =	stream.linear.scatter @!p0 [tilespmem:s0], [sflag:$0xE], $0x1900, $0x38;
	[tilespmem:$0x11740] =	vst v63  }
0x121: {  	_ =	swait.ge @!p0 [sflag:s10], $0x1900  }
0x122: {  	s14 =	sadd.s32 $0x1, s14;
	s30 =	rddreg [dreg:$0x14]  }
0x123: {  	p1 =	sne.s32 s14, s30  }
.Ltmp1:
0x124: {  	_ = 	snop;
	(pc) =	sbr.rel @p1 .LBB2_1-.Ltmp1, $3  }
0x125: {  	_ =	sdelay $0x1  }
0x126: {  	[sflag:s10] =	ssyncset.done @!p0 $0x0  }
0x127: {  	[sflag:s10] =	ssyncadd.s32 @!p0 $0xFFFFE700  }
0x128: {  	_ =	sfence.sel $0x180000  }
0x129: {  	[bflag:$0x0] =	sbarrier.arrive $0xFFFF  }
0x12a: {  	_ =	strace $0x9000004D  }
0x12b: {  	s0 =	stileid.u32;
	[bflag:$0x2] =	sbarrier.arrive $0xFFFF  }
0x12c: {  	p0 =	sne.s32 s0, $0x0;
	s0 =	rddreg [dreg:$0x3]  }
0x12d: {  	s0 =	sadd.s32 @!p0 $0x100000, s0  }
0x12e: {  	[sflag:s0] =	ssyncadd.tile.s32 @!p0 $0x1;
	_ =	shalt  }
.Lfunc_end2:
_tile_overlayer_lowered:
.L_overlay_start_2:
0x12f: {  	(tag) =	ssettag $0x2  }
0x130: {  	s0 =	rddreg [dreg:$0x0];
	s2 =	stileid.u32  }
0x131: {  	s1 =	rddreg [dreg:$0x1];
	p0 =	sne.s32 s2, $0x0  }
0x132: {  	s3 =	rddreg [dreg:$0x2];
	[bflag:$0x3] =	sbarrier.arrive $0xFFFF;
	s2 =	simm.s32 @!p0 $0x1C0E  }
0x133: {  	[timem:s3], [sflag:s2] =	dma.local @!p0 [hbm:s0], s1  }
0x134: {  	s0 =	simm.s32 @!p0 $0xE  }
0x135: {  	_ =	swait.ge @!p0 [sflag:s0], s1  }
0x136: {  	s1 =	ssub.s32 @!p0 $0x0, s1;
	[sflag:s0] =	ssyncset.done @!p0 $0x0  }
0x137: {  	[sflag:s0] =	ssyncadd.s32 @!p0 s1  }
0x138: {  	[bflag:$0x3] =	sbarrier.arrive $0xFFFF  }
0x139: {  	_ =	shalt  }

</sc_bundles>
